<compile_context>
chip_gen: v7x
topology: tpu7x:2x2x1
jax: 0.10.2.dev20260603
libtpu: 0.0.44.dev20260713+nightly
codegen_flags: <defaults>
</compile_context>

<pallas_src>
import functools

import jax
import jax.numpy as jnp
from jax import lax
from jax.experimental import pallas as pl
from jax.experimental.pallas import tpu as pltpu
from jax.experimental.pallas import tpu_sc as plsc

NUM_CORES = 2
NUM_SUBCORES = 16
LANES = 16
NUM_WORKERS = NUM_CORES * NUM_SUBCORES

BATCH = 16384
EMBED_DIM = 32
TILE_W = 128
GLOBAL_MEAN = 3.5
ROWS_PER_WORKER = BATCH // NUM_WORKERS
WAVE = 4
NBUF = 2
WAVES_PER_CHUNK = LANES // WAVE
NCHUNKS = ROWS_PER_WORKER // LANES


def _svd_body(num_rows, x_hbm, pt_hbm, qt_hbm, bu_hbm, bi_hbm, out_hbm,
              uidx_v, iidx_v, pblk_v, qblk_v,
              bu_v, bi_v, out_v, gsem, sem):
    wid = lax.axis_index("s") * NUM_CORES + lax.axis_index("c")
    base = wid * ROWS_PER_WORKER

    pltpu.sync_copy(
        x_hbm.at[0, pl.ds(base, ROWS_PER_WORKER)],
        uidx_v.at[pl.ds(0, ROWS_PER_WORKER)],
    )
    pltpu.sync_copy(
        x_hbm.at[1, pl.ds(base, ROWS_PER_WORKER)],
        iidx_v.at[pl.ds(0, ROWS_PER_WORKER)],
    )

    def fix_indices(k, _):
        sl = pl.ds(k * LANES, LANES)
        u = uidx_v[sl] - 1
        uidx_v[sl] = jnp.where(u < 0, u + num_rows, u)
        i = iidx_v[sl] - 1
        iidx_v[sl] = jnp.where(i < 0, i + num_rows, i)
        return _

    lax.fori_loop(0, NCHUNKS, fix_indices, 0, unroll=4)

    cu = pltpu.async_copy(
        bu_hbm.at[uidx_v.at[pl.ds(0, ROWS_PER_WORKER)]], bu_v, gsem
    )
    ci = pltpu.async_copy(
        bi_hbm.at[iidx_v.at[pl.ds(0, ROWS_PER_WORKER)]], bi_v, gsem
    )

    cu.wait()
    ci.wait()

    def fixed_ids(k):
        uv = uidx_v[pl.ds(k, LANES)]
        iv = iidx_v[pl.ds(k, LANES)]
        return uv[0], iv[0]

    lane = lax.iota(jnp.int32, LANES)
    dlo = lane
    dhi = lane + LANES

    def fetch_wave(w, buf):
        for j in range(WAVE):
            k = jnp.minimum(w * WAVE + j, ROWS_PER_WORKER - 1)
            u, i = fixed_ids(k)
            ub = pl.multiple_of((u // TILE_W) * TILE_W, TILE_W)
            ib = pl.multiple_of((i // TILE_W) * TILE_W, TILE_W)
            pltpu.async_copy(
                pt_hbm.at[:, pl.ds(ub, TILE_W)], pblk_v.at[buf, j], sem
            )
            pltpu.async_copy(
                qt_hbm.at[:, pl.ds(ib, TILE_W)], qblk_v.at[buf, j], sem
            )

    def drain_wave():
        for _ in range(2 * WAVE):
            pltpu.make_async_copy(
                pt_hbm.at[:, pl.ds(0, TILE_W)], pblk_v.at[0, 0], sem
            ).wait()

    def compute_wave(w, m, buf, acc):
        for j in range(WAVE):
            k = w * WAVE + j
            u, i = fixed_ids(k)
            uoff = jnp.broadcast_to(u % TILE_W, (LANES,))
            ioff = jnp.broadcast_to(i % TILE_W, (LANES,))
            p1 = plsc.load_gather(pblk_v.at[buf, j], [dlo, uoff])
            p2 = plsc.load_gather(pblk_v.at[buf, j], [dhi, uoff])
            q1 = plsc.load_gather(qblk_v.at[buf, j], [dlo, ioff])
            q2 = plsc.load_gather(qblk_v.at[buf, j], [dhi, ioff])
            tot = jnp.sum(p1 * q1 + p2 * q2)
            acc = jnp.where(lane == (m * WAVE + j), acc + tot, acc)
        return acc

    fetch_wave(jnp.int32(0), 0)
    fetch_wave(jnp.int32(1), 1)

    def chunk_body(g, _):
        acc = jnp.zeros((LANES,), jnp.float32)
        for m in range(WAVES_PER_CHUNK):
            w = g * WAVES_PER_CHUNK + m
            buf = m % NBUF
            drain_wave()
            acc = compute_wave(w, m, buf, acc)
            fetch_wave(w + NBUF, buf)
        sl = pl.ds(g * LANES, LANES)
        out_v[sl] = acc + bu_v[sl] + bi_v[sl] + GLOBAL_MEAN
        return _

    lax.fori_loop(0, NCHUNKS, chunk_body, 0)

    drain_wave()
    drain_wave()

    pltpu.sync_copy(out_v, out_hbm.at[pl.ds(base, ROWS_PER_WORKER)])


def kernel(x, P, Q, B_U, B_I):
    num_rows = P.shape[0]
    pt = P.T
    qt = Q.T
    bu_flat = B_U.reshape(num_rows)
    bi_flat = B_I.reshape(num_rows)
    mesh = plsc.VectorSubcoreMesh(core_axis_name="c", subcore_axis_name="s")
    call = pl.kernel(
        functools.partial(_svd_body, num_rows),
        out_type=jax.ShapeDtypeStruct((BATCH,), jnp.float32),
        mesh=mesh,
        scratch_types=[
            pltpu.VMEM((ROWS_PER_WORKER + LANES,), jnp.int32),
            pltpu.VMEM((ROWS_PER_WORKER + LANES,), jnp.int32),
            pltpu.VMEM((NBUF, WAVE, EMBED_DIM, TILE_W), jnp.float32),
            pltpu.VMEM((NBUF, WAVE, EMBED_DIM, TILE_W), jnp.float32),
            pltpu.VMEM((ROWS_PER_WORKER,), jnp.float32),
            pltpu.VMEM((ROWS_PER_WORKER,), jnp.float32),
            pltpu.VMEM((ROWS_PER_WORKER,), jnp.float32),
            pltpu.SemaphoreType.DMA,
            pltpu.SemaphoreType.DMA,
        ],
        compiler_params=pltpu.CompilerParams(needs_layout_passes=False),
    )
    return call(x, pt, qt, bu_flat, bi_flat)

# --- scband reference (transcript-rebuilt; emitter-appended) ---
"""Pipeline reference for scband-regularized-svd-6004364280773 (READ-ONLY COPY).

The authoritative reference and input builder live on the scoring server;
editing this copy changes nothing except your own understanding.
"""

import jax, jax.numpy as jnp
import numpy as np

NUM_USERS = 1000000
NUM_ITEMS = 1000000
EMBED_DIM = 32
BATCH = 16384
GLOBAL_MEAN = 3.5


def setup_inputs(seed: int = 0) -> dict:
    key = jax.random.key(seed)
    k1, k2, k3, k4, k5 = jax.random.split(key, 5)
    x = jax.random.randint(k1, (2, BATCH), 0, NUM_USERS, dtype=jnp.int32)
    P = jax.random.normal(k2, (NUM_USERS, EMBED_DIM), dtype=jnp.float32) * 0.01
    Q = jax.random.normal(k3, (NUM_ITEMS, EMBED_DIM), dtype=jnp.float32) * 0.01
    B_U = jax.random.normal(k4, (NUM_USERS, 1), dtype=jnp.float32) * 0.01
    B_I = jax.random.normal(k5, (NUM_ITEMS, 1), dtype=jnp.float32) * 0.01
    return {"x": x, "P": P, "Q": Q, "B_U": B_U, "B_I": B_I}


def reference(x, P, Q, B_U, B_I):
    user_id = x[0] - 1
    item_id = x[1] - 1
    p_u = jnp.take(P, user_id, axis=0)
    q_i = jnp.take(Q, item_id, axis=0)
    b_u = jnp.take(B_U, user_id, axis=0)
    b_i = jnp.take(B_I, item_id, axis=0)
    pred_r_ui = jnp.sum(p_u * q_i, axis=1) + jnp.squeeze(b_u) + jnp.squeeze(b_i) + GLOBAL_MEAN
    return pred_r_ui

if __name__ == "__main__":
    import jax
    _d = setup_inputs()
    print(jax.jit(kernel)(*tuple(_d.values())))

</pallas_src>

<mosaic_0001>
#map = affine_map<(d0, d1) -> (0, 0)>
#map1 = affine_map<(d0, d1) -> (0)>
module attributes {stable_mosaic.version = 14 : i64} {
  func.func @_svd_body(%arg0: i32, %arg1: i32, %arg2: memref<2x16384xi32, #tpu.memory_space<hbm>>, %arg3: memref<32x1000000xf32, #tpu.memory_space<hbm>>, %arg4: memref<32x1000000xf32, #tpu.memory_space<hbm>>, %arg5: memref<1000000xf32, #tpu.memory_space<hbm>>, %arg6: memref<1000000xf32, #tpu.memory_space<hbm>>, %arg7: memref<16384xf32, #tpu.memory_space<hbm>>, %arg8: memref<528xi32, #tpu.memory_space<vmem>>, %arg9: memref<528xi32, #tpu.memory_space<vmem>>, %arg10: memref<2x4x32x128xf32, #tpu.memory_space<vmem>>, %arg11: memref<2x4x32x128xf32, #tpu.memory_space<vmem>>, %arg12: memref<512xf32, #tpu.memory_space<vmem>>, %arg13: memref<512xf32, #tpu.memory_space<vmem>>, %arg14: memref<512xf32, #tpu.memory_space<vmem>>, %arg15: memref<!tpu.dma_semaphore, #tpu.memory_space<semaphore_mem>>, %arg16: memref<!tpu.dma_semaphore, #tpu.memory_space<semaphore_mem>>) attributes {dimension_semantics = [#tpu.dimension_semantics<core_parallel>, #tpu.dimension_semantics<subcore_parallel>], iteration_bounds = array<i64: 2, 16>, scalar_prefetch = 0 : i64, scratch_operands = 9 : i64, tpu.core_type = #tpu.core_type<sc_vector_subcore>, window_params = [{transform_indices = #map}, {transform_indices = #map}, {transform_indices = #map}, {transform_indices = #map1}, {transform_indices = #map1}, {transform_indices = #map1}]} {
    %mul3A = arith.constant 2 : i32
    %mul3A_0 = arith.muli %arg1, %mul3A : i32
    %add3A = arith.addi %mul3A_0, %arg0 : i32
    %mul3A_1 = arith.constant 512 : i32
    %mul3A_2 = arith.muli %add3A, %mul3A_1 : i32
    %run_scoped3A = arith.constant 0 : i32
    "tpu.region"() ({
      %run_scoped3A_1051 = tpu.sem_alloc : memref<!tpu.dma_semaphore, #tpu.memory_space<semaphore_mem>>
      %dma_start3A_1052 = arith.constant 0 : i32
      %dma_start3A_1053 = tpu.memref_slice %arg8[%dma_start3A_1052] : memref<528xi32, #tpu.memory_space<vmem>> -> memref<512xi32, #tpu.memory_space<vmem>>
      %dma_start3A_1054 = tpu.memref_slice %arg2[%run_scoped3A, %mul3A_2] : memref<2x16384xi32, #tpu.memory_space<hbm>> -> memref<1x512xi32, #tpu.memory_space<hbm>>
      %dma_start3A_1055 = tpu.memref_squeeze %dma_start3A_1054 : memref<1x512xi32, #tpu.memory_space<hbm>> -> memref<512xi32, #tpu.memory_space<hbm>>
      %dma_start3A_1056 = arith.constant 0 : i32
      %dma_start3A_1057 = tpu.memref_slice %arg8[%dma_start3A_1056] : memref<528xi32, #tpu.memory_space<vmem>> -> memref<512xi32, #tpu.memory_space<vmem>>
      %dma_start3A_1058 = tpu.memref_slice %arg2[%run_scoped3A, %mul3A_2] : memref<2x16384xi32, #tpu.memory_space<hbm>> -> memref<1x512xi32, #tpu.memory_space<hbm>>
      %dma_start3A_1059 = tpu.memref_squeeze %dma_start3A_1058 : memref<1x512xi32, #tpu.memory_space<hbm>> -> memref<512xi32, #tpu.memory_space<hbm>>
      tpu.enqueue_dma source(%dma_start3A_1059 : memref<512xi32, #tpu.memory_space<hbm>>) target(%dma_start3A_1057 : memref<512xi32, #tpu.memory_space<vmem>>) target_semaphore(%run_scoped3A_1051 : memref<!tpu.dma_semaphore, #tpu.memory_space<semaphore_mem>>)
      %dma_wait3A_1060 = arith.constant 0 : i32
      %dma_wait3A_1061 = tpu.memref_slice %arg8[%dma_wait3A_1060] : memref<528xi32, #tpu.memory_space<vmem>> -> memref<512xi32, #tpu.memory_space<vmem>>
      %dma_wait3A_1062 = tpu.memref_slice %arg2[%run_scoped3A, %mul3A_2] : memref<2x16384xi32, #tpu.memory_space<hbm>> -> memref<1x512xi32, #tpu.memory_space<hbm>>
      %dma_wait3A_1063 = tpu.memref_squeeze %dma_wait3A_1062 : memref<1x512xi32, #tpu.memory_space<hbm>> -> memref<512xi32, #tpu.memory_space<hbm>>
      %dma_wait3A_1064 = arith.constant 0 : i32
      %dma_wait3A_1065 = tpu.memref_slice %arg8[%dma_wait3A_1064] : memref<528xi32, #tpu.memory_space<vmem>> -> memref<512xi32, #tpu.memory_space<vmem>>
      %dma_wait3A_1066 = tpu.memref_slice %arg2[%run_scoped3A, %mul3A_2] : memref<2x16384xi32, #tpu.memory_space<hbm>> -> memref<1x512xi32, #tpu.memory_space<hbm>>
      %dma_wait3A_1067 = tpu.memref_squeeze %dma_wait3A_1066 : memref<1x512xi32, #tpu.memory_space<hbm>> -> memref<512xi32, #tpu.memory_space<hbm>>
      tpu.wait_dma2 semaphore(%run_scoped3A_1051 : memref<!tpu.dma_semaphore, #tpu.memory_space<semaphore_mem>>) src(%dma_wait3A_1067 : memref<512xi32, #tpu.memory_space<hbm>>) dst(%dma_wait3A_1065 : memref<512xi32, #tpu.memory_space<vmem>>)
      tpu.yield
    }) : () -> ()
    %run_scoped3A_3 = arith.constant 1 : i32
    "tpu.region"() ({
      %run_scoped3A_1051 = tpu.sem_alloc : memref<!tpu.dma_semaphore, #tpu.memory_space<semaphore_mem>>
      %dma_start3A_1052 = arith.constant 0 : i32
      %dma_start3A_1053 = tpu.memref_slice %arg9[%dma_start3A_1052] : memref<528xi32, #tpu.memory_space<vmem>> -> memref<512xi32, #tpu.memory_space<vmem>>
      %dma_start3A_1054 = tpu.memref_slice %arg2[%run_scoped3A_3, %mul3A_2] : memref<2x16384xi32, #tpu.memory_space<hbm>> -> memref<1x512xi32, #tpu.memory_space<hbm>>
      %dma_start3A_1055 = tpu.memref_squeeze %dma_start3A_1054 : memref<1x512xi32, #tpu.memory_space<hbm>> -> memref<512xi32, #tpu.memory_space<hbm>>
      %dma_start3A_1056 = arith.constant 0 : i32
      %dma_start3A_1057 = tpu.memref_slice %arg9[%dma_start3A_1056] : memref<528xi32, #tpu.memory_space<vmem>> -> memref<512xi32, #tpu.memory_space<vmem>>
      %dma_start3A_1058 = tpu.memref_slice %arg2[%run_scoped3A_3, %mul3A_2] : memref<2x16384xi32, #tpu.memory_space<hbm>> -> memref<1x512xi32, #tpu.memory_space<hbm>>
      %dma_start3A_1059 = tpu.memref_squeeze %dma_start3A_1058 : memref<1x512xi32, #tpu.memory_space<hbm>> -> memref<512xi32, #tpu.memory_space<hbm>>
      tpu.enqueue_dma source(%dma_start3A_1059 : memref<512xi32, #tpu.memory_space<hbm>>) target(%dma_start3A_1057 : memref<512xi32, #tpu.memory_space<vmem>>) target_semaphore(%run_scoped3A_1051 : memref<!tpu.dma_semaphore, #tpu.memory_space<semaphore_mem>>)
      %dma_wait3A_1060 = arith.constant 0 : i32
      %dma_wait3A_1061 = tpu.memref_slice %arg9[%dma_wait3A_1060] : memref<528xi32, #tpu.memory_space<vmem>> -> memref<512xi32, #tpu.memory_space<vmem>>
      %dma_wait3A_1062 = tpu.memref_slice %arg2[%run_scoped3A_3, %mul3A_2] : memref<2x16384xi32, #tpu.memory_space<hbm>> -> memref<1x512xi32, #tpu.memory_space<hbm>>
      %dma_wait3A_1063 = tpu.memref_squeeze %dma_wait3A_1062 : memref<1x512xi32, #tpu.memory_space<hbm>> -> memref<512xi32, #tpu.memory_space<hbm>>
      %dma_wait3A_1064 = arith.constant 0 : i32
      %dma_wait3A_1065 = tpu.memref_slice %arg9[%dma_wait3A_1064] : memref<528xi32, #tpu.memory_space<vmem>> -> memref<512xi32, #tpu.memory_space<vmem>>
      %dma_wait3A_1066 = tpu.memref_slice %arg2[%run_scoped3A_3, %mul3A_2] : memref<2x16384xi32, #tpu.memory_space<hbm>> -> memref<1x512xi32, #tpu.memory_space<hbm>>
      %dma_wait3A_1067 = tpu.memref_squeeze %dma_wait3A_1066 : memref<1x512xi32, #tpu.memory_space<hbm>> -> memref<512xi32, #tpu.memory_space<hbm>>
      tpu.wait_dma2 semaphore(%run_scoped3A_1051 : memref<!tpu.dma_semaphore, #tpu.memory_space<semaphore_mem>>) src(%dma_wait3A_1067 : memref<512xi32, #tpu.memory_space<hbm>>) dst(%dma_wait3A_1065 : memref<512xi32, #tpu.memory_space<vmem>>)
      tpu.yield
    }) : () -> ()
    %scan3A = arith.constant 0 : i32
    %scan3A_4 = arith.constant 0 : i32
    %scan3A_5 = arith.constant 32 : i32
    %scan3A_6 = arith.addi %scan3A_4, %scan3A_5 : i32
    %scan3A_7 = arith.constant 4 : i32
    scf.for %scan3A_1051 = %scan3A_4 to %scan3A_6 step %scan3A_7  : i32 {
      %mul3A_1052 = arith.constant 16 : i32
      %mul3A_1053 = arith.muli %scan3A_1051, %mul3A_1052 : i32
      %get3A_1054 = arith.index_cast %mul3A_1053 : i32 to index
      %get3A_1055 = tpu.vector_load %arg8[%get3A_1054] {strides = array<i32>} : memref<528xi32, #tpu.memory_space<vmem>>, vector<16xi32>,
      %sub3A_1056 = arith.constant 1 : i32
      %sub3A_1057 = vector.broadcast %sub3A_1056 : i32 to vector<16xi32>
      %sub3A_1058 = arith.subi %get3A_1055, %sub3A_1057 : vector<16xi32>
      %lt3A = arith.constant 0 : i32
      %lt3A_1059 = vector.broadcast %lt3A : i32 to vector<16xi32>
      %lt3A_1060 = arith.cmpi slt, %sub3A_1058, %lt3A_1059 : vector<16xi32>
      %add3A_1061 = arith.constant 1000000 : i32
      %add3A_1062 = vector.broadcast %add3A_1061 : i32 to vector<16xi32>
      %add3A_1063 = arith.addi %sub3A_1058, %add3A_1062 : vector<16xi32>
      %select_n3A_1064 = arith.select %lt3A_1060, %add3A_1063, %sub3A_1058 : vector<16xi1>, vector<16xi32>
      %swap3A = arith.index_cast %mul3A_1053 : i32 to index
      %swap3A_1065 = tpu.vector_load %arg8[%swap3A] {strides = array<i32>} : memref<528xi32, #tpu.memory_space<vmem>>, vector<16xi32>,
      tpu.vector_store %arg8[%swap3A], %select_n3A_1064 {strides = array<i32>} : memref<528xi32, #tpu.memory_space<vmem>>, vector<16xi32>,
      %get3A_1066 = arith.index_cast %mul3A_1053 : i32 to index
      %get3A_1067 = tpu.vector_load %arg9[%get3A_1066] {strides = array<i32>} : memref<528xi32, #tpu.memory_space<vmem>>, vector<16xi32>,
      %sub3A_1068 = arith.constant 1 : i32
      %sub3A_1069 = vector.broadcast %sub3A_1068 : i32 to vector<16xi32>
      %sub3A_1070 = arith.subi %get3A_1067, %sub3A_1069 : vector<16xi32>
      %lt3A_1071 = arith.constant 0 : i32
      %lt3A_1072 = vector.broadcast %lt3A_1071 : i32 to vector<16xi32>
      %lt3A_1073 = arith.cmpi slt, %sub3A_1070, %lt3A_1072 : vector<16xi32>
      %add3A_1074 = arith.constant 1000000 : i32
      %add3A_1075 = vector.broadcast %add3A_1074 : i32 to vector<16xi32>
      %add3A_1076 = arith.addi %sub3A_1070, %add3A_1075 : vector<16xi32>
      %select_n3A_1077 = arith.select %lt3A_1073, %add3A_1076, %sub3A_1070 : vector<16xi1>, vector<16xi32>
      %swap3A_1078 = arith.index_cast %mul3A_1053 : i32 to index
      %swap3A_1079 = tpu.vector_load %arg9[%swap3A_1078] {strides = array<i32>} : memref<528xi32, #tpu.memory_space<vmem>>, vector<16xi32>,
      tpu.vector_store %arg9[%swap3A_1078], %select_n3A_1077 {strides = array<i32>} : memref<528xi32, #tpu.memory_space<vmem>>, vector<16xi32>,
      %scan3A_1080 = arith.constant 1 : i32
      %scan3A_1081 = arith.addi %scan3A_1051, %scan3A_1080 : i32
      %mul3A_1082 = arith.constant 16 : i32
      %mul3A_1083 = arith.muli %scan3A_1081, %mul3A_1082 : i32
      %get3A_1084 = arith.index_cast %mul3A_1083 : i32 to index
      %get3A_1085 = tpu.vector_load %arg8[%get3A_1084] {strides = array<i32>} : memref<528xi32, #tpu.memory_space<vmem>>, vector<16xi32>,
      %sub3A_1086 = arith.constant 1 : i32
      %sub3A_1087 = vector.broadcast %sub3A_1086 : i32 to vector<16xi32>
      %sub3A_1088 = arith.subi %get3A_1085, %sub3A_1087 : vector<16xi32>
      %lt3A_1089 = arith.constant 0 : i32
      %lt3A_1090 = vector.broadcast %lt3A_1089 : i32 to vector<16xi32>
      %lt3A_1091 = arith.cmpi slt, %sub3A_1088, %lt3A_1090 : vector<16xi32>
      %add3A_1092 = arith.constant 1000000 : i32
      %add3A_1093 = vector.broadcast %add3A_1092 : i32 to vector<16xi32>
      %add3A_1094 = arith.addi %sub3A_1088, %add3A_1093 : vector<16xi32>
      %select_n3A_1095 = arith.select %lt3A_1091, %add3A_1094, %sub3A_1088 : vector<16xi1>, vector<16xi32>
      %swap3A_1096 = arith.index_cast %mul3A_1083 : i32 to index
      %swap3A_1097 = tpu.vector_load %arg8[%swap3A_1096] {strides = array<i32>} : memref<528xi32, #tpu.memory_space<vmem>>, vector<16xi32>,
      tpu.vector_store %arg8[%swap3A_1096], %select_n3A_1095 {strides = array<i32>} : memref<528xi32, #tpu.memory_space<vmem>>, vector<16xi32>,
      %get3A_1098 = arith.index_cast %mul3A_1083 : i32 to index
      %get3A_1099 = tpu.vector_load %arg9[%get3A_1098] {strides = array<i32>} : memref<528xi32, #tpu.memory_space<vmem>>, vector<16xi32>,
      %sub3A_1100 = arith.constant 1 : i32
      %sub3A_1101 = vector.broadcast %sub3A_1100 : i32 to vector<16xi32>
      %sub3A_1102 = arith.subi %get3A_1099, %sub3A_1101 : vector<16xi32>
      %lt3A_1103 = arith.constant 0 : i32
      %lt3A_1104 = vector.broadcast %lt3A_1103 : i32 to vector<16xi32>
      %lt3A_1105 = arith.cmpi slt, %sub3A_1102, %lt3A_1104 : vector<16xi32>
      %add3A_1106 = arith.constant 1000000 : i32
      %add3A_1107 = vector.broadcast %add3A_1106 : i32 to vector<16xi32>
      %add3A_1108 = arith.addi %sub3A_1102, %add3A_1107 : vector<16xi32>
      %select_n3A_1109 = arith.select %lt3A_1105, %add3A_1108, %sub3A_1102 : vector<16xi1>, vector<16xi32>
      %swap3A_1110 = arith.index_cast %mul3A_1083 : i32 to index
      %swap3A_1111 = tpu.vector_load %arg9[%swap3A_1110] {strides = array<i32>} : memref<528xi32, #tpu.memory_space<vmem>>, vector<16xi32>,
      tpu.vector_store %arg9[%swap3A_1110], %select_n3A_1109 {strides = array<i32>} : memref<528xi32, #tpu.memory_space<vmem>>, vector<16xi32>,
      %scan3A_1112 = arith.constant 2 : i32
      %scan3A_1113 = arith.addi %scan3A_1051, %scan3A_1112 : i32
      %mul3A_1114 = arith.constant 16 : i32
      %mul3A_1115 = arith.muli %scan3A_1113, %mul3A_1114 : i32
      %get3A_1116 = arith.index_cast %mul3A_1115 : i32 to index
      %get3A_1117 = tpu.vector_load %arg8[%get3A_1116] {strides = array<i32>} : memref<528xi32, #tpu.memory_space<vmem>>, vector<16xi32>,
      %sub3A_1118 = arith.constant 1 : i32
      %sub3A_1119 = vector.broadcast %sub3A_1118 : i32 to vector<16xi32>
      %sub3A_1120 = arith.subi %get3A_1117, %sub3A_1119 : vector<16xi32>
      %lt3A_1121 = arith.constant 0 : i32
      %lt3A_1122 = vector.broadcast %lt3A_1121 : i32 to vector<16xi32>
      %lt3A_1123 = arith.cmpi slt, %sub3A_1120, %lt3A_1122 : vector<16xi32>
      %add3A_1124 = arith.constant 1000000 : i32
      %add3A_1125 = vector.broadcast %add3A_1124 : i32 to vector<16xi32>
      %add3A_1126 = arith.addi %sub3A_1120, %add3A_1125 : vector<16xi32>
      %select_n3A_1127 = arith.select %lt3A_1123, %add3A_1126, %sub3A_1120 : vector<16xi1>, vector<16xi32>
      %swap3A_1128 = arith.index_cast %mul3A_1115 : i32 to index
      %swap3A_1129 = tpu.vector_load %arg8[%swap3A_1128] {strides = array<i32>} : memref<528xi32, #tpu.memory_space<vmem>>, vector<16xi32>,
      tpu.vector_store %arg8[%swap3A_1128], %select_n3A_1127 {strides = array<i32>} : memref<528xi32, #tpu.memory_space<vmem>>, vector<16xi32>,
      %get3A_1130 = arith.index_cast %mul3A_1115 : i32 to index
      %get3A_1131 = tpu.vector_load %arg9[%get3A_1130] {strides = array<i32>} : memref<528xi32, #tpu.memory_space<vmem>>, vector<16xi32>,
      %sub3A_1132 = arith.constant 1 : i32
      %sub3A_1133 = vector.broadcast %sub3A_1132 : i32 to vector<16xi32>
      %sub3A_1134 = arith.subi %get3A_1131, %sub3A_1133 : vector<16xi32>
      %lt3A_1135 = arith.constant 0 : i32
      %lt3A_1136 = vector.broadcast %lt3A_1135 : i32 to vector<16xi32>
      %lt3A_1137 = arith.cmpi slt, %sub3A_1134, %lt3A_1136 : vector<16xi32>
      %add3A_1138 = arith.constant 1000000 : i32
      %add3A_1139 = vector.broadcast %add3A_1138 : i32 to vector<16xi32>
      %add3A_1140 = arith.addi %sub3A_1134, %add3A_1139 : vector<16xi32>
      %select_n3A_1141 = arith.select %lt3A_1137, %add3A_1140, %sub3A_1134 : vector<16xi1>, vector<16xi32>
      %swap3A_1142 = arith.index_cast %mul3A_1115 : i32 to index
      %swap3A_1143 = tpu.vector_load %arg9[%swap3A_1142] {strides = array<i32>} : memref<528xi32, #tpu.memory_space<vmem>>, vector<16xi32>,
      tpu.vector_store %arg9[%swap3A_1142], %select_n3A_1141 {strides = array<i32>} : memref<528xi32, #tpu.memory_space<vmem>>, vector<16xi32>,
      %scan3A_1144 = arith.constant 3 : i32
      %scan3A_1145 = arith.addi %scan3A_1051, %scan3A_1144 : i32
      %mul3A_1146 = arith.constant 16 : i32
      %mul3A_1147 = arith.muli %scan3A_1145, %mul3A_1146 : i32
      %get3A_1148 = arith.index_cast %mul3A_1147 : i32 to index
      %get3A_1149 = tpu.vector_load %arg8[%get3A_1148] {strides = array<i32>} : memref<528xi32, #tpu.memory_space<vmem>>, vector<16xi32>,
      %sub3A_1150 = arith.constant 1 : i32
      %sub3A_1151 = vector.broadcast %sub3A_1150 : i32 to vector<16xi32>
      %sub3A_1152 = arith.subi %get3A_1149, %sub3A_1151 : vector<16xi32>
      %lt3A_1153 = arith.constant 0 : i32
      %lt3A_1154 = vector.broadcast %lt3A_1153 : i32 to vector<16xi32>
      %lt3A_1155 = arith.cmpi slt, %sub3A_1152, %lt3A_1154 : vector<16xi32>
      %add3A_1156 = arith.constant 1000000 : i32
      %add3A_1157 = vector.broadcast %add3A_1156 : i32 to vector<16xi32>
      %add3A_1158 = arith.addi %sub3A_1152, %add3A_1157 : vector<16xi32>
      %select_n3A_1159 = arith.select %lt3A_1155, %add3A_1158, %sub3A_1152 : vector<16xi1>, vector<16xi32>
      %swap3A_1160 = arith.index_cast %mul3A_1147 : i32 to index
      %swap3A_1161 = tpu.vector_load %arg8[%swap3A_1160] {strides = array<i32>} : memref<528xi32, #tpu.memory_space<vmem>>, vector<16xi32>,
      tpu.vector_store %arg8[%swap3A_1160], %select_n3A_1159 {strides = array<i32>} : memref<528xi32, #tpu.memory_space<vmem>>, vector<16xi32>,
      %get3A_1162 = arith.index_cast %mul3A_1147 : i32 to index
      %get3A_1163 = tpu.vector_load %arg9[%get3A_1162] {strides = array<i32>} : memref<528xi32, #tpu.memory_space<vmem>>, vector<16xi32>,
      %sub3A_1164 = arith.constant 1 : i32
      %sub3A_1165 = vector.broadcast %sub3A_1164 : i32 to vector<16xi32>
      %sub3A_1166 = arith.subi %get3A_1163, %sub3A_1165 : vector<16xi32>
      %lt3A_1167 = arith.constant 0 : i32
      %lt3A_1168 = vector.broadcast %lt3A_1167 : i32 to vector<16xi32>
      %lt3A_1169 = arith.cmpi slt, %sub3A_1166, %lt3A_1168 : vector<16xi32>
      %add3A_1170 = arith.constant 1000000 : i32
      %add3A_1171 = vector.broadcast %add3A_1170 : i32 to vector<16xi32>
      %add3A_1172 = arith.addi %sub3A_1166, %add3A_1171 : vector<16xi32>
      %select_n3A_1173 = arith.select %lt3A_1169, %add3A_1172, %sub3A_1166 : vector<16xi1>, vector<16xi32>
      %swap3A_1174 = arith.index_cast %mul3A_1147 : i32 to index
      %swap3A_1175 = tpu.vector_load %arg9[%swap3A_1174] {strides = array<i32>} : memref<528xi32, #tpu.memory_space<vmem>>, vector<16xi32>,
      tpu.vector_store %arg9[%swap3A_1174], %select_n3A_1173 {strides = array<i32>} : memref<528xi32, #tpu.memory_space<vmem>>, vector<16xi32>,
    }
    %scan3A_8 = arith.constant 32 : i32
    %dma_start3A = arith.constant 0 : i32
    %dma_start3A_9 = tpu.memref_slice %arg8[%dma_start3A] : memref<528xi32, #tpu.memory_space<vmem>> -> memref<512xi32, #tpu.memory_space<vmem>>
    %dma_start3A_10 = arith.constant 0 : i32
    %dma_start3A_11 = tpu.memref_slice %arg5[%dma_start3A_10] : memref<1000000xf32, #tpu.memory_space<hbm>> -> memref<1000000xf32, #tpu.memory_space<hbm>>
    tpu.enqueue_indirect_dma source(%dma_start3A_11 : memref<1000000xf32, #tpu.memory_space<hbm>>) target(%arg12 : memref<512xf32, #tpu.memory_space<vmem>>) offsets(%dma_start3A_9 : memref<512xi32, #tpu.memory_space<vmem>>) semaphore(%arg15 : memref<!tpu.dma_semaphore, #tpu.memory_space<semaphore_mem>>)
    %dma_start3A_12 = arith.constant 0 : i32
    %dma_start3A_13 = tpu.memref_slice %arg9[%dma_start3A_12] : memref<528xi32, #tpu.memory_space<vmem>> -> memref<512xi32, #tpu.memory_space<vmem>>
    %dma_start3A_14 = arith.constant 0 : i32
    %dma_start3A_15 = tpu.memref_slice %arg6[%dma_start3A_14] : memref<1000000xf32, #tpu.memory_space<hbm>> -> memref<1000000xf32, #tpu.memory_space<hbm>>
    tpu.enqueue_indirect_dma source(%dma_start3A_15 : memref<1000000xf32, #tpu.memory_space<hbm>>) target(%arg13 : memref<512xf32, #tpu.memory_space<vmem>>) offsets(%dma_start3A_13 : memref<512xi32, #tpu.memory_space<vmem>>) semaphore(%arg15 : memref<!tpu.dma_semaphore, #tpu.memory_space<semaphore_mem>>)
    %dma_wait3A = arith.constant 0 : i32
    %dma_wait3A_16 = tpu.memref_slice %arg8[%dma_wait3A] : memref<528xi32, #tpu.memory_space<vmem>> -> memref<512xi32, #tpu.memory_space<vmem>>
    %dma_wait3A_17 = arith.constant 0 : i32
    %dma_wait3A_18 = tpu.memref_slice %arg5[%dma_wait3A_17] : memref<1000000xf32, #tpu.memory_space<hbm>> -> memref<1000000xf32, #tpu.memory_space<hbm>>
    tpu.wait_indirect_dma semaphore(%arg15 : memref<!tpu.dma_semaphore, #tpu.memory_space<semaphore_mem>>) src(%dma_wait3A_18 : memref<1000000xf32, #tpu.memory_space<hbm>>) dst(%arg12 : memref<512xf32, #tpu.memory_space<vmem>>)
    %dma_wait3A_19 = arith.constant 0 : i32
    %dma_wait3A_20 = tpu.memref_slice %arg9[%dma_wait3A_19] : memref<528xi32, #tpu.memory_space<vmem>> -> memref<512xi32, #tpu.memory_space<vmem>>
    %dma_wait3A_21 = arith.constant 0 : i32
    %dma_wait3A_22 = tpu.memref_slice %arg6[%dma_wait3A_21] : memref<1000000xf32, #tpu.memory_space<hbm>> -> memref<1000000xf32, #tpu.memory_space<hbm>>
    tpu.wait_indirect_dma semaphore(%arg15 : memref<!tpu.dma_semaphore, #tpu.memory_space<semaphore_mem>>) src(%dma_wait3A_22 : memref<1000000xf32, #tpu.memory_space<hbm>>) dst(%arg13 : memref<512xf32, #tpu.memory_space<vmem>>)
    %iota3A = tpu.iota {dimensions = array<i32: 0>} : vector<16xi32>
    %add3A_23 = arith.constant 16 : i32
    %add3A_24 = vector.broadcast %add3A_23 : i32 to vector<16xi32>
    %add3A_25 = arith.addi %iota3A, %add3A_24 : vector<16xi32>
    %mul3A_26 = arith.constant 0 : i32
    %mul3A_27 = arith.constant 4 : i32
    %mul3A_28 = arith.muli %mul3A_26, %mul3A_27 : i32
    %add3A_29 = arith.constant 0 : i32
    %add3A_30 = arith.addi %mul3A_28, %add3A_29 : i32
    %min3A = arith.constant 511 : i32
    %min3A_31 = arith.minsi %add3A_30, %min3A : i32
    %get3A = arith.index_cast %min3A_31 : i32 to index
    %get3A_32 = tpu.vector_load %arg8[%get3A] {strides = array<i32>} : memref<528xi32, #tpu.memory_space<vmem>>, vector<16xi32>,
    %get3A_33 = arith.index_cast %min3A_31 : i32 to index
    %get3A_34 = tpu.vector_load %arg9[%get3A_33] {strides = array<i32>} : memref<528xi32, #tpu.memory_space<vmem>>, vector<16xi32>,
    %slice3A = vector.extract_strided_slice %get3A_32 {offsets = [0], sizes = [1], strides = [1]} : vector<16xi32> to vector<1xi32>
    %squeeze3A = vector.extract %slice3A[0] : i32 from vector<1xi32>
    %slice3A_35 = vector.extract_strided_slice %get3A_34 {offsets = [0], sizes = [1], strides = [1]} : vector<16xi32> to vector<1xi32>
    %squeeze3A_36 = vector.extract %slice3A_35[0] : i32 from vector<1xi32>
    %jit3A = arith.constant 128 : i32
    %div3A = arith.divsi %squeeze3A, %jit3A : i32
    %sign3A = arith.constant 0 : i32
    %sign3A_37 = arith.cmpi sgt, %squeeze3A, %sign3A : i32
    %sign3A_38 = arith.extui %sign3A_37 : i1 to i32
    %sign3A_39 = arith.constant 0 : i32
    %sign3A_40 = arith.cmpi slt, %squeeze3A, %sign3A_39 : i32
    %sign3A_41 = arith.extui %sign3A_40 : i1 to i32
    %sign3A_42 = arith.subi %sign3A_38, %sign3A_41 : i32
    %sign3A_43 = arith.constant 0 : i32
    %sign3A_44 = arith.cmpi sgt, %jit3A, %sign3A_43 : i32
    %sign3A_45 = arith.extui %sign3A_44 : i1 to i32
    %sign3A_46 = arith.constant 0 : i32
    %sign3A_47 = arith.cmpi slt, %jit3A, %sign3A_46 : i32
    %sign3A_48 = arith.extui %sign3A_47 : i1 to i32
    %sign3A_49 = arith.subi %sign3A_45, %sign3A_48 : i32
    %ne3A = arith.cmpi ne, %sign3A_42, %sign3A_49 : i32
    %rem3A = arith.remsi %squeeze3A, %jit3A : i32
    %ne3A_50 = arith.constant 0 : i32
    %ne3A_51 = arith.cmpi ne, %rem3A, %ne3A_50 : i32
    %and3A = arith.andi %ne3A, %ne3A_51 : i1
    %sub3A = arith.constant 1 : i32
    %sub3A_52 = arith.subi %div3A, %sub3A : i32
    %select_n3A = arith.select %and3A, %sub3A_52, %div3A : i32
    %mul3A_53 = arith.constant 128 : i32
    %mul3A_54 = arith.muli %select_n3A, %mul3A_53 : i32
    %multiple_of3A = tpu.assume_multiple %mul3A_54, 128 : i32
    %jit3A_55 = arith.constant 128 : i32
    %div3A_56 = arith.divsi %squeeze3A_36, %jit3A_55 : i32
    %sign3A_57 = arith.constant 0 : i32
    %sign3A_58 = arith.cmpi sgt, %squeeze3A_36, %sign3A_57 : i32
    %sign3A_59 = arith.extui %sign3A_58 : i1 to i32
    %sign3A_60 = arith.constant 0 : i32
    %sign3A_61 = arith.cmpi slt, %squeeze3A_36, %sign3A_60 : i32
    %sign3A_62 = arith.extui %sign3A_61 : i1 to i32
    %sign3A_63 = arith.subi %sign3A_59, %sign3A_62 : i32
    %sign3A_64 = arith.constant 0 : i32
    %sign3A_65 = arith.cmpi sgt, %jit3A_55, %sign3A_64 : i32
    %sign3A_66 = arith.extui %sign3A_65 : i1 to i32
    %sign3A_67 = arith.constant 0 : i32
    %sign3A_68 = arith.cmpi slt, %jit3A_55, %sign3A_67 : i32
    %sign3A_69 = arith.extui %sign3A_68 : i1 to i32
    %sign3A_70 = arith.subi %sign3A_66, %sign3A_69 : i32
    %ne3A_71 = arith.cmpi ne, %sign3A_63, %sign3A_70 : i32
    %rem3A_72 = arith.remsi %squeeze3A_36, %jit3A_55 : i32
    %ne3A_73 = arith.constant 0 : i32
    %ne3A_74 = arith.cmpi ne, %rem3A_72, %ne3A_73 : i32
    %and3A_75 = arith.andi %ne3A_71, %ne3A_74 : i1
    %sub3A_76 = arith.constant 1 : i32
    %sub3A_77 = arith.subi %div3A_56, %sub3A_76 : i32
    %select_n3A_78 = arith.select %and3A_75, %sub3A_77, %div3A_56 : i32
    %mul3A_79 = arith.constant 128 : i32
    %mul3A_80 = arith.muli %select_n3A_78, %mul3A_79 : i32
    %multiple_of3A_81 = tpu.assume_multiple %mul3A_80, 128 : i32
    %dma_start3A_82 = arith.constant 0 : i32
    %dma_start3A_83 = arith.constant 0 : i32
    %dma_start3A_84 = arith.constant 0 : i32
    %dma_start3A_85 = arith.constant 0 : i32
    %dma_start3A_86 = tpu.memref_slice %arg10[%dma_start3A_82, %dma_start3A_83, %dma_start3A_84, %dma_start3A_85] : memref<2x4x32x128xf32, #tpu.memory_space<vmem>> -> memref<1x1x32x128xf32, #tpu.memory_space<vmem>>
    %dma_start3A_87 = tpu.memref_squeeze %dma_start3A_86 : memref<1x1x32x128xf32, #tpu.memory_space<vmem>> -> memref<32x128xf32, #tpu.memory_space<vmem>>
    %dma_start3A_88 = arith.constant 0 : i32
    %dma_start3A_89 = tpu.memref_slice %arg3[%dma_start3A_88, %multiple_of3A] : memref<32x1000000xf32, #tpu.memory_space<hbm>> -> memref<32x128xf32, #tpu.memory_space<hbm>>
    %dma_start3A_90 = arith.constant 0 : i32
    %dma_start3A_91 = arith.constant 0 : i32
    %dma_start3A_92 = tpu.memref_slice %arg10[%dma_start3A_82, %dma_start3A_83, %dma_start3A_90, %dma_start3A_91] : memref<2x4x32x128xf32, #tpu.memory_space<vmem>> -> memref<1x1x32x128xf32, #tpu.memory_space<vmem>>
    %dma_start3A_93 = tpu.memref_squeeze %dma_start3A_92 : memref<1x1x32x128xf32, #tpu.memory_space<vmem>> -> memref<32x128xf32, #tpu.memory_space<vmem>>
    %dma_start3A_94 = arith.constant 0 : i32
    %dma_start3A_95 = tpu.memref_slice %arg3[%dma_start3A_94, %multiple_of3A] : memref<32x1000000xf32, #tpu.memory_space<hbm>> -> memref<32x128xf32, #tpu.memory_space<hbm>>
    tpu.enqueue_dma source(%dma_start3A_95 : memref<32x128xf32, #tpu.memory_space<hbm>>) target(%dma_start3A_93 : memref<32x128xf32, #tpu.memory_space<vmem>>) target_semaphore(%arg16 : memref<!tpu.dma_semaphore, #tpu.memory_space<semaphore_mem>>)
    %dma_start3A_96 = arith.constant 0 : i32
    %dma_start3A_97 = arith.constant 0 : i32
    %dma_start3A_98 = arith.constant 0 : i32
    %dma_start3A_99 = arith.constant 0 : i32
    %dma_start3A_100 = tpu.memref_slice %arg11[%dma_start3A_96, %dma_start3A_97, %dma_start3A_98, %dma_start3A_99] : memref<2x4x32x128xf32, #tpu.memory_space<vmem>> -> memref<1x1x32x128xf32, #tpu.memory_space<vmem>>
    %dma_start3A_101 = tpu.memref_squeeze %dma_start3A_100 : memref<1x1x32x128xf32, #tpu.memory_space<vmem>> -> memref<32x128xf32, #tpu.memory_space<vmem>>
    %dma_start3A_102 = arith.constant 0 : i32
    %dma_start3A_103 = tpu.memref_slice %arg4[%dma_start3A_102, %multiple_of3A_81] : memref<32x1000000xf32, #tpu.memory_space<hbm>> -> memref<32x128xf32, #tpu.memory_space<hbm>>
    %dma_start3A_104 = arith.constant 0 : i32
    %dma_start3A_105 = arith.constant 0 : i32
    %dma_start3A_106 = tpu.memref_slice %arg11[%dma_start3A_96, %dma_start3A_97, %dma_start3A_104, %dma_start3A_105] : memref<2x4x32x128xf32, #tpu.memory_space<vmem>> -> memref<1x1x32x128xf32, #tpu.memory_space<vmem>>
    %dma_start3A_107 = tpu.memref_squeeze %dma_start3A_106 : memref<1x1x32x128xf32, #tpu.memory_space<vmem>> -> memref<32x128xf32, #tpu.memory_space<vmem>>
    %dma_start3A_108 = arith.constant 0 : i32
    %dma_start3A_109 = tpu.memref_slice %arg4[%dma_start3A_108, %multiple_of3A_81] : memref<32x1000000xf32, #tpu.memory_space<hbm>> -> memref<32x128xf32, #tpu.memory_space<hbm>>
    tpu.enqueue_dma source(%dma_start3A_109 : memref<32x128xf32, #tpu.memory_space<hbm>>) target(%dma_start3A_107 : memref<32x128xf32, #tpu.memory_space<vmem>>) target_semaphore(%arg16 : memref<!tpu.dma_semaphore, #tpu.memory_space<semaphore_mem>>)
    %mul3A_110 = arith.constant 0 : i32
    %mul3A_111 = arith.constant 4 : i32
    %mul3A_112 = arith.muli %mul3A_110, %mul3A_111 : i32
    %add3A_113 = arith.constant 1 : i32
    %add3A_114 = arith.addi %mul3A_112, %add3A_113 : i32
    %min3A_115 = arith.constant 511 : i32
    %min3A_116 = arith.minsi %add3A_114, %min3A_115 : i32
    %get3A_117 = arith.index_cast %min3A_116 : i32 to index
    %get3A_118 = tpu.vector_load %arg8[%get3A_117] {strides = array<i32>} : memref<528xi32, #tpu.memory_space<vmem>>, vector<16xi32>,
    %get3A_119 = arith.index_cast %min3A_116 : i32 to index
    %get3A_120 = tpu.vector_load %arg9[%get3A_119] {strides = array<i32>} : memref<528xi32, #tpu.memory_space<vmem>>, vector<16xi32>,
    %slice3A_121 = vector.extract_strided_slice %get3A_118 {offsets = [0], sizes = [1], strides = [1]} : vector<16xi32> to vector<1xi32>
    %squeeze3A_122 = vector.extract %slice3A_121[0] : i32 from vector<1xi32>
    %slice3A_123 = vector.extract_strided_slice %get3A_120 {offsets = [0], sizes = [1], strides = [1]} : vector<16xi32> to vector<1xi32>
    %squeeze3A_124 = vector.extract %slice3A_123[0] : i32 from vector<1xi32>
    %jit3A_125 = arith.constant 128 : i32
    %div3A_126 = arith.divsi %squeeze3A_122, %jit3A_125 : i32
    %sign3A_127 = arith.constant 0 : i32
    %sign3A_128 = arith.cmpi sgt, %squeeze3A_122, %sign3A_127 : i32
    %sign3A_129 = arith.extui %sign3A_128 : i1 to i32
    %sign3A_130 = arith.constant 0 : i32
    %sign3A_131 = arith.cmpi slt, %squeeze3A_122, %sign3A_130 : i32
    %sign3A_132 = arith.extui %sign3A_131 : i1 to i32
    %sign3A_133 = arith.subi %sign3A_129, %sign3A_132 : i32
    %sign3A_134 = arith.constant 0 : i32
    %sign3A_135 = arith.cmpi sgt, %jit3A_125, %sign3A_134 : i32
    %sign3A_136 = arith.extui %sign3A_135 : i1 to i32
    %sign3A_137 = arith.constant 0 : i32
    %sign3A_138 = arith.cmpi slt, %jit3A_125, %sign3A_137 : i32
    %sign3A_139 = arith.extui %sign3A_138 : i1 to i32
    %sign3A_140 = arith.subi %sign3A_136, %sign3A_139 : i32
    %ne3A_141 = arith.cmpi ne, %sign3A_133, %sign3A_140 : i32
    %rem3A_142 = arith.remsi %squeeze3A_122, %jit3A_125 : i32
    %ne3A_143 = arith.constant 0 : i32
    %ne3A_144 = arith.cmpi ne, %rem3A_142, %ne3A_143 : i32
    %and3A_145 = arith.andi %ne3A_141, %ne3A_144 : i1
    %sub3A_146 = arith.constant 1 : i32
    %sub3A_147 = arith.subi %div3A_126, %sub3A_146 : i32
    %select_n3A_148 = arith.select %and3A_145, %sub3A_147, %div3A_126 : i32
    %mul3A_149 = arith.constant 128 : i32
    %mul3A_150 = arith.muli %select_n3A_148, %mul3A_149 : i32
    %multiple_of3A_151 = tpu.assume_multiple %mul3A_150, 128 : i32
    %jit3A_152 = arith.constant 128 : i32
    %div3A_153 = arith.divsi %squeeze3A_124, %jit3A_152 : i32
    %sign3A_154 = arith.constant 0 : i32
    %sign3A_155 = arith.cmpi sgt, %squeeze3A_124, %sign3A_154 : i32
    %sign3A_156 = arith.extui %sign3A_155 : i1 to i32
    %sign3A_157 = arith.constant 0 : i32
    %sign3A_158 = arith.cmpi slt, %squeeze3A_124, %sign3A_157 : i32
    %sign3A_159 = arith.extui %sign3A_158 : i1 to i32
    %sign3A_160 = arith.subi %sign3A_156, %sign3A_159 : i32
    %sign3A_161 = arith.constant 0 : i32
    %sign3A_162 = arith.cmpi sgt, %jit3A_152, %sign3A_161 : i32
    %sign3A_163 = arith.extui %sign3A_162 : i1 to i32
    %sign3A_164 = arith.constant 0 : i32
    %sign3A_165 = arith.cmpi slt, %jit3A_152, %sign3A_164 : i32
    %sign3A_166 = arith.extui %sign3A_165 : i1 to i32
    %sign3A_167 = arith.subi %sign3A_163, %sign3A_166 : i32
    %ne3A_168 = arith.cmpi ne, %sign3A_160, %sign3A_167 : i32
    %rem3A_169 = arith.remsi %squeeze3A_124, %jit3A_152 : i32
    %ne3A_170 = arith.constant 0 : i32
    %ne3A_171 = arith.cmpi ne, %rem3A_169, %ne3A_170 : i32
    %and3A_172 = arith.andi %ne3A_168, %ne3A_171 : i1
    %sub3A_173 = arith.constant 1 : i32
    %sub3A_174 = arith.subi %div3A_153, %sub3A_173 : i32
    %select_n3A_175 = arith.select %and3A_172, %sub3A_174, %div3A_153 : i32
    %mul3A_176 = arith.constant 128 : i32
    %mul3A_177 = arith.muli %select_n3A_175, %mul3A_176 : i32
    %multiple_of3A_178 = tpu.assume_multiple %mul3A_177, 128 : i32
    %dma_start3A_179 = arith.constant 0 : i32
    %dma_start3A_180 = arith.constant 1 : i32
    %dma_start3A_181 = arith.constant 0 : i32
    %dma_start3A_182 = arith.constant 0 : i32
    %dma_start3A_183 = tpu.memref_slice %arg10[%dma_start3A_179, %dma_start3A_180, %dma_start3A_181, %dma_start3A_182] : memref<2x4x32x128xf32, #tpu.memory_space<vmem>> -> memref<1x1x32x128xf32, #tpu.memory_space<vmem>>
    %dma_start3A_184 = tpu.memref_squeeze %dma_start3A_183 : memref<1x1x32x128xf32, #tpu.memory_space<vmem>> -> memref<32x128xf32, #tpu.memory_space<vmem>>
    %dma_start3A_185 = arith.constant 0 : i32
    %dma_start3A_186 = tpu.memref_slice %arg3[%dma_start3A_185, %multiple_of3A_151] : memref<32x1000000xf32, #tpu.memory_space<hbm>> -> memref<32x128xf32, #tpu.memory_space<hbm>>
    %dma_start3A_187 = arith.constant 0 : i32
    %dma_start3A_188 = arith.constant 0 : i32
    %dma_start3A_189 = tpu.memref_slice %arg10[%dma_start3A_179, %dma_start3A_180, %dma_start3A_187, %dma_start3A_188] : memref<2x4x32x128xf32, #tpu.memory_space<vmem>> -> memref<1x1x32x128xf32, #tpu.memory_space<vmem>>
    %dma_start3A_190 = tpu.memref_squeeze %dma_start3A_189 : memref<1x1x32x128xf32, #tpu.memory_space<vmem>> -> memref<32x128xf32, #tpu.memory_space<vmem>>
    %dma_start3A_191 = arith.constant 0 : i32
    %dma_start3A_192 = tpu.memref_slice %arg3[%dma_start3A_191, %multiple_of3A_151] : memref<32x1000000xf32, #tpu.memory_space<hbm>> -> memref<32x128xf32, #tpu.memory_space<hbm>>
    tpu.enqueue_dma source(%dma_start3A_192 : memref<32x128xf32, #tpu.memory_space<hbm>>) target(%dma_start3A_190 : memref<32x128xf32, #tpu.memory_space<vmem>>) target_semaphore(%arg16 : memref<!tpu.dma_semaphore, #tpu.memory_space<semaphore_mem>>)
    %dma_start3A_193 = arith.constant 0 : i32
    %dma_start3A_194 = arith.constant 1 : i32
    %dma_start3A_195 = arith.constant 0 : i32
    %dma_start3A_196 = arith.constant 0 : i32
    %dma_start3A_197 = tpu.memref_slice %arg11[%dma_start3A_193, %dma_start3A_194, %dma_start3A_195, %dma_start3A_196] : memref<2x4x32x128xf32, #tpu.memory_space<vmem>> -> memref<1x1x32x128xf32, #tpu.memory_space<vmem>>
    %dma_start3A_198 = tpu.memref_squeeze %dma_start3A_197 : memref<1x1x32x128xf32, #tpu.memory_space<vmem>> -> memref<32x128xf32, #tpu.memory_space<vmem>>
    %dma_start3A_199 = arith.constant 0 : i32
    %dma_start3A_200 = tpu.memref_slice %arg4[%dma_start3A_199, %multiple_of3A_178] : memref<32x1000000xf32, #tpu.memory_space<hbm>> -> memref<32x128xf32, #tpu.memory_space<hbm>>
    %dma_start3A_201 = arith.constant 0 : i32
    %dma_start3A_202 = arith.constant 0 : i32
    %dma_start3A_203 = tpu.memref_slice %arg11[%dma_start3A_193, %dma_start3A_194, %dma_start3A_201, %dma_start3A_202] : memref<2x4x32x128xf32, #tpu.memory_space<vmem>> -> memref<1x1x32x128xf32, #tpu.memory_space<vmem>>
    %dma_start3A_204 = tpu.memref_squeeze %dma_start3A_203 : memref<1x1x32x128xf32, #tpu.memory_space<vmem>> -> memref<32x128xf32, #tpu.memory_space<vmem>>
    %dma_start3A_205 = arith.constant 0 : i32
    %dma_start3A_206 = tpu.memref_slice %arg4[%dma_start3A_205, %multiple_of3A_178] : memref<32x1000000xf32, #tpu.memory_space<hbm>> -> memref<32x128xf32, #tpu.memory_space<hbm>>
    tpu.enqueue_dma source(%dma_start3A_206 : memref<32x128xf32, #tpu.memory_space<hbm>>) target(%dma_start3A_204 : memref<32x128xf32, #tpu.memory_space<vmem>>) target_semaphore(%arg16 : memref<!tpu.dma_semaphore, #tpu.memory_space<semaphore_mem>>)
    %mul3A_207 = arith.constant 0 : i32
    %mul3A_208 = arith.constant 4 : i32
    %mul3A_209 = arith.muli %mul3A_207, %mul3A_208 : i32
    %add3A_210 = arith.constant 2 : i32
    %add3A_211 = arith.addi %mul3A_209, %add3A_210 : i32
    %min3A_212 = arith.constant 511 : i32
    %min3A_213 = arith.minsi %add3A_211, %min3A_212 : i32
    %get3A_214 = arith.index_cast %min3A_213 : i32 to index
    %get3A_215 = tpu.vector_load %arg8[%get3A_214] {strides = array<i32>} : memref<528xi32, #tpu.memory_space<vmem>>, vector<16xi32>,
    %get3A_216 = arith.index_cast %min3A_213 : i32 to index
    %get3A_217 = tpu.vector_load %arg9[%get3A_216] {strides = array<i32>} : memref<528xi32, #tpu.memory_space<vmem>>, vector<16xi32>,
    %slice3A_218 = vector.extract_strided_slice %get3A_215 {offsets = [0], sizes = [1], strides = [1]} : vector<16xi32> to vector<1xi32>
    %squeeze3A_219 = vector.extract %slice3A_218[0] : i32 from vector<1xi32>
    %slice3A_220 = vector.extract_strided_slice %get3A_217 {offsets = [0], sizes = [1], strides = [1]} : vector<16xi32> to vector<1xi32>
    %squeeze3A_221 = vector.extract %slice3A_220[0] : i32 from vector<1xi32>
    %jit3A_222 = arith.constant 128 : i32
    %div3A_223 = arith.divsi %squeeze3A_219, %jit3A_222 : i32
    %sign3A_224 = arith.constant 0 : i32
    %sign3A_225 = arith.cmpi sgt, %squeeze3A_219, %sign3A_224 : i32
    %sign3A_226 = arith.extui %sign3A_225 : i1 to i32
    %sign3A_227 = arith.constant 0 : i32
    %sign3A_228 = arith.cmpi slt, %squeeze3A_219, %sign3A_227 : i32
    %sign3A_229 = arith.extui %sign3A_228 : i1 to i32
    %sign3A_230 = arith.subi %sign3A_226, %sign3A_229 : i32
    %sign3A_231 = arith.constant 0 : i32
    %sign3A_232 = arith.cmpi sgt, %jit3A_222, %sign3A_231 : i32
    %sign3A_233 = arith.extui %sign3A_232 : i1 to i32
    %sign3A_234 = arith.constant 0 : i32
    %sign3A_235 = arith.cmpi slt, %jit3A_222, %sign3A_234 : i32
    %sign3A_236 = arith.extui %sign3A_235 : i1 to i32
    %sign3A_237 = arith.subi %sign3A_233, %sign3A_236 : i32
    %ne3A_238 = arith.cmpi ne, %sign3A_230, %sign3A_237 : i32
    %rem3A_239 = arith.remsi %squeeze3A_219, %jit3A_222 : i32
    %ne3A_240 = arith.constant 0 : i32
    %ne3A_241 = arith.cmpi ne, %rem3A_239, %ne3A_240 : i32
    %and3A_242 = arith.andi %ne3A_238, %ne3A_241 : i1
    %sub3A_243 = arith.constant 1 : i32
    %sub3A_244 = arith.subi %div3A_223, %sub3A_243 : i32
    %select_n3A_245 = arith.select %and3A_242, %sub3A_244, %div3A_223 : i32
    %mul3A_246 = arith.constant 128 : i32
    %mul3A_247 = arith.muli %select_n3A_245, %mul3A_246 : i32
    %multiple_of3A_248 = tpu.assume_multiple %mul3A_247, 128 : i32
    %jit3A_249 = arith.constant 128 : i32
    %div3A_250 = arith.divsi %squeeze3A_221, %jit3A_249 : i32
    %sign3A_251 = arith.constant 0 : i32
    %sign3A_252 = arith.cmpi sgt, %squeeze3A_221, %sign3A_251 : i32
    %sign3A_253 = arith.extui %sign3A_252 : i1 to i32
    %sign3A_254 = arith.constant 0 : i32
    %sign3A_255 = arith.cmpi slt, %squeeze3A_221, %sign3A_254 : i32
    %sign3A_256 = arith.extui %sign3A_255 : i1 to i32
    %sign3A_257 = arith.subi %sign3A_253, %sign3A_256 : i32
    %sign3A_258 = arith.constant 0 : i32
    %sign3A_259 = arith.cmpi sgt, %jit3A_249, %sign3A_258 : i32
    %sign3A_260 = arith.extui %sign3A_259 : i1 to i32
    %sign3A_261 = arith.constant 0 : i32
    %sign3A_262 = arith.cmpi slt, %jit3A_249, %sign3A_261 : i32
    %sign3A_263 = arith.extui %sign3A_262 : i1 to i32
    %sign3A_264 = arith.subi %sign3A_260, %sign3A_263 : i32
    %ne3A_265 = arith.cmpi ne, %sign3A_257, %sign3A_264 : i32
    %rem3A_266 = arith.remsi %squeeze3A_221, %jit3A_249 : i32
    %ne3A_267 = arith.constant 0 : i32
    %ne3A_268 = arith.cmpi ne, %rem3A_266, %ne3A_267 : i32
    %and3A_269 = arith.andi %ne3A_265, %ne3A_268 : i1
    %sub3A_270 = arith.constant 1 : i32
    %sub3A_271 = arith.subi %div3A_250, %sub3A_270 : i32
    %select_n3A_272 = arith.select %and3A_269, %sub3A_271, %div3A_250 : i32
    %mul3A_273 = arith.constant 128 : i32
    %mul3A_274 = arith.muli %select_n3A_272, %mul3A_273 : i32
    %multiple_of3A_275 = tpu.assume_multiple %mul3A_274, 128 : i32
    %dma_start3A_276 = arith.constant 0 : i32
    %dma_start3A_277 = arith.constant 2 : i32
    %dma_start3A_278 = arith.constant 0 : i32
    %dma_start3A_279 = arith.constant 0 : i32
    %dma_start3A_280 = tpu.memref_slice %arg10[%dma_start3A_276, %dma_start3A_277, %dma_start3A_278, %dma_start3A_279] : memref<2x4x32x128xf32, #tpu.memory_space<vmem>> -> memref<1x1x32x128xf32, #tpu.memory_space<vmem>>
    %dma_start3A_281 = tpu.memref_squeeze %dma_start3A_280 : memref<1x1x32x128xf32, #tpu.memory_space<vmem>> -> memref<32x128xf32, #tpu.memory_space<vmem>>
    %dma_start3A_282 = arith.constant 0 : i32
    %dma_start3A_283 = tpu.memref_slice %arg3[%dma_start3A_282, %multiple_of3A_248] : memref<32x1000000xf32, #tpu.memory_space<hbm>> -> memref<32x128xf32, #tpu.memory_space<hbm>>
    %dma_start3A_284 = arith.constant 0 : i32
    %dma_start3A_285 = arith.constant 0 : i32
    %dma_start3A_286 = tpu.memref_slice %arg10[%dma_start3A_276, %dma_start3A_277, %dma_start3A_284, %dma_start3A_285] : memref<2x4x32x128xf32, #tpu.memory_space<vmem>> -> memref<1x1x32x128xf32, #tpu.memory_space<vmem>>
    %dma_start3A_287 = tpu.memref_squeeze %dma_start3A_286 : memref<1x1x32x128xf32, #tpu.memory_space<vmem>> -> memref<32x128xf32, #tpu.memory_space<vmem>>
    %dma_start3A_288 = arith.constant 0 : i32
    %dma_start3A_289 = tpu.memref_slice %arg3[%dma_start3A_288, %multiple_of3A_248] : memref<32x1000000xf32, #tpu.memory_space<hbm>> -> memref<32x128xf32, #tpu.memory_space<hbm>>
    tpu.enqueue_dma source(%dma_start3A_289 : memref<32x128xf32, #tpu.memory_space<hbm>>) target(%dma_start3A_287 : memref<32x128xf32, #tpu.memory_space<vmem>>) target_semaphore(%arg16 : memref<!tpu.dma_semaphore, #tpu.memory_space<semaphore_mem>>)
    %dma_start3A_290 = arith.constant 0 : i32
    %dma_start3A_291 = arith.constant 2 : i32
    %dma_start3A_292 = arith.constant 0 : i32
    %dma_start3A_293 = arith.constant 0 : i32
    %dma_start3A_294 = tpu.memref_slice %arg11[%dma_start3A_290, %dma_start3A_291, %dma_start3A_292, %dma_start3A_293] : memref<2x4x32x128xf32, #tpu.memory_space<vmem>> -> memref<1x1x32x128xf32, #tpu.memory_space<vmem>>
    %dma_start3A_295 = tpu.memref_squeeze %dma_start3A_294 : memref<1x1x32x128xf32, #tpu.memory_space<vmem>> -> memref<32x128xf32, #tpu.memory_space<vmem>>
    %dma_start3A_296 = arith.constant 0 : i32
    %dma_start3A_297 = tpu.memref_slice %arg4[%dma_start3A_296, %multiple_of3A_275] : memref<32x1000000xf32, #tpu.memory_space<hbm>> -> memref<32x128xf32, #tpu.memory_space<hbm>>
    %dma_start3A_298 = arith.constant 0 : i32
    %dma_start3A_299 = arith.constant 0 : i32
    %dma_start3A_300 = tpu.memref_slice %arg11[%dma_start3A_290, %dma_start3A_291, %dma_start3A_298, %dma_start3A_299] : memref<2x4x32x128xf32, #tpu.memory_space<vmem>> -> memref<1x1x32x128xf32, #tpu.memory_space<vmem>>
    %dma_start3A_301 = tpu.memref_squeeze %dma_start3A_300 : memref<1x1x32x128xf32, #tpu.memory_space<vmem>> -> memref<32x128xf32, #tpu.memory_space<vmem>>
    %dma_start3A_302 = arith.constant 0 : i32
    %dma_start3A_303 = tpu.memref_slice %arg4[%dma_start3A_302, %multiple_of3A_275] : memref<32x1000000xf32, #tpu.memory_space<hbm>> -> memref<32x128xf32, #tpu.memory_space<hbm>>
    tpu.enqueue_dma source(%dma_start3A_303 : memref<32x128xf32, #tpu.memory_space<hbm>>) target(%dma_start3A_301 : memref<32x128xf32, #tpu.memory_space<vmem>>) target_semaphore(%arg16 : memref<!tpu.dma_semaphore, #tpu.memory_space<semaphore_mem>>)
    %mul3A_304 = arith.constant 0 : i32
    %mul3A_305 = arith.constant 4 : i32
    %mul3A_306 = arith.muli %mul3A_304, %mul3A_305 : i32
    %add3A_307 = arith.constant 3 : i32
    %add3A_308 = arith.addi %mul3A_306, %add3A_307 : i32
    %min3A_309 = arith.constant 511 : i32
    %min3A_310 = arith.minsi %add3A_308, %min3A_309 : i32
    %get3A_311 = arith.index_cast %min3A_310 : i32 to index
    %get3A_312 = tpu.vector_load %arg8[%get3A_311] {strides = array<i32>} : memref<528xi32, #tpu.memory_space<vmem>>, vector<16xi32>,
    %get3A_313 = arith.index_cast %min3A_310 : i32 to index
    %get3A_314 = tpu.vector_load %arg9[%get3A_313] {strides = array<i32>} : memref<528xi32, #tpu.memory_space<vmem>>, vector<16xi32>,
    %slice3A_315 = vector.extract_strided_slice %get3A_312 {offsets = [0], sizes = [1], strides = [1]} : vector<16xi32> to vector<1xi32>
    %squeeze3A_316 = vector.extract %slice3A_315[0] : i32 from vector<1xi32>
    %slice3A_317 = vector.extract_strided_slice %get3A_314 {offsets = [0], sizes = [1], strides = [1]} : vector<16xi32> to vector<1xi32>
    %squeeze3A_318 = vector.extract %slice3A_317[0] : i32 from vector<1xi32>
    %jit3A_319 = arith.constant 128 : i32
    %div3A_320 = arith.divsi %squeeze3A_316, %jit3A_319 : i32
    %sign3A_321 = arith.constant 0 : i32
    %sign3A_322 = arith.cmpi sgt, %squeeze3A_316, %sign3A_321 : i32
    %sign3A_323 = arith.extui %sign3A_322 : i1 to i32
    %sign3A_324 = arith.constant 0 : i32
    %sign3A_325 = arith.cmpi slt, %squeeze3A_316, %sign3A_324 : i32
    %sign3A_326 = arith.extui %sign3A_325 : i1 to i32
    %sign3A_327 = arith.subi %sign3A_323, %sign3A_326 : i32
    %sign3A_328 = arith.constant 0 : i32
    %sign3A_329 = arith.cmpi sgt, %jit3A_319, %sign3A_328 : i32
    %sign3A_330 = arith.extui %sign3A_329 : i1 to i32
    %sign3A_331 = arith.constant 0 : i32
    %sign3A_332 = arith.cmpi slt, %jit3A_319, %sign3A_331 : i32
    %sign3A_333 = arith.extui %sign3A_332 : i1 to i32
    %sign3A_334 = arith.subi %sign3A_330, %sign3A_333 : i32
    %ne3A_335 = arith.cmpi ne, %sign3A_327, %sign3A_334 : i32
    %rem3A_336 = arith.remsi %squeeze3A_316, %jit3A_319 : i32
    %ne3A_337 = arith.constant 0 : i32
    %ne3A_338 = arith.cmpi ne, %rem3A_336, %ne3A_337 : i32
    %and3A_339 = arith.andi %ne3A_335, %ne3A_338 : i1
    %sub3A_340 = arith.constant 1 : i32
    %sub3A_341 = arith.subi %div3A_320, %sub3A_340 : i32
    %select_n3A_342 = arith.select %and3A_339, %sub3A_341, %div3A_320 : i32
    %mul3A_343 = arith.constant 128 : i32
    %mul3A_344 = arith.muli %select_n3A_342, %mul3A_343 : i32
    %multiple_of3A_345 = tpu.assume_multiple %mul3A_344, 128 : i32
    %jit3A_346 = arith.constant 128 : i32
    %div3A_347 = arith.divsi %squeeze3A_318, %jit3A_346 : i32
    %sign3A_348 = arith.constant 0 : i32
    %sign3A_349 = arith.cmpi sgt, %squeeze3A_318, %sign3A_348 : i32
    %sign3A_350 = arith.extui %sign3A_349 : i1 to i32
    %sign3A_351 = arith.constant 0 : i32
    %sign3A_352 = arith.cmpi slt, %squeeze3A_318, %sign3A_351 : i32
    %sign3A_353 = arith.extui %sign3A_352 : i1 to i32
    %sign3A_354 = arith.subi %sign3A_350, %sign3A_353 : i32
    %sign3A_355 = arith.constant 0 : i32
    %sign3A_356 = arith.cmpi sgt, %jit3A_346, %sign3A_355 : i32
    %sign3A_357 = arith.extui %sign3A_356 : i1 to i32
    %sign3A_358 = arith.constant 0 : i32
    %sign3A_359 = arith.cmpi slt, %jit3A_346, %sign3A_358 : i32
    %sign3A_360 = arith.extui %sign3A_359 : i1 to i32
    %sign3A_361 = arith.subi %sign3A_357, %sign3A_360 : i32
    %ne3A_362 = arith.cmpi ne, %sign3A_354, %sign3A_361 : i32
    %rem3A_363 = arith.remsi %squeeze3A_318, %jit3A_346 : i32
    %ne3A_364 = arith.constant 0 : i32
    %ne3A_365 = arith.cmpi ne, %rem3A_363, %ne3A_364 : i32
    %and3A_366 = arith.andi %ne3A_362, %ne3A_365 : i1
    %sub3A_367 = arith.constant 1 : i32
    %sub3A_368 = arith.subi %div3A_347, %sub3A_367 : i32
    %select_n3A_369 = arith.select %and3A_366, %sub3A_368, %div3A_347 : i32
    %mul3A_370 = arith.constant 128 : i32
    %mul3A_371 = arith.muli %select_n3A_369, %mul3A_370 : i32
    %multiple_of3A_372 = tpu.assume_multiple %mul3A_371, 128 : i32
    %dma_start3A_373 = arith.constant 0 : i32
    %dma_start3A_374 = arith.constant 3 : i32
    %dma_start3A_375 = arith.constant 0 : i32
    %dma_start3A_376 = arith.constant 0 : i32
    %dma_start3A_377 = tpu.memref_slice %arg10[%dma_start3A_373, %dma_start3A_374, %dma_start3A_375, %dma_start3A_376] : memref<2x4x32x128xf32, #tpu.memory_space<vmem>> -> memref<1x1x32x128xf32, #tpu.memory_space<vmem>>
    %dma_start3A_378 = tpu.memref_squeeze %dma_start3A_377 : memref<1x1x32x128xf32, #tpu.memory_space<vmem>> -> memref<32x128xf32, #tpu.memory_space<vmem>>
    %dma_start3A_379 = arith.constant 0 : i32
    %dma_start3A_380 = tpu.memref_slice %arg3[%dma_start3A_379, %multiple_of3A_345] : memref<32x1000000xf32, #tpu.memory_space<hbm>> -> memref<32x128xf32, #tpu.memory_space<hbm>>
    %dma_start3A_381 = arith.constant 0 : i32
    %dma_start3A_382 = arith.constant 0 : i32
    %dma_start3A_383 = tpu.memref_slice %arg10[%dma_start3A_373, %dma_start3A_374, %dma_start3A_381, %dma_start3A_382] : memref<2x4x32x128xf32, #tpu.memory_space<vmem>> -> memref<1x1x32x128xf32, #tpu.memory_space<vmem>>
    %dma_start3A_384 = tpu.memref_squeeze %dma_start3A_383 : memref<1x1x32x128xf32, #tpu.memory_space<vmem>> -> memref<32x128xf32, #tpu.memory_space<vmem>>
    %dma_start3A_385 = arith.constant 0 : i32
    %dma_start3A_386 = tpu.memref_slice %arg3[%dma_start3A_385, %multiple_of3A_345] : memref<32x1000000xf32, #tpu.memory_space<hbm>> -> memref<32x128xf32, #tpu.memory_space<hbm>>
    tpu.enqueue_dma source(%dma_start3A_386 : memref<32x128xf32, #tpu.memory_space<hbm>>) target(%dma_start3A_384 : memref<32x128xf32, #tpu.memory_space<vmem>>) target_semaphore(%arg16 : memref<!tpu.dma_semaphore, #tpu.memory_space<semaphore_mem>>)
    %dma_start3A_387 = arith.constant 0 : i32
    %dma_start3A_388 = arith.constant 3 : i32
    %dma_start3A_389 = arith.constant 0 : i32
    %dma_start3A_390 = arith.constant 0 : i32
    %dma_start3A_391 = tpu.memref_slice %arg11[%dma_start3A_387, %dma_start3A_388, %dma_start3A_389, %dma_start3A_390] : memref<2x4x32x128xf32, #tpu.memory_space<vmem>> -> memref<1x1x32x128xf32, #tpu.memory_space<vmem>>
    %dma_start3A_392 = tpu.memref_squeeze %dma_start3A_391 : memref<1x1x32x128xf32, #tpu.memory_space<vmem>> -> memref<32x128xf32, #tpu.memory_space<vmem>>
    %dma_start3A_393 = arith.constant 0 : i32
    %dma_start3A_394 = tpu.memref_slice %arg4[%dma_start3A_393, %multiple_of3A_372] : memref<32x1000000xf32, #tpu.memory_space<hbm>> -> memref<32x128xf32, #tpu.memory_space<hbm>>
    %dma_start3A_395 = arith.constant 0 : i32
    %dma_start3A_396 = arith.constant 0 : i32
    %dma_start3A_397 = tpu.memref_slice %arg11[%dma_start3A_387, %dma_start3A_388, %dma_start3A_395, %dma_start3A_396] : memref<2x4x32x128xf32, #tpu.memory_space<vmem>> -> memref<1x1x32x128xf32, #tpu.memory_space<vmem>>
    %dma_start3A_398 = tpu.memref_squeeze %dma_start3A_397 : memref<1x1x32x128xf32, #tpu.memory_space<vmem>> -> memref<32x128xf32, #tpu.memory_space<vmem>>
    %dma_start3A_399 = arith.constant 0 : i32
    %dma_start3A_400 = tpu.memref_slice %arg4[%dma_start3A_399, %multiple_of3A_372] : memref<32x1000000xf32, #tpu.memory_space<hbm>> -> memref<32x128xf32, #tpu.memory_space<hbm>>
    tpu.enqueue_dma source(%dma_start3A_400 : memref<32x128xf32, #tpu.memory_space<hbm>>) target(%dma_start3A_398 : memref<32x128xf32, #tpu.memory_space<vmem>>) target_semaphore(%arg16 : memref<!tpu.dma_semaphore, #tpu.memory_space<semaphore_mem>>)
    %mul3A_401 = arith.constant 1 : i32
    %mul3A_402 = arith.constant 4 : i32
    %mul3A_403 = arith.muli %mul3A_401, %mul3A_402 : i32
    %add3A_404 = arith.constant 0 : i32
    %add3A_405 = arith.addi %mul3A_403, %add3A_404 : i32
    %min3A_406 = arith.constant 511 : i32
    %min3A_407 = arith.minsi %add3A_405, %min3A_406 : i32
    %get3A_408 = arith.index_cast %min3A_407 : i32 to index
    %get3A_409 = tpu.vector_load %arg8[%get3A_408] {strides = array<i32>} : memref<528xi32, #tpu.memory_space<vmem>>, vector<16xi32>,
    %get3A_410 = arith.index_cast %min3A_407 : i32 to index
    %get3A_411 = tpu.vector_load %arg9[%get3A_410] {strides = array<i32>} : memref<528xi32, #tpu.memory_space<vmem>>, vector<16xi32>,
    %slice3A_412 = vector.extract_strided_slice %get3A_409 {offsets = [0], sizes = [1], strides = [1]} : vector<16xi32> to vector<1xi32>
    %squeeze3A_413 = vector.extract %slice3A_412[0] : i32 from vector<1xi32>
    %slice3A_414 = vector.extract_strided_slice %get3A_411 {offsets = [0], sizes = [1], strides = [1]} : vector<16xi32> to vector<1xi32>
    %squeeze3A_415 = vector.extract %slice3A_414[0] : i32 from vector<1xi32>
    %jit3A_416 = arith.constant 128 : i32
    %div3A_417 = arith.divsi %squeeze3A_413, %jit3A_416 : i32
    %sign3A_418 = arith.constant 0 : i32
    %sign3A_419 = arith.cmpi sgt, %squeeze3A_413, %sign3A_418 : i32
    %sign3A_420 = arith.extui %sign3A_419 : i1 to i32
    %sign3A_421 = arith.constant 0 : i32
    %sign3A_422 = arith.cmpi slt, %squeeze3A_413, %sign3A_421 : i32
    %sign3A_423 = arith.extui %sign3A_422 : i1 to i32
    %sign3A_424 = arith.subi %sign3A_420, %sign3A_423 : i32
    %sign3A_425 = arith.constant 0 : i32
    %sign3A_426 = arith.cmpi sgt, %jit3A_416, %sign3A_425 : i32
    %sign3A_427 = arith.extui %sign3A_426 : i1 to i32
    %sign3A_428 = arith.constant 0 : i32
    %sign3A_429 = arith.cmpi slt, %jit3A_416, %sign3A_428 : i32
    %sign3A_430 = arith.extui %sign3A_429 : i1 to i32
    %sign3A_431 = arith.subi %sign3A_427, %sign3A_430 : i32
    %ne3A_432 = arith.cmpi ne, %sign3A_424, %sign3A_431 : i32
    %rem3A_433 = arith.remsi %squeeze3A_413, %jit3A_416 : i32
    %ne3A_434 = arith.constant 0 : i32
    %ne3A_435 = arith.cmpi ne, %rem3A_433, %ne3A_434 : i32
    %and3A_436 = arith.andi %ne3A_432, %ne3A_435 : i1
    %sub3A_437 = arith.constant 1 : i32
    %sub3A_438 = arith.subi %div3A_417, %sub3A_437 : i32
    %select_n3A_439 = arith.select %and3A_436, %sub3A_438, %div3A_417 : i32
    %mul3A_440 = arith.constant 128 : i32
    %mul3A_441 = arith.muli %select_n3A_439, %mul3A_440 : i32
    %multiple_of3A_442 = tpu.assume_multiple %mul3A_441, 128 : i32
    %jit3A_443 = arith.constant 128 : i32
    %div3A_444 = arith.divsi %squeeze3A_415, %jit3A_443 : i32
    %sign3A_445 = arith.constant 0 : i32
    %sign3A_446 = arith.cmpi sgt, %squeeze3A_415, %sign3A_445 : i32
    %sign3A_447 = arith.extui %sign3A_446 : i1 to i32
    %sign3A_448 = arith.constant 0 : i32
    %sign3A_449 = arith.cmpi slt, %squeeze3A_415, %sign3A_448 : i32
    %sign3A_450 = arith.extui %sign3A_449 : i1 to i32
    %sign3A_451 = arith.subi %sign3A_447, %sign3A_450 : i32
    %sign3A_452 = arith.constant 0 : i32
    %sign3A_453 = arith.cmpi sgt, %jit3A_443, %sign3A_452 : i32
    %sign3A_454 = arith.extui %sign3A_453 : i1 to i32
    %sign3A_455 = arith.constant 0 : i32
    %sign3A_456 = arith.cmpi slt, %jit3A_443, %sign3A_455 : i32
    %sign3A_457 = arith.extui %sign3A_456 : i1 to i32
    %sign3A_458 = arith.subi %sign3A_454, %sign3A_457 : i32
    %ne3A_459 = arith.cmpi ne, %sign3A_451, %sign3A_458 : i32
    %rem3A_460 = arith.remsi %squeeze3A_415, %jit3A_443 : i32
    %ne3A_461 = arith.constant 0 : i32
    %ne3A_462 = arith.cmpi ne, %rem3A_460, %ne3A_461 : i32
    %and3A_463 = arith.andi %ne3A_459, %ne3A_462 : i1
    %sub3A_464 = arith.constant 1 : i32
    %sub3A_465 = arith.subi %div3A_444, %sub3A_464 : i32
    %select_n3A_466 = arith.select %and3A_463, %sub3A_465, %div3A_444 : i32
    %mul3A_467 = arith.constant 128 : i32
    %mul3A_468 = arith.muli %select_n3A_466, %mul3A_467 : i32
    %multiple_of3A_469 = tpu.assume_multiple %mul3A_468, 128 : i32
    %dma_start3A_470 = arith.constant 1 : i32
    %dma_start3A_471 = arith.constant 0 : i32
    %dma_start3A_472 = arith.constant 0 : i32
    %dma_start3A_473 = arith.constant 0 : i32
    %dma_start3A_474 = tpu.memref_slice %arg10[%dma_start3A_470, %dma_start3A_471, %dma_start3A_472, %dma_start3A_473] : memref<2x4x32x128xf32, #tpu.memory_space<vmem>> -> memref<1x1x32x128xf32, #tpu.memory_space<vmem>>
    %dma_start3A_475 = tpu.memref_squeeze %dma_start3A_474 : memref<1x1x32x128xf32, #tpu.memory_space<vmem>> -> memref<32x128xf32, #tpu.memory_space<vmem>>
    %dma_start3A_476 = arith.constant 0 : i32
    %dma_start3A_477 = tpu.memref_slice %arg3[%dma_start3A_476, %multiple_of3A_442] : memref<32x1000000xf32, #tpu.memory_space<hbm>> -> memref<32x128xf32, #tpu.memory_space<hbm>>
    %dma_start3A_478 = arith.constant 0 : i32
    %dma_start3A_479 = arith.constant 0 : i32
    %dma_start3A_480 = tpu.memref_slice %arg10[%dma_start3A_470, %dma_start3A_471, %dma_start3A_478, %dma_start3A_479] : memref<2x4x32x128xf32, #tpu.memory_space<vmem>> -> memref<1x1x32x128xf32, #tpu.memory_space<vmem>>
    %dma_start3A_481 = tpu.memref_squeeze %dma_start3A_480 : memref<1x1x32x128xf32, #tpu.memory_space<vmem>> -> memref<32x128xf32, #tpu.memory_space<vmem>>
    %dma_start3A_482 = arith.constant 0 : i32
    %dma_start3A_483 = tpu.memref_slice %arg3[%dma_start3A_482, %multiple_of3A_442] : memref<32x1000000xf32, #tpu.memory_space<hbm>> -> memref<32x128xf32, #tpu.memory_space<hbm>>
    tpu.enqueue_dma source(%dma_start3A_483 : memref<32x128xf32, #tpu.memory_space<hbm>>) target(%dma_start3A_481 : memref<32x128xf32, #tpu.memory_space<vmem>>) target_semaphore(%arg16 : memref<!tpu.dma_semaphore, #tpu.memory_space<semaphore_mem>>)
    %dma_start3A_484 = arith.constant 1 : i32
    %dma_start3A_485 = arith.constant 0 : i32
    %dma_start3A_486 = arith.constant 0 : i32
    %dma_start3A_487 = arith.constant 0 : i32
    %dma_start3A_488 = tpu.memref_slice %arg11[%dma_start3A_484, %dma_start3A_485, %dma_start3A_486, %dma_start3A_487] : memref<2x4x32x128xf32, #tpu.memory_space<vmem>> -> memref<1x1x32x128xf32, #tpu.memory_space<vmem>>
    %dma_start3A_489 = tpu.memref_squeeze %dma_start3A_488 : memref<1x1x32x128xf32, #tpu.memory_space<vmem>> -> memref<32x128xf32, #tpu.memory_space<vmem>>
    %dma_start3A_490 = arith.constant 0 : i32
    %dma_start3A_491 = tpu.memref_slice %arg4[%dma_start3A_490, %multiple_of3A_469] : memref<32x1000000xf32, #tpu.memory_space<hbm>> -> memref<32x128xf32, #tpu.memory_space<hbm>>
    %dma_start3A_492 = arith.constant 0 : i32
    %dma_start3A_493 = arith.constant 0 : i32
    %dma_start3A_494 = tpu.memref_slice %arg11[%dma_start3A_484, %dma_start3A_485, %dma_start3A_492, %dma_start3A_493] : memref<2x4x32x128xf32, #tpu.memory_space<vmem>> -> memref<1x1x32x128xf32, #tpu.memory_space<vmem>>
    %dma_start3A_495 = tpu.memref_squeeze %dma_start3A_494 : memref<1x1x32x128xf32, #tpu.memory_space<vmem>> -> memref<32x128xf32, #tpu.memory_space<vmem>>
    %dma_start3A_496 = arith.constant 0 : i32
    %dma_start3A_497 = tpu.memref_slice %arg4[%dma_start3A_496, %multiple_of3A_469] : memref<32x1000000xf32, #tpu.memory_space<hbm>> -> memref<32x128xf32, #tpu.memory_space<hbm>>
    tpu.enqueue_dma source(%dma_start3A_497 : memref<32x128xf32, #tpu.memory_space<hbm>>) target(%dma_start3A_495 : memref<32x128xf32, #tpu.memory_space<vmem>>) target_semaphore(%arg16 : memref<!tpu.dma_semaphore, #tpu.memory_space<semaphore_mem>>)
    %mul3A_498 = arith.constant 1 : i32
    %mul3A_499 = arith.constant 4 : i32
    %mul3A_500 = arith.muli %mul3A_498, %mul3A_499 : i32
    %add3A_501 = arith.constant 1 : i32
    %add3A_502 = arith.addi %mul3A_500, %add3A_501 : i32
    %min3A_503 = arith.constant 511 : i32
    %min3A_504 = arith.minsi %add3A_502, %min3A_503 : i32
    %get3A_505 = arith.index_cast %min3A_504 : i32 to index
    %get3A_506 = tpu.vector_load %arg8[%get3A_505] {strides = array<i32>} : memref<528xi32, #tpu.memory_space<vmem>>, vector<16xi32>,
    %get3A_507 = arith.index_cast %min3A_504 : i32 to index
    %get3A_508 = tpu.vector_load %arg9[%get3A_507] {strides = array<i32>} : memref<528xi32, #tpu.memory_space<vmem>>, vector<16xi32>,
    %slice3A_509 = vector.extract_strided_slice %get3A_506 {offsets = [0], sizes = [1], strides = [1]} : vector<16xi32> to vector<1xi32>
    %squeeze3A_510 = vector.extract %slice3A_509[0] : i32 from vector<1xi32>
    %slice3A_511 = vector.extract_strided_slice %get3A_508 {offsets = [0], sizes = [1], strides = [1]} : vector<16xi32> to vector<1xi32>
    %squeeze3A_512 = vector.extract %slice3A_511[0] : i32 from vector<1xi32>
    %jit3A_513 = arith.constant 128 : i32
    %div3A_514 = arith.divsi %squeeze3A_510, %jit3A_513 : i32
    %sign3A_515 = arith.constant 0 : i32
    %sign3A_516 = arith.cmpi sgt, %squeeze3A_510, %sign3A_515 : i32
    %sign3A_517 = arith.extui %sign3A_516 : i1 to i32
    %sign3A_518 = arith.constant 0 : i32
    %sign3A_519 = arith.cmpi slt, %squeeze3A_510, %sign3A_518 : i32
    %sign3A_520 = arith.extui %sign3A_519 : i1 to i32
    %sign3A_521 = arith.subi %sign3A_517, %sign3A_520 : i32
    %sign3A_522 = arith.constant 0 : i32
    %sign3A_523 = arith.cmpi sgt, %jit3A_513, %sign3A_522 : i32
    %sign3A_524 = arith.extui %sign3A_523 : i1 to i32
    %sign3A_525 = arith.constant 0 : i32
    %sign3A_526 = arith.cmpi slt, %jit3A_513, %sign3A_525 : i32
    %sign3A_527 = arith.extui %sign3A_526 : i1 to i32
    %sign3A_528 = arith.subi %sign3A_524, %sign3A_527 : i32
    %ne3A_529 = arith.cmpi ne, %sign3A_521, %sign3A_528 : i32
    %rem3A_530 = arith.remsi %squeeze3A_510, %jit3A_513 : i32
    %ne3A_531 = arith.constant 0 : i32
    %ne3A_532 = arith.cmpi ne, %rem3A_530, %ne3A_531 : i32
    %and3A_533 = arith.andi %ne3A_529, %ne3A_532 : i1
    %sub3A_534 = arith.constant 1 : i32
    %sub3A_535 = arith.subi %div3A_514, %sub3A_534 : i32
    %select_n3A_536 = arith.select %and3A_533, %sub3A_535, %div3A_514 : i32
    %mul3A_537 = arith.constant 128 : i32
    %mul3A_538 = arith.muli %select_n3A_536, %mul3A_537 : i32
    %multiple_of3A_539 = tpu.assume_multiple %mul3A_538, 128 : i32
    %jit3A_540 = arith.constant 128 : i32
    %div3A_541 = arith.divsi %squeeze3A_512, %jit3A_540 : i32
    %sign3A_542 = arith.constant 0 : i32
    %sign3A_543 = arith.cmpi sgt, %squeeze3A_512, %sign3A_542 : i32
    %sign3A_544 = arith.extui %sign3A_543 : i1 to i32
    %sign3A_545 = arith.constant 0 : i32
    %sign3A_546 = arith.cmpi slt, %squeeze3A_512, %sign3A_545 : i32
    %sign3A_547 = arith.extui %sign3A_546 : i1 to i32
    %sign3A_548 = arith.subi %sign3A_544, %sign3A_547 : i32
    %sign3A_549 = arith.constant 0 : i32
    %sign3A_550 = arith.cmpi sgt, %jit3A_540, %sign3A_549 : i32
    %sign3A_551 = arith.extui %sign3A_550 : i1 to i32
    %sign3A_552 = arith.constant 0 : i32
    %sign3A_553 = arith.cmpi slt, %jit3A_540, %sign3A_552 : i32
    %sign3A_554 = arith.extui %sign3A_553 : i1 to i32
    %sign3A_555 = arith.subi %sign3A_551, %sign3A_554 : i32
    %ne3A_556 = arith.cmpi ne, %sign3A_548, %sign3A_555 : i32
    %rem3A_557 = arith.remsi %squeeze3A_512, %jit3A_540 : i32
    %ne3A_558 = arith.constant 0 : i32
    %ne3A_559 = arith.cmpi ne, %rem3A_557, %ne3A_558 : i32
    %and3A_560 = arith.andi %ne3A_556, %ne3A_559 : i1
    %sub3A_561 = arith.constant 1 : i32
    %sub3A_562 = arith.subi %div3A_541, %sub3A_561 : i32
    %select_n3A_563 = arith.select %and3A_560, %sub3A_562, %div3A_541 : i32
    %mul3A_564 = arith.constant 128 : i32
    %mul3A_565 = arith.muli %select_n3A_563, %mul3A_564 : i32
    %multiple_of3A_566 = tpu.assume_multiple %mul3A_565, 128 : i32
    %dma_start3A_567 = arith.constant 1 : i32
    %dma_start3A_568 = arith.constant 1 : i32
    %dma_start3A_569 = arith.constant 0 : i32
    %dma_start3A_570 = arith.constant 0 : i32
    %dma_start3A_571 = tpu.memref_slice %arg10[%dma_start3A_567, %dma_start3A_568, %dma_start3A_569, %dma_start3A_570] : memref<2x4x32x128xf32, #tpu.memory_space<vmem>> -> memref<1x1x32x128xf32, #tpu.memory_space<vmem>>
    %dma_start3A_572 = tpu.memref_squeeze %dma_start3A_571 : memref<1x1x32x128xf32, #tpu.memory_space<vmem>> -> memref<32x128xf32, #tpu.memory_space<vmem>>
    %dma_start3A_573 = arith.constant 0 : i32
    %dma_start3A_574 = tpu.memref_slice %arg3[%dma_start3A_573, %multiple_of3A_539] : memref<32x1000000xf32, #tpu.memory_space<hbm>> -> memref<32x128xf32, #tpu.memory_space<hbm>>
    %dma_start3A_575 = arith.constant 0 : i32
    %dma_start3A_576 = arith.constant 0 : i32
    %dma_start3A_577 = tpu.memref_slice %arg10[%dma_start3A_567, %dma_start3A_568, %dma_start3A_575, %dma_start3A_576] : memref<2x4x32x128xf32, #tpu.memory_space<vmem>> -> memref<1x1x32x128xf32, #tpu.memory_space<vmem>>
    %dma_start3A_578 = tpu.memref_squeeze %dma_start3A_577 : memref<1x1x32x128xf32, #tpu.memory_space<vmem>> -> memref<32x128xf32, #tpu.memory_space<vmem>>
    %dma_start3A_579 = arith.constant 0 : i32
    %dma_start3A_580 = tpu.memref_slice %arg3[%dma_start3A_579, %multiple_of3A_539] : memref<32x1000000xf32, #tpu.memory_space<hbm>> -> memref<32x128xf32, #tpu.memory_space<hbm>>
    tpu.enqueue_dma source(%dma_start3A_580 : memref<32x128xf32, #tpu.memory_space<hbm>>) target(%dma_start3A_578 : memref<32x128xf32, #tpu.memory_space<vmem>>) target_semaphore(%arg16 : memref<!tpu.dma_semaphore, #tpu.memory_space<semaphore_mem>>)
    %dma_start3A_581 = arith.constant 1 : i32
    %dma_start3A_582 = arith.constant 1 : i32
    %dma_start3A_583 = arith.constant 0 : i32
    %dma_start3A_584 = arith.constant 0 : i32
    %dma_start3A_585 = tpu.memref_slice %arg11[%dma_start3A_581, %dma_start3A_582, %dma_start3A_583, %dma_start3A_584] : memref<2x4x32x128xf32, #tpu.memory_space<vmem>> -> memref<1x1x32x128xf32, #tpu.memory_space<vmem>>
    %dma_start3A_586 = tpu.memref_squeeze %dma_start3A_585 : memref<1x1x32x128xf32, #tpu.memory_space<vmem>> -> memref<32x128xf32, #tpu.memory_space<vmem>>
    %dma_start3A_587 = arith.constant 0 : i32
    %dma_start3A_588 = tpu.memref_slice %arg4[%dma_start3A_587, %multiple_of3A_566] : memref<32x1000000xf32, #tpu.memory_space<hbm>> -> memref<32x128xf32, #tpu.memory_space<hbm>>
    %dma_start3A_589 = arith.constant 0 : i32
    %dma_start3A_590 = arith.constant 0 : i32
    %dma_start3A_591 = tpu.memref_slice %arg11[%dma_start3A_581, %dma_start3A_582, %dma_start3A_589, %dma_start3A_590] : memref<2x4x32x128xf32, #tpu.memory_space<vmem>> -> memref<1x1x32x128xf32, #tpu.memory_space<vmem>>
    %dma_start3A_592 = tpu.memref_squeeze %dma_start3A_591 : memref<1x1x32x128xf32, #tpu.memory_space<vmem>> -> memref<32x128xf32, #tpu.memory_space<vmem>>
    %dma_start3A_593 = arith.constant 0 : i32
    %dma_start3A_594 = tpu.memref_slice %arg4[%dma_start3A_593, %multiple_of3A_566] : memref<32x1000000xf32, #tpu.memory_space<hbm>> -> memref<32x128xf32, #tpu.memory_space<hbm>>
    tpu.enqueue_dma source(%dma_start3A_594 : memref<32x128xf32, #tpu.memory_space<hbm>>) target(%dma_start3A_592 : memref<32x128xf32, #tpu.memory_space<vmem>>) target_semaphore(%arg16 : memref<!tpu.dma_semaphore, #tpu.memory_space<semaphore_mem>>)
    %mul3A_595 = arith.constant 1 : i32
    %mul3A_596 = arith.constant 4 : i32
    %mul3A_597 = arith.muli %mul3A_595, %mul3A_596 : i32
    %add3A_598 = arith.constant 2 : i32
    %add3A_599 = arith.addi %mul3A_597, %add3A_598 : i32
    %min3A_600 = arith.constant 511 : i32
    %min3A_601 = arith.minsi %add3A_599, %min3A_600 : i32
    %get3A_602 = arith.index_cast %min3A_601 : i32 to index
    %get3A_603 = tpu.vector_load %arg8[%get3A_602] {strides = array<i32>} : memref<528xi32, #tpu.memory_space<vmem>>, vector<16xi32>,
    %get3A_604 = arith.index_cast %min3A_601 : i32 to index
    %get3A_605 = tpu.vector_load %arg9[%get3A_604] {strides = array<i32>} : memref<528xi32, #tpu.memory_space<vmem>>, vector<16xi32>,
    %slice3A_606 = vector.extract_strided_slice %get3A_603 {offsets = [0], sizes = [1], strides = [1]} : vector<16xi32> to vector<1xi32>
    %squeeze3A_607 = vector.extract %slice3A_606[0] : i32 from vector<1xi32>
    %slice3A_608 = vector.extract_strided_slice %get3A_605 {offsets = [0], sizes = [1], strides = [1]} : vector<16xi32> to vector<1xi32>
    %squeeze3A_609 = vector.extract %slice3A_608[0] : i32 from vector<1xi32>
    %jit3A_610 = arith.constant 128 : i32
    %div3A_611 = arith.divsi %squeeze3A_607, %jit3A_610 : i32
    %sign3A_612 = arith.constant 0 : i32
    %sign3A_613 = arith.cmpi sgt, %squeeze3A_607, %sign3A_612 : i32
    %sign3A_614 = arith.extui %sign3A_613 : i1 to i32
    %sign3A_615 = arith.constant 0 : i32
    %sign3A_616 = arith.cmpi slt, %squeeze3A_607, %sign3A_615 : i32
    %sign3A_617 = arith.extui %sign3A_616 : i1 to i32
    %sign3A_618 = arith.subi %sign3A_614, %sign3A_617 : i32
    %sign3A_619 = arith.constant 0 : i32
    %sign3A_620 = arith.cmpi sgt, %jit3A_610, %sign3A_619 : i32
    %sign3A_621 = arith.extui %sign3A_620 : i1 to i32
    %sign3A_622 = arith.constant 0 : i32
    %sign3A_623 = arith.cmpi slt, %jit3A_610, %sign3A_622 : i32
    %sign3A_624 = arith.extui %sign3A_623 : i1 to i32
    %sign3A_625 = arith.subi %sign3A_621, %sign3A_624 : i32
    %ne3A_626 = arith.cmpi ne, %sign3A_618, %sign3A_625 : i32
    %rem3A_627 = arith.remsi %squeeze3A_607, %jit3A_610 : i32
    %ne3A_628 = arith.constant 0 : i32
    %ne3A_629 = arith.cmpi ne, %rem3A_627, %ne3A_628 : i32
    %and3A_630 = arith.andi %ne3A_626, %ne3A_629 : i1
    %sub3A_631 = arith.constant 1 : i32
    %sub3A_632 = arith.subi %div3A_611, %sub3A_631 : i32
    %select_n3A_633 = arith.select %and3A_630, %sub3A_632, %div3A_611 : i32
    %mul3A_634 = arith.constant 128 : i32
    %mul3A_635 = arith.muli %select_n3A_633, %mul3A_634 : i32
    %multiple_of3A_636 = tpu.assume_multiple %mul3A_635, 128 : i32
    %jit3A_637 = arith.constant 128 : i32
    %div3A_638 = arith.divsi %squeeze3A_609, %jit3A_637 : i32
    %sign3A_639 = arith.constant 0 : i32
    %sign3A_640 = arith.cmpi sgt, %squeeze3A_609, %sign3A_639 : i32
    %sign3A_641 = arith.extui %sign3A_640 : i1 to i32
    %sign3A_642 = arith.constant 0 : i32
    %sign3A_643 = arith.cmpi slt, %squeeze3A_609, %sign3A_642 : i32
    %sign3A_644 = arith.extui %sign3A_643 : i1 to i32
    %sign3A_645 = arith.subi %sign3A_641, %sign3A_644 : i32
    %sign3A_646 = arith.constant 0 : i32
    %sign3A_647 = arith.cmpi sgt, %jit3A_637, %sign3A_646 : i32
    %sign3A_648 = arith.extui %sign3A_647 : i1 to i32
    %sign3A_649 = arith.constant 0 : i32
    %sign3A_650 = arith.cmpi slt, %jit3A_637, %sign3A_649 : i32
    %sign3A_651 = arith.extui %sign3A_650 : i1 to i32
    %sign3A_652 = arith.subi %sign3A_648, %sign3A_651 : i32
    %ne3A_653 = arith.cmpi ne, %sign3A_645, %sign3A_652 : i32
    %rem3A_654 = arith.remsi %squeeze3A_609, %jit3A_637 : i32
    %ne3A_655 = arith.constant 0 : i32
    %ne3A_656 = arith.cmpi ne, %rem3A_654, %ne3A_655 : i32
    %and3A_657 = arith.andi %ne3A_653, %ne3A_656 : i1
    %sub3A_658 = arith.constant 1 : i32
    %sub3A_659 = arith.subi %div3A_638, %sub3A_658 : i32
    %select_n3A_660 = arith.select %and3A_657, %sub3A_659, %div3A_638 : i32
    %mul3A_661 = arith.constant 128 : i32
    %mul3A_662 = arith.muli %select_n3A_660, %mul3A_661 : i32
    %multiple_of3A_663 = tpu.assume_multiple %mul3A_662, 128 : i32
    %dma_start3A_664 = arith.constant 1 : i32
    %dma_start3A_665 = arith.constant 2 : i32
    %dma_start3A_666 = arith.constant 0 : i32
    %dma_start3A_667 = arith.constant 0 : i32
    %dma_start3A_668 = tpu.memref_slice %arg10[%dma_start3A_664, %dma_start3A_665, %dma_start3A_666, %dma_start3A_667] : memref<2x4x32x128xf32, #tpu.memory_space<vmem>> -> memref<1x1x32x128xf32, #tpu.memory_space<vmem>>
    %dma_start3A_669 = tpu.memref_squeeze %dma_start3A_668 : memref<1x1x32x128xf32, #tpu.memory_space<vmem>> -> memref<32x128xf32, #tpu.memory_space<vmem>>
    %dma_start3A_670 = arith.constant 0 : i32
    %dma_start3A_671 = tpu.memref_slice %arg3[%dma_start3A_670, %multiple_of3A_636] : memref<32x1000000xf32, #tpu.memory_space<hbm>> -> memref<32x128xf32, #tpu.memory_space<hbm>>
    %dma_start3A_672 = arith.constant 0 : i32
    %dma_start3A_673 = arith.constant 0 : i32
    %dma_start3A_674 = tpu.memref_slice %arg10[%dma_start3A_664, %dma_start3A_665, %dma_start3A_672, %dma_start3A_673] : memref<2x4x32x128xf32, #tpu.memory_space<vmem>> -> memref<1x1x32x128xf32, #tpu.memory_space<vmem>>
    %dma_start3A_675 = tpu.memref_squeeze %dma_start3A_674 : memref<1x1x32x128xf32, #tpu.memory_space<vmem>> -> memref<32x128xf32, #tpu.memory_space<vmem>>
    %dma_start3A_676 = arith.constant 0 : i32
    %dma_start3A_677 = tpu.memref_slice %arg3[%dma_start3A_676, %multiple_of3A_636] : memref<32x1000000xf32, #tpu.memory_space<hbm>> -> memref<32x128xf32, #tpu.memory_space<hbm>>
    tpu.enqueue_dma source(%dma_start3A_677 : memref<32x128xf32, #tpu.memory_space<hbm>>) target(%dma_start3A_675 : memref<32x128xf32, #tpu.memory_space<vmem>>) target_semaphore(%arg16 : memref<!tpu.dma_semaphore, #tpu.memory_space<semaphore_mem>>)
    %dma_start3A_678 = arith.constant 1 : i32
    %dma_start3A_679 = arith.constant 2 : i32
    %dma_start3A_680 = arith.constant 0 : i32
    %dma_start3A_681 = arith.constant 0 : i32
    %dma_start3A_682 = tpu.memref_slice %arg11[%dma_start3A_678, %dma_start3A_679, %dma_start3A_680, %dma_start3A_681] : memref<2x4x32x128xf32, #tpu.memory_space<vmem>> -> memref<1x1x32x128xf32, #tpu.memory_space<vmem>>
    %dma_start3A_683 = tpu.memref_squeeze %dma_start3A_682 : memref<1x1x32x128xf32, #tpu.memory_space<vmem>> -> memref<32x128xf32, #tpu.memory_space<vmem>>
    %dma_start3A_684 = arith.constant 0 : i32
    %dma_start3A_685 = tpu.memref_slice %arg4[%dma_start3A_684, %multiple_of3A_663] : memref<32x1000000xf32, #tpu.memory_space<hbm>> -> memref<32x128xf32, #tpu.memory_space<hbm>>
    %dma_start3A_686 = arith.constant 0 : i32
    %dma_start3A_687 = arith.constant 0 : i32
    %dma_start3A_688 = tpu.memref_slice %arg11[%dma_start3A_678, %dma_start3A_679, %dma_start3A_686, %dma_start3A_687] : memref<2x4x32x128xf32, #tpu.memory_space<vmem>> -> memref<1x1x32x128xf32, #tpu.memory_space<vmem>>
    %dma_start3A_689 = tpu.memref_squeeze %dma_start3A_688 : memref<1x1x32x128xf32, #tpu.memory_space<vmem>> -> memref<32x128xf32, #tpu.memory_space<vmem>>
    %dma_start3A_690 = arith.constant 0 : i32
    %dma_start3A_691 = tpu.memref_slice %arg4[%dma_start3A_690, %multiple_of3A_663] : memref<32x1000000xf32, #tpu.memory_space<hbm>> -> memref<32x128xf32, #tpu.memory_space<hbm>>
    tpu.enqueue_dma source(%dma_start3A_691 : memref<32x128xf32, #tpu.memory_space<hbm>>) target(%dma_start3A_689 : memref<32x128xf32, #tpu.memory_space<vmem>>) target_semaphore(%arg16 : memref<!tpu.dma_semaphore, #tpu.memory_space<semaphore_mem>>)
    %mul3A_692 = arith.constant 1 : i32
    %mul3A_693 = arith.constant 4 : i32
    %mul3A_694 = arith.muli %mul3A_692, %mul3A_693 : i32
    %add3A_695 = arith.constant 3 : i32
    %add3A_696 = arith.addi %mul3A_694, %add3A_695 : i32
    %min3A_697 = arith.constant 511 : i32
    %min3A_698 = arith.minsi %add3A_696, %min3A_697 : i32
    %get3A_699 = arith.index_cast %min3A_698 : i32 to index
    %get3A_700 = tpu.vector_load %arg8[%get3A_699] {strides = array<i32>} : memref<528xi32, #tpu.memory_space<vmem>>, vector<16xi32>,
    %get3A_701 = arith.index_cast %min3A_698 : i32 to index
    %get3A_702 = tpu.vector_load %arg9[%get3A_701] {strides = array<i32>} : memref<528xi32, #tpu.memory_space<vmem>>, vector<16xi32>,
    %slice3A_703 = vector.extract_strided_slice %get3A_700 {offsets = [0], sizes = [1], strides = [1]} : vector<16xi32> to vector<1xi32>
    %squeeze3A_704 = vector.extract %slice3A_703[0] : i32 from vector<1xi32>
    %slice3A_705 = vector.extract_strided_slice %get3A_702 {offsets = [0], sizes = [1], strides = [1]} : vector<16xi32> to vector<1xi32>
    %squeeze3A_706 = vector.extract %slice3A_705[0] : i32 from vector<1xi32>
    %jit3A_707 = arith.constant 128 : i32
    %div3A_708 = arith.divsi %squeeze3A_704, %jit3A_707 : i32
    %sign3A_709 = arith.constant 0 : i32
    %sign3A_710 = arith.cmpi sgt, %squeeze3A_704, %sign3A_709 : i32
    %sign3A_711 = arith.extui %sign3A_710 : i1 to i32
    %sign3A_712 = arith.constant 0 : i32
    %sign3A_713 = arith.cmpi slt, %squeeze3A_704, %sign3A_712 : i32
    %sign3A_714 = arith.extui %sign3A_713 : i1 to i32
    %sign3A_715 = arith.subi %sign3A_711, %sign3A_714 : i32
    %sign3A_716 = arith.constant 0 : i32
    %sign3A_717 = arith.cmpi sgt, %jit3A_707, %sign3A_716 : i32
    %sign3A_718 = arith.extui %sign3A_717 : i1 to i32
    %sign3A_719 = arith.constant 0 : i32
    %sign3A_720 = arith.cmpi slt, %jit3A_707, %sign3A_719 : i32
    %sign3A_721 = arith.extui %sign3A_720 : i1 to i32
    %sign3A_722 = arith.subi %sign3A_718, %sign3A_721 : i32
    %ne3A_723 = arith.cmpi ne, %sign3A_715, %sign3A_722 : i32
    %rem3A_724 = arith.remsi %squeeze3A_704, %jit3A_707 : i32
    %ne3A_725 = arith.constant 0 : i32
    %ne3A_726 = arith.cmpi ne, %rem3A_724, %ne3A_725 : i32
    %and3A_727 = arith.andi %ne3A_723, %ne3A_726 : i1
    %sub3A_728 = arith.constant 1 : i32
    %sub3A_729 = arith.subi %div3A_708, %sub3A_728 : i32
    %select_n3A_730 = arith.select %and3A_727, %sub3A_729, %div3A_708 : i32
    %mul3A_731 = arith.constant 128 : i32
    %mul3A_732 = arith.muli %select_n3A_730, %mul3A_731 : i32
    %multiple_of3A_733 = tpu.assume_multiple %mul3A_732, 128 : i32
    %jit3A_734 = arith.constant 128 : i32
    %div3A_735 = arith.divsi %squeeze3A_706, %jit3A_734 : i32
    %sign3A_736 = arith.constant 0 : i32
    %sign3A_737 = arith.cmpi sgt, %squeeze3A_706, %sign3A_736 : i32
    %sign3A_738 = arith.extui %sign3A_737 : i1 to i32
    %sign3A_739 = arith.constant 0 : i32
    %sign3A_740 = arith.cmpi slt, %squeeze3A_706, %sign3A_739 : i32
    %sign3A_741 = arith.extui %sign3A_740 : i1 to i32
    %sign3A_742 = arith.subi %sign3A_738, %sign3A_741 : i32
    %sign3A_743 = arith.constant 0 : i32
    %sign3A_744 = arith.cmpi sgt, %jit3A_734, %sign3A_743 : i32
    %sign3A_745 = arith.extui %sign3A_744 : i1 to i32
    %sign3A_746 = arith.constant 0 : i32
    %sign3A_747 = arith.cmpi slt, %jit3A_734, %sign3A_746 : i32
    %sign3A_748 = arith.extui %sign3A_747 : i1 to i32
    %sign3A_749 = arith.subi %sign3A_745, %sign3A_748 : i32
    %ne3A_750 = arith.cmpi ne, %sign3A_742, %sign3A_749 : i32
    %rem3A_751 = arith.remsi %squeeze3A_706, %jit3A_734 : i32
    %ne3A_752 = arith.constant 0 : i32
    %ne3A_753 = arith.cmpi ne, %rem3A_751, %ne3A_752 : i32
    %and3A_754 = arith.andi %ne3A_750, %ne3A_753 : i1
    %sub3A_755 = arith.constant 1 : i32
    %sub3A_756 = arith.subi %div3A_735, %sub3A_755 : i32
    %select_n3A_757 = arith.select %and3A_754, %sub3A_756, %div3A_735 : i32
    %mul3A_758 = arith.constant 128 : i32
    %mul3A_759 = arith.muli %select_n3A_757, %mul3A_758 : i32
    %multiple_of3A_760 = tpu.assume_multiple %mul3A_759, 128 : i32
    %dma_start3A_761 = arith.constant 1 : i32
    %dma_start3A_762 = arith.constant 3 : i32
    %dma_start3A_763 = arith.constant 0 : i32
    %dma_start3A_764 = arith.constant 0 : i32
    %dma_start3A_765 = tpu.memref_slice %arg10[%dma_start3A_761, %dma_start3A_762, %dma_start3A_763, %dma_start3A_764] : memref<2x4x32x128xf32, #tpu.memory_space<vmem>> -> memref<1x1x32x128xf32, #tpu.memory_space<vmem>>
    %dma_start3A_766 = tpu.memref_squeeze %dma_start3A_765 : memref<1x1x32x128xf32, #tpu.memory_space<vmem>> -> memref<32x128xf32, #tpu.memory_space<vmem>>
    %dma_start3A_767 = arith.constant 0 : i32
    %dma_start3A_768 = tpu.memref_slice %arg3[%dma_start3A_767, %multiple_of3A_733] : memref<32x1000000xf32, #tpu.memory_space<hbm>> -> memref<32x128xf32, #tpu.memory_space<hbm>>
    %dma_start3A_769 = arith.constant 0 : i32
    %dma_start3A_770 = arith.constant 0 : i32
    %dma_start3A_771 = tpu.memref_slice %arg10[%dma_start3A_761, %dma_start3A_762, %dma_start3A_769, %dma_start3A_770] : memref<2x4x32x128xf32, #tpu.memory_space<vmem>> -> memref<1x1x32x128xf32, #tpu.memory_space<vmem>>
    %dma_start3A_772 = tpu.memref_squeeze %dma_start3A_771 : memref<1x1x32x128xf32, #tpu.memory_space<vmem>> -> memref<32x128xf32, #tpu.memory_space<vmem>>
    %dma_start3A_773 = arith.constant 0 : i32
    %dma_start3A_774 = tpu.memref_slice %arg3[%dma_start3A_773, %multiple_of3A_733] : memref<32x1000000xf32, #tpu.memory_space<hbm>> -> memref<32x128xf32, #tpu.memory_space<hbm>>
    tpu.enqueue_dma source(%dma_start3A_774 : memref<32x128xf32, #tpu.memory_space<hbm>>) target(%dma_start3A_772 : memref<32x128xf32, #tpu.memory_space<vmem>>) target_semaphore(%arg16 : memref<!tpu.dma_semaphore, #tpu.memory_space<semaphore_mem>>)
    %dma_start3A_775 = arith.constant 1 : i32
    %dma_start3A_776 = arith.constant 3 : i32
    %dma_start3A_777 = arith.constant 0 : i32
    %dma_start3A_778 = arith.constant 0 : i32
    %dma_start3A_779 = tpu.memref_slice %arg11[%dma_start3A_775, %dma_start3A_776, %dma_start3A_777, %dma_start3A_778] : memref<2x4x32x128xf32, #tpu.memory_space<vmem>> -> memref<1x1x32x128xf32, #tpu.memory_space<vmem>>
    %dma_start3A_780 = tpu.memref_squeeze %dma_start3A_779 : memref<1x1x32x128xf32, #tpu.memory_space<vmem>> -> memref<32x128xf32, #tpu.memory_space<vmem>>
    %dma_start3A_781 = arith.constant 0 : i32
    %dma_start3A_782 = tpu.memref_slice %arg4[%dma_start3A_781, %multiple_of3A_760] : memref<32x1000000xf32, #tpu.memory_space<hbm>> -> memref<32x128xf32, #tpu.memory_space<hbm>>
    %dma_start3A_783 = arith.constant 0 : i32
    %dma_start3A_784 = arith.constant 0 : i32
    %dma_start3A_785 = tpu.memref_slice %arg11[%dma_start3A_775, %dma_start3A_776, %dma_start3A_783, %dma_start3A_784] : memref<2x4x32x128xf32, #tpu.memory_space<vmem>> -> memref<1x1x32x128xf32, #tpu.memory_space<vmem>>
    %dma_start3A_786 = tpu.memref_squeeze %dma_start3A_785 : memref<1x1x32x128xf32, #tpu.memory_space<vmem>> -> memref<32x128xf32, #tpu.memory_space<vmem>>
    %dma_start3A_787 = arith.constant 0 : i32
    %dma_start3A_788 = tpu.memref_slice %arg4[%dma_start3A_787, %multiple_of3A_760] : memref<32x1000000xf32, #tpu.memory_space<hbm>> -> memref<32x128xf32, #tpu.memory_space<hbm>>
    tpu.enqueue_dma source(%dma_start3A_788 : memref<32x128xf32, #tpu.memory_space<hbm>>) target(%dma_start3A_786 : memref<32x128xf32, #tpu.memory_space<vmem>>) target_semaphore(%arg16 : memref<!tpu.dma_semaphore, #tpu.memory_space<semaphore_mem>>)
    %scan3A_789 = arith.constant 0 : i32
    %scan3A_790 = arith.constant 0 : i32
    %scan3A_791 = arith.constant 32 : i32
    %scan3A_792 = arith.addi %scan3A_790, %scan3A_791 : i32
    %scan3A_793 = arith.constant 1 : i32
    scf.for %scan3A_1051 = %scan3A_790 to %scan3A_792 step %scan3A_793  : i32 {
      %broadcast_in_dim3A = arith.constant 0.000000e+00 : f32
      %broadcast_in_dim3A_1052 = vector.broadcast %broadcast_in_dim3A : f32 to vector<16xf32>
      %mul3A_1053 = arith.constant 4 : i32
      %mul3A_1054 = arith.muli %scan3A_1051, %mul3A_1053 : i32
      %add3A_1055 = arith.constant 0 : i32
      %add3A_1056 = arith.addi %mul3A_1054, %add3A_1055 : i32
      %dma_wait3A_1057 = arith.constant 0 : i32
      %dma_wait3A_1058 = arith.constant 0 : i32
      %dma_wait3A_1059 = arith.constant 0 : i32
      %dma_wait3A_1060 = arith.constant 0 : i32
      %dma_wait3A_1061 = tpu.memref_slice %arg10[%dma_wait3A_1057, %dma_wait3A_1058, %dma_wait3A_1059, %dma_wait3A_1060] : memref<2x4x32x128xf32, #tpu.memory_space<vmem>> -> memref<1x1x32x128xf32, #tpu.memory_space<vmem>>
      %dma_wait3A_1062 = tpu.memref_squeeze %dma_wait3A_1061 : memref<1x1x32x128xf32, #tpu.memory_space<vmem>> -> memref<32x128xf32, #tpu.memory_space<vmem>>
      %dma_wait3A_1063 = arith.constant 0 : i32
      %dma_wait3A_1064 = arith.constant 0 : i32
      %dma_wait3A_1065 = tpu.memref_slice %arg3[%dma_wait3A_1063, %dma_wait3A_1064] : memref<32x1000000xf32, #tpu.memory_space<hbm>> -> memref<32x128xf32, #tpu.memory_space<hbm>>
      %dma_wait3A_1066 = arith.constant 0 : i32
      %dma_wait3A_1067 = arith.constant 0 : i32
      %dma_wait3A_1068 = tpu.memref_slice %arg10[%dma_wait3A_1057, %dma_wait3A_1058, %dma_wait3A_1066, %dma_wait3A_1067] : memref<2x4x32x128xf32, #tpu.memory_space<vmem>> -> memref<1x1x32x128xf32, #tpu.memory_space<vmem>>
      %dma_wait3A_1069 = tpu.memref_squeeze %dma_wait3A_1068 : memref<1x1x32x128xf32, #tpu.memory_space<vmem>> -> memref<32x128xf32, #tpu.memory_space<vmem>>
      %dma_wait3A_1070 = arith.constant 0 : i32
      %dma_wait3A_1071 = arith.constant 0 : i32
      %dma_wait3A_1072 = tpu.memref_slice %arg3[%dma_wait3A_1070, %dma_wait3A_1071] : memref<32x1000000xf32, #tpu.memory_space<hbm>> -> memref<32x128xf32, #tpu.memory_space<hbm>>
      tpu.wait_dma2 semaphore(%arg16 : memref<!tpu.dma_semaphore, #tpu.memory_space<semaphore_mem>>) src(%dma_wait3A_1072 : memref<32x128xf32, #tpu.memory_space<hbm>>) dst(%dma_wait3A_1069 : memref<32x128xf32, #tpu.memory_space<vmem>>)
      %dma_wait3A_1073 = arith.constant 0 : i32
      %dma_wait3A_1074 = arith.constant 0 : i32
      %dma_wait3A_1075 = arith.constant 0 : i32
      %dma_wait3A_1076 = arith.constant 0 : i32
      %dma_wait3A_1077 = tpu.memref_slice %arg10[%dma_wait3A_1073, %dma_wait3A_1074, %dma_wait3A_1075, %dma_wait3A_1076] : memref<2x4x32x128xf32, #tpu.memory_space<vmem>> -> memref<1x1x32x128xf32, #tpu.memory_space<vmem>>
      %dma_wait3A_1078 = tpu.memref_squeeze %dma_wait3A_1077 : memref<1x1x32x128xf32, #tpu.memory_space<vmem>> -> memref<32x128xf32, #tpu.memory_space<vmem>>
      %dma_wait3A_1079 = arith.constant 0 : i32
      %dma_wait3A_1080 = arith.constant 0 : i32
      %dma_wait3A_1081 = tpu.memref_slice %arg3[%dma_wait3A_1079, %dma_wait3A_1080] : memref<32x1000000xf32, #tpu.memory_space<hbm>> -> memref<32x128xf32, #tpu.memory_space<hbm>>
      %dma_wait3A_1082 = arith.constant 0 : i32
      %dma_wait3A_1083 = arith.constant 0 : i32
      %dma_wait3A_1084 = tpu.memref_slice %arg10[%dma_wait3A_1073, %dma_wait3A_1074, %dma_wait3A_1082, %dma_wait3A_1083] : memref<2x4x32x128xf32, #tpu.memory_space<vmem>> -> memref<1x1x32x128xf32, #tpu.memory_space<vmem>>
      %dma_wait3A_1085 = tpu.memref_squeeze %dma_wait3A_1084 : memref<1x1x32x128xf32, #tpu.memory_space<vmem>> -> memref<32x128xf32, #tpu.memory_space<vmem>>
      %dma_wait3A_1086 = arith.constant 0 : i32
      %dma_wait3A_1087 = arith.constant 0 : i32
      %dma_wait3A_1088 = tpu.memref_slice %arg3[%dma_wait3A_1086, %dma_wait3A_1087] : memref<32x1000000xf32, #tpu.memory_space<hbm>> -> memref<32x128xf32, #tpu.memory_space<hbm>>
      tpu.wait_dma2 semaphore(%arg16 : memref<!tpu.dma_semaphore, #tpu.memory_space<semaphore_mem>>) src(%dma_wait3A_1088 : memref<32x128xf32, #tpu.memory_space<hbm>>) dst(%dma_wait3A_1085 : memref<32x128xf32, #tpu.memory_space<vmem>>)
      %dma_wait3A_1089 = arith.constant 0 : i32
      %dma_wait3A_1090 = arith.constant 0 : i32
      %dma_wait3A_1091 = arith.constant 0 : i32
      %dma_wait3A_1092 = arith.constant 0 : i32
      %dma_wait3A_1093 = tpu.memref_slice %arg10[%dma_wait3A_1089, %dma_wait3A_1090, %dma_wait3A_1091, %dma_wait3A_1092] : memref<2x4x32x128xf32, #tpu.memory_space<vmem>> -> memref<1x1x32x128xf32, #tpu.memory_space<vmem>>
      %dma_wait3A_1094 = tpu.memref_squeeze %dma_wait3A_1093 : memref<1x1x32x128xf32, #tpu.memory_space<vmem>> -> memref<32x128xf32, #tpu.memory_space<vmem>>
      %dma_wait3A_1095 = arith.constant 0 : i32
      %dma_wait3A_1096 = arith.constant 0 : i32
      %dma_wait3A_1097 = tpu.memref_slice %arg3[%dma_wait3A_1095, %dma_wait3A_1096] : memref<32x1000000xf32, #tpu.memory_space<hbm>> -> memref<32x128xf32, #tpu.memory_space<hbm>>
      %dma_wait3A_1098 = arith.constant 0 : i32
      %dma_wait3A_1099 = arith.constant 0 : i32
      %dma_wait3A_1100 = tpu.memref_slice %arg10[%dma_wait3A_1089, %dma_wait3A_1090, %dma_wait3A_1098, %dma_wait3A_1099] : memref<2x4x32x128xf32, #tpu.memory_space<vmem>> -> memref<1x1x32x128xf32, #tpu.memory_space<vmem>>
      %dma_wait3A_1101 = tpu.memref_squeeze %dma_wait3A_1100 : memref<1x1x32x128xf32, #tpu.memory_space<vmem>> -> memref<32x128xf32, #tpu.memory_space<vmem>>
      %dma_wait3A_1102 = arith.constant 0 : i32
      %dma_wait3A_1103 = arith.constant 0 : i32
      %dma_wait3A_1104 = tpu.memref_slice %arg3[%dma_wait3A_1102, %dma_wait3A_1103] : memref<32x1000000xf32, #tpu.memory_space<hbm>> -> memref<32x128xf32, #tpu.memory_space<hbm>>
      tpu.wait_dma2 semaphore(%arg16 : memref<!tpu.dma_semaphore, #tpu.memory_space<semaphore_mem>>) src(%dma_wait3A_1104 : memref<32x128xf32, #tpu.memory_space<hbm>>) dst(%dma_wait3A_1101 : memref<32x128xf32, #tpu.memory_space<vmem>>)
      %dma_wait3A_1105 = arith.constant 0 : i32
      %dma_wait3A_1106 = arith.constant 0 : i32
      %dma_wait3A_1107 = arith.constant 0 : i32
      %dma_wait3A_1108 = arith.constant 0 : i32
      %dma_wait3A_1109 = tpu.memref_slice %arg10[%dma_wait3A_1105, %dma_wait3A_1106, %dma_wait3A_1107, %dma_wait3A_1108] : memref<2x4x32x128xf32, #tpu.memory_space<vmem>> -> memref<1x1x32x128xf32, #tpu.memory_space<vmem>>
      %dma_wait3A_1110 = tpu.memref_squeeze %dma_wait3A_1109 : memref<1x1x32x128xf32, #tpu.memory_space<vmem>> -> memref<32x128xf32, #tpu.memory_space<vmem>>
      %dma_wait3A_1111 = arith.constant 0 : i32
      %dma_wait3A_1112 = arith.constant 0 : i32
      %dma_wait3A_1113 = tpu.memref_slice %arg3[%dma_wait3A_1111, %dma_wait3A_1112] : memref<32x1000000xf32, #tpu.memory_space<hbm>> -> memref<32x128xf32, #tpu.memory_space<hbm>>
      %dma_wait3A_1114 = arith.constant 0 : i32
      %dma_wait3A_1115 = arith.constant 0 : i32
      %dma_wait3A_1116 = tpu.memref_slice %arg10[%dma_wait3A_1105, %dma_wait3A_1106, %dma_wait3A_1114, %dma_wait3A_1115] : memref<2x4x32x128xf32, #tpu.memory_space<vmem>> -> memref<1x1x32x128xf32, #tpu.memory_space<vmem>>
      %dma_wait3A_1117 = tpu.memref_squeeze %dma_wait3A_1116 : memref<1x1x32x128xf32, #tpu.memory_space<vmem>> -> memref<32x128xf32, #tpu.memory_space<vmem>>
      %dma_wait3A_1118 = arith.constant 0 : i32
      %dma_wait3A_1119 = arith.constant 0 : i32
      %dma_wait3A_1120 = tpu.memref_slice %arg3[%dma_wait3A_1118, %dma_wait3A_1119] : memref<32x1000000xf32, #tpu.memory_space<hbm>> -> memref<32x128xf32, #tpu.memory_space<hbm>>
      tpu.wait_dma2 semaphore(%arg16 : memref<!tpu.dma_semaphore, #tpu.memory_space<semaphore_mem>>) src(%dma_wait3A_1120 : memref<32x128xf32, #tpu.memory_space<hbm>>) dst(%dma_wait3A_1117 : memref<32x128xf32, #tpu.memory_space<vmem>>)
      %dma_wait3A_1121 = arith.constant 0 : i32
      %dma_wait3A_1122 = arith.constant 0 : i32
      %dma_wait3A_1123 = arith.constant 0 : i32
      %dma_wait3A_1124 = arith.constant 0 : i32
      %dma_wait3A_1125 = tpu.memref_slice %arg10[%dma_wait3A_1121, %dma_wait3A_1122, %dma_wait3A_1123, %dma_wait3A_1124] : memref<2x4x32x128xf32, #tpu.memory_space<vmem>> -> memref<1x1x32x128xf32, #tpu.memory_space<vmem>>
      %dma_wait3A_1126 = tpu.memref_squeeze %dma_wait3A_1125 : memref<1x1x32x128xf32, #tpu.memory_space<vmem>> -> memref<32x128xf32, #tpu.memory_space<vmem>>
      %dma_wait3A_1127 = arith.constant 0 : i32
      %dma_wait3A_1128 = arith.constant 0 : i32
      %dma_wait3A_1129 = tpu.memref_slice %arg3[%dma_wait3A_1127, %dma_wait3A_1128] : memref<32x1000000xf32, #tpu.memory_space<hbm>> -> memref<32x128xf32, #tpu.memory_space<hbm>>
      %dma_wait3A_1130 = arith.constant 0 : i32
      %dma_wait3A_1131 = arith.constant 0 : i32
      %dma_wait3A_1132 = tpu.memref_slice %arg10[%dma_wait3A_1121, %dma_wait3A_1122, %dma_wait3A_1130, %dma_wait3A_1131] : memref<2x4x32x128xf32, #tpu.memory_space<vmem>> -> memref<1x1x32x128xf32, #tpu.memory_space<vmem>>
      %dma_wait3A_1133 = tpu.memref_squeeze %dma_wait3A_1132 : memref<1x1x32x128xf32, #tpu.memory_space<vmem>> -> memref<32x128xf32, #tpu.memory_space<vmem>>
      %dma_wait3A_1134 = arith.constant 0 : i32
      %dma_wait3A_1135 = arith.constant 0 : i32
      %dma_wait3A_1136 = tpu.memref_slice %arg3[%dma_wait3A_1134, %dma_wait3A_1135] : memref<32x1000000xf32, #tpu.memory_space<hbm>> -> memref<32x128xf32, #tpu.memory_space<hbm>>
      tpu.wait_dma2 semaphore(%arg16 : memref<!tpu.dma_semaphore, #tpu.memory_space<semaphore_mem>>) src(%dma_wait3A_1136 : memref<32x128xf32, #tpu.memory_space<hbm>>) dst(%dma_wait3A_1133 : memref<32x128xf32, #tpu.memory_space<vmem>>)
      %dma_wait3A_1137 = arith.constant 0 : i32
      %dma_wait3A_1138 = arith.constant 0 : i32
      %dma_wait3A_1139 = arith.constant 0 : i32
      %dma_wait3A_1140 = arith.constant 0 : i32
      %dma_wait3A_1141 = tpu.memref_slice %arg10[%dma_wait3A_1137, %dma_wait3A_1138, %dma_wait3A_1139, %dma_wait3A_1140] : memref<2x4x32x128xf32, #tpu.memory_space<vmem>> -> memref<1x1x32x128xf32, #tpu.memory_space<vmem>>
      %dma_wait3A_1142 = tpu.memref_squeeze %dma_wait3A_1141 : memref<1x1x32x128xf32, #tpu.memory_space<vmem>> -> memref<32x128xf32, #tpu.memory_space<vmem>>
      %dma_wait3A_1143 = arith.constant 0 : i32
      %dma_wait3A_1144 = arith.constant 0 : i32
      %dma_wait3A_1145 = tpu.memref_slice %arg3[%dma_wait3A_1143, %dma_wait3A_1144] : memref<32x1000000xf32, #tpu.memory_space<hbm>> -> memref<32x128xf32, #tpu.memory_space<hbm>>
      %dma_wait3A_1146 = arith.constant 0 : i32
      %dma_wait3A_1147 = arith.constant 0 : i32
      %dma_wait3A_1148 = tpu.memref_slice %arg10[%dma_wait3A_1137, %dma_wait3A_1138, %dma_wait3A_1146, %dma_wait3A_1147] : memref<2x4x32x128xf32, #tpu.memory_space<vmem>> -> memref<1x1x32x128xf32, #tpu.memory_space<vmem>>
      %dma_wait3A_1149 = tpu.memref_squeeze %dma_wait3A_1148 : memref<1x1x32x128xf32, #tpu.memory_space<vmem>> -> memref<32x128xf32, #tpu.memory_space<vmem>>
      %dma_wait3A_1150 = arith.constant 0 : i32
      %dma_wait3A_1151 = arith.constant 0 : i32
      %dma_wait3A_1152 = tpu.memref_slice %arg3[%dma_wait3A_1150, %dma_wait3A_1151] : memref<32x1000000xf32, #tpu.memory_space<hbm>> -> memref<32x128xf32, #tpu.memory_space<hbm>>
      tpu.wait_dma2 semaphore(%arg16 : memref<!tpu.dma_semaphore, #tpu.memory_space<semaphore_mem>>) src(%dma_wait3A_1152 : memref<32x128xf32, #tpu.memory_space<hbm>>) dst(%dma_wait3A_1149 : memref<32x128xf32, #tpu.memory_space<vmem>>)
      %dma_wait3A_1153 = arith.constant 0 : i32
      %dma_wait3A_1154 = arith.constant 0 : i32
      %dma_wait3A_1155 = arith.constant 0 : i32
      %dma_wait3A_1156 = arith.constant 0 : i32
      %dma_wait3A_1157 = tpu.memref_slice %arg10[%dma_wait3A_1153, %dma_wait3A_1154, %dma_wait3A_1155, %dma_wait3A_1156] : memref<2x4x32x128xf32, #tpu.memory_space<vmem>> -> memref<1x1x32x128xf32, #tpu.memory_space<vmem>>
      %dma_wait3A_1158 = tpu.memref_squeeze %dma_wait3A_1157 : memref<1x1x32x128xf32, #tpu.memory_space<vmem>> -> memref<32x128xf32, #tpu.memory_space<vmem>>
      %dma_wait3A_1159 = arith.constant 0 : i32
      %dma_wait3A_1160 = arith.constant 0 : i32
      %dma_wait3A_1161 = tpu.memref_slice %arg3[%dma_wait3A_1159, %dma_wait3A_1160] : memref<32x1000000xf32, #tpu.memory_space<hbm>> -> memref<32x128xf32, #tpu.memory_space<hbm>>
      %dma_wait3A_1162 = arith.constant 0 : i32
      %dma_wait3A_1163 = arith.constant 0 : i32
      %dma_wait3A_1164 = tpu.memref_slice %arg10[%dma_wait3A_1153, %dma_wait3A_1154, %dma_wait3A_1162, %dma_wait3A_1163] : memref<2x4x32x128xf32, #tpu.memory_space<vmem>> -> memref<1x1x32x128xf32, #tpu.memory_space<vmem>>
      %dma_wait3A_1165 = tpu.memref_squeeze %dma_wait3A_1164 : memref<1x1x32x128xf32, #tpu.memory_space<vmem>> -> memref<32x128xf32, #tpu.memory_space<vmem>>
      %dma_wait3A_1166 = arith.constant 0 : i32
      %dma_wait3A_1167 = arith.constant 0 : i32
      %dma_wait3A_1168 = tpu.memref_slice %arg3[%dma_wait3A_1166, %dma_wait3A_1167] : memref<32x1000000xf32, #tpu.memory_space<hbm>> -> memref<32x128xf32, #tpu.memory_space<hbm>>
      tpu.wait_dma2 semaphore(%arg16 : memref<!tpu.dma_semaphore, #tpu.memory_space<semaphore_mem>>) src(%dma_wait3A_1168 : memref<32x128xf32, #tpu.memory_space<hbm>>) dst(%dma_wait3A_1165 : memref<32x128xf32, #tpu.memory_space<vmem>>)
      %dma_wait3A_1169 = arith.constant 0 : i32
      %dma_wait3A_1170 = arith.constant 0 : i32
      %dma_wait3A_1171 = arith.constant 0 : i32
      %dma_wait3A_1172 = arith.constant 0 : i32
      %dma_wait3A_1173 = tpu.memref_slice %arg10[%dma_wait3A_1169, %dma_wait3A_1170, %dma_wait3A_1171, %dma_wait3A_1172] : memref<2x4x32x128xf32, #tpu.memory_space<vmem>> -> memref<1x1x32x128xf32, #tpu.memory_space<vmem>>
      %dma_wait3A_1174 = tpu.memref_squeeze %dma_wait3A_1173 : memref<1x1x32x128xf32, #tpu.memory_space<vmem>> -> memref<32x128xf32, #tpu.memory_space<vmem>>
      %dma_wait3A_1175 = arith.constant 0 : i32
      %dma_wait3A_1176 = arith.constant 0 : i32
      %dma_wait3A_1177 = tpu.memref_slice %arg3[%dma_wait3A_1175, %dma_wait3A_1176] : memref<32x1000000xf32, #tpu.memory_space<hbm>> -> memref<32x128xf32, #tpu.memory_space<hbm>>
      %dma_wait3A_1178 = arith.constant 0 : i32
      %dma_wait3A_1179 = arith.constant 0 : i32
      %dma_wait3A_1180 = tpu.memref_slice %arg10[%dma_wait3A_1169, %dma_wait3A_1170, %dma_wait3A_1178, %dma_wait3A_1179] : memref<2x4x32x128xf32, #tpu.memory_space<vmem>> -> memref<1x1x32x128xf32, #tpu.memory_space<vmem>>
      %dma_wait3A_1181 = tpu.memref_squeeze %dma_wait3A_1180 : memref<1x1x32x128xf32, #tpu.memory_space<vmem>> -> memref<32x128xf32, #tpu.memory_space<vmem>>
      %dma_wait3A_1182 = arith.constant 0 : i32
      %dma_wait3A_1183 = arith.constant 0 : i32
      %dma_wait3A_1184 = tpu.memref_slice %arg3[%dma_wait3A_1182, %dma_wait3A_1183] : memref<32x1000000xf32, #tpu.memory_space<hbm>> -> memref<32x128xf32, #tpu.memory_space<hbm>>
      tpu.wait_dma2 semaphore(%arg16 : memref<!tpu.dma_semaphore, #tpu.memory_space<semaphore_mem>>) src(%dma_wait3A_1184 : memref<32x128xf32, #tpu.memory_space<hbm>>) dst(%dma_wait3A_1181 : memref<32x128xf32, #tpu.memory_space<vmem>>)
      %mul3A_1185 = arith.constant 4 : i32
      %mul3A_1186 = arith.muli %add3A_1056, %mul3A_1185 : i32
      %add3A_1187 = arith.constant 0 : i32
      %add3A_1188 = arith.addi %mul3A_1186, %add3A_1187 : i32
      %get3A_1189 = arith.index_cast %add3A_1188 : i32 to index
      %get3A_1190 = tpu.vector_load %arg8[%get3A_1189] {strides = array<i32>} : memref<528xi32, #tpu.memory_space<vmem>>, vector<16xi32>,
      %get3A_1191 = arith.index_cast %add3A_1188 : i32 to index
      %get3A_1192 = tpu.vector_load %arg9[%get3A_1191] {strides = array<i32>} : memref<528xi32, #tpu.memory_space<vmem>>, vector<16xi32>,
      %slice3A_1193 = vector.extract_strided_slice %get3A_1190 {offsets = [0], sizes = [1], strides = [1]} : vector<16xi32> to vector<1xi32>
      %squeeze3A_1194 = vector.extract %slice3A_1193[0] : i32 from vector<1xi32>
      %slice3A_1195 = vector.extract_strided_slice %get3A_1192 {offsets = [0], sizes = [1], strides = [1]} : vector<16xi32> to vector<1xi32>
      %squeeze3A_1196 = vector.extract %slice3A_1195[0] : i32 from vector<1xi32>
      %jit3A_1197 = arith.constant 128 : i32
      %eq3A = arith.constant 0 : i32
      %eq3A_1198 = arith.cmpi eq, %jit3A_1197, %eq3A : i32
      %jit3A_1199 = arith.constant 1 : i32
      %select_n3A_1200 = arith.select %eq3A_1198, %jit3A_1199, %jit3A_1197 : i32
      %rem3A_1201 = arith.remsi %squeeze3A_1194, %select_n3A_1200 : i32
      %ne3A_1202 = arith.constant 0 : i32
      %ne3A_1203 = arith.cmpi ne, %rem3A_1201, %ne3A_1202 : i32
      %lt3A = arith.constant 0 : i32
      %lt3A_1204 = arith.cmpi slt, %rem3A_1201, %lt3A : i32
      %lt3A_1205 = arith.constant 0 : i32
      %lt3A_1206 = arith.cmpi slt, %select_n3A_1200, %lt3A_1205 : i32
      %ne3A_1207 = arith.xori %lt3A_1204, %lt3A_1206 : i1
      %and3A_1208 = arith.andi %ne3A_1207, %ne3A_1203 : i1
      %add3A_1209 = arith.addi %rem3A_1201, %select_n3A_1200 : i32
      %select_n3A_1210 = arith.select %and3A_1208, %add3A_1209, %rem3A_1201 : i32
      %broadcast_in_dim3A_1211 = vector.broadcast %select_n3A_1210 : i32 to vector<16xi32>
      %jit3A_1212 = arith.constant 128 : i32
      %eq3A_1213 = arith.constant 0 : i32
      %eq3A_1214 = arith.cmpi eq, %jit3A_1212, %eq3A_1213 : i32
      %jit3A_1215 = arith.constant 1 : i32
      %select_n3A_1216 = arith.select %eq3A_1214, %jit3A_1215, %jit3A_1212 : i32
      %rem3A_1217 = arith.remsi %squeeze3A_1196, %select_n3A_1216 : i32
      %ne3A_1218 = arith.constant 0 : i32
      %ne3A_1219 = arith.cmpi ne, %rem3A_1217, %ne3A_1218 : i32
      %lt3A_1220 = arith.constant 0 : i32
      %lt3A_1221 = arith.cmpi slt, %rem3A_1217, %lt3A_1220 : i32
      %lt3A_1222 = arith.constant 0 : i32
      %lt3A_1223 = arith.cmpi slt, %select_n3A_1216, %lt3A_1222 : i32
      %ne3A_1224 = arith.xori %lt3A_1221, %lt3A_1223 : i1
      %and3A_1225 = arith.andi %ne3A_1224, %ne3A_1219 : i1
      %add3A_1226 = arith.addi %rem3A_1217, %select_n3A_1216 : i32
      %select_n3A_1227 = arith.select %and3A_1225, %add3A_1226, %rem3A_1217 : i32
      %broadcast_in_dim3A_1228 = vector.broadcast %select_n3A_1227 : i32 to vector<16xi32>
      %gather3A = arith.constant 0 : i32
      %gather3A_1229 = arith.constant 0 : i32
      %gather3A_1230 = arith.constant 0 : i32
      %gather3A_1231 = arith.constant 0 : i32
      %gather3A_1232 = tpu.memref_slice %arg10[%gather3A, %gather3A_1229, %gather3A_1230, %gather3A_1231] : memref<2x4x32x128xf32, #tpu.memory_space<vmem>> -> memref<1x1x32x128xf32, #tpu.memory_space<vmem>>
      %gather3A_1233 = tpu.memref_squeeze %gather3A_1232 : memref<1x1x32x128xf32, #tpu.memory_space<vmem>> -> memref<32x128xf32, #tpu.memory_space<vmem>>
      %gather3A_1234 = tpu.vector_load_idx %gather3A_1233[%iota3A, %broadcast_in_dim3A_1211] : memref<32x128xf32, #tpu.memory_space<vmem>>[vector<16xi32>, vector<16xi32>], vector<16xf32>,
      %gather3A_1235 = arith.constant 0 : i32
      %gather3A_1236 = arith.constant 0 : i32
      %gather3A_1237 = arith.constant 0 : i32
      %gather3A_1238 = arith.constant 0 : i32
      %gather3A_1239 = tpu.memref_slice %arg10[%gather3A_1235, %gather3A_1236, %gather3A_1237, %gather3A_1238] : memref<2x4x32x128xf32, #tpu.memory_space<vmem>> -> memref<1x1x32x128xf32, #tpu.memory_space<vmem>>
      %gather3A_1240 = tpu.memref_squeeze %gather3A_1239 : memref<1x1x32x128xf32, #tpu.memory_space<vmem>> -> memref<32x128xf32, #tpu.memory_space<vmem>>
      %gather3A_1241 = tpu.vector_load_idx %gather3A_1240[%add3A_25, %broadcast_in_dim3A_1211] : memref<32x128xf32, #tpu.memory_space<vmem>>[vector<16xi32>, vector<16xi32>], vector<16xf32>,
      %gather3A_1242 = arith.constant 0 : i32
      %gather3A_1243 = arith.constant 0 : i32
      %gather3A_1244 = arith.constant 0 : i32
      %gather3A_1245 = arith.constant 0 : i32
      %gather3A_1246 = tpu.memref_slice %arg11[%gather3A_1242, %gather3A_1243, %gather3A_1244, %gather3A_1245] : memref<2x4x32x128xf32, #tpu.memory_space<vmem>> -> memref<1x1x32x128xf32, #tpu.memory_space<vmem>>
      %gather3A_1247 = tpu.memref_squeeze %gather3A_1246 : memref<1x1x32x128xf32, #tpu.memory_space<vmem>> -> memref<32x128xf32, #tpu.memory_space<vmem>>
      %gather3A_1248 = tpu.vector_load_idx %gather3A_1247[%iota3A, %broadcast_in_dim3A_1228] : memref<32x128xf32, #tpu.memory_space<vmem>>[vector<16xi32>, vector<16xi32>], vector<16xf32>,
      %gather3A_1249 = arith.constant 0 : i32
      %gather3A_1250 = arith.constant 0 : i32
      %gather3A_1251 = arith.constant 0 : i32
      %gather3A_1252 = arith.constant 0 : i32
      %gather3A_1253 = tpu.memref_slice %arg11[%gather3A_1249, %gather3A_1250, %gather3A_1251, %gather3A_1252] : memref<2x4x32x128xf32, #tpu.memory_space<vmem>> -> memref<1x1x32x128xf32, #tpu.memory_space<vmem>>
      %gather3A_1254 = tpu.memref_squeeze %gather3A_1253 : memref<1x1x32x128xf32, #tpu.memory_space<vmem>> -> memref<32x128xf32, #tpu.memory_space<vmem>>
      %gather3A_1255 = tpu.vector_load_idx %gather3A_1254[%add3A_25, %broadcast_in_dim3A_1228] : memref<32x128xf32, #tpu.memory_space<vmem>>[vector<16xi32>, vector<16xi32>], vector<16xf32>,
      %mul3A_1256 = arith.mulf %gather3A_1234, %gather3A_1248 : vector<16xf32>
      %mul3A_1257 = arith.mulf %gather3A_1241, %gather3A_1255 : vector<16xf32>
      %add3A_1258 = arith.addf %mul3A_1256, %mul3A_1257 : vector<16xf32>
      %reduce_sum3A = arith.constant true
      %reduce_sum3A_1259 = vector.broadcast %reduce_sum3A : i1 to vector<16xi1>
      %reduce_sum3A_1260 = tpu.scan <sum>, %add3A_1258 masked %reduce_sum3A_1259 : vector<16xf32>, vector<16xi1> -> vector<16xf32>
      %reduce_sum3A_1261 = vector.extract %reduce_sum3A_1260[15] : f32 from vector<16xf32>
      %eq3A_1262 = arith.constant 0 : i32
      %eq3A_1263 = vector.broadcast %eq3A_1262 : i32 to vector<16xi32>
      %eq3A_1264 = arith.cmpi eq, %iota3A, %eq3A_1263 : vector<16xi32>
      %add3A_1265 = vector.broadcast %reduce_sum3A_1261 : f32 to vector<16xf32>
      %add3A_1266 = arith.addf %broadcast_in_dim3A_1052, %add3A_1265 : vector<16xf32>
      %select_n3A_1267 = arith.select %eq3A_1264, %add3A_1266, %broadcast_in_dim3A_1052 : vector<16xi1>, vector<16xf32>
      %mul3A_1268 = arith.constant 4 : i32
      %mul3A_1269 = arith.muli %add3A_1056, %mul3A_1268 : i32
      %add3A_1270 = arith.constant 1 : i32
      %add3A_1271 = arith.addi %mul3A_1269, %add3A_1270 : i32
      %get3A_1272 = arith.index_cast %add3A_1271 : i32 to index
      %get3A_1273 = tpu.vector_load %arg8[%get3A_1272] {strides = array<i32>} : memref<528xi32, #tpu.memory_space<vmem>>, vector<16xi32>,
      %get3A_1274 = arith.index_cast %add3A_1271 : i32 to index
      %get3A_1275 = tpu.vector_load %arg9[%get3A_1274] {strides = array<i32>} : memref<528xi32, #tpu.memory_space<vmem>>, vector<16xi32>,
      %slice3A_1276 = vector.extract_strided_slice %get3A_1273 {offsets = [0], sizes = [1], strides = [1]} : vector<16xi32> to vector<1xi32>
      %squeeze3A_1277 = vector.extract %slice3A_1276[0] : i32 from vector<1xi32>
      %slice3A_1278 = vector.extract_strided_slice %get3A_1275 {offsets = [0], sizes = [1], strides = [1]} : vector<16xi32> to vector<1xi32>
      %squeeze3A_1279 = vector.extract %slice3A_1278[0] : i32 from vector<1xi32>
      %jit3A_1280 = arith.constant 128 : i32
      %eq3A_1281 = arith.constant 0 : i32
      %eq3A_1282 = arith.cmpi eq, %jit3A_1280, %eq3A_1281 : i32
      %jit3A_1283 = arith.constant 1 : i32
      %select_n3A_1284 = arith.select %eq3A_1282, %jit3A_1283, %jit3A_1280 : i32
      %rem3A_1285 = arith.remsi %squeeze3A_1277, %select_n3A_1284 : i32
      %ne3A_1286 = arith.constant 0 : i32
      %ne3A_1287 = arith.cmpi ne, %rem3A_1285, %ne3A_1286 : i32
      %lt3A_1288 = arith.constant 0 : i32
      %lt3A_1289 = arith.cmpi slt, %rem3A_1285, %lt3A_1288 : i32
      %lt3A_1290 = arith.constant 0 : i32
      %lt3A_1291 = arith.cmpi slt, %select_n3A_1284, %lt3A_1290 : i32
      %ne3A_1292 = arith.xori %lt3A_1289, %lt3A_1291 : i1
      %and3A_1293 = arith.andi %ne3A_1292, %ne3A_1287 : i1
      %add3A_1294 = arith.addi %rem3A_1285, %select_n3A_1284 : i32
      %select_n3A_1295 = arith.select %and3A_1293, %add3A_1294, %rem3A_1285 : i32
      %broadcast_in_dim3A_1296 = vector.broadcast %select_n3A_1295 : i32 to vector<16xi32>
      %jit3A_1297 = arith.constant 128 : i32
      %eq3A_1298 = arith.constant 0 : i32
      %eq3A_1299 = arith.cmpi eq, %jit3A_1297, %eq3A_1298 : i32
      %jit3A_1300 = arith.constant 1 : i32
      %select_n3A_1301 = arith.select %eq3A_1299, %jit3A_1300, %jit3A_1297 : i32
      %rem3A_1302 = arith.remsi %squeeze3A_1279, %select_n3A_1301 : i32
      %ne3A_1303 = arith.constant 0 : i32
      %ne3A_1304 = arith.cmpi ne, %rem3A_1302, %ne3A_1303 : i32
      %lt3A_1305 = arith.constant 0 : i32
      %lt3A_1306 = arith.cmpi slt, %rem3A_1302, %lt3A_1305 : i32
      %lt3A_1307 = arith.constant 0 : i32
      %lt3A_1308 = arith.cmpi slt, %select_n3A_1301, %lt3A_1307 : i32
      %ne3A_1309 = arith.xori %lt3A_1306, %lt3A_1308 : i1
      %and3A_1310 = arith.andi %ne3A_1309, %ne3A_1304 : i1
      %add3A_1311 = arith.addi %rem3A_1302, %select_n3A_1301 : i32
      %select_n3A_1312 = arith.select %and3A_1310, %add3A_1311, %rem3A_1302 : i32
      %broadcast_in_dim3A_1313 = vector.broadcast %select_n3A_1312 : i32 to vector<16xi32>
      %gather3A_1314 = arith.constant 0 : i32
      %gather3A_1315 = arith.constant 1 : i32
      %gather3A_1316 = arith.constant 0 : i32
      %gather3A_1317 = arith.constant 0 : i32
      %gather3A_1318 = tpu.memref_slice %arg10[%gather3A_1314, %gather3A_1315, %gather3A_1316, %gather3A_1317] : memref<2x4x32x128xf32, #tpu.memory_space<vmem>> -> memref<1x1x32x128xf32, #tpu.memory_space<vmem>>
      %gather3A_1319 = tpu.memref_squeeze %gather3A_1318 : memref<1x1x32x128xf32, #tpu.memory_space<vmem>> -> memref<32x128xf32, #tpu.memory_space<vmem>>
      %gather3A_1320 = tpu.vector_load_idx %gather3A_1319[%iota3A, %broadcast_in_dim3A_1296] : memref<32x128xf32, #tpu.memory_space<vmem>>[vector<16xi32>, vector<16xi32>], vector<16xf32>,
      %gather3A_1321 = arith.constant 0 : i32
      %gather3A_1322 = arith.constant 1 : i32
      %gather3A_1323 = arith.constant 0 : i32
      %gather3A_1324 = arith.constant 0 : i32
      %gather3A_1325 = tpu.memref_slice %arg10[%gather3A_1321, %gather3A_1322, %gather3A_1323, %gather3A_1324] : memref<2x4x32x128xf32, #tpu.memory_space<vmem>> -> memref<1x1x32x128xf32, #tpu.memory_space<vmem>>
      %gather3A_1326 = tpu.memref_squeeze %gather3A_1325 : memref<1x1x32x128xf32, #tpu.memory_space<vmem>> -> memref<32x128xf32, #tpu.memory_space<vmem>>
      %gather3A_1327 = tpu.vector_load_idx %gather3A_1326[%add3A_25, %broadcast_in_dim3A_1296] : memref<32x128xf32, #tpu.memory_space<vmem>>[vector<16xi32>, vector<16xi32>], vector<16xf32>,
      %gather3A_1328 = arith.constant 0 : i32
      %gather3A_1329 = arith.constant 1 : i32
      %gather3A_1330 = arith.constant 0 : i32
      %gather3A_1331 = arith.constant 0 : i32
      %gather3A_1332 = tpu.memref_slice %arg11[%gather3A_1328, %gather3A_1329, %gather3A_1330, %gather3A_1331] : memref<2x4x32x128xf32, #tpu.memory_space<vmem>> -> memref<1x1x32x128xf32, #tpu.memory_space<vmem>>
      %gather3A_1333 = tpu.memref_squeeze %gather3A_1332 : memref<1x1x32x128xf32, #tpu.memory_space<vmem>> -> memref<32x128xf32, #tpu.memory_space<vmem>>
      %gather3A_1334 = tpu.vector_load_idx %gather3A_1333[%iota3A, %broadcast_in_dim3A_1313] : memref<32x128xf32, #tpu.memory_space<vmem>>[vector<16xi32>, vector<16xi32>], vector<16xf32>,
      %gather3A_1335 = arith.constant 0 : i32
      %gather3A_1336 = arith.constant 1 : i32
      %gather3A_1337 = arith.constant 0 : i32
      %gather3A_1338 = arith.constant 0 : i32
      %gather3A_1339 = tpu.memref_slice %arg11[%gather3A_1335, %gather3A_1336, %gather3A_1337, %gather3A_1338] : memref<2x4x32x128xf32, #tpu.memory_space<vmem>> -> memref<1x1x32x128xf32, #tpu.memory_space<vmem>>
      %gather3A_1340 = tpu.memref_squeeze %gather3A_1339 : memref<1x1x32x128xf32, #tpu.memory_space<vmem>> -> memref<32x128xf32, #tpu.memory_space<vmem>>
      %gather3A_1341 = tpu.vector_load_idx %gather3A_1340[%add3A_25, %broadcast_in_dim3A_1313] : memref<32x128xf32, #tpu.memory_space<vmem>>[vector<16xi32>, vector<16xi32>], vector<16xf32>,
      %mul3A_1342 = arith.mulf %gather3A_1320, %gather3A_1334 : vector<16xf32>
      %mul3A_1343 = arith.mulf %gather3A_1327, %gather3A_1341 : vector<16xf32>
      %add3A_1344 = arith.addf %mul3A_1342, %mul3A_1343 : vector<16xf32>
      %reduce_sum3A_1345 = arith.constant true
      %reduce_sum3A_1346 = vector.broadcast %reduce_sum3A_1345 : i1 to vector<16xi1>
      %reduce_sum3A_1347 = tpu.scan <sum>, %add3A_1344 masked %reduce_sum3A_1346 : vector<16xf32>, vector<16xi1> -> vector<16xf32>
      %reduce_sum3A_1348 = vector.extract %reduce_sum3A_1347[15] : f32 from vector<16xf32>
      %eq3A_1349 = arith.constant 1 : i32
      %eq3A_1350 = vector.broadcast %eq3A_1349 : i32 to vector<16xi32>
      %eq3A_1351 = arith.cmpi eq, %iota3A, %eq3A_1350 : vector<16xi32>
      %add3A_1352 = vector.broadcast %reduce_sum3A_1348 : f32 to vector<16xf32>
      %add3A_1353 = arith.addf %select_n3A_1267, %add3A_1352 : vector<16xf32>
      %select_n3A_1354 = arith.select %eq3A_1351, %add3A_1353, %select_n3A_1267 : vector<16xi1>, vector<16xf32>
      %mul3A_1355 = arith.constant 4 : i32
      %mul3A_1356 = arith.muli %add3A_1056, %mul3A_1355 : i32
      %add3A_1357 = arith.constant 2 : i32
      %add3A_1358 = arith.addi %mul3A_1356, %add3A_1357 : i32
      %get3A_1359 = arith.index_cast %add3A_1358 : i32 to index
      %get3A_1360 = tpu.vector_load %arg8[%get3A_1359] {strides = array<i32>} : memref<528xi32, #tpu.memory_space<vmem>>, vector<16xi32>,
      %get3A_1361 = arith.index_cast %add3A_1358 : i32 to index
      %get3A_1362 = tpu.vector_load %arg9[%get3A_1361] {strides = array<i32>} : memref<528xi32, #tpu.memory_space<vmem>>, vector<16xi32>,
      %slice3A_1363 = vector.extract_strided_slice %get3A_1360 {offsets = [0], sizes = [1], strides = [1]} : vector<16xi32> to vector<1xi32>
      %squeeze3A_1364 = vector.extract %slice3A_1363[0] : i32 from vector<1xi32>
      %slice3A_1365 = vector.extract_strided_slice %get3A_1362 {offsets = [0], sizes = [1], strides = [1]} : vector<16xi32> to vector<1xi32>
      %squeeze3A_1366 = vector.extract %slice3A_1365[0] : i32 from vector<1xi32>
      %jit3A_1367 = arith.constant 128 : i32
      %eq3A_1368 = arith.constant 0 : i32
      %eq3A_1369 = arith.cmpi eq, %jit3A_1367, %eq3A_1368 : i32
      %jit3A_1370 = arith.constant 1 : i32
      %select_n3A_1371 = arith.select %eq3A_1369, %jit3A_1370, %jit3A_1367 : i32
      %rem3A_1372 = arith.remsi %squeeze3A_1364, %select_n3A_1371 : i32
      %ne3A_1373 = arith.constant 0 : i32
      %ne3A_1374 = arith.cmpi ne, %rem3A_1372, %ne3A_1373 : i32
      %lt3A_1375 = arith.constant 0 : i32
      %lt3A_1376 = arith.cmpi slt, %rem3A_1372, %lt3A_1375 : i32
      %lt3A_1377 = arith.constant 0 : i32
      %lt3A_1378 = arith.cmpi slt, %select_n3A_1371, %lt3A_1377 : i32
      %ne3A_1379 = arith.xori %lt3A_1376, %lt3A_1378 : i1
      %and3A_1380 = arith.andi %ne3A_1379, %ne3A_1374 : i1
      %add3A_1381 = arith.addi %rem3A_1372, %select_n3A_1371 : i32
      %select_n3A_1382 = arith.select %and3A_1380, %add3A_1381, %rem3A_1372 : i32
      %broadcast_in_dim3A_1383 = vector.broadcast %select_n3A_1382 : i32 to vector<16xi32>
      %jit3A_1384 = arith.constant 128 : i32
      %eq3A_1385 = arith.constant 0 : i32
      %eq3A_1386 = arith.cmpi eq, %jit3A_1384, %eq3A_1385 : i32
      %jit3A_1387 = arith.constant 1 : i32
      %select_n3A_1388 = arith.select %eq3A_1386, %jit3A_1387, %jit3A_1384 : i32
      %rem3A_1389 = arith.remsi %squeeze3A_1366, %select_n3A_1388 : i32
      %ne3A_1390 = arith.constant 0 : i32
      %ne3A_1391 = arith.cmpi ne, %rem3A_1389, %ne3A_1390 : i32
      %lt3A_1392 = arith.constant 0 : i32
      %lt3A_1393 = arith.cmpi slt, %rem3A_1389, %lt3A_1392 : i32
      %lt3A_1394 = arith.constant 0 : i32
      %lt3A_1395 = arith.cmpi slt, %select_n3A_1388, %lt3A_1394 : i32
      %ne3A_1396 = arith.xori %lt3A_1393, %lt3A_1395 : i1
      %and3A_1397 = arith.andi %ne3A_1396, %ne3A_1391 : i1
      %add3A_1398 = arith.addi %rem3A_1389, %select_n3A_1388 : i32
      %select_n3A_1399 = arith.select %and3A_1397, %add3A_1398, %rem3A_1389 : i32
      %broadcast_in_dim3A_1400 = vector.broadcast %select_n3A_1399 : i32 to vector<16xi32>
      %gather3A_1401 = arith.constant 0 : i32
      %gather3A_1402 = arith.constant 2 : i32
      %gather3A_1403 = arith.constant 0 : i32
      %gather3A_1404 = arith.constant 0 : i32
      %gather3A_1405 = tpu.memref_slice %arg10[%gather3A_1401, %gather3A_1402, %gather3A_1403, %gather3A_1404] : memref<2x4x32x128xf32, #tpu.memory_space<vmem>> -> memref<1x1x32x128xf32, #tpu.memory_space<vmem>>
      %gather3A_1406 = tpu.memref_squeeze %gather3A_1405 : memref<1x1x32x128xf32, #tpu.memory_space<vmem>> -> memref<32x128xf32, #tpu.memory_space<vmem>>
      %gather3A_1407 = tpu.vector_load_idx %gather3A_1406[%iota3A, %broadcast_in_dim3A_1383] : memref<32x128xf32, #tpu.memory_space<vmem>>[vector<16xi32>, vector<16xi32>], vector<16xf32>,
      %gather3A_1408 = arith.constant 0 : i32
      %gather3A_1409 = arith.constant 2 : i32
      %gather3A_1410 = arith.constant 0 : i32
      %gather3A_1411 = arith.constant 0 : i32
      %gather3A_1412 = tpu.memref_slice %arg10[%gather3A_1408, %gather3A_1409, %gather3A_1410, %gather3A_1411] : memref<2x4x32x128xf32, #tpu.memory_space<vmem>> -> memref<1x1x32x128xf32, #tpu.memory_space<vmem>>
      %gather3A_1413 = tpu.memref_squeeze %gather3A_1412 : memref<1x1x32x128xf32, #tpu.memory_space<vmem>> -> memref<32x128xf32, #tpu.memory_space<vmem>>
      %gather3A_1414 = tpu.vector_load_idx %gather3A_1413[%add3A_25, %broadcast_in_dim3A_1383] : memref<32x128xf32, #tpu.memory_space<vmem>>[vector<16xi32>, vector<16xi32>], vector<16xf32>,
      %gather3A_1415 = arith.constant 0 : i32
      %gather3A_1416 = arith.constant 2 : i32
      %gather3A_1417 = arith.constant 0 : i32
      %gather3A_1418 = arith.constant 0 : i32
      %gather3A_1419 = tpu.memref_slice %arg11[%gather3A_1415, %gather3A_1416, %gather3A_1417, %gather3A_1418] : memref<2x4x32x128xf32, #tpu.memory_space<vmem>> -> memref<1x1x32x128xf32, #tpu.memory_space<vmem>>
      %gather3A_1420 = tpu.memref_squeeze %gather3A_1419 : memref<1x1x32x128xf32, #tpu.memory_space<vmem>> -> memref<32x128xf32, #tpu.memory_space<vmem>>
      %gather3A_1421 = tpu.vector_load_idx %gather3A_1420[%iota3A, %broadcast_in_dim3A_1400] : memref<32x128xf32, #tpu.memory_space<vmem>>[vector<16xi32>, vector<16xi32>], vector<16xf32>,
      %gather3A_1422 = arith.constant 0 : i32
      %gather3A_1423 = arith.constant 2 : i32
      %gather3A_1424 = arith.constant 0 : i32
      %gather3A_1425 = arith.constant 0 : i32
      %gather3A_1426 = tpu.memref_slice %arg11[%gather3A_1422, %gather3A_1423, %gather3A_1424, %gather3A_1425] : memref<2x4x32x128xf32, #tpu.memory_space<vmem>> -> memref<1x1x32x128xf32, #tpu.memory_space<vmem>>
      %gather3A_1427 = tpu.memref_squeeze %gather3A_1426 : memref<1x1x32x128xf32, #tpu.memory_space<vmem>> -> memref<32x128xf32, #tpu.memory_space<vmem>>
      %gather3A_1428 = tpu.vector_load_idx %gather3A_1427[%add3A_25, %broadcast_in_dim3A_1400] : memref<32x128xf32, #tpu.memory_space<vmem>>[vector<16xi32>, vector<16xi32>], vector<16xf32>,
      %mul3A_1429 = arith.mulf %gather3A_1407, %gather3A_1421 : vector<16xf32>
      %mul3A_1430 = arith.mulf %gather3A_1414, %gather3A_1428 : vector<16xf32>
      %add3A_1431 = arith.addf %mul3A_1429, %mul3A_1430 : vector<16xf32>
      %reduce_sum3A_1432 = arith.constant true
      %reduce_sum3A_1433 = vector.broadcast %reduce_sum3A_1432 : i1 to vector<16xi1>
      %reduce_sum3A_1434 = tpu.scan <sum>, %add3A_1431 masked %reduce_sum3A_1433 : vector<16xf32>, vector<16xi1> -> vector<16xf32>
      %reduce_sum3A_1435 = vector.extract %reduce_sum3A_1434[15] : f32 from vector<16xf32>
      %eq3A_1436 = arith.constant 2 : i32
      %eq3A_1437 = vector.broadcast %eq3A_1436 : i32 to vector<16xi32>
      %eq3A_1438 = arith.cmpi eq, %iota3A, %eq3A_1437 : vector<16xi32>
      %add3A_1439 = vector.broadcast %reduce_sum3A_1435 : f32 to vector<16xf32>
      %add3A_1440 = arith.addf %select_n3A_1354, %add3A_1439 : vector<16xf32>
      %select_n3A_1441 = arith.select %eq3A_1438, %add3A_1440, %select_n3A_1354 : vector<16xi1>, vector<16xf32>
      %mul3A_1442 = arith.constant 4 : i32
      %mul3A_1443 = arith.muli %add3A_1056, %mul3A_1442 : i32
      %add3A_1444 = arith.constant 3 : i32
      %add3A_1445 = arith.addi %mul3A_1443, %add3A_1444 : i32
      %get3A_1446 = arith.index_cast %add3A_1445 : i32 to index
      %get3A_1447 = tpu.vector_load %arg8[%get3A_1446] {strides = array<i32>} : memref<528xi32, #tpu.memory_space<vmem>>, vector<16xi32>,
      %get3A_1448 = arith.index_cast %add3A_1445 : i32 to index
      %get3A_1449 = tpu.vector_load %arg9[%get3A_1448] {strides = array<i32>} : memref<528xi32, #tpu.memory_space<vmem>>, vector<16xi32>,
      %slice3A_1450 = vector.extract_strided_slice %get3A_1447 {offsets = [0], sizes = [1], strides = [1]} : vector<16xi32> to vector<1xi32>
      %squeeze3A_1451 = vector.extract %slice3A_1450[0] : i32 from vector<1xi32>
      %slice3A_1452 = vector.extract_strided_slice %get3A_1449 {offsets = [0], sizes = [1], strides = [1]} : vector<16xi32> to vector<1xi32>
      %squeeze3A_1453 = vector.extract %slice3A_1452[0] : i32 from vector<1xi32>
      %jit3A_1454 = arith.constant 128 : i32
      %eq3A_1455 = arith.constant 0 : i32
      %eq3A_1456 = arith.cmpi eq, %jit3A_1454, %eq3A_1455 : i32
      %jit3A_1457 = arith.constant 1 : i32
      %select_n3A_1458 = arith.select %eq3A_1456, %jit3A_1457, %jit3A_1454 : i32
      %rem3A_1459 = arith.remsi %squeeze3A_1451, %select_n3A_1458 : i32
      %ne3A_1460 = arith.constant 0 : i32
      %ne3A_1461 = arith.cmpi ne, %rem3A_1459, %ne3A_1460 : i32
      %lt3A_1462 = arith.constant 0 : i32
      %lt3A_1463 = arith.cmpi slt, %rem3A_1459, %lt3A_1462 : i32
      %lt3A_1464 = arith.constant 0 : i32
      %lt3A_1465 = arith.cmpi slt, %select_n3A_1458, %lt3A_1464 : i32
      %ne3A_1466 = arith.xori %lt3A_1463, %lt3A_1465 : i1
      %and3A_1467 = arith.andi %ne3A_1466, %ne3A_1461 : i1
      %add3A_1468 = arith.addi %rem3A_1459, %select_n3A_1458 : i32
      %select_n3A_1469 = arith.select %and3A_1467, %add3A_1468, %rem3A_1459 : i32
      %broadcast_in_dim3A_1470 = vector.broadcast %select_n3A_1469 : i32 to vector<16xi32>
      %jit3A_1471 = arith.constant 128 : i32
      %eq3A_1472 = arith.constant 0 : i32
      %eq3A_1473 = arith.cmpi eq, %jit3A_1471, %eq3A_1472 : i32
      %jit3A_1474 = arith.constant 1 : i32
      %select_n3A_1475 = arith.select %eq3A_1473, %jit3A_1474, %jit3A_1471 : i32
      %rem3A_1476 = arith.remsi %squeeze3A_1453, %select_n3A_1475 : i32
      %ne3A_1477 = arith.constant 0 : i32
      %ne3A_1478 = arith.cmpi ne, %rem3A_1476, %ne3A_1477 : i32
      %lt3A_1479 = arith.constant 0 : i32
      %lt3A_1480 = arith.cmpi slt, %rem3A_1476, %lt3A_1479 : i32
      %lt3A_1481 = arith.constant 0 : i32
      %lt3A_1482 = arith.cmpi slt, %select_n3A_1475, %lt3A_1481 : i32
      %ne3A_1483 = arith.xori %lt3A_1480, %lt3A_1482 : i1
      %and3A_1484 = arith.andi %ne3A_1483, %ne3A_1478 : i1
      %add3A_1485 = arith.addi %rem3A_1476, %select_n3A_1475 : i32
      %select_n3A_1486 = arith.select %and3A_1484, %add3A_1485, %rem3A_1476 : i32
      %broadcast_in_dim3A_1487 = vector.broadcast %select_n3A_1486 : i32 to vector<16xi32>
      %gather3A_1488 = arith.constant 0 : i32
      %gather3A_1489 = arith.constant 3 : i32
      %gather3A_1490 = arith.constant 0 : i32
      %gather3A_1491 = arith.constant 0 : i32
      %gather3A_1492 = tpu.memref_slice %arg10[%gather3A_1488, %gather3A_1489, %gather3A_1490, %gather3A_1491] : memref<2x4x32x128xf32, #tpu.memory_space<vmem>> -> memref<1x1x32x128xf32, #tpu.memory_space<vmem>>
      %gather3A_1493 = tpu.memref_squeeze %gather3A_1492 : memref<1x1x32x128xf32, #tpu.memory_space<vmem>> -> memref<32x128xf32, #tpu.memory_space<vmem>>
      %gather3A_1494 = tpu.vector_load_idx %gather3A_1493[%iota3A, %broadcast_in_dim3A_1470] : memref<32x128xf32, #tpu.memory_space<vmem>>[vector<16xi32>, vector<16xi32>], vector<16xf32>,
      %gather3A_1495 = arith.constant 0 : i32
      %gather3A_1496 = arith.constant 3 : i32
      %gather3A_1497 = arith.constant 0 : i32
      %gather3A_1498 = arith.constant 0 : i32
      %gather3A_1499 = tpu.memref_slice %arg10[%gather3A_1495, %gather3A_1496, %gather3A_1497, %gather3A_1498] : memref<2x4x32x128xf32, #tpu.memory_space<vmem>> -> memref<1x1x32x128xf32, #tpu.memory_space<vmem>>
      %gather3A_1500 = tpu.memref_squeeze %gather3A_1499 : memref<1x1x32x128xf32, #tpu.memory_space<vmem>> -> memref<32x128xf32, #tpu.memory_space<vmem>>
      %gather3A_1501 = tpu.vector_load_idx %gather3A_1500[%add3A_25, %broadcast_in_dim3A_1470] : memref<32x128xf32, #tpu.memory_space<vmem>>[vector<16xi32>, vector<16xi32>], vector<16xf32>,
      %gather3A_1502 = arith.constant 0 : i32
      %gather3A_1503 = arith.constant 3 : i32
      %gather3A_1504 = arith.constant 0 : i32
      %gather3A_1505 = arith.constant 0 : i32
      %gather3A_1506 = tpu.memref_slice %arg11[%gather3A_1502, %gather3A_1503, %gather3A_1504, %gather3A_1505] : memref<2x4x32x128xf32, #tpu.memory_space<vmem>> -> memref<1x1x32x128xf32, #tpu.memory_space<vmem>>
      %gather3A_1507 = tpu.memref_squeeze %gather3A_1506 : memref<1x1x32x128xf32, #tpu.memory_space<vmem>> -> memref<32x128xf32, #tpu.memory_space<vmem>>
      %gather3A_1508 = tpu.vector_load_idx %gather3A_1507[%iota3A, %broadcast_in_dim3A_1487] : memref<32x128xf32, #tpu.memory_space<vmem>>[vector<16xi32>, vector<16xi32>], vector<16xf32>,
      %gather3A_1509 = arith.constant 0 : i32
      %gather3A_1510 = arith.constant 3 : i32
      %gather3A_1511 = arith.constant 0 : i32
      %gather3A_1512 = arith.constant 0 : i32
      %gather3A_1513 = tpu.memref_slice %arg11[%gather3A_1509, %gather3A_1510, %gather3A_1511, %gather3A_1512] : memref<2x4x32x128xf32, #tpu.memory_space<vmem>> -> memref<1x1x32x128xf32, #tpu.memory_space<vmem>>
      %gather3A_1514 = tpu.memref_squeeze %gather3A_1513 : memref<1x1x32x128xf32, #tpu.memory_space<vmem>> -> memref<32x128xf32, #tpu.memory_space<vmem>>
      %gather3A_1515 = tpu.vector_load_idx %gather3A_1514[%add3A_25, %broadcast_in_dim3A_1487] : memref<32x128xf32, #tpu.memory_space<vmem>>[vector<16xi32>, vector<16xi32>], vector<16xf32>,
      %mul3A_1516 = arith.mulf %gather3A_1494, %gather3A_1508 : vector<16xf32>
      %mul3A_1517 = arith.mulf %gather3A_1501, %gather3A_1515 : vector<16xf32>
      %add3A_1518 = arith.addf %mul3A_1516, %mul3A_1517 : vector<16xf32>
      %reduce_sum3A_1519 = arith.constant true
      %reduce_sum3A_1520 = vector.broadcast %reduce_sum3A_1519 : i1 to vector<16xi1>
      %reduce_sum3A_1521 = tpu.scan <sum>, %add3A_1518 masked %reduce_sum3A_1520 : vector<16xf32>, vector<16xi1> -> vector<16xf32>
      %reduce_sum3A_1522 = vector.extract %reduce_sum3A_1521[15] : f32 from vector<16xf32>
      %eq3A_1523 = arith.constant 3 : i32
      %eq3A_1524 = vector.broadcast %eq3A_1523 : i32 to vector<16xi32>
      %eq3A_1525 = arith.cmpi eq, %iota3A, %eq3A_1524 : vector<16xi32>
      %add3A_1526 = vector.broadcast %reduce_sum3A_1522 : f32 to vector<16xf32>
      %add3A_1527 = arith.addf %select_n3A_1441, %add3A_1526 : vector<16xf32>
      %select_n3A_1528 = arith.select %eq3A_1525, %add3A_1527, %select_n3A_1441 : vector<16xi1>, vector<16xf32>
      %add3A_1529 = arith.constant 2 : i32
      %add3A_1530 = arith.addi %add3A_1056, %add3A_1529 : i32
      %mul3A_1531 = arith.constant 4 : i32
      %mul3A_1532 = arith.muli %add3A_1530, %mul3A_1531 : i32
      %add3A_1533 = arith.constant 0 : i32
      %add3A_1534 = arith.addi %mul3A_1532, %add3A_1533 : i32
      %min3A_1535 = arith.constant 511 : i32
      %min3A_1536 = arith.minsi %add3A_1534, %min3A_1535 : i32
      %get3A_1537 = arith.index_cast %min3A_1536 : i32 to index
      %get3A_1538 = tpu.vector_load %arg8[%get3A_1537] {strides = array<i32>} : memref<528xi32, #tpu.memory_space<vmem>>, vector<16xi32>,
      %get3A_1539 = arith.index_cast %min3A_1536 : i32 to index
      %get3A_1540 = tpu.vector_load %arg9[%get3A_1539] {strides = array<i32>} : memref<528xi32, #tpu.memory_space<vmem>>, vector<16xi32>,
      %slice3A_1541 = vector.extract_strided_slice %get3A_1538 {offsets = [0], sizes = [1], strides = [1]} : vector<16xi32> to vector<1xi32>
      %squeeze3A_1542 = vector.extract %slice3A_1541[0] : i32 from vector<1xi32>
      %slice3A_1543 = vector.extract_strided_slice %get3A_1540 {offsets = [0], sizes = [1], strides = [1]} : vector<16xi32> to vector<1xi32>
      %squeeze3A_1544 = vector.extract %slice3A_1543[0] : i32 from vector<1xi32>
      %jit3A_1545 = arith.constant 128 : i32
      %div3A_1546 = arith.divsi %squeeze3A_1542, %jit3A_1545 : i32
      %sign3A_1547 = arith.constant 0 : i32
      %sign3A_1548 = arith.cmpi sgt, %squeeze3A_1542, %sign3A_1547 : i32
      %sign3A_1549 = arith.extui %sign3A_1548 : i1 to i32
      %sign3A_1550 = arith.constant 0 : i32
      %sign3A_1551 = arith.cmpi slt, %squeeze3A_1542, %sign3A_1550 : i32
      %sign3A_1552 = arith.extui %sign3A_1551 : i1 to i32
      %sign3A_1553 = arith.subi %sign3A_1549, %sign3A_1552 : i32
      %sign3A_1554 = arith.constant 0 : i32
      %sign3A_1555 = arith.cmpi sgt, %jit3A_1545, %sign3A_1554 : i32
      %sign3A_1556 = arith.extui %sign3A_1555 : i1 to i32
      %sign3A_1557 = arith.constant 0 : i32
      %sign3A_1558 = arith.cmpi slt, %jit3A_1545, %sign3A_1557 : i32
      %sign3A_1559 = arith.extui %sign3A_1558 : i1 to i32
      %sign3A_1560 = arith.subi %sign3A_1556, %sign3A_1559 : i32
      %ne3A_1561 = arith.cmpi ne, %sign3A_1553, %sign3A_1560 : i32
      %rem3A_1562 = arith.remsi %squeeze3A_1542, %jit3A_1545 : i32
      %ne3A_1563 = arith.constant 0 : i32
      %ne3A_1564 = arith.cmpi ne, %rem3A_1562, %ne3A_1563 : i32
      %and3A_1565 = arith.andi %ne3A_1561, %ne3A_1564 : i1
      %sub3A_1566 = arith.constant 1 : i32
      %sub3A_1567 = arith.subi %div3A_1546, %sub3A_1566 : i32
      %select_n3A_1568 = arith.select %and3A_1565, %sub3A_1567, %div3A_1546 : i32
      %mul3A_1569 = arith.constant 128 : i32
      %mul3A_1570 = arith.muli %select_n3A_1568, %mul3A_1569 : i32
      %multiple_of3A_1571 = tpu.assume_multiple %mul3A_1570, 128 : i32
      %jit3A_1572 = arith.constant 128 : i32
      %div3A_1573 = arith.divsi %squeeze3A_1544, %jit3A_1572 : i32
      %sign3A_1574 = arith.constant 0 : i32
      %sign3A_1575 = arith.cmpi sgt, %squeeze3A_1544, %sign3A_1574 : i32
      %sign3A_1576 = arith.extui %sign3A_1575 : i1 to i32
      %sign3A_1577 = arith.constant 0 : i32
      %sign3A_1578 = arith.cmpi slt, %squeeze3A_1544, %sign3A_1577 : i32
      %sign3A_1579 = arith.extui %sign3A_1578 : i1 to i32
      %sign3A_1580 = arith.subi %sign3A_1576, %sign3A_1579 : i32
      %sign3A_1581 = arith.constant 0 : i32
      %sign3A_1582 = arith.cmpi sgt, %jit3A_1572, %sign3A_1581 : i32
      %sign3A_1583 = arith.extui %sign3A_1582 : i1 to i32
      %sign3A_1584 = arith.constant 0 : i32
      %sign3A_1585 = arith.cmpi slt, %jit3A_1572, %sign3A_1584 : i32
      %sign3A_1586 = arith.extui %sign3A_1585 : i1 to i32
      %sign3A_1587 = arith.subi %sign3A_1583, %sign3A_1586 : i32
      %ne3A_1588 = arith.cmpi ne, %sign3A_1580, %sign3A_1587 : i32
      %rem3A_1589 = arith.remsi %squeeze3A_1544, %jit3A_1572 : i32
      %ne3A_1590 = arith.constant 0 : i32
      %ne3A_1591 = arith.cmpi ne, %rem3A_1589, %ne3A_1590 : i32
      %and3A_1592 = arith.andi %ne3A_1588, %ne3A_1591 : i1
      %sub3A_1593 = arith.constant 1 : i32
      %sub3A_1594 = arith.subi %div3A_1573, %sub3A_1593 : i32
      %select_n3A_1595 = arith.select %and3A_1592, %sub3A_1594, %div3A_1573 : i32
      %mul3A_1596 = arith.constant 128 : i32
      %mul3A_1597 = arith.muli %select_n3A_1595, %mul3A_1596 : i32
      %multiple_of3A_1598 = tpu.assume_multiple %mul3A_1597, 128 : i32
      %dma_start3A_1599 = arith.constant 0 : i32
      %dma_start3A_1600 = arith.constant 0 : i32
      %dma_start3A_1601 = arith.constant 0 : i32
      %dma_start3A_1602 = arith.constant 0 : i32
      %dma_start3A_1603 = tpu.memref_slice %arg10[%dma_start3A_1599, %dma_start3A_1600, %dma_start3A_1601, %dma_start3A_1602] : memref<2x4x32x128xf32, #tpu.memory_space<vmem>> -> memref<1x1x32x128xf32, #tpu.memory_space<vmem>>
      %dma_start3A_1604 = tpu.memref_squeeze %dma_start3A_1603 : memref<1x1x32x128xf32, #tpu.memory_space<vmem>> -> memref<32x128xf32, #tpu.memory_space<vmem>>
      %dma_start3A_1605 = arith.constant 0 : i32
      %dma_start3A_1606 = tpu.memref_slice %arg3[%dma_start3A_1605, %multiple_of3A_1571] : memref<32x1000000xf32, #tpu.memory_space<hbm>> -> memref<32x128xf32, #tpu.memory_space<hbm>>
      %dma_start3A_1607 = arith.constant 0 : i32
      %dma_start3A_1608 = arith.constant 0 : i32
      %dma_start3A_1609 = tpu.memref_slice %arg10[%dma_start3A_1599, %dma_start3A_1600, %dma_start3A_1607, %dma_start3A_1608] : memref<2x4x32x128xf32, #tpu.memory_space<vmem>> -> memref<1x1x32x128xf32, #tpu.memory_space<vmem>>
      %dma_start3A_1610 = tpu.memref_squeeze %dma_start3A_1609 : memref<1x1x32x128xf32, #tpu.memory_space<vmem>> -> memref<32x128xf32, #tpu.memory_space<vmem>>
      %dma_start3A_1611 = arith.constant 0 : i32
      %dma_start3A_1612 = tpu.memref_slice %arg3[%dma_start3A_1611, %multiple_of3A_1571] : memref<32x1000000xf32, #tpu.memory_space<hbm>> -> memref<32x128xf32, #tpu.memory_space<hbm>>
      tpu.enqueue_dma source(%dma_start3A_1612 : memref<32x128xf32, #tpu.memory_space<hbm>>) target(%dma_start3A_1610 : memref<32x128xf32, #tpu.memory_space<vmem>>) target_semaphore(%arg16 : memref<!tpu.dma_semaphore, #tpu.memory_space<semaphore_mem>>)
      %dma_start3A_1613 = arith.constant 0 : i32
      %dma_start3A_1614 = arith.constant 0 : i32
      %dma_start3A_1615 = arith.constant 0 : i32
      %dma_start3A_1616 = arith.constant 0 : i32
      %dma_start3A_1617 = tpu.memref_slice %arg11[%dma_start3A_1613, %dma_start3A_1614, %dma_start3A_1615, %dma_start3A_1616] : memref<2x4x32x128xf32, #tpu.memory_space<vmem>> -> memref<1x1x32x128xf32, #tpu.memory_space<vmem>>
      %dma_start3A_1618 = tpu.memref_squeeze %dma_start3A_1617 : memref<1x1x32x128xf32, #tpu.memory_space<vmem>> -> memref<32x128xf32, #tpu.memory_space<vmem>>
      %dma_start3A_1619 = arith.constant 0 : i32
      %dma_start3A_1620 = tpu.memref_slice %arg4[%dma_start3A_1619, %multiple_of3A_1598] : memref<32x1000000xf32, #tpu.memory_space<hbm>> -> memref<32x128xf32, #tpu.memory_space<hbm>>
      %dma_start3A_1621 = arith.constant 0 : i32
      %dma_start3A_1622 = arith.constant 0 : i32
      %dma_start3A_1623 = tpu.memref_slice %arg11[%dma_start3A_1613, %dma_start3A_1614, %dma_start3A_1621, %dma_start3A_1622] : memref<2x4x32x128xf32, #tpu.memory_space<vmem>> -> memref<1x1x32x128xf32, #tpu.memory_space<vmem>>
      %dma_start3A_1624 = tpu.memref_squeeze %dma_start3A_1623 : memref<1x1x32x128xf32, #tpu.memory_space<vmem>> -> memref<32x128xf32, #tpu.memory_space<vmem>>
      %dma_start3A_1625 = arith.constant 0 : i32
      %dma_start3A_1626 = tpu.memref_slice %arg4[%dma_start3A_1625, %multiple_of3A_1598] : memref<32x1000000xf32, #tpu.memory_space<hbm>> -> memref<32x128xf32, #tpu.memory_space<hbm>>
      tpu.enqueue_dma source(%dma_start3A_1626 : memref<32x128xf32, #tpu.memory_space<hbm>>) target(%dma_start3A_1624 : memref<32x128xf32, #tpu.memory_space<vmem>>) target_semaphore(%arg16 : memref<!tpu.dma_semaphore, #tpu.memory_space<semaphore_mem>>)
      %mul3A_1627 = arith.constant 4 : i32
      %mul3A_1628 = arith.muli %add3A_1530, %mul3A_1627 : i32
      %add3A_1629 = arith.constant 1 : i32
      %add3A_1630 = arith.addi %mul3A_1628, %add3A_1629 : i32
      %min3A_1631 = arith.constant 511 : i32
      %min3A_1632 = arith.minsi %add3A_1630, %min3A_1631 : i32
      %get3A_1633 = arith.index_cast %min3A_1632 : i32 to index
      %get3A_1634 = tpu.vector_load %arg8[%get3A_1633] {strides = array<i32>} : memref<528xi32, #tpu.memory_space<vmem>>, vector<16xi32>,
      %get3A_1635 = arith.index_cast %min3A_1632 : i32 to index
      %get3A_1636 = tpu.vector_load %arg9[%get3A_1635] {strides = array<i32>} : memref<528xi32, #tpu.memory_space<vmem>>, vector<16xi32>,
      %slice3A_1637 = vector.extract_strided_slice %get3A_1634 {offsets = [0], sizes = [1], strides = [1]} : vector<16xi32> to vector<1xi32>
      %squeeze3A_1638 = vector.extract %slice3A_1637[0] : i32 from vector<1xi32>
      %slice3A_1639 = vector.extract_strided_slice %get3A_1636 {offsets = [0], sizes = [1], strides = [1]} : vector<16xi32> to vector<1xi32>
      %squeeze3A_1640 = vector.extract %slice3A_1639[0] : i32 from vector<1xi32>
      %jit3A_1641 = arith.constant 128 : i32
      %div3A_1642 = arith.divsi %squeeze3A_1638, %jit3A_1641 : i32
      %sign3A_1643 = arith.constant 0 : i32
      %sign3A_1644 = arith.cmpi sgt, %squeeze3A_1638, %sign3A_1643 : i32
      %sign3A_1645 = arith.extui %sign3A_1644 : i1 to i32
      %sign3A_1646 = arith.constant 0 : i32
      %sign3A_1647 = arith.cmpi slt, %squeeze3A_1638, %sign3A_1646 : i32
      %sign3A_1648 = arith.extui %sign3A_1647 : i1 to i32
      %sign3A_1649 = arith.subi %sign3A_1645, %sign3A_1648 : i32
      %sign3A_1650 = arith.constant 0 : i32
      %sign3A_1651 = arith.cmpi sgt, %jit3A_1641, %sign3A_1650 : i32
      %sign3A_1652 = arith.extui %sign3A_1651 : i1 to i32
      %sign3A_1653 = arith.constant 0 : i32
      %sign3A_1654 = arith.cmpi slt, %jit3A_1641, %sign3A_1653 : i32
      %sign3A_1655 = arith.extui %sign3A_1654 : i1 to i32
      %sign3A_1656 = arith.subi %sign3A_1652, %sign3A_1655 : i32
      %ne3A_1657 = arith.cmpi ne, %sign3A_1649, %sign3A_1656 : i32
      %rem3A_1658 = arith.remsi %squeeze3A_1638, %jit3A_1641 : i32
      %ne3A_1659 = arith.constant 0 : i32
      %ne3A_1660 = arith.cmpi ne, %rem3A_1658, %ne3A_1659 : i32
      %and3A_1661 = arith.andi %ne3A_1657, %ne3A_1660 : i1
      %sub3A_1662 = arith.constant 1 : i32
      %sub3A_1663 = arith.subi %div3A_1642, %sub3A_1662 : i32
      %select_n3A_1664 = arith.select %and3A_1661, %sub3A_1663, %div3A_1642 : i32
      %mul3A_1665 = arith.constant 128 : i32
      %mul3A_1666 = arith.muli %select_n3A_1664, %mul3A_1665 : i32
      %multiple_of3A_1667 = tpu.assume_multiple %mul3A_1666, 128 : i32
      %jit3A_1668 = arith.constant 128 : i32
      %div3A_1669 = arith.divsi %squeeze3A_1640, %jit3A_1668 : i32
      %sign3A_1670 = arith.constant 0 : i32
      %sign3A_1671 = arith.cmpi sgt, %squeeze3A_1640, %sign3A_1670 : i32
      %sign3A_1672 = arith.extui %sign3A_1671 : i1 to i32
      %sign3A_1673 = arith.constant 0 : i32
      %sign3A_1674 = arith.cmpi slt, %squeeze3A_1640, %sign3A_1673 : i32
      %sign3A_1675 = arith.extui %sign3A_1674 : i1 to i32
      %sign3A_1676 = arith.subi %sign3A_1672, %sign3A_1675 : i32
      %sign3A_1677 = arith.constant 0 : i32
      %sign3A_1678 = arith.cmpi sgt, %jit3A_1668, %sign3A_1677 : i32
      %sign3A_1679 = arith.extui %sign3A_1678 : i1 to i32
      %sign3A_1680 = arith.constant 0 : i32
      %sign3A_1681 = arith.cmpi slt, %jit3A_1668, %sign3A_1680 : i32
      %sign3A_1682 = arith.extui %sign3A_1681 : i1 to i32
      %sign3A_1683 = arith.subi %sign3A_1679, %sign3A_1682 : i32
      %ne3A_1684 = arith.cmpi ne, %sign3A_1676, %sign3A_1683 : i32
      %rem3A_1685 = arith.remsi %squeeze3A_1640, %jit3A_1668 : i32
      %ne3A_1686 = arith.constant 0 : i32
      %ne3A_1687 = arith.cmpi ne, %rem3A_1685, %ne3A_1686 : i32
      %and3A_1688 = arith.andi %ne3A_1684, %ne3A_1687 : i1
      %sub3A_1689 = arith.constant 1 : i32
      %sub3A_1690 = arith.subi %div3A_1669, %sub3A_1689 : i32
      %select_n3A_1691 = arith.select %and3A_1688, %sub3A_1690, %div3A_1669 : i32
      %mul3A_1692 = arith.constant 128 : i32
      %mul3A_1693 = arith.muli %select_n3A_1691, %mul3A_1692 : i32
      %multiple_of3A_1694 = tpu.assume_multiple %mul3A_1693, 128 : i32
      %dma_start3A_1695 = arith.constant 0 : i32
      %dma_start3A_1696 = arith.constant 1 : i32
      %dma_start3A_1697 = arith.constant 0 : i32
      %dma_start3A_1698 = arith.constant 0 : i32
      %dma_start3A_1699 = tpu.memref_slice %arg10[%dma_start3A_1695, %dma_start3A_1696, %dma_start3A_1697, %dma_start3A_1698] : memref<2x4x32x128xf32, #tpu.memory_space<vmem>> -> memref<1x1x32x128xf32, #tpu.memory_space<vmem>>
      %dma_start3A_1700 = tpu.memref_squeeze %dma_start3A_1699 : memref<1x1x32x128xf32, #tpu.memory_space<vmem>> -> memref<32x128xf32, #tpu.memory_space<vmem>>
      %dma_start3A_1701 = arith.constant 0 : i32
      %dma_start3A_1702 = tpu.memref_slice %arg3[%dma_start3A_1701, %multiple_of3A_1667] : memref<32x1000000xf32, #tpu.memory_space<hbm>> -> memref<32x128xf32, #tpu.memory_space<hbm>>
      %dma_start3A_1703 = arith.constant 0 : i32
      %dma_start3A_1704 = arith.constant 0 : i32
      %dma_start3A_1705 = tpu.memref_slice %arg10[%dma_start3A_1695, %dma_start3A_1696, %dma_start3A_1703, %dma_start3A_1704] : memref<2x4x32x128xf32, #tpu.memory_space<vmem>> -> memref<1x1x32x128xf32, #tpu.memory_space<vmem>>
      %dma_start3A_1706 = tpu.memref_squeeze %dma_start3A_1705 : memref<1x1x32x128xf32, #tpu.memory_space<vmem>> -> memref<32x128xf32, #tpu.memory_space<vmem>>
      %dma_start3A_1707 = arith.constant 0 : i32
      %dma_start3A_1708 = tpu.memref_slice %arg3[%dma_start3A_1707, %multiple_of3A_1667] : memref<32x1000000xf32, #tpu.memory_space<hbm>> -> memref<32x128xf32, #tpu.memory_space<hbm>>
      tpu.enqueue_dma source(%dma_start3A_1708 : memref<32x128xf32, #tpu.memory_space<hbm>>) target(%dma_start3A_1706 : memref<32x128xf32, #tpu.memory_space<vmem>>) target_semaphore(%arg16 : memref<!tpu.dma_semaphore, #tpu.memory_space<semaphore_mem>>)
      %dma_start3A_1709 = arith.constant 0 : i32
      %dma_start3A_1710 = arith.constant 1 : i32
      %dma_start3A_1711 = arith.constant 0 : i32
      %dma_start3A_1712 = arith.constant 0 : i32
      %dma_start3A_1713 = tpu.memref_slice %arg11[%dma_start3A_1709, %dma_start3A_1710, %dma_start3A_1711, %dma_start3A_1712] : memref<2x4x32x128xf32, #tpu.memory_space<vmem>> -> memref<1x1x32x128xf32, #tpu.memory_space<vmem>>
      %dma_start3A_1714 = tpu.memref_squeeze %dma_start3A_1713 : memref<1x1x32x128xf32, #tpu.memory_space<vmem>> -> memref<32x128xf32, #tpu.memory_space<vmem>>
      %dma_start3A_1715 = arith.constant 0 : i32
      %dma_start3A_1716 = tpu.memref_slice %arg4[%dma_start3A_1715, %multiple_of3A_1694] : memref<32x1000000xf32, #tpu.memory_space<hbm>> -> memref<32x128xf32, #tpu.memory_space<hbm>>
      %dma_start3A_1717 = arith.constant 0 : i32
      %dma_start3A_1718 = arith.constant 0 : i32
      %dma_start3A_1719 = tpu.memref_slice %arg11[%dma_start3A_1709, %dma_start3A_1710, %dma_start3A_1717, %dma_start3A_1718] : memref<2x4x32x128xf32, #tpu.memory_space<vmem>> -> memref<1x1x32x128xf32, #tpu.memory_space<vmem>>
      %dma_start3A_1720 = tpu.memref_squeeze %dma_start3A_1719 : memref<1x1x32x128xf32, #tpu.memory_space<vmem>> -> memref<32x128xf32, #tpu.memory_space<vmem>>
      %dma_start3A_1721 = arith.constant 0 : i32
      %dma_start3A_1722 = tpu.memref_slice %arg4[%dma_start3A_1721, %multiple_of3A_1694] : memref<32x1000000xf32, #tpu.memory_space<hbm>> -> memref<32x128xf32, #tpu.memory_space<hbm>>
      tpu.enqueue_dma source(%dma_start3A_1722 : memref<32x128xf32, #tpu.memory_space<hbm>>) target(%dma_start3A_1720 : memref<32x128xf32, #tpu.memory_space<vmem>>) target_semaphore(%arg16 : memref<!tpu.dma_semaphore, #tpu.memory_space<semaphore_mem>>)
      %mul3A_1723 = arith.constant 4 : i32
      %mul3A_1724 = arith.muli %add3A_1530, %mul3A_1723 : i32
      %add3A_1725 = arith.constant 2 : i32
      %add3A_1726 = arith.addi %mul3A_1724, %add3A_1725 : i32
      %min3A_1727 = arith.constant 511 : i32
      %min3A_1728 = arith.minsi %add3A_1726, %min3A_1727 : i32
      %get3A_1729 = arith.index_cast %min3A_1728 : i32 to index
      %get3A_1730 = tpu.vector_load %arg8[%get3A_1729] {strides = array<i32>} : memref<528xi32, #tpu.memory_space<vmem>>, vector<16xi32>,
      %get3A_1731 = arith.index_cast %min3A_1728 : i32 to index
      %get3A_1732 = tpu.vector_load %arg9[%get3A_1731] {strides = array<i32>} : memref<528xi32, #tpu.memory_space<vmem>>, vector<16xi32>,
      %slice3A_1733 = vector.extract_strided_slice %get3A_1730 {offsets = [0], sizes = [1], strides = [1]} : vector<16xi32> to vector<1xi32>
      %squeeze3A_1734 = vector.extract %slice3A_1733[0] : i32 from vector<1xi32>
      %slice3A_1735 = vector.extract_strided_slice %get3A_1732 {offsets = [0], sizes = [1], strides = [1]} : vector<16xi32> to vector<1xi32>
      %squeeze3A_1736 = vector.extract %slice3A_1735[0] : i32 from vector<1xi32>
      %jit3A_1737 = arith.constant 128 : i32
      %div3A_1738 = arith.divsi %squeeze3A_1734, %jit3A_1737 : i32
      %sign3A_1739 = arith.constant 0 : i32
      %sign3A_1740 = arith.cmpi sgt, %squeeze3A_1734, %sign3A_1739 : i32
      %sign3A_1741 = arith.extui %sign3A_1740 : i1 to i32
      %sign3A_1742 = arith.constant 0 : i32
      %sign3A_1743 = arith.cmpi slt, %squeeze3A_1734, %sign3A_1742 : i32
      %sign3A_1744 = arith.extui %sign3A_1743 : i1 to i32
      %sign3A_1745 = arith.subi %sign3A_1741, %sign3A_1744 : i32
      %sign3A_1746 = arith.constant 0 : i32
      %sign3A_1747 = arith.cmpi sgt, %jit3A_1737, %sign3A_1746 : i32
      %sign3A_1748 = arith.extui %sign3A_1747 : i1 to i32
      %sign3A_1749 = arith.constant 0 : i32
      %sign3A_1750 = arith.cmpi slt, %jit3A_1737, %sign3A_1749 : i32
      %sign3A_1751 = arith.extui %sign3A_1750 : i1 to i32
      %sign3A_1752 = arith.subi %sign3A_1748, %sign3A_1751 : i32
      %ne3A_1753 = arith.cmpi ne, %sign3A_1745, %sign3A_1752 : i32
      %rem3A_1754 = arith.remsi %squeeze3A_1734, %jit3A_1737 : i32
      %ne3A_1755 = arith.constant 0 : i32
      %ne3A_1756 = arith.cmpi ne, %rem3A_1754, %ne3A_1755 : i32
      %and3A_1757 = arith.andi %ne3A_1753, %ne3A_1756 : i1
      %sub3A_1758 = arith.constant 1 : i32
      %sub3A_1759 = arith.subi %div3A_1738, %sub3A_1758 : i32
      %select_n3A_1760 = arith.select %and3A_1757, %sub3A_1759, %div3A_1738 : i32
      %mul3A_1761 = arith.constant 128 : i32
      %mul3A_1762 = arith.muli %select_n3A_1760, %mul3A_1761 : i32
      %multiple_of3A_1763 = tpu.assume_multiple %mul3A_1762, 128 : i32
      %jit3A_1764 = arith.constant 128 : i32
      %div3A_1765 = arith.divsi %squeeze3A_1736, %jit3A_1764 : i32
      %sign3A_1766 = arith.constant 0 : i32
      %sign3A_1767 = arith.cmpi sgt, %squeeze3A_1736, %sign3A_1766 : i32
      %sign3A_1768 = arith.extui %sign3A_1767 : i1 to i32
      %sign3A_1769 = arith.constant 0 : i32
      %sign3A_1770 = arith.cmpi slt, %squeeze3A_1736, %sign3A_1769 : i32
      %sign3A_1771 = arith.extui %sign3A_1770 : i1 to i32
      %sign3A_1772 = arith.subi %sign3A_1768, %sign3A_1771 : i32
      %sign3A_1773 = arith.constant 0 : i32
      %sign3A_1774 = arith.cmpi sgt, %jit3A_1764, %sign3A_1773 : i32
      %sign3A_1775 = arith.extui %sign3A_1774 : i1 to i32
      %sign3A_1776 = arith.constant 0 : i32
      %sign3A_1777 = arith.cmpi slt, %jit3A_1764, %sign3A_1776 : i32
      %sign3A_1778 = arith.extui %sign3A_1777 : i1 to i32
      %sign3A_1779 = arith.subi %sign3A_1775, %sign3A_1778 : i32
      %ne3A_1780 = arith.cmpi ne, %sign3A_1772, %sign3A_1779 : i32
      %rem3A_1781 = arith.remsi %squeeze3A_1736, %jit3A_1764 : i32
      %ne3A_1782 = arith.constant 0 : i32
      %ne3A_1783 = arith.cmpi ne, %rem3A_1781, %ne3A_1782 : i32
      %and3A_1784 = arith.andi %ne3A_1780, %ne3A_1783 : i1
      %sub3A_1785 = arith.constant 1 : i32
      %sub3A_1786 = arith.subi %div3A_1765, %sub3A_1785 : i32
      %select_n3A_1787 = arith.select %and3A_1784, %sub3A_1786, %div3A_1765 : i32
      %mul3A_1788 = arith.constant 128 : i32
      %mul3A_1789 = arith.muli %select_n3A_1787, %mul3A_1788 : i32
      %multiple_of3A_1790 = tpu.assume_multiple %mul3A_1789, 128 : i32
      %dma_start3A_1791 = arith.constant 0 : i32
      %dma_start3A_1792 = arith.constant 2 : i32
      %dma_start3A_1793 = arith.constant 0 : i32
      %dma_start3A_1794 = arith.constant 0 : i32
      %dma_start3A_1795 = tpu.memref_slice %arg10[%dma_start3A_1791, %dma_start3A_1792, %dma_start3A_1793, %dma_start3A_1794] : memref<2x4x32x128xf32, #tpu.memory_space<vmem>> -> memref<1x1x32x128xf32, #tpu.memory_space<vmem>>
      %dma_start3A_1796 = tpu.memref_squeeze %dma_start3A_1795 : memref<1x1x32x128xf32, #tpu.memory_space<vmem>> -> memref<32x128xf32, #tpu.memory_space<vmem>>
      %dma_start3A_1797 = arith.constant 0 : i32
      %dma_start3A_1798 = tpu.memref_slice %arg3[%dma_start3A_1797, %multiple_of3A_1763] : memref<32x1000000xf32, #tpu.memory_space<hbm>> -> memref<32x128xf32, #tpu.memory_space<hbm>>
      %dma_start3A_1799 = arith.constant 0 : i32
      %dma_start3A_1800 = arith.constant 0 : i32
      %dma_start3A_1801 = tpu.memref_slice %arg10[%dma_start3A_1791, %dma_start3A_1792, %dma_start3A_1799, %dma_start3A_1800] : memref<2x4x32x128xf32, #tpu.memory_space<vmem>> -> memref<1x1x32x128xf32, #tpu.memory_space<vmem>>
      %dma_start3A_1802 = tpu.memref_squeeze %dma_start3A_1801 : memref<1x1x32x128xf32, #tpu.memory_space<vmem>> -> memref<32x128xf32, #tpu.memory_space<vmem>>
      %dma_start3A_1803 = arith.constant 0 : i32
      %dma_start3A_1804 = tpu.memref_slice %arg3[%dma_start3A_1803, %multiple_of3A_1763] : memref<32x1000000xf32, #tpu.memory_space<hbm>> -> memref<32x128xf32, #tpu.memory_space<hbm>>
      tpu.enqueue_dma source(%dma_start3A_1804 : memref<32x128xf32, #tpu.memory_space<hbm>>) target(%dma_start3A_1802 : memref<32x128xf32, #tpu.memory_space<vmem>>) target_semaphore(%arg16 : memref<!tpu.dma_semaphore, #tpu.memory_space<semaphore_mem>>)
      %dma_start3A_1805 = arith.constant 0 : i32
      %dma_start3A_1806 = arith.constant 2 : i32
      %dma_start3A_1807 = arith.constant 0 : i32
      %dma_start3A_1808 = arith.constant 0 : i32
      %dma_start3A_1809 = tpu.memref_slice %arg11[%dma_start3A_1805, %dma_start3A_1806, %dma_start3A_1807, %dma_start3A_1808] : memref<2x4x32x128xf32, #tpu.memory_space<vmem>> -> memref<1x1x32x128xf32, #tpu.memory_space<vmem>>
      %dma_start3A_1810 = tpu.memref_squeeze %dma_start3A_1809 : memref<1x1x32x128xf32, #tpu.memory_space<vmem>> -> memref<32x128xf32, #tpu.memory_space<vmem>>
      %dma_start3A_1811 = arith.constant 0 : i32
      %dma_start3A_1812 = tpu.memref_slice %arg4[%dma_start3A_1811, %multiple_of3A_1790] : memref<32x1000000xf32, #tpu.memory_space<hbm>> -> memref<32x128xf32, #tpu.memory_space<hbm>>
      %dma_start3A_1813 = arith.constant 0 : i32
      %dma_start3A_1814 = arith.constant 0 : i32
      %dma_start3A_1815 = tpu.memref_slice %arg11[%dma_start3A_1805, %dma_start3A_1806, %dma_start3A_1813, %dma_start3A_1814] : memref<2x4x32x128xf32, #tpu.memory_space<vmem>> -> memref<1x1x32x128xf32, #tpu.memory_space<vmem>>
      %dma_start3A_1816 = tpu.memref_squeeze %dma_start3A_1815 : memref<1x1x32x128xf32, #tpu.memory_space<vmem>> -> memref<32x128xf32, #tpu.memory_space<vmem>>
      %dma_start3A_1817 = arith.constant 0 : i32
      %dma_start3A_1818 = tpu.memref_slice %arg4[%dma_start3A_1817, %multiple_of3A_1790] : memref<32x1000000xf32, #tpu.memory_space<hbm>> -> memref<32x128xf32, #tpu.memory_space<hbm>>
      tpu.enqueue_dma source(%dma_start3A_1818 : memref<32x128xf32, #tpu.memory_space<hbm>>) target(%dma_start3A_1816 : memref<32x128xf32, #tpu.memory_space<vmem>>) target_semaphore(%arg16 : memref<!tpu.dma_semaphore, #tpu.memory_space<semaphore_mem>>)
      %mul3A_1819 = arith.constant 4 : i32
      %mul3A_1820 = arith.muli %add3A_1530, %mul3A_1819 : i32
      %add3A_1821 = arith.constant 3 : i32
      %add3A_1822 = arith.addi %mul3A_1820, %add3A_1821 : i32
      %min3A_1823 = arith.constant 511 : i32
      %min3A_1824 = arith.minsi %add3A_1822, %min3A_1823 : i32
      %get3A_1825 = arith.index_cast %min3A_1824 : i32 to index
      %get3A_1826 = tpu.vector_load %arg8[%get3A_1825] {strides = array<i32>} : memref<528xi32, #tpu.memory_space<vmem>>, vector<16xi32>,
      %get3A_1827 = arith.index_cast %min3A_1824 : i32 to index
      %get3A_1828 = tpu.vector_load %arg9[%get3A_1827] {strides = array<i32>} : memref<528xi32, #tpu.memory_space<vmem>>, vector<16xi32>,
      %slice3A_1829 = vector.extract_strided_slice %get3A_1826 {offsets = [0], sizes = [1], strides = [1]} : vector<16xi32> to vector<1xi32>
      %squeeze3A_1830 = vector.extract %slice3A_1829[0] : i32 from vector<1xi32>
      %slice3A_1831 = vector.extract_strided_slice %get3A_1828 {offsets = [0], sizes = [1], strides = [1]} : vector<16xi32> to vector<1xi32>
      %squeeze3A_1832 = vector.extract %slice3A_1831[0] : i32 from vector<1xi32>
      %jit3A_1833 = arith.constant 128 : i32
      %div3A_1834 = arith.divsi %squeeze3A_1830, %jit3A_1833 : i32
      %sign3A_1835 = arith.constant 0 : i32
      %sign3A_1836 = arith.cmpi sgt, %squeeze3A_1830, %sign3A_1835 : i32
      %sign3A_1837 = arith.extui %sign3A_1836 : i1 to i32
      %sign3A_1838 = arith.constant 0 : i32
      %sign3A_1839 = arith.cmpi slt, %squeeze3A_1830, %sign3A_1838 : i32
      %sign3A_1840 = arith.extui %sign3A_1839 : i1 to i32
      %sign3A_1841 = arith.subi %sign3A_1837, %sign3A_1840 : i32
      %sign3A_1842 = arith.constant 0 : i32
      %sign3A_1843 = arith.cmpi sgt, %jit3A_1833, %sign3A_1842 : i32
      %sign3A_1844 = arith.extui %sign3A_1843 : i1 to i32
      %sign3A_1845 = arith.constant 0 : i32
      %sign3A_1846 = arith.cmpi slt, %jit3A_1833, %sign3A_1845 : i32
      %sign3A_1847 = arith.extui %sign3A_1846 : i1 to i32
      %sign3A_1848 = arith.subi %sign3A_1844, %sign3A_1847 : i32
      %ne3A_1849 = arith.cmpi ne, %sign3A_1841, %sign3A_1848 : i32
      %rem3A_1850 = arith.remsi %squeeze3A_1830, %jit3A_1833 : i32
      %ne3A_1851 = arith.constant 0 : i32
      %ne3A_1852 = arith.cmpi ne, %rem3A_1850, %ne3A_1851 : i32
      %and3A_1853 = arith.andi %ne3A_1849, %ne3A_1852 : i1
      %sub3A_1854 = arith.constant 1 : i32
      %sub3A_1855 = arith.subi %div3A_1834, %sub3A_1854 : i32
      %select_n3A_1856 = arith.select %and3A_1853, %sub3A_1855, %div3A_1834 : i32
      %mul3A_1857 = arith.constant 128 : i32
      %mul3A_1858 = arith.muli %select_n3A_1856, %mul3A_1857 : i32
      %multiple_of3A_1859 = tpu.assume_multiple %mul3A_1858, 128 : i32
      %jit3A_1860 = arith.constant 128 : i32
      %div3A_1861 = arith.divsi %squeeze3A_1832, %jit3A_1860 : i32
      %sign3A_1862 = arith.constant 0 : i32
      %sign3A_1863 = arith.cmpi sgt, %squeeze3A_1832, %sign3A_1862 : i32
      %sign3A_1864 = arith.extui %sign3A_1863 : i1 to i32
      %sign3A_1865 = arith.constant 0 : i32
      %sign3A_1866 = arith.cmpi slt, %squeeze3A_1832, %sign3A_1865 : i32
      %sign3A_1867 = arith.extui %sign3A_1866 : i1 to i32
      %sign3A_1868 = arith.subi %sign3A_1864, %sign3A_1867 : i32
      %sign3A_1869 = arith.constant 0 : i32
      %sign3A_1870 = arith.cmpi sgt, %jit3A_1860, %sign3A_1869 : i32
      %sign3A_1871 = arith.extui %sign3A_1870 : i1 to i32
      %sign3A_1872 = arith.constant 0 : i32
      %sign3A_1873 = arith.cmpi slt, %jit3A_1860, %sign3A_1872 : i32
      %sign3A_1874 = arith.extui %sign3A_1873 : i1 to i32
      %sign3A_1875 = arith.subi %sign3A_1871, %sign3A_1874 : i32
      %ne3A_1876 = arith.cmpi ne, %sign3A_1868, %sign3A_1875 : i32
      %rem3A_1877 = arith.remsi %squeeze3A_1832, %jit3A_1860 : i32
      %ne3A_1878 = arith.constant 0 : i32
      %ne3A_1879 = arith.cmpi ne, %rem3A_1877, %ne3A_1878 : i32
      %and3A_1880 = arith.andi %ne3A_1876, %ne3A_1879 : i1
      %sub3A_1881 = arith.constant 1 : i32
      %sub3A_1882 = arith.subi %div3A_1861, %sub3A_1881 : i32
      %select_n3A_1883 = arith.select %and3A_1880, %sub3A_1882, %div3A_1861 : i32
      %mul3A_1884 = arith.constant 128 : i32
      %mul3A_1885 = arith.muli %select_n3A_1883, %mul3A_1884 : i32
      %multiple_of3A_1886 = tpu.assume_multiple %mul3A_1885, 128 : i32
      %dma_start3A_1887 = arith.constant 0 : i32
      %dma_start3A_1888 = arith.constant 3 : i32
      %dma_start3A_1889 = arith.constant 0 : i32
      %dma_start3A_1890 = arith.constant 0 : i32
      %dma_start3A_1891 = tpu.memref_slice %arg10[%dma_start3A_1887, %dma_start3A_1888, %dma_start3A_1889, %dma_start3A_1890] : memref<2x4x32x128xf32, #tpu.memory_space<vmem>> -> memref<1x1x32x128xf32, #tpu.memory_space<vmem>>
      %dma_start3A_1892 = tpu.memref_squeeze %dma_start3A_1891 : memref<1x1x32x128xf32, #tpu.memory_space<vmem>> -> memref<32x128xf32, #tpu.memory_space<vmem>>
      %dma_start3A_1893 = arith.constant 0 : i32
      %dma_start3A_1894 = tpu.memref_slice %arg3[%dma_start3A_1893, %multiple_of3A_1859] : memref<32x1000000xf32, #tpu.memory_space<hbm>> -> memref<32x128xf32, #tpu.memory_space<hbm>>
      %dma_start3A_1895 = arith.constant 0 : i32
      %dma_start3A_1896 = arith.constant 0 : i32
      %dma_start3A_1897 = tpu.memref_slice %arg10[%dma_start3A_1887, %dma_start3A_1888, %dma_start3A_1895, %dma_start3A_1896] : memref<2x4x32x128xf32, #tpu.memory_space<vmem>> -> memref<1x1x32x128xf32, #tpu.memory_space<vmem>>
      %dma_start3A_1898 = tpu.memref_squeeze %dma_start3A_1897 : memref<1x1x32x128xf32, #tpu.memory_space<vmem>> -> memref<32x128xf32, #tpu.memory_space<vmem>>
      %dma_start3A_1899 = arith.constant 0 : i32
      %dma_start3A_1900 = tpu.memref_slice %arg3[%dma_start3A_1899, %multiple_of3A_1859] : memref<32x1000000xf32, #tpu.memory_space<hbm>> -> memref<32x128xf32, #tpu.memory_space<hbm>>
      tpu.enqueue_dma source(%dma_start3A_1900 : memref<32x128xf32, #tpu.memory_space<hbm>>) target(%dma_start3A_1898 : memref<32x128xf32, #tpu.memory_space<vmem>>) target_semaphore(%arg16 : memref<!tpu.dma_semaphore, #tpu.memory_space<semaphore_mem>>)
      %dma_start3A_1901 = arith.constant 0 : i32
      %dma_start3A_1902 = arith.constant 3 : i32
      %dma_start3A_1903 = arith.constant 0 : i32
      %dma_start3A_1904 = arith.constant 0 : i32
      %dma_start3A_1905 = tpu.memref_slice %arg11[%dma_start3A_1901, %dma_start3A_1902, %dma_start3A_1903, %dma_start3A_1904] : memref<2x4x32x128xf32, #tpu.memory_space<vmem>> -> memref<1x1x32x128xf32, #tpu.memory_space<vmem>>
      %dma_start3A_1906 = tpu.memref_squeeze %dma_start3A_1905 : memref<1x1x32x128xf32, #tpu.memory_space<vmem>> -> memref<32x128xf32, #tpu.memory_space<vmem>>
      %dma_start3A_1907 = arith.constant 0 : i32
      %dma_start3A_1908 = tpu.memref_slice %arg4[%dma_start3A_1907, %multiple_of3A_1886] : memref<32x1000000xf32, #tpu.memory_space<hbm>> -> memref<32x128xf32, #tpu.memory_space<hbm>>
      %dma_start3A_1909 = arith.constant 0 : i32
      %dma_start3A_1910 = arith.constant 0 : i32
      %dma_start3A_1911 = tpu.memref_slice %arg11[%dma_start3A_1901, %dma_start3A_1902, %dma_start3A_1909, %dma_start3A_1910] : memref<2x4x32x128xf32, #tpu.memory_space<vmem>> -> memref<1x1x32x128xf32, #tpu.memory_space<vmem>>
      %dma_start3A_1912 = tpu.memref_squeeze %dma_start3A_1911 : memref<1x1x32x128xf32, #tpu.memory_space<vmem>> -> memref<32x128xf32, #tpu.memory_space<vmem>>
      %dma_start3A_1913 = arith.constant 0 : i32
      %dma_start3A_1914 = tpu.memref_slice %arg4[%dma_start3A_1913, %multiple_of3A_1886] : memref<32x1000000xf32, #tpu.memory_space<hbm>> -> memref<32x128xf32, #tpu.memory_space<hbm>>
      tpu.enqueue_dma source(%dma_start3A_1914 : memref<32x128xf32, #tpu.memory_space<hbm>>) target(%dma_start3A_1912 : memref<32x128xf32, #tpu.memory_space<vmem>>) target_semaphore(%arg16 : memref<!tpu.dma_semaphore, #tpu.memory_space<semaphore_mem>>)
      %mul3A_1915 = arith.constant 4 : i32
      %mul3A_1916 = arith.muli %scan3A_1051, %mul3A_1915 : i32
      %add3A_1917 = arith.constant 1 : i32
      %add3A_1918 = arith.addi %mul3A_1916, %add3A_1917 : i32
      %dma_wait3A_1919 = arith.constant 0 : i32
      %dma_wait3A_1920 = arith.constant 0 : i32
      %dma_wait3A_1921 = arith.constant 0 : i32
      %dma_wait3A_1922 = arith.constant 0 : i32
      %dma_wait3A_1923 = tpu.memref_slice %arg10[%dma_wait3A_1919, %dma_wait3A_1920, %dma_wait3A_1921, %dma_wait3A_1922] : memref<2x4x32x128xf32, #tpu.memory_space<vmem>> -> memref<1x1x32x128xf32, #tpu.memory_space<vmem>>
      %dma_wait3A_1924 = tpu.memref_squeeze %dma_wait3A_1923 : memref<1x1x32x128xf32, #tpu.memory_space<vmem>> -> memref<32x128xf32, #tpu.memory_space<vmem>>
      %dma_wait3A_1925 = arith.constant 0 : i32
      %dma_wait3A_1926 = arith.constant 0 : i32
      %dma_wait3A_1927 = tpu.memref_slice %arg3[%dma_wait3A_1925, %dma_wait3A_1926] : memref<32x1000000xf32, #tpu.memory_space<hbm>> -> memref<32x128xf32, #tpu.memory_space<hbm>>
      %dma_wait3A_1928 = arith.constant 0 : i32
      %dma_wait3A_1929 = arith.constant 0 : i32
      %dma_wait3A_1930 = tpu.memref_slice %arg10[%dma_wait3A_1919, %dma_wait3A_1920, %dma_wait3A_1928, %dma_wait3A_1929] : memref<2x4x32x128xf32, #tpu.memory_space<vmem>> -> memref<1x1x32x128xf32, #tpu.memory_space<vmem>>
      %dma_wait3A_1931 = tpu.memref_squeeze %dma_wait3A_1930 : memref<1x1x32x128xf32, #tpu.memory_space<vmem>> -> memref<32x128xf32, #tpu.memory_space<vmem>>
      %dma_wait3A_1932 = arith.constant 0 : i32
      %dma_wait3A_1933 = arith.constant 0 : i32
      %dma_wait3A_1934 = tpu.memref_slice %arg3[%dma_wait3A_1932, %dma_wait3A_1933] : memref<32x1000000xf32, #tpu.memory_space<hbm>> -> memref<32x128xf32, #tpu.memory_space<hbm>>
      tpu.wait_dma2 semaphore(%arg16 : memref<!tpu.dma_semaphore, #tpu.memory_space<semaphore_mem>>) src(%dma_wait3A_1934 : memref<32x128xf32, #tpu.memory_space<hbm>>) dst(%dma_wait3A_1931 : memref<32x128xf32, #tpu.memory_space<vmem>>)
      %dma_wait3A_1935 = arith.constant 0 : i32
      %dma_wait3A_1936 = arith.constant 0 : i32
      %dma_wait3A_1937 = arith.constant 0 : i32
      %dma_wait3A_1938 = arith.constant 0 : i32
      %dma_wait3A_1939 = tpu.memref_slice %arg10[%dma_wait3A_1935, %dma_wait3A_1936, %dma_wait3A_1937, %dma_wait3A_1938] : memref<2x4x32x128xf32, #tpu.memory_space<vmem>> -> memref<1x1x32x128xf32, #tpu.memory_space<vmem>>
      %dma_wait3A_1940 = tpu.memref_squeeze %dma_wait3A_1939 : memref<1x1x32x128xf32, #tpu.memory_space<vmem>> -> memref<32x128xf32, #tpu.memory_space<vmem>>
      %dma_wait3A_1941 = arith.constant 0 : i32
      %dma_wait3A_1942 = arith.constant 0 : i32
      %dma_wait3A_1943 = tpu.memref_slice %arg3[%dma_wait3A_1941, %dma_wait3A_1942] : memref<32x1000000xf32, #tpu.memory_space<hbm>> -> memref<32x128xf32, #tpu.memory_space<hbm>>
      %dma_wait3A_1944 = arith.constant 0 : i32
      %dma_wait3A_1945 = arith.constant 0 : i32
      %dma_wait3A_1946 = tpu.memref_slice %arg10[%dma_wait3A_1935, %dma_wait3A_1936, %dma_wait3A_1944, %dma_wait3A_1945] : memref<2x4x32x128xf32, #tpu.memory_space<vmem>> -> memref<1x1x32x128xf32, #tpu.memory_space<vmem>>
      %dma_wait3A_1947 = tpu.memref_squeeze %dma_wait3A_1946 : memref<1x1x32x128xf32, #tpu.memory_space<vmem>> -> memref<32x128xf32, #tpu.memory_space<vmem>>
      %dma_wait3A_1948 = arith.constant 0 : i32
      %dma_wait3A_1949 = arith.constant 0 : i32
      %dma_wait3A_1950 = tpu.memref_slice %arg3[%dma_wait3A_1948, %dma_wait3A_1949] : memref<32x1000000xf32, #tpu.memory_space<hbm>> -> memref<32x128xf32, #tpu.memory_space<hbm>>
      tpu.wait_dma2 semaphore(%arg16 : memref<!tpu.dma_semaphore, #tpu.memory_space<semaphore_mem>>) src(%dma_wait3A_1950 : memref<32x128xf32, #tpu.memory_space<hbm>>) dst(%dma_wait3A_1947 : memref<32x128xf32, #tpu.memory_space<vmem>>)
      %dma_wait3A_1951 = arith.constant 0 : i32
      %dma_wait3A_1952 = arith.constant 0 : i32
      %dma_wait3A_1953 = arith.constant 0 : i32
      %dma_wait3A_1954 = arith.constant 0 : i32
      %dma_wait3A_1955 = tpu.memref_slice %arg10[%dma_wait3A_1951, %dma_wait3A_1952, %dma_wait3A_1953, %dma_wait3A_1954] : memref<2x4x32x128xf32, #tpu.memory_space<vmem>> -> memref<1x1x32x128xf32, #tpu.memory_space<vmem>>
      %dma_wait3A_1956 = tpu.memref_squeeze %dma_wait3A_1955 : memref<1x1x32x128xf32, #tpu.memory_space<vmem>> -> memref<32x128xf32, #tpu.memory_space<vmem>>
      %dma_wait3A_1957 = arith.constant 0 : i32
      %dma_wait3A_1958 = arith.constant 0 : i32
      %dma_wait3A_1959 = tpu.memref_slice %arg3[%dma_wait3A_1957, %dma_wait3A_1958] : memref<32x1000000xf32, #tpu.memory_space<hbm>> -> memref<32x128xf32, #tpu.memory_space<hbm>>
      %dma_wait3A_1960 = arith.constant 0 : i32
      %dma_wait3A_1961 = arith.constant 0 : i32
      %dma_wait3A_1962 = tpu.memref_slice %arg10[%dma_wait3A_1951, %dma_wait3A_1952, %dma_wait3A_1960, %dma_wait3A_1961] : memref<2x4x32x128xf32, #tpu.memory_space<vmem>> -> memref<1x1x32x128xf32, #tpu.memory_space<vmem>>
      %dma_wait3A_1963 = tpu.memref_squeeze %dma_wait3A_1962 : memref<1x1x32x128xf32, #tpu.memory_space<vmem>> -> memref<32x128xf32, #tpu.memory_space<vmem>>
      %dma_wait3A_1964 = arith.constant 0 : i32
      %dma_wait3A_1965 = arith.constant 0 : i32
      %dma_wait3A_1966 = tpu.memref_slice %arg3[%dma_wait3A_1964, %dma_wait3A_1965] : memref<32x1000000xf32, #tpu.memory_space<hbm>> -> memref<32x128xf32, #tpu.memory_space<hbm>>
      tpu.wait_dma2 semaphore(%arg16 : memref<!tpu.dma_semaphore, #tpu.memory_space<semaphore_mem>>) src(%dma_wait3A_1966 : memref<32x128xf32, #tpu.memory_space<hbm>>) dst(%dma_wait3A_1963 : memref<32x128xf32, #tpu.memory_space<vmem>>)
      %dma_wait3A_1967 = arith.constant 0 : i32
      %dma_wait3A_1968 = arith.constant 0 : i32
      %dma_wait3A_1969 = arith.constant 0 : i32
      %dma_wait3A_1970 = arith.constant 0 : i32
      %dma_wait3A_1971 = tpu.memref_slice %arg10[%dma_wait3A_1967, %dma_wait3A_1968, %dma_wait3A_1969, %dma_wait3A_1970] : memref<2x4x32x128xf32, #tpu.memory_space<vmem>> -> memref<1x1x32x128xf32, #tpu.memory_space<vmem>>
      %dma_wait3A_1972 = tpu.memref_squeeze %dma_wait3A_1971 : memref<1x1x32x128xf32, #tpu.memory_space<vmem>> -> memref<32x128xf32, #tpu.memory_space<vmem>>
      %dma_wait3A_1973 = arith.constant 0 : i32
      %dma_wait3A_1974 = arith.constant 0 : i32
      %dma_wait3A_1975 = tpu.memref_slice %arg3[%dma_wait3A_1973, %dma_wait3A_1974] : memref<32x1000000xf32, #tpu.memory_space<hbm>> -> memref<32x128xf32, #tpu.memory_space<hbm>>
      %dma_wait3A_1976 = arith.constant 0 : i32
      %dma_wait3A_1977 = arith.constant 0 : i32
      %dma_wait3A_1978 = tpu.memref_slice %arg10[%dma_wait3A_1967, %dma_wait3A_1968, %dma_wait3A_1976, %dma_wait3A_1977] : memref<2x4x32x128xf32, #tpu.memory_space<vmem>> -> memref<1x1x32x128xf32, #tpu.memory_space<vmem>>
      %dma_wait3A_1979 = tpu.memref_squeeze %dma_wait3A_1978 : memref<1x1x32x128xf32, #tpu.memory_space<vmem>> -> memref<32x128xf32, #tpu.memory_space<vmem>>
      %dma_wait3A_1980 = arith.constant 0 : i32
      %dma_wait3A_1981 = arith.constant 0 : i32
      %dma_wait3A_1982 = tpu.memref_slice %arg3[%dma_wait3A_1980, %dma_wait3A_1981] : memref<32x1000000xf32, #tpu.memory_space<hbm>> -> memref<32x128xf32, #tpu.memory_space<hbm>>
      tpu.wait_dma2 semaphore(%arg16 : memref<!tpu.dma_semaphore, #tpu.memory_space<semaphore_mem>>) src(%dma_wait3A_1982 : memref<32x128xf32, #tpu.memory_space<hbm>>) dst(%dma_wait3A_1979 : memref<32x128xf32, #tpu.memory_space<vmem>>)
      %dma_wait3A_1983 = arith.constant 0 : i32
      %dma_wait3A_1984 = arith.constant 0 : i32
      %dma_wait3A_1985 = arith.constant 0 : i32
      %dma_wait3A_1986 = arith.constant 0 : i32
      %dma_wait3A_1987 = tpu.memref_slice %arg10[%dma_wait3A_1983, %dma_wait3A_1984, %dma_wait3A_1985, %dma_wait3A_1986] : memref<2x4x32x128xf32, #tpu.memory_space<vmem>> -> memref<1x1x32x128xf32, #tpu.memory_space<vmem>>
      %dma_wait3A_1988 = tpu.memref_squeeze %dma_wait3A_1987 : memref<1x1x32x128xf32, #tpu.memory_space<vmem>> -> memref<32x128xf32, #tpu.memory_space<vmem>>
      %dma_wait3A_1989 = arith.constant 0 : i32
      %dma_wait3A_1990 = arith.constant 0 : i32
      %dma_wait3A_1991 = tpu.memref_slice %arg3[%dma_wait3A_1989, %dma_wait3A_1990] : memref<32x1000000xf32, #tpu.memory_space<hbm>> -> memref<32x128xf32, #tpu.memory_space<hbm>>
      %dma_wait3A_1992 = arith.constant 0 : i32
      %dma_wait3A_1993 = arith.constant 0 : i32
      %dma_wait3A_1994 = tpu.memref_slice %arg10[%dma_wait3A_1983, %dma_wait3A_1984, %dma_wait3A_1992, %dma_wait3A_1993] : memref<2x4x32x128xf32, #tpu.memory_space<vmem>> -> memref<1x1x32x128xf32, #tpu.memory_space<vmem>>
      %dma_wait3A_1995 = tpu.memref_squeeze %dma_wait3A_1994 : memref<1x1x32x128xf32, #tpu.memory_space<vmem>> -> memref<32x128xf32, #tpu.memory_space<vmem>>
      %dma_wait3A_1996 = arith.constant 0 : i32
      %dma_wait3A_1997 = arith.constant 0 : i32
      %dma_wait3A_1998 = tpu.memref_slice %arg3[%dma_wait3A_1996, %dma_wait3A_1997] : memref<32x1000000xf32, #tpu.memory_space<hbm>> -> memref<32x128xf32, #tpu.memory_space<hbm>>
      tpu.wait_dma2 semaphore(%arg16 : memref<!tpu.dma_semaphore, #tpu.memory_space<semaphore_mem>>) src(%dma_wait3A_1998 : memref<32x128xf32, #tpu.memory_space<hbm>>) dst(%dma_wait3A_1995 : memref<32x128xf32, #tpu.memory_space<vmem>>)
      %dma_wait3A_1999 = arith.constant 0 : i32
      %dma_wait3A_2000 = arith.constant 0 : i32
      %dma_wait3A_2001 = arith.constant 0 : i32
      %dma_wait3A_2002 = arith.constant 0 : i32
      %dma_wait3A_2003 = tpu.memref_slice %arg10[%dma_wait3A_1999, %dma_wait3A_2000, %dma_wait3A_2001, %dma_wait3A_2002] : memref<2x4x32x128xf32, #tpu.memory_space<vmem>> -> memref<1x1x32x128xf32, #tpu.memory_space<vmem>>
      %dma_wait3A_2004 = tpu.memref_squeeze %dma_wait3A_2003 : memref<1x1x32x128xf32, #tpu.memory_space<vmem>> -> memref<32x128xf32, #tpu.memory_space<vmem>>
      %dma_wait3A_2005 = arith.constant 0 : i32
      %dma_wait3A_2006 = arith.constant 0 : i32
      %dma_wait3A_2007 = tpu.memref_slice %arg3[%dma_wait3A_2005, %dma_wait3A_2006] : memref<32x1000000xf32, #tpu.memory_space<hbm>> -> memref<32x128xf32, #tpu.memory_space<hbm>>
      %dma_wait3A_2008 = arith.constant 0 : i32
      %dma_wait3A_2009 = arith.constant 0 : i32
      %dma_wait3A_2010 = tpu.memref_slice %arg10[%dma_wait3A_1999, %dma_wait3A_2000, %dma_wait3A_2008, %dma_wait3A_2009] : memref<2x4x32x128xf32, #tpu.memory_space<vmem>> -> memref<1x1x32x128xf32, #tpu.memory_space<vmem>>
      %dma_wait3A_2011 = tpu.memref_squeeze %dma_wait3A_2010 : memref<1x1x32x128xf32, #tpu.memory_space<vmem>> -> memref<32x128xf32, #tpu.memory_space<vmem>>
      %dma_wait3A_2012 = arith.constant 0 : i32
      %dma_wait3A_2013 = arith.constant 0 : i32
      %dma_wait3A_2014 = tpu.memref_slice %arg3[%dma_wait3A_2012, %dma_wait3A_2013] : memref<32x1000000xf32, #tpu.memory_space<hbm>> -> memref<32x128xf32, #tpu.memory_space<hbm>>
      tpu.wait_dma2 semaphore(%arg16 : memref<!tpu.dma_semaphore, #tpu.memory_space<semaphore_mem>>) src(%dma_wait3A_2014 : memref<32x128xf32, #tpu.memory_space<hbm>>) dst(%dma_wait3A_2011 : memref<32x128xf32, #tpu.memory_space<vmem>>)
      %dma_wait3A_2015 = arith.constant 0 : i32
      %dma_wait3A_2016 = arith.constant 0 : i32
      %dma_wait3A_2017 = arith.constant 0 : i32
      %dma_wait3A_2018 = arith.constant 0 : i32
      %dma_wait3A_2019 = tpu.memref_slice %arg10[%dma_wait3A_2015, %dma_wait3A_2016, %dma_wait3A_2017, %dma_wait3A_2018] : memref<2x4x32x128xf32, #tpu.memory_space<vmem>> -> memref<1x1x32x128xf32, #tpu.memory_space<vmem>>
      %dma_wait3A_2020 = tpu.memref_squeeze %dma_wait3A_2019 : memref<1x1x32x128xf32, #tpu.memory_space<vmem>> -> memref<32x128xf32, #tpu.memory_space<vmem>>
      %dma_wait3A_2021 = arith.constant 0 : i32
      %dma_wait3A_2022 = arith.constant 0 : i32
      %dma_wait3A_2023 = tpu.memref_slice %arg3[%dma_wait3A_2021, %dma_wait3A_2022] : memref<32x1000000xf32, #tpu.memory_space<hbm>> -> memref<32x128xf32, #tpu.memory_space<hbm>>
      %dma_wait3A_2024 = arith.constant 0 : i32
      %dma_wait3A_2025 = arith.constant 0 : i32
      %dma_wait3A_2026 = tpu.memref_slice %arg10[%dma_wait3A_2015, %dma_wait3A_2016, %dma_wait3A_2024, %dma_wait3A_2025] : memref<2x4x32x128xf32, #tpu.memory_space<vmem>> -> memref<1x1x32x128xf32, #tpu.memory_space<vmem>>
      %dma_wait3A_2027 = tpu.memref_squeeze %dma_wait3A_2026 : memref<1x1x32x128xf32, #tpu.memory_space<vmem>> -> memref<32x128xf32, #tpu.memory_space<vmem>>
      %dma_wait3A_2028 = arith.constant 0 : i32
      %dma_wait3A_2029 = arith.constant 0 : i32
      %dma_wait3A_2030 = tpu.memref_slice %arg3[%dma_wait3A_2028, %dma_wait3A_2029] : memref<32x1000000xf32, #tpu.memory_space<hbm>> -> memref<32x128xf32, #tpu.memory_space<hbm>>
      tpu.wait_dma2 semaphore(%arg16 : memref<!tpu.dma_semaphore, #tpu.memory_space<semaphore_mem>>) src(%dma_wait3A_2030 : memref<32x128xf32, #tpu.memory_space<hbm>>) dst(%dma_wait3A_2027 : memref<32x128xf32, #tpu.memory_space<vmem>>)
      %dma_wait3A_2031 = arith.constant 0 : i32
      %dma_wait3A_2032 = arith.constant 0 : i32
      %dma_wait3A_2033 = arith.constant 0 : i32
      %dma_wait3A_2034 = arith.constant 0 : i32
      %dma_wait3A_2035 = tpu.memref_slice %arg10[%dma_wait3A_2031, %dma_wait3A_2032, %dma_wait3A_2033, %dma_wait3A_2034] : memref<2x4x32x128xf32, #tpu.memory_space<vmem>> -> memref<1x1x32x128xf32, #tpu.memory_space<vmem>>
      %dma_wait3A_2036 = tpu.memref_squeeze %dma_wait3A_2035 : memref<1x1x32x128xf32, #tpu.memory_space<vmem>> -> memref<32x128xf32, #tpu.memory_space<vmem>>
      %dma_wait3A_2037 = arith.constant 0 : i32
      %dma_wait3A_2038 = arith.constant 0 : i32
      %dma_wait3A_2039 = tpu.memref_slice %arg3[%dma_wait3A_2037, %dma_wait3A_2038] : memref<32x1000000xf32, #tpu.memory_space<hbm>> -> memref<32x128xf32, #tpu.memory_space<hbm>>
      %dma_wait3A_2040 = arith.constant 0 : i32
      %dma_wait3A_2041 = arith.constant 0 : i32
      %dma_wait3A_2042 = tpu.memref_slice %arg10[%dma_wait3A_2031, %dma_wait3A_2032, %dma_wait3A_2040, %dma_wait3A_2041] : memref<2x4x32x128xf32, #tpu.memory_space<vmem>> -> memref<1x1x32x128xf32, #tpu.memory_space<vmem>>
      %dma_wait3A_2043 = tpu.memref_squeeze %dma_wait3A_2042 : memref<1x1x32x128xf32, #tpu.memory_space<vmem>> -> memref<32x128xf32, #tpu.memory_space<vmem>>
      %dma_wait3A_2044 = arith.constant 0 : i32
      %dma_wait3A_2045 = arith.constant 0 : i32
      %dma_wait3A_2046 = tpu.memref_slice %arg3[%dma_wait3A_2044, %dma_wait3A_2045] : memref<32x1000000xf32, #tpu.memory_space<hbm>> -> memref<32x128xf32, #tpu.memory_space<hbm>>
      tpu.wait_dma2 semaphore(%arg16 : memref<!tpu.dma_semaphore, #tpu.memory_space<semaphore_mem>>) src(%dma_wait3A_2046 : memref<32x128xf32, #tpu.memory_space<hbm>>) dst(%dma_wait3A_2043 : memref<32x128xf32, #tpu.memory_space<vmem>>)
      %mul3A_2047 = arith.constant 4 : i32
      %mul3A_2048 = arith.muli %add3A_1918, %mul3A_2047 : i32
      %add3A_2049 = arith.constant 0 : i32
      %add3A_2050 = arith.addi %mul3A_2048, %add3A_2049 : i32
      %get3A_2051 = arith.index_cast %add3A_2050 : i32 to index
      %get3A_2052 = tpu.vector_load %arg8[%get3A_2051] {strides = array<i32>} : memref<528xi32, #tpu.memory_space<vmem>>, vector<16xi32>,
      %get3A_2053 = arith.index_cast %add3A_2050 : i32 to index
      %get3A_2054 = tpu.vector_load %arg9[%get3A_2053] {strides = array<i32>} : memref<528xi32, #tpu.memory_space<vmem>>, vector<16xi32>,
      %slice3A_2055 = vector.extract_strided_slice %get3A_2052 {offsets = [0], sizes = [1], strides = [1]} : vector<16xi32> to vector<1xi32>
      %squeeze3A_2056 = vector.extract %slice3A_2055[0] : i32 from vector<1xi32>
      %slice3A_2057 = vector.extract_strided_slice %get3A_2054 {offsets = [0], sizes = [1], strides = [1]} : vector<16xi32> to vector<1xi32>
      %squeeze3A_2058 = vector.extract %slice3A_2057[0] : i32 from vector<1xi32>
      %jit3A_2059 = arith.constant 128 : i32
      %eq3A_2060 = arith.constant 0 : i32
      %eq3A_2061 = arith.cmpi eq, %jit3A_2059, %eq3A_2060 : i32
      %jit3A_2062 = arith.constant 1 : i32
      %select_n3A_2063 = arith.select %eq3A_2061, %jit3A_2062, %jit3A_2059 : i32
      %rem3A_2064 = arith.remsi %squeeze3A_2056, %select_n3A_2063 : i32
      %ne3A_2065 = arith.constant 0 : i32
      %ne3A_2066 = arith.cmpi ne, %rem3A_2064, %ne3A_2065 : i32
      %lt3A_2067 = arith.constant 0 : i32
      %lt3A_2068 = arith.cmpi slt, %rem3A_2064, %lt3A_2067 : i32
      %lt3A_2069 = arith.constant 0 : i32
      %lt3A_2070 = arith.cmpi slt, %select_n3A_2063, %lt3A_2069 : i32
      %ne3A_2071 = arith.xori %lt3A_2068, %lt3A_2070 : i1
      %and3A_2072 = arith.andi %ne3A_2071, %ne3A_2066 : i1
      %add3A_2073 = arith.addi %rem3A_2064, %select_n3A_2063 : i32
      %select_n3A_2074 = arith.select %and3A_2072, %add3A_2073, %rem3A_2064 : i32
      %broadcast_in_dim3A_2075 = vector.broadcast %select_n3A_2074 : i32 to vector<16xi32>
      %jit3A_2076 = arith.constant 128 : i32
      %eq3A_2077 = arith.constant 0 : i32
      %eq3A_2078 = arith.cmpi eq, %jit3A_2076, %eq3A_2077 : i32
      %jit3A_2079 = arith.constant 1 : i32
      %select_n3A_2080 = arith.select %eq3A_2078, %jit3A_2079, %jit3A_2076 : i32
      %rem3A_2081 = arith.remsi %squeeze3A_2058, %select_n3A_2080 : i32
      %ne3A_2082 = arith.constant 0 : i32
      %ne3A_2083 = arith.cmpi ne, %rem3A_2081, %ne3A_2082 : i32
      %lt3A_2084 = arith.constant 0 : i32
      %lt3A_2085 = arith.cmpi slt, %rem3A_2081, %lt3A_2084 : i32
      %lt3A_2086 = arith.constant 0 : i32
      %lt3A_2087 = arith.cmpi slt, %select_n3A_2080, %lt3A_2086 : i32
      %ne3A_2088 = arith.xori %lt3A_2085, %lt3A_2087 : i1
      %and3A_2089 = arith.andi %ne3A_2088, %ne3A_2083 : i1
      %add3A_2090 = arith.addi %rem3A_2081, %select_n3A_2080 : i32
      %select_n3A_2091 = arith.select %and3A_2089, %add3A_2090, %rem3A_2081 : i32
      %broadcast_in_dim3A_2092 = vector.broadcast %select_n3A_2091 : i32 to vector<16xi32>
      %gather3A_2093 = arith.constant 1 : i32
      %gather3A_2094 = arith.constant 0 : i32
      %gather3A_2095 = arith.constant 0 : i32
      %gather3A_2096 = arith.constant 0 : i32
      %gather3A_2097 = tpu.memref_slice %arg10[%gather3A_2093, %gather3A_2094, %gather3A_2095, %gather3A_2096] : memref<2x4x32x128xf32, #tpu.memory_space<vmem>> -> memref<1x1x32x128xf32, #tpu.memory_space<vmem>>
      %gather3A_2098 = tpu.memref_squeeze %gather3A_2097 : memref<1x1x32x128xf32, #tpu.memory_space<vmem>> -> memref<32x128xf32, #tpu.memory_space<vmem>>
      %gather3A_2099 = tpu.vector_load_idx %gather3A_2098[%iota3A, %broadcast_in_dim3A_2075] : memref<32x128xf32, #tpu.memory_space<vmem>>[vector<16xi32>, vector<16xi32>], vector<16xf32>,
      %gather3A_2100 = arith.constant 1 : i32
      %gather3A_2101 = arith.constant 0 : i32
      %gather3A_2102 = arith.constant 0 : i32
      %gather3A_2103 = arith.constant 0 : i32
      %gather3A_2104 = tpu.memref_slice %arg10[%gather3A_2100, %gather3A_2101, %gather3A_2102, %gather3A_2103] : memref<2x4x32x128xf32, #tpu.memory_space<vmem>> -> memref<1x1x32x128xf32, #tpu.memory_space<vmem>>
      %gather3A_2105 = tpu.memref_squeeze %gather3A_2104 : memref<1x1x32x128xf32, #tpu.memory_space<vmem>> -> memref<32x128xf32, #tpu.memory_space<vmem>>
      %gather3A_2106 = tpu.vector_load_idx %gather3A_2105[%add3A_25, %broadcast_in_dim3A_2075] : memref<32x128xf32, #tpu.memory_space<vmem>>[vector<16xi32>, vector<16xi32>], vector<16xf32>,
      %gather3A_2107 = arith.constant 1 : i32
      %gather3A_2108 = arith.constant 0 : i32
      %gather3A_2109 = arith.constant 0 : i32
      %gather3A_2110 = arith.constant 0 : i32
      %gather3A_2111 = tpu.memref_slice %arg11[%gather3A_2107, %gather3A_2108, %gather3A_2109, %gather3A_2110] : memref<2x4x32x128xf32, #tpu.memory_space<vmem>> -> memref<1x1x32x128xf32, #tpu.memory_space<vmem>>
      %gather3A_2112 = tpu.memref_squeeze %gather3A_2111 : memref<1x1x32x128xf32, #tpu.memory_space<vmem>> -> memref<32x128xf32, #tpu.memory_space<vmem>>
      %gather3A_2113 = tpu.vector_load_idx %gather3A_2112[%iota3A, %broadcast_in_dim3A_2092] : memref<32x128xf32, #tpu.memory_space<vmem>>[vector<16xi32>, vector<16xi32>], vector<16xf32>,
      %gather3A_2114 = arith.constant 1 : i32
      %gather3A_2115 = arith.constant 0 : i32
      %gather3A_2116 = arith.constant 0 : i32
      %gather3A_2117 = arith.constant 0 : i32
      %gather3A_2118 = tpu.memref_slice %arg11[%gather3A_2114, %gather3A_2115, %gather3A_2116, %gather3A_2117] : memref<2x4x32x128xf32, #tpu.memory_space<vmem>> -> memref<1x1x32x128xf32, #tpu.memory_space<vmem>>
      %gather3A_2119 = tpu.memref_squeeze %gather3A_2118 : memref<1x1x32x128xf32, #tpu.memory_space<vmem>> -> memref<32x128xf32, #tpu.memory_space<vmem>>
      %gather3A_2120 = tpu.vector_load_idx %gather3A_2119[%add3A_25, %broadcast_in_dim3A_2092] : memref<32x128xf32, #tpu.memory_space<vmem>>[vector<16xi32>, vector<16xi32>], vector<16xf32>,
      %mul3A_2121 = arith.mulf %gather3A_2099, %gather3A_2113 : vector<16xf32>
      %mul3A_2122 = arith.mulf %gather3A_2106, %gather3A_2120 : vector<16xf32>
      %add3A_2123 = arith.addf %mul3A_2121, %mul3A_2122 : vector<16xf32>
      %reduce_sum3A_2124 = arith.constant true
      %reduce_sum3A_2125 = vector.broadcast %reduce_sum3A_2124 : i1 to vector<16xi1>
      %reduce_sum3A_2126 = tpu.scan <sum>, %add3A_2123 masked %reduce_sum3A_2125 : vector<16xf32>, vector<16xi1> -> vector<16xf32>
      %reduce_sum3A_2127 = vector.extract %reduce_sum3A_2126[15] : f32 from vector<16xf32>
      %eq3A_2128 = arith.constant 4 : i32
      %eq3A_2129 = vector.broadcast %eq3A_2128 : i32 to vector<16xi32>
      %eq3A_2130 = arith.cmpi eq, %iota3A, %eq3A_2129 : vector<16xi32>
      %add3A_2131 = vector.broadcast %reduce_sum3A_2127 : f32 to vector<16xf32>
      %add3A_2132 = arith.addf %select_n3A_1528, %add3A_2131 : vector<16xf32>
      %select_n3A_2133 = arith.select %eq3A_2130, %add3A_2132, %select_n3A_1528 : vector<16xi1>, vector<16xf32>
      %mul3A_2134 = arith.constant 4 : i32
      %mul3A_2135 = arith.muli %add3A_1918, %mul3A_2134 : i32
      %add3A_2136 = arith.constant 1 : i32
      %add3A_2137 = arith.addi %mul3A_2135, %add3A_2136 : i32
      %get3A_2138 = arith.index_cast %add3A_2137 : i32 to index
      %get3A_2139 = tpu.vector_load %arg8[%get3A_2138] {strides = array<i32>} : memref<528xi32, #tpu.memory_space<vmem>>, vector<16xi32>,
      %get3A_2140 = arith.index_cast %add3A_2137 : i32 to index
      %get3A_2141 = tpu.vector_load %arg9[%get3A_2140] {strides = array<i32>} : memref<528xi32, #tpu.memory_space<vmem>>, vector<16xi32>,
      %slice3A_2142 = vector.extract_strided_slice %get3A_2139 {offsets = [0], sizes = [1], strides = [1]} : vector<16xi32> to vector<1xi32>
      %squeeze3A_2143 = vector.extract %slice3A_2142[0] : i32 from vector<1xi32>
      %slice3A_2144 = vector.extract_strided_slice %get3A_2141 {offsets = [0], sizes = [1], strides = [1]} : vector<16xi32> to vector<1xi32>
      %squeeze3A_2145 = vector.extract %slice3A_2144[0] : i32 from vector<1xi32>
      %jit3A_2146 = arith.constant 128 : i32
      %eq3A_2147 = arith.constant 0 : i32
      %eq3A_2148 = arith.cmpi eq, %jit3A_2146, %eq3A_2147 : i32
      %jit3A_2149 = arith.constant 1 : i32
      %select_n3A_2150 = arith.select %eq3A_2148, %jit3A_2149, %jit3A_2146 : i32
      %rem3A_2151 = arith.remsi %squeeze3A_2143, %select_n3A_2150 : i32
      %ne3A_2152 = arith.constant 0 : i32
      %ne3A_2153 = arith.cmpi ne, %rem3A_2151, %ne3A_2152 : i32
      %lt3A_2154 = arith.constant 0 : i32
      %lt3A_2155 = arith.cmpi slt, %rem3A_2151, %lt3A_2154 : i32
      %lt3A_2156 = arith.constant 0 : i32
      %lt3A_2157 = arith.cmpi slt, %select_n3A_2150, %lt3A_2156 : i32
      %ne3A_2158 = arith.xori %lt3A_2155, %lt3A_2157 : i1
      %and3A_2159 = arith.andi %ne3A_2158, %ne3A_2153 : i1
      %add3A_2160 = arith.addi %rem3A_2151, %select_n3A_2150 : i32
      %select_n3A_2161 = arith.select %and3A_2159, %add3A_2160, %rem3A_2151 : i32
      %broadcast_in_dim3A_2162 = vector.broadcast %select_n3A_2161 : i32 to vector<16xi32>
      %jit3A_2163 = arith.constant 128 : i32
      %eq3A_2164 = arith.constant 0 : i32
      %eq3A_2165 = arith.cmpi eq, %jit3A_2163, %eq3A_2164 : i32
      %jit3A_2166 = arith.constant 1 : i32
      %select_n3A_2167 = arith.select %eq3A_2165, %jit3A_2166, %jit3A_2163 : i32
      %rem3A_2168 = arith.remsi %squeeze3A_2145, %select_n3A_2167 : i32
      %ne3A_2169 = arith.constant 0 : i32
      %ne3A_2170 = arith.cmpi ne, %rem3A_2168, %ne3A_2169 : i32
      %lt3A_2171 = arith.constant 0 : i32
      %lt3A_2172 = arith.cmpi slt, %rem3A_2168, %lt3A_2171 : i32
      %lt3A_2173 = arith.constant 0 : i32
      %lt3A_2174 = arith.cmpi slt, %select_n3A_2167, %lt3A_2173 : i32
      %ne3A_2175 = arith.xori %lt3A_2172, %lt3A_2174 : i1
      %and3A_2176 = arith.andi %ne3A_2175, %ne3A_2170 : i1
      %add3A_2177 = arith.addi %rem3A_2168, %select_n3A_2167 : i32
      %select_n3A_2178 = arith.select %and3A_2176, %add3A_2177, %rem3A_2168 : i32
      %broadcast_in_dim3A_2179 = vector.broadcast %select_n3A_2178 : i32 to vector<16xi32>
      %gather3A_2180 = arith.constant 1 : i32
      %gather3A_2181 = arith.constant 1 : i32
      %gather3A_2182 = arith.constant 0 : i32
      %gather3A_2183 = arith.constant 0 : i32
      %gather3A_2184 = tpu.memref_slice %arg10[%gather3A_2180, %gather3A_2181, %gather3A_2182, %gather3A_2183] : memref<2x4x32x128xf32, #tpu.memory_space<vmem>> -> memref<1x1x32x128xf32, #tpu.memory_space<vmem>>
      %gather3A_2185 = tpu.memref_squeeze %gather3A_2184 : memref<1x1x32x128xf32, #tpu.memory_space<vmem>> -> memref<32x128xf32, #tpu.memory_space<vmem>>
      %gather3A_2186 = tpu.vector_load_idx %gather3A_2185[%iota3A, %broadcast_in_dim3A_2162] : memref<32x128xf32, #tpu.memory_space<vmem>>[vector<16xi32>, vector<16xi32>], vector<16xf32>,
      %gather3A_2187 = arith.constant 1 : i32
      %gather3A_2188 = arith.constant 1 : i32
      %gather3A_2189 = arith.constant 0 : i32
      %gather3A_2190 = arith.constant 0 : i32
      %gather3A_2191 = tpu.memref_slice %arg10[%gather3A_2187, %gather3A_2188, %gather3A_2189, %gather3A_2190] : memref<2x4x32x128xf32, #tpu.memory_space<vmem>> -> memref<1x1x32x128xf32, #tpu.memory_space<vmem>>
      %gather3A_2192 = tpu.memref_squeeze %gather3A_2191 : memref<1x1x32x128xf32, #tpu.memory_space<vmem>> -> memref<32x128xf32, #tpu.memory_space<vmem>>
      %gather3A_2193 = tpu.vector_load_idx %gather3A_2192[%add3A_25, %broadcast_in_dim3A_2162] : memref<32x128xf32, #tpu.memory_space<vmem>>[vector<16xi32>, vector<16xi32>], vector<16xf32>,
      %gather3A_2194 = arith.constant 1 : i32
      %gather3A_2195 = arith.constant 1 : i32
      %gather3A_2196 = arith.constant 0 : i32
      %gather3A_2197 = arith.constant 0 : i32
      %gather3A_2198 = tpu.memref_slice %arg11[%gather3A_2194, %gather3A_2195, %gather3A_2196, %gather3A_2197] : memref<2x4x32x128xf32, #tpu.memory_space<vmem>> -> memref<1x1x32x128xf32, #tpu.memory_space<vmem>>
      %gather3A_2199 = tpu.memref_squeeze %gather3A_2198 : memref<1x1x32x128xf32, #tpu.memory_space<vmem>> -> memref<32x128xf32, #tpu.memory_space<vmem>>
      %gather3A_2200 = tpu.vector_load_idx %gather3A_2199[%iota3A, %broadcast_in_dim3A_2179] : memref<32x128xf32, #tpu.memory_space<vmem>>[vector<16xi32>, vector<16xi32>], vector<16xf32>,
      %gather3A_2201 = arith.constant 1 : i32
      %gather3A_2202 = arith.constant 1 : i32
      %gather3A_2203 = arith.constant 0 : i32
      %gather3A_2204 = arith.constant 0 : i32
      %gather3A_2205 = tpu.memref_slice %arg11[%gather3A_2201, %gather3A_2202, %gather3A_2203, %gather3A_2204] : memref<2x4x32x128xf32, #tpu.memory_space<vmem>> -> memref<1x1x32x128xf32, #tpu.memory_space<vmem>>
      %gather3A_2206 = tpu.memref_squeeze %gather3A_2205 : memref<1x1x32x128xf32, #tpu.memory_space<vmem>> -> memref<32x128xf32, #tpu.memory_space<vmem>>
      %gather3A_2207 = tpu.vector_load_idx %gather3A_2206[%add3A_25, %broadcast_in_dim3A_2179] : memref<32x128xf32, #tpu.memory_space<vmem>>[vector<16xi32>, vector<16xi32>], vector<16xf32>,
      %mul3A_2208 = arith.mulf %gather3A_2186, %gather3A_2200 : vector<16xf32>
      %mul3A_2209 = arith.mulf %gather3A_2193, %gather3A_2207 : vector<16xf32>
      %add3A_2210 = arith.addf %mul3A_2208, %mul3A_2209 : vector<16xf32>
      %reduce_sum3A_2211 = arith.constant true
      %reduce_sum3A_2212 = vector.broadcast %reduce_sum3A_2211 : i1 to vector<16xi1>
      %reduce_sum3A_2213 = tpu.scan <sum>, %add3A_2210 masked %reduce_sum3A_2212 : vector<16xf32>, vector<16xi1> -> vector<16xf32>
      %reduce_sum3A_2214 = vector.extract %reduce_sum3A_2213[15] : f32 from vector<16xf32>
      %eq3A_2215 = arith.constant 5 : i32
      %eq3A_2216 = vector.broadcast %eq3A_2215 : i32 to vector<16xi32>
      %eq3A_2217 = arith.cmpi eq, %iota3A, %eq3A_2216 : vector<16xi32>
      %add3A_2218 = vector.broadcast %reduce_sum3A_2214 : f32 to vector<16xf32>
      %add3A_2219 = arith.addf %select_n3A_2133, %add3A_2218 : vector<16xf32>
      %select_n3A_2220 = arith.select %eq3A_2217, %add3A_2219, %select_n3A_2133 : vector<16xi1>, vector<16xf32>
      %mul3A_2221 = arith.constant 4 : i32
      %mul3A_2222 = arith.muli %add3A_1918, %mul3A_2221 : i32
      %add3A_2223 = arith.constant 2 : i32
      %add3A_2224 = arith.addi %mul3A_2222, %add3A_2223 : i32
      %get3A_2225 = arith.index_cast %add3A_2224 : i32 to index
      %get3A_2226 = tpu.vector_load %arg8[%get3A_2225] {strides = array<i32>} : memref<528xi32, #tpu.memory_space<vmem>>, vector<16xi32>,
      %get3A_2227 = arith.index_cast %add3A_2224 : i32 to index
      %get3A_2228 = tpu.vector_load %arg9[%get3A_2227] {strides = array<i32>} : memref<528xi32, #tpu.memory_space<vmem>>, vector<16xi32>,
      %slice3A_2229 = vector.extract_strided_slice %get3A_2226 {offsets = [0], sizes = [1], strides = [1]} : vector<16xi32> to vector<1xi32>
      %squeeze3A_2230 = vector.extract %slice3A_2229[0] : i32 from vector<1xi32>
      %slice3A_2231 = vector.extract_strided_slice %get3A_2228 {offsets = [0], sizes = [1], strides = [1]} : vector<16xi32> to vector<1xi32>
      %squeeze3A_2232 = vector.extract %slice3A_2231[0] : i32 from vector<1xi32>
      %jit3A_2233 = arith.constant 128 : i32
      %eq3A_2234 = arith.constant 0 : i32
      %eq3A_2235 = arith.cmpi eq, %jit3A_2233, %eq3A_2234 : i32
      %jit3A_2236 = arith.constant 1 : i32
      %select_n3A_2237 = arith.select %eq3A_2235, %jit3A_2236, %jit3A_2233 : i32
      %rem3A_2238 = arith.remsi %squeeze3A_2230, %select_n3A_2237 : i32
      %ne3A_2239 = arith.constant 0 : i32
      %ne3A_2240 = arith.cmpi ne, %rem3A_2238, %ne3A_2239 : i32
      %lt3A_2241 = arith.constant 0 : i32
      %lt3A_2242 = arith.cmpi slt, %rem3A_2238, %lt3A_2241 : i32
      %lt3A_2243 = arith.constant 0 : i32
      %lt3A_2244 = arith.cmpi slt, %select_n3A_2237, %lt3A_2243 : i32
      %ne3A_2245 = arith.xori %lt3A_2242, %lt3A_2244 : i1
      %and3A_2246 = arith.andi %ne3A_2245, %ne3A_2240 : i1
      %add3A_2247 = arith.addi %rem3A_2238, %select_n3A_2237 : i32
      %select_n3A_2248 = arith.select %and3A_2246, %add3A_2247, %rem3A_2238 : i32
      %broadcast_in_dim3A_2249 = vector.broadcast %select_n3A_2248 : i32 to vector<16xi32>
      %jit3A_2250 = arith.constant 128 : i32
      %eq3A_2251 = arith.constant 0 : i32
      %eq3A_2252 = arith.cmpi eq, %jit3A_2250, %eq3A_2251 : i32
      %jit3A_2253 = arith.constant 1 : i32
      %select_n3A_2254 = arith.select %eq3A_2252, %jit3A_2253, %jit3A_2250 : i32
      %rem3A_2255 = arith.remsi %squeeze3A_2232, %select_n3A_2254 : i32
      %ne3A_2256 = arith.constant 0 : i32
      %ne3A_2257 = arith.cmpi ne, %rem3A_2255, %ne3A_2256 : i32
      %lt3A_2258 = arith.constant 0 : i32
      %lt3A_2259 = arith.cmpi slt, %rem3A_2255, %lt3A_2258 : i32
      %lt3A_2260 = arith.constant 0 : i32
      %lt3A_2261 = arith.cmpi slt, %select_n3A_2254, %lt3A_2260 : i32
      %ne3A_2262 = arith.xori %lt3A_2259, %lt3A_2261 : i1
      %and3A_2263 = arith.andi %ne3A_2262, %ne3A_2257 : i1
      %add3A_2264 = arith.addi %rem3A_2255, %select_n3A_2254 : i32
      %select_n3A_2265 = arith.select %and3A_2263, %add3A_2264, %rem3A_2255 : i32
      %broadcast_in_dim3A_2266 = vector.broadcast %select_n3A_2265 : i32 to vector<16xi32>
      %gather3A_2267 = arith.constant 1 : i32
      %gather3A_2268 = arith.constant 2 : i32
      %gather3A_2269 = arith.constant 0 : i32
      %gather3A_2270 = arith.constant 0 : i32
      %gather3A_2271 = tpu.memref_slice %arg10[%gather3A_2267, %gather3A_2268, %gather3A_2269, %gather3A_2270] : memref<2x4x32x128xf32, #tpu.memory_space<vmem>> -> memref<1x1x32x128xf32, #tpu.memory_space<vmem>>
      %gather3A_2272 = tpu.memref_squeeze %gather3A_2271 : memref<1x1x32x128xf32, #tpu.memory_space<vmem>> -> memref<32x128xf32, #tpu.memory_space<vmem>>
      %gather3A_2273 = tpu.vector_load_idx %gather3A_2272[%iota3A, %broadcast_in_dim3A_2249] : memref<32x128xf32, #tpu.memory_space<vmem>>[vector<16xi32>, vector<16xi32>], vector<16xf32>,
      %gather3A_2274 = arith.constant 1 : i32
      %gather3A_2275 = arith.constant 2 : i32
      %gather3A_2276 = arith.constant 0 : i32
      %gather3A_2277 = arith.constant 0 : i32
      %gather3A_2278 = tpu.memref_slice %arg10[%gather3A_2274, %gather3A_2275, %gather3A_2276, %gather3A_2277] : memref<2x4x32x128xf32, #tpu.memory_space<vmem>> -> memref<1x1x32x128xf32, #tpu.memory_space<vmem>>
      %gather3A_2279 = tpu.memref_squeeze %gather3A_2278 : memref<1x1x32x128xf32, #tpu.memory_space<vmem>> -> memref<32x128xf32, #tpu.memory_space<vmem>>
      %gather3A_2280 = tpu.vector_load_idx %gather3A_2279[%add3A_25, %broadcast_in_dim3A_2249] : memref<32x128xf32, #tpu.memory_space<vmem>>[vector<16xi32>, vector<16xi32>], vector<16xf32>,
      %gather3A_2281 = arith.constant 1 : i32
      %gather3A_2282 = arith.constant 2 : i32
      %gather3A_2283 = arith.constant 0 : i32
      %gather3A_2284 = arith.constant 0 : i32
      %gather3A_2285 = tpu.memref_slice %arg11[%gather3A_2281, %gather3A_2282, %gather3A_2283, %gather3A_2284] : memref<2x4x32x128xf32, #tpu.memory_space<vmem>> -> memref<1x1x32x128xf32, #tpu.memory_space<vmem>>
      %gather3A_2286 = tpu.memref_squeeze %gather3A_2285 : memref<1x1x32x128xf32, #tpu.memory_space<vmem>> -> memref<32x128xf32, #tpu.memory_space<vmem>>
      %gather3A_2287 = tpu.vector_load_idx %gather3A_2286[%iota3A, %broadcast_in_dim3A_2266] : memref<32x128xf32, #tpu.memory_space<vmem>>[vector<16xi32>, vector<16xi32>], vector<16xf32>,
      %gather3A_2288 = arith.constant 1 : i32
      %gather3A_2289 = arith.constant 2 : i32
      %gather3A_2290 = arith.constant 0 : i32
      %gather3A_2291 = arith.constant 0 : i32
      %gather3A_2292 = tpu.memref_slice %arg11[%gather3A_2288, %gather3A_2289, %gather3A_2290, %gather3A_2291] : memref<2x4x32x128xf32, #tpu.memory_space<vmem>> -> memref<1x1x32x128xf32, #tpu.memory_space<vmem>>
      %gather3A_2293 = tpu.memref_squeeze %gather3A_2292 : memref<1x1x32x128xf32, #tpu.memory_space<vmem>> -> memref<32x128xf32, #tpu.memory_space<vmem>>
      %gather3A_2294 = tpu.vector_load_idx %gather3A_2293[%add3A_25, %broadcast_in_dim3A_2266] : memref<32x128xf32, #tpu.memory_space<vmem>>[vector<16xi32>, vector<16xi32>], vector<16xf32>,
      %mul3A_2295 = arith.mulf %gather3A_2273, %gather3A_2287 : vector<16xf32>
      %mul3A_2296 = arith.mulf %gather3A_2280, %gather3A_2294 : vector<16xf32>
      %add3A_2297 = arith.addf %mul3A_2295, %mul3A_2296 : vector<16xf32>
      %reduce_sum3A_2298 = arith.constant true
      %reduce_sum3A_2299 = vector.broadcast %reduce_sum3A_2298 : i1 to vector<16xi1>
      %reduce_sum3A_2300 = tpu.scan <sum>, %add3A_2297 masked %reduce_sum3A_2299 : vector<16xf32>, vector<16xi1> -> vector<16xf32>
      %reduce_sum3A_2301 = vector.extract %reduce_sum3A_2300[15] : f32 from vector<16xf32>
      %eq3A_2302 = arith.constant 6 : i32
      %eq3A_2303 = vector.broadcast %eq3A_2302 : i32 to vector<16xi32>
      %eq3A_2304 = arith.cmpi eq, %iota3A, %eq3A_2303 : vector<16xi32>
      %add3A_2305 = vector.broadcast %reduce_sum3A_2301 : f32 to vector<16xf32>
      %add3A_2306 = arith.addf %select_n3A_2220, %add3A_2305 : vector<16xf32>
      %select_n3A_2307 = arith.select %eq3A_2304, %add3A_2306, %select_n3A_2220 : vector<16xi1>, vector<16xf32>
      %mul3A_2308 = arith.constant 4 : i32
      %mul3A_2309 = arith.muli %add3A_1918, %mul3A_2308 : i32
      %add3A_2310 = arith.constant 3 : i32
      %add3A_2311 = arith.addi %mul3A_2309, %add3A_2310 : i32
      %get3A_2312 = arith.index_cast %add3A_2311 : i32 to index
      %get3A_2313 = tpu.vector_load %arg8[%get3A_2312] {strides = array<i32>} : memref<528xi32, #tpu.memory_space<vmem>>, vector<16xi32>,
      %get3A_2314 = arith.index_cast %add3A_2311 : i32 to index
      %get3A_2315 = tpu.vector_load %arg9[%get3A_2314] {strides = array<i32>} : memref<528xi32, #tpu.memory_space<vmem>>, vector<16xi32>,
      %slice3A_2316 = vector.extract_strided_slice %get3A_2313 {offsets = [0], sizes = [1], strides = [1]} : vector<16xi32> to vector<1xi32>
      %squeeze3A_2317 = vector.extract %slice3A_2316[0] : i32 from vector<1xi32>
      %slice3A_2318 = vector.extract_strided_slice %get3A_2315 {offsets = [0], sizes = [1], strides = [1]} : vector<16xi32> to vector<1xi32>
      %squeeze3A_2319 = vector.extract %slice3A_2318[0] : i32 from vector<1xi32>
      %jit3A_2320 = arith.constant 128 : i32
      %eq3A_2321 = arith.constant 0 : i32
      %eq3A_2322 = arith.cmpi eq, %jit3A_2320, %eq3A_2321 : i32
      %jit3A_2323 = arith.constant 1 : i32
      %select_n3A_2324 = arith.select %eq3A_2322, %jit3A_2323, %jit3A_2320 : i32
      %rem3A_2325 = arith.remsi %squeeze3A_2317, %select_n3A_2324 : i32
      %ne3A_2326 = arith.constant 0 : i32
      %ne3A_2327 = arith.cmpi ne, %rem3A_2325, %ne3A_2326 : i32
      %lt3A_2328 = arith.constant 0 : i32
      %lt3A_2329 = arith.cmpi slt, %rem3A_2325, %lt3A_2328 : i32
      %lt3A_2330 = arith.constant 0 : i32
      %lt3A_2331 = arith.cmpi slt, %select_n3A_2324, %lt3A_2330 : i32
      %ne3A_2332 = arith.xori %lt3A_2329, %lt3A_2331 : i1
      %and3A_2333 = arith.andi %ne3A_2332, %ne3A_2327 : i1
      %add3A_2334 = arith.addi %rem3A_2325, %select_n3A_2324 : i32
      %select_n3A_2335 = arith.select %and3A_2333, %add3A_2334, %rem3A_2325 : i32
      %broadcast_in_dim3A_2336 = vector.broadcast %select_n3A_2335 : i32 to vector<16xi32>
      %jit3A_2337 = arith.constant 128 : i32
      %eq3A_2338 = arith.constant 0 : i32
      %eq3A_2339 = arith.cmpi eq, %jit3A_2337, %eq3A_2338 : i32
      %jit3A_2340 = arith.constant 1 : i32
      %select_n3A_2341 = arith.select %eq3A_2339, %jit3A_2340, %jit3A_2337 : i32
      %rem3A_2342 = arith.remsi %squeeze3A_2319, %select_n3A_2341 : i32
      %ne3A_2343 = arith.constant 0 : i32
      %ne3A_2344 = arith.cmpi ne, %rem3A_2342, %ne3A_2343 : i32
      %lt3A_2345 = arith.constant 0 : i32
      %lt3A_2346 = arith.cmpi slt, %rem3A_2342, %lt3A_2345 : i32
      %lt3A_2347 = arith.constant 0 : i32
      %lt3A_2348 = arith.cmpi slt, %select_n3A_2341, %lt3A_2347 : i32
      %ne3A_2349 = arith.xori %lt3A_2346, %lt3A_2348 : i1
      %and3A_2350 = arith.andi %ne3A_2349, %ne3A_2344 : i1
      %add3A_2351 = arith.addi %rem3A_2342, %select_n3A_2341 : i32
      %select_n3A_2352 = arith.select %and3A_2350, %add3A_2351, %rem3A_2342 : i32
      %broadcast_in_dim3A_2353 = vector.broadcast %select_n3A_2352 : i32 to vector<16xi32>
      %gather3A_2354 = arith.constant 1 : i32
      %gather3A_2355 = arith.constant 3 : i32
      %gather3A_2356 = arith.constant 0 : i32
      %gather3A_2357 = arith.constant 0 : i32
      %gather3A_2358 = tpu.memref_slice %arg10[%gather3A_2354, %gather3A_2355, %gather3A_2356, %gather3A_2357] : memref<2x4x32x128xf32, #tpu.memory_space<vmem>> -> memref<1x1x32x128xf32, #tpu.memory_space<vmem>>
      %gather3A_2359 = tpu.memref_squeeze %gather3A_2358 : memref<1x1x32x128xf32, #tpu.memory_space<vmem>> -> memref<32x128xf32, #tpu.memory_space<vmem>>
      %gather3A_2360 = tpu.vector_load_idx %gather3A_2359[%iota3A, %broadcast_in_dim3A_2336] : memref<32x128xf32, #tpu.memory_space<vmem>>[vector<16xi32>, vector<16xi32>], vector<16xf32>,
      %gather3A_2361 = arith.constant 1 : i32
      %gather3A_2362 = arith.constant 3 : i32
      %gather3A_2363 = arith.constant 0 : i32
      %gather3A_2364 = arith.constant 0 : i32
      %gather3A_2365 = tpu.memref_slice %arg10[%gather3A_2361, %gather3A_2362, %gather3A_2363, %gather3A_2364] : memref<2x4x32x128xf32, #tpu.memory_space<vmem>> -> memref<1x1x32x128xf32, #tpu.memory_space<vmem>>
      %gather3A_2366 = tpu.memref_squeeze %gather3A_2365 : memref<1x1x32x128xf32, #tpu.memory_space<vmem>> -> memref<32x128xf32, #tpu.memory_space<vmem>>
      %gather3A_2367 = tpu.vector_load_idx %gather3A_2366[%add3A_25, %broadcast_in_dim3A_2336] : memref<32x128xf32, #tpu.memory_space<vmem>>[vector<16xi32>, vector<16xi32>], vector<16xf32>,
      %gather3A_2368 = arith.constant 1 : i32
      %gather3A_2369 = arith.constant 3 : i32
      %gather3A_2370 = arith.constant 0 : i32
      %gather3A_2371 = arith.constant 0 : i32
      %gather3A_2372 = tpu.memref_slice %arg11[%gather3A_2368, %gather3A_2369, %gather3A_2370, %gather3A_2371] : memref<2x4x32x128xf32, #tpu.memory_space<vmem>> -> memref<1x1x32x128xf32, #tpu.memory_space<vmem>>
      %gather3A_2373 = tpu.memref_squeeze %gather3A_2372 : memref<1x1x32x128xf32, #tpu.memory_space<vmem>> -> memref<32x128xf32, #tpu.memory_space<vmem>>
      %gather3A_2374 = tpu.vector_load_idx %gather3A_2373[%iota3A, %broadcast_in_dim3A_2353] : memref<32x128xf32, #tpu.memory_space<vmem>>[vector<16xi32>, vector<16xi32>], vector<16xf32>,
      %gather3A_2375 = arith.constant 1 : i32
      %gather3A_2376 = arith.constant 3 : i32
      %gather3A_2377 = arith.constant 0 : i32
      %gather3A_2378 = arith.constant 0 : i32
      %gather3A_2379 = tpu.memref_slice %arg11[%gather3A_2375, %gather3A_2376, %gather3A_2377, %gather3A_2378] : memref<2x4x32x128xf32, #tpu.memory_space<vmem>> -> memref<1x1x32x128xf32, #tpu.memory_space<vmem>>
      %gather3A_2380 = tpu.memref_squeeze %gather3A_2379 : memref<1x1x32x128xf32, #tpu.memory_space<vmem>> -> memref<32x128xf32, #tpu.memory_space<vmem>>
      %gather3A_2381 = tpu.vector_load_idx %gather3A_2380[%add3A_25, %broadcast_in_dim3A_2353] : memref<32x128xf32, #tpu.memory_space<vmem>>[vector<16xi32>, vector<16xi32>], vector<16xf32>,
      %mul3A_2382 = arith.mulf %gather3A_2360, %gather3A_2374 : vector<16xf32>
      %mul3A_2383 = arith.mulf %gather3A_2367, %gather3A_2381 : vector<16xf32>
      %add3A_2384 = arith.addf %mul3A_2382, %mul3A_2383 : vector<16xf32>
      %reduce_sum3A_2385 = arith.constant true
      %reduce_sum3A_2386 = vector.broadcast %reduce_sum3A_2385 : i1 to vector<16xi1>
      %reduce_sum3A_2387 = tpu.scan <sum>, %add3A_2384 masked %reduce_sum3A_2386 : vector<16xf32>, vector<16xi1> -> vector<16xf32>
      %reduce_sum3A_2388 = vector.extract %reduce_sum3A_2387[15] : f32 from vector<16xf32>
      %eq3A_2389 = arith.constant 7 : i32
      %eq3A_2390 = vector.broadcast %eq3A_2389 : i32 to vector<16xi32>
      %eq3A_2391 = arith.cmpi eq, %iota3A, %eq3A_2390 : vector<16xi32>
      %add3A_2392 = vector.broadcast %reduce_sum3A_2388 : f32 to vector<16xf32>
      %add3A_2393 = arith.addf %select_n3A_2307, %add3A_2392 : vector<16xf32>
      %select_n3A_2394 = arith.select %eq3A_2391, %add3A_2393, %select_n3A_2307 : vector<16xi1>, vector<16xf32>
      %add3A_2395 = arith.constant 2 : i32
      %add3A_2396 = arith.addi %add3A_1918, %add3A_2395 : i32
      %mul3A_2397 = arith.constant 4 : i32
      %mul3A_2398 = arith.muli %add3A_2396, %mul3A_2397 : i32
      %add3A_2399 = arith.constant 0 : i32
      %add3A_2400 = arith.addi %mul3A_2398, %add3A_2399 : i32
      %min3A_2401 = arith.constant 511 : i32
      %min3A_2402 = arith.minsi %add3A_2400, %min3A_2401 : i32
      %get3A_2403 = arith.index_cast %min3A_2402 : i32 to index
      %get3A_2404 = tpu.vector_load %arg8[%get3A_2403] {strides = array<i32>} : memref<528xi32, #tpu.memory_space<vmem>>, vector<16xi32>,
      %get3A_2405 = arith.index_cast %min3A_2402 : i32 to index
      %get3A_2406 = tpu.vector_load %arg9[%get3A_2405] {strides = array<i32>} : memref<528xi32, #tpu.memory_space<vmem>>, vector<16xi32>,
      %slice3A_2407 = vector.extract_strided_slice %get3A_2404 {offsets = [0], sizes = [1], strides = [1]} : vector<16xi32> to vector<1xi32>
      %squeeze3A_2408 = vector.extract %slice3A_2407[0] : i32 from vector<1xi32>
      %slice3A_2409 = vector.extract_strided_slice %get3A_2406 {offsets = [0], sizes = [1], strides = [1]} : vector<16xi32> to vector<1xi32>
      %squeeze3A_2410 = vector.extract %slice3A_2409[0] : i32 from vector<1xi32>
      %jit3A_2411 = arith.constant 128 : i32
      %div3A_2412 = arith.divsi %squeeze3A_2408, %jit3A_2411 : i32
      %sign3A_2413 = arith.constant 0 : i32
      %sign3A_2414 = arith.cmpi sgt, %squeeze3A_2408, %sign3A_2413 : i32
      %sign3A_2415 = arith.extui %sign3A_2414 : i1 to i32
      %sign3A_2416 = arith.constant 0 : i32
      %sign3A_2417 = arith.cmpi slt, %squeeze3A_2408, %sign3A_2416 : i32
      %sign3A_2418 = arith.extui %sign3A_2417 : i1 to i32
      %sign3A_2419 = arith.subi %sign3A_2415, %sign3A_2418 : i32
      %sign3A_2420 = arith.constant 0 : i32
      %sign3A_2421 = arith.cmpi sgt, %jit3A_2411, %sign3A_2420 : i32
      %sign3A_2422 = arith.extui %sign3A_2421 : i1 to i32
      %sign3A_2423 = arith.constant 0 : i32
      %sign3A_2424 = arith.cmpi slt, %jit3A_2411, %sign3A_2423 : i32
      %sign3A_2425 = arith.extui %sign3A_2424 : i1 to i32
      %sign3A_2426 = arith.subi %sign3A_2422, %sign3A_2425 : i32
      %ne3A_2427 = arith.cmpi ne, %sign3A_2419, %sign3A_2426 : i32
      %rem3A_2428 = arith.remsi %squeeze3A_2408, %jit3A_2411 : i32
      %ne3A_2429 = arith.constant 0 : i32
      %ne3A_2430 = arith.cmpi ne, %rem3A_2428, %ne3A_2429 : i32
      %and3A_2431 = arith.andi %ne3A_2427, %ne3A_2430 : i1
      %sub3A_2432 = arith.constant 1 : i32
      %sub3A_2433 = arith.subi %div3A_2412, %sub3A_2432 : i32
      %select_n3A_2434 = arith.select %and3A_2431, %sub3A_2433, %div3A_2412 : i32
      %mul3A_2435 = arith.constant 128 : i32
      %mul3A_2436 = arith.muli %select_n3A_2434, %mul3A_2435 : i32
      %multiple_of3A_2437 = tpu.assume_multiple %mul3A_2436, 128 : i32
      %jit3A_2438 = arith.constant 128 : i32
      %div3A_2439 = arith.divsi %squeeze3A_2410, %jit3A_2438 : i32
      %sign3A_2440 = arith.constant 0 : i32
      %sign3A_2441 = arith.cmpi sgt, %squeeze3A_2410, %sign3A_2440 : i32
      %sign3A_2442 = arith.extui %sign3A_2441 : i1 to i32
      %sign3A_2443 = arith.constant 0 : i32
      %sign3A_2444 = arith.cmpi slt, %squeeze3A_2410, %sign3A_2443 : i32
      %sign3A_2445 = arith.extui %sign3A_2444 : i1 to i32
      %sign3A_2446 = arith.subi %sign3A_2442, %sign3A_2445 : i32
      %sign3A_2447 = arith.constant 0 : i32
      %sign3A_2448 = arith.cmpi sgt, %jit3A_2438, %sign3A_2447 : i32
      %sign3A_2449 = arith.extui %sign3A_2448 : i1 to i32
      %sign3A_2450 = arith.constant 0 : i32
      %sign3A_2451 = arith.cmpi slt, %jit3A_2438, %sign3A_2450 : i32
      %sign3A_2452 = arith.extui %sign3A_2451 : i1 to i32
      %sign3A_2453 = arith.subi %sign3A_2449, %sign3A_2452 : i32
      %ne3A_2454 = arith.cmpi ne, %sign3A_2446, %sign3A_2453 : i32
      %rem3A_2455 = arith.remsi %squeeze3A_2410, %jit3A_2438 : i32
      %ne3A_2456 = arith.constant 0 : i32
      %ne3A_2457 = arith.cmpi ne, %rem3A_2455, %ne3A_2456 : i32
      %and3A_2458 = arith.andi %ne3A_2454, %ne3A_2457 : i1
      %sub3A_2459 = arith.constant 1 : i32
      %sub3A_2460 = arith.subi %div3A_2439, %sub3A_2459 : i32
      %select_n3A_2461 = arith.select %and3A_2458, %sub3A_2460, %div3A_2439 : i32
      %mul3A_2462 = arith.constant 128 : i32
      %mul3A_2463 = arith.muli %select_n3A_2461, %mul3A_2462 : i32
      %multiple_of3A_2464 = tpu.assume_multiple %mul3A_2463, 128 : i32
      %dma_start3A_2465 = arith.constant 1 : i32
      %dma_start3A_2466 = arith.constant 0 : i32
      %dma_start3A_2467 = arith.constant 0 : i32
      %dma_start3A_2468 = arith.constant 0 : i32
      %dma_start3A_2469 = tpu.memref_slice %arg10[%dma_start3A_2465, %dma_start3A_2466, %dma_start3A_2467, %dma_start3A_2468] : memref<2x4x32x128xf32, #tpu.memory_space<vmem>> -> memref<1x1x32x128xf32, #tpu.memory_space<vmem>>
      %dma_start3A_2470 = tpu.memref_squeeze %dma_start3A_2469 : memref<1x1x32x128xf32, #tpu.memory_space<vmem>> -> memref<32x128xf32, #tpu.memory_space<vmem>>
      %dma_start3A_2471 = arith.constant 0 : i32
      %dma_start3A_2472 = tpu.memref_slice %arg3[%dma_start3A_2471, %multiple_of3A_2437] : memref<32x1000000xf32, #tpu.memory_space<hbm>> -> memref<32x128xf32, #tpu.memory_space<hbm>>
      %dma_start3A_2473 = arith.constant 0 : i32
      %dma_start3A_2474 = arith.constant 0 : i32
      %dma_start3A_2475 = tpu.memref_slice %arg10[%dma_start3A_2465, %dma_start3A_2466, %dma_start3A_2473, %dma_start3A_2474] : memref<2x4x32x128xf32, #tpu.memory_space<vmem>> -> memref<1x1x32x128xf32, #tpu.memory_space<vmem>>
      %dma_start3A_2476 = tpu.memref_squeeze %dma_start3A_2475 : memref<1x1x32x128xf32, #tpu.memory_space<vmem>> -> memref<32x128xf32, #tpu.memory_space<vmem>>
      %dma_start3A_2477 = arith.constant 0 : i32
      %dma_start3A_2478 = tpu.memref_slice %arg3[%dma_start3A_2477, %multiple_of3A_2437] : memref<32x1000000xf32, #tpu.memory_space<hbm>> -> memref<32x128xf32, #tpu.memory_space<hbm>>
      tpu.enqueue_dma source(%dma_start3A_2478 : memref<32x128xf32, #tpu.memory_space<hbm>>) target(%dma_start3A_2476 : memref<32x128xf32, #tpu.memory_space<vmem>>) target_semaphore(%arg16 : memref<!tpu.dma_semaphore, #tpu.memory_space<semaphore_mem>>)
      %dma_start3A_2479 = arith.constant 1 : i32
      %dma_start3A_2480 = arith.constant 0 : i32
      %dma_start3A_2481 = arith.constant 0 : i32
      %dma_start3A_2482 = arith.constant 0 : i32
      %dma_start3A_2483 = tpu.memref_slice %arg11[%dma_start3A_2479, %dma_start3A_2480, %dma_start3A_2481, %dma_start3A_2482] : memref<2x4x32x128xf32, #tpu.memory_space<vmem>> -> memref<1x1x32x128xf32, #tpu.memory_space<vmem>>
      %dma_start3A_2484 = tpu.memref_squeeze %dma_start3A_2483 : memref<1x1x32x128xf32, #tpu.memory_space<vmem>> -> memref<32x128xf32, #tpu.memory_space<vmem>>
      %dma_start3A_2485 = arith.constant 0 : i32
      %dma_start3A_2486 = tpu.memref_slice %arg4[%dma_start3A_2485, %multiple_of3A_2464] : memref<32x1000000xf32, #tpu.memory_space<hbm>> -> memref<32x128xf32, #tpu.memory_space<hbm>>
      %dma_start3A_2487 = arith.constant 0 : i32
      %dma_start3A_2488 = arith.constant 0 : i32
      %dma_start3A_2489 = tpu.memref_slice %arg11[%dma_start3A_2479, %dma_start3A_2480, %dma_start3A_2487, %dma_start3A_2488] : memref<2x4x32x128xf32, #tpu.memory_space<vmem>> -> memref<1x1x32x128xf32, #tpu.memory_space<vmem>>
      %dma_start3A_2490 = tpu.memref_squeeze %dma_start3A_2489 : memref<1x1x32x128xf32, #tpu.memory_space<vmem>> -> memref<32x128xf32, #tpu.memory_space<vmem>>
      %dma_start3A_2491 = arith.constant 0 : i32
      %dma_start3A_2492 = tpu.memref_slice %arg4[%dma_start3A_2491, %multiple_of3A_2464] : memref<32x1000000xf32, #tpu.memory_space<hbm>> -> memref<32x128xf32, #tpu.memory_space<hbm>>
      tpu.enqueue_dma source(%dma_start3A_2492 : memref<32x128xf32, #tpu.memory_space<hbm>>) target(%dma_start3A_2490 : memref<32x128xf32, #tpu.memory_space<vmem>>) target_semaphore(%arg16 : memref<!tpu.dma_semaphore, #tpu.memory_space<semaphore_mem>>)
      %mul3A_2493 = arith.constant 4 : i32
      %mul3A_2494 = arith.muli %add3A_2396, %mul3A_2493 : i32
      %add3A_2495 = arith.constant 1 : i32
      %add3A_2496 = arith.addi %mul3A_2494, %add3A_2495 : i32
      %min3A_2497 = arith.constant 511 : i32
      %min3A_2498 = arith.minsi %add3A_2496, %min3A_2497 : i32
      %get3A_2499 = arith.index_cast %min3A_2498 : i32 to index
      %get3A_2500 = tpu.vector_load %arg8[%get3A_2499] {strides = array<i32>} : memref<528xi32, #tpu.memory_space<vmem>>, vector<16xi32>,
      %get3A_2501 = arith.index_cast %min3A_2498 : i32 to index
      %get3A_2502 = tpu.vector_load %arg9[%get3A_2501] {strides = array<i32>} : memref<528xi32, #tpu.memory_space<vmem>>, vector<16xi32>,
      %slice3A_2503 = vector.extract_strided_slice %get3A_2500 {offsets = [0], sizes = [1], strides = [1]} : vector<16xi32> to vector<1xi32>
      %squeeze3A_2504 = vector.extract %slice3A_2503[0] : i32 from vector<1xi32>
      %slice3A_2505 = vector.extract_strided_slice %get3A_2502 {offsets = [0], sizes = [1], strides = [1]} : vector<16xi32> to vector<1xi32>
      %squeeze3A_2506 = vector.extract %slice3A_2505[0] : i32 from vector<1xi32>
      %jit3A_2507 = arith.constant 128 : i32
      %div3A_2508 = arith.divsi %squeeze3A_2504, %jit3A_2507 : i32
      %sign3A_2509 = arith.constant 0 : i32
      %sign3A_2510 = arith.cmpi sgt, %squeeze3A_2504, %sign3A_2509 : i32
      %sign3A_2511 = arith.extui %sign3A_2510 : i1 to i32
      %sign3A_2512 = arith.constant 0 : i32
      %sign3A_2513 = arith.cmpi slt, %squeeze3A_2504, %sign3A_2512 : i32
      %sign3A_2514 = arith.extui %sign3A_2513 : i1 to i32
      %sign3A_2515 = arith.subi %sign3A_2511, %sign3A_2514 : i32
      %sign3A_2516 = arith.constant 0 : i32
      %sign3A_2517 = arith.cmpi sgt, %jit3A_2507, %sign3A_2516 : i32
      %sign3A_2518 = arith.extui %sign3A_2517 : i1 to i32
      %sign3A_2519 = arith.constant 0 : i32
      %sign3A_2520 = arith.cmpi slt, %jit3A_2507, %sign3A_2519 : i32
      %sign3A_2521 = arith.extui %sign3A_2520 : i1 to i32
      %sign3A_2522 = arith.subi %sign3A_2518, %sign3A_2521 : i32
      %ne3A_2523 = arith.cmpi ne, %sign3A_2515, %sign3A_2522 : i32
      %rem3A_2524 = arith.remsi %squeeze3A_2504, %jit3A_2507 : i32
      %ne3A_2525 = arith.constant 0 : i32
      %ne3A_2526 = arith.cmpi ne, %rem3A_2524, %ne3A_2525 : i32
      %and3A_2527 = arith.andi %ne3A_2523, %ne3A_2526 : i1
      %sub3A_2528 = arith.constant 1 : i32
      %sub3A_2529 = arith.subi %div3A_2508, %sub3A_2528 : i32
      %select_n3A_2530 = arith.select %and3A_2527, %sub3A_2529, %div3A_2508 : i32
      %mul3A_2531 = arith.constant 128 : i32
      %mul3A_2532 = arith.muli %select_n3A_2530, %mul3A_2531 : i32
      %multiple_of3A_2533 = tpu.assume_multiple %mul3A_2532, 128 : i32
      %jit3A_2534 = arith.constant 128 : i32
      %div3A_2535 = arith.divsi %squeeze3A_2506, %jit3A_2534 : i32
      %sign3A_2536 = arith.constant 0 : i32
      %sign3A_2537 = arith.cmpi sgt, %squeeze3A_2506, %sign3A_2536 : i32
      %sign3A_2538 = arith.extui %sign3A_2537 : i1 to i32
      %sign3A_2539 = arith.constant 0 : i32
      %sign3A_2540 = arith.cmpi slt, %squeeze3A_2506, %sign3A_2539 : i32
      %sign3A_2541 = arith.extui %sign3A_2540 : i1 to i32
      %sign3A_2542 = arith.subi %sign3A_2538, %sign3A_2541 : i32
      %sign3A_2543 = arith.constant 0 : i32
      %sign3A_2544 = arith.cmpi sgt, %jit3A_2534, %sign3A_2543 : i32
      %sign3A_2545 = arith.extui %sign3A_2544 : i1 to i32
      %sign3A_2546 = arith.constant 0 : i32
      %sign3A_2547 = arith.cmpi slt, %jit3A_2534, %sign3A_2546 : i32
      %sign3A_2548 = arith.extui %sign3A_2547 : i1 to i32
      %sign3A_2549 = arith.subi %sign3A_2545, %sign3A_2548 : i32
      %ne3A_2550 = arith.cmpi ne, %sign3A_2542, %sign3A_2549 : i32
      %rem3A_2551 = arith.remsi %squeeze3A_2506, %jit3A_2534 : i32
      %ne3A_2552 = arith.constant 0 : i32
      %ne3A_2553 = arith.cmpi ne, %rem3A_2551, %ne3A_2552 : i32
      %and3A_2554 = arith.andi %ne3A_2550, %ne3A_2553 : i1
      %sub3A_2555 = arith.constant 1 : i32
      %sub3A_2556 = arith.subi %div3A_2535, %sub3A_2555 : i32
      %select_n3A_2557 = arith.select %and3A_2554, %sub3A_2556, %div3A_2535 : i32
      %mul3A_2558 = arith.constant 128 : i32
      %mul3A_2559 = arith.muli %select_n3A_2557, %mul3A_2558 : i32
      %multiple_of3A_2560 = tpu.assume_multiple %mul3A_2559, 128 : i32
      %dma_start3A_2561 = arith.constant 1 : i32
      %dma_start3A_2562 = arith.constant 1 : i32
      %dma_start3A_2563 = arith.constant 0 : i32
      %dma_start3A_2564 = arith.constant 0 : i32
      %dma_start3A_2565 = tpu.memref_slice %arg10[%dma_start3A_2561, %dma_start3A_2562, %dma_start3A_2563, %dma_start3A_2564] : memref<2x4x32x128xf32, #tpu.memory_space<vmem>> -> memref<1x1x32x128xf32, #tpu.memory_space<vmem>>
      %dma_start3A_2566 = tpu.memref_squeeze %dma_start3A_2565 : memref<1x1x32x128xf32, #tpu.memory_space<vmem>> -> memref<32x128xf32, #tpu.memory_space<vmem>>
      %dma_start3A_2567 = arith.constant 0 : i32
      %dma_start3A_2568 = tpu.memref_slice %arg3[%dma_start3A_2567, %multiple_of3A_2533] : memref<32x1000000xf32, #tpu.memory_space<hbm>> -> memref<32x128xf32, #tpu.memory_space<hbm>>
      %dma_start3A_2569 = arith.constant 0 : i32
      %dma_start3A_2570 = arith.constant 0 : i32
      %dma_start3A_2571 = tpu.memref_slice %arg10[%dma_start3A_2561, %dma_start3A_2562, %dma_start3A_2569, %dma_start3A_2570] : memref<2x4x32x128xf32, #tpu.memory_space<vmem>> -> memref<1x1x32x128xf32, #tpu.memory_space<vmem>>
      %dma_start3A_2572 = tpu.memref_squeeze %dma_start3A_2571 : memref<1x1x32x128xf32, #tpu.memory_space<vmem>> -> memref<32x128xf32, #tpu.memory_space<vmem>>
      %dma_start3A_2573 = arith.constant 0 : i32
      %dma_start3A_2574 = tpu.memref_slice %arg3[%dma_start3A_2573, %multiple_of3A_2533] : memref<32x1000000xf32, #tpu.memory_space<hbm>> -> memref<32x128xf32, #tpu.memory_space<hbm>>
      tpu.enqueue_dma source(%dma_start3A_2574 : memref<32x128xf32, #tpu.memory_space<hbm>>) target(%dma_start3A_2572 : memref<32x128xf32, #tpu.memory_space<vmem>>) target_semaphore(%arg16 : memref<!tpu.dma_semaphore, #tpu.memory_space<semaphore_mem>>)
      %dma_start3A_2575 = arith.constant 1 : i32
      %dma_start3A_2576 = arith.constant 1 : i32
      %dma_start3A_2577 = arith.constant 0 : i32
      %dma_start3A_2578 = arith.constant 0 : i32
      %dma_start3A_2579 = tpu.memref_slice %arg11[%dma_start3A_2575, %dma_start3A_2576, %dma_start3A_2577, %dma_start3A_2578] : memref<2x4x32x128xf32, #tpu.memory_space<vmem>> -> memref<1x1x32x128xf32, #tpu.memory_space<vmem>>
      %dma_start3A_2580 = tpu.memref_squeeze %dma_start3A_2579 : memref<1x1x32x128xf32, #tpu.memory_space<vmem>> -> memref<32x128xf32, #tpu.memory_space<vmem>>
      %dma_start3A_2581 = arith.constant 0 : i32
      %dma_start3A_2582 = tpu.memref_slice %arg4[%dma_start3A_2581, %multiple_of3A_2560] : memref<32x1000000xf32, #tpu.memory_space<hbm>> -> memref<32x128xf32, #tpu.memory_space<hbm>>
      %dma_start3A_2583 = arith.constant 0 : i32
      %dma_start3A_2584 = arith.constant 0 : i32
      %dma_start3A_2585 = tpu.memref_slice %arg11[%dma_start3A_2575, %dma_start3A_2576, %dma_start3A_2583, %dma_start3A_2584] : memref<2x4x32x128xf32, #tpu.memory_space<vmem>> -> memref<1x1x32x128xf32, #tpu.memory_space<vmem>>
      %dma_start3A_2586 = tpu.memref_squeeze %dma_start3A_2585 : memref<1x1x32x128xf32, #tpu.memory_space<vmem>> -> memref<32x128xf32, #tpu.memory_space<vmem>>
      %dma_start3A_2587 = arith.constant 0 : i32
      %dma_start3A_2588 = tpu.memref_slice %arg4[%dma_start3A_2587, %multiple_of3A_2560] : memref<32x1000000xf32, #tpu.memory_space<hbm>> -> memref<32x128xf32, #tpu.memory_space<hbm>>
      tpu.enqueue_dma source(%dma_start3A_2588 : memref<32x128xf32, #tpu.memory_space<hbm>>) target(%dma_start3A_2586 : memref<32x128xf32, #tpu.memory_space<vmem>>) target_semaphore(%arg16 : memref<!tpu.dma_semaphore, #tpu.memory_space<semaphore_mem>>)
      %mul3A_2589 = arith.constant 4 : i32
      %mul3A_2590 = arith.muli %add3A_2396, %mul3A_2589 : i32
      %add3A_2591 = arith.constant 2 : i32
      %add3A_2592 = arith.addi %mul3A_2590, %add3A_2591 : i32
      %min3A_2593 = arith.constant 511 : i32
      %min3A_2594 = arith.minsi %add3A_2592, %min3A_2593 : i32
      %get3A_2595 = arith.index_cast %min3A_2594 : i32 to index
      %get3A_2596 = tpu.vector_load %arg8[%get3A_2595] {strides = array<i32>} : memref<528xi32, #tpu.memory_space<vmem>>, vector<16xi32>,
      %get3A_2597 = arith.index_cast %min3A_2594 : i32 to index
      %get3A_2598 = tpu.vector_load %arg9[%get3A_2597] {strides = array<i32>} : memref<528xi32, #tpu.memory_space<vmem>>, vector<16xi32>,
      %slice3A_2599 = vector.extract_strided_slice %get3A_2596 {offsets = [0], sizes = [1], strides = [1]} : vector<16xi32> to vector<1xi32>
      %squeeze3A_2600 = vector.extract %slice3A_2599[0] : i32 from vector<1xi32>
      %slice3A_2601 = vector.extract_strided_slice %get3A_2598 {offsets = [0], sizes = [1], strides = [1]} : vector<16xi32> to vector<1xi32>
      %squeeze3A_2602 = vector.extract %slice3A_2601[0] : i32 from vector<1xi32>
      %jit3A_2603 = arith.constant 128 : i32
      %div3A_2604 = arith.divsi %squeeze3A_2600, %jit3A_2603 : i32
      %sign3A_2605 = arith.constant 0 : i32
      %sign3A_2606 = arith.cmpi sgt, %squeeze3A_2600, %sign3A_2605 : i32
      %sign3A_2607 = arith.extui %sign3A_2606 : i1 to i32
      %sign3A_2608 = arith.constant 0 : i32
      %sign3A_2609 = arith.cmpi slt, %squeeze3A_2600, %sign3A_2608 : i32
      %sign3A_2610 = arith.extui %sign3A_2609 : i1 to i32
      %sign3A_2611 = arith.subi %sign3A_2607, %sign3A_2610 : i32
      %sign3A_2612 = arith.constant 0 : i32
      %sign3A_2613 = arith.cmpi sgt, %jit3A_2603, %sign3A_2612 : i32
      %sign3A_2614 = arith.extui %sign3A_2613 : i1 to i32
      %sign3A_2615 = arith.constant 0 : i32
      %sign3A_2616 = arith.cmpi slt, %jit3A_2603, %sign3A_2615 : i32
      %sign3A_2617 = arith.extui %sign3A_2616 : i1 to i32
      %sign3A_2618 = arith.subi %sign3A_2614, %sign3A_2617 : i32
      %ne3A_2619 = arith.cmpi ne, %sign3A_2611, %sign3A_2618 : i32
      %rem3A_2620 = arith.remsi %squeeze3A_2600, %jit3A_2603 : i32
      %ne3A_2621 = arith.constant 0 : i32
      %ne3A_2622 = arith.cmpi ne, %rem3A_2620, %ne3A_2621 : i32
      %and3A_2623 = arith.andi %ne3A_2619, %ne3A_2622 : i1
      %sub3A_2624 = arith.constant 1 : i32
      %sub3A_2625 = arith.subi %div3A_2604, %sub3A_2624 : i32
      %select_n3A_2626 = arith.select %and3A_2623, %sub3A_2625, %div3A_2604 : i32
      %mul3A_2627 = arith.constant 128 : i32
      %mul3A_2628 = arith.muli %select_n3A_2626, %mul3A_2627 : i32
      %multiple_of3A_2629 = tpu.assume_multiple %mul3A_2628, 128 : i32
      %jit3A_2630 = arith.constant 128 : i32
      %div3A_2631 = arith.divsi %squeeze3A_2602, %jit3A_2630 : i32
      %sign3A_2632 = arith.constant 0 : i32
      %sign3A_2633 = arith.cmpi sgt, %squeeze3A_2602, %sign3A_2632 : i32
      %sign3A_2634 = arith.extui %sign3A_2633 : i1 to i32
      %sign3A_2635 = arith.constant 0 : i32
      %sign3A_2636 = arith.cmpi slt, %squeeze3A_2602, %sign3A_2635 : i32
      %sign3A_2637 = arith.extui %sign3A_2636 : i1 to i32
      %sign3A_2638 = arith.subi %sign3A_2634, %sign3A_2637 : i32
      %sign3A_2639 = arith.constant 0 : i32
      %sign3A_2640 = arith.cmpi sgt, %jit3A_2630, %sign3A_2639 : i32
      %sign3A_2641 = arith.extui %sign3A_2640 : i1 to i32
      %sign3A_2642 = arith.constant 0 : i32
      %sign3A_2643 = arith.cmpi slt, %jit3A_2630, %sign3A_2642 : i32
      %sign3A_2644 = arith.extui %sign3A_2643 : i1 to i32
      %sign3A_2645 = arith.subi %sign3A_2641, %sign3A_2644 : i32
      %ne3A_2646 = arith.cmpi ne, %sign3A_2638, %sign3A_2645 : i32
      %rem3A_2647 = arith.remsi %squeeze3A_2602, %jit3A_2630 : i32
      %ne3A_2648 = arith.constant 0 : i32
      %ne3A_2649 = arith.cmpi ne, %rem3A_2647, %ne3A_2648 : i32
      %and3A_2650 = arith.andi %ne3A_2646, %ne3A_2649 : i1
      %sub3A_2651 = arith.constant 1 : i32
      %sub3A_2652 = arith.subi %div3A_2631, %sub3A_2651 : i32
      %select_n3A_2653 = arith.select %and3A_2650, %sub3A_2652, %div3A_2631 : i32
      %mul3A_2654 = arith.constant 128 : i32
      %mul3A_2655 = arith.muli %select_n3A_2653, %mul3A_2654 : i32
      %multiple_of3A_2656 = tpu.assume_multiple %mul3A_2655, 128 : i32
      %dma_start3A_2657 = arith.constant 1 : i32
      %dma_start3A_2658 = arith.constant 2 : i32
      %dma_start3A_2659 = arith.constant 0 : i32
      %dma_start3A_2660 = arith.constant 0 : i32
      %dma_start3A_2661 = tpu.memref_slice %arg10[%dma_start3A_2657, %dma_start3A_2658, %dma_start3A_2659, %dma_start3A_2660] : memref<2x4x32x128xf32, #tpu.memory_space<vmem>> -> memref<1x1x32x128xf32, #tpu.memory_space<vmem>>
      %dma_start3A_2662 = tpu.memref_squeeze %dma_start3A_2661 : memref<1x1x32x128xf32, #tpu.memory_space<vmem>> -> memref<32x128xf32, #tpu.memory_space<vmem>>
      %dma_start3A_2663 = arith.constant 0 : i32
      %dma_start3A_2664 = tpu.memref_slice %arg3[%dma_start3A_2663, %multiple_of3A_2629] : memref<32x1000000xf32, #tpu.memory_space<hbm>> -> memref<32x128xf32, #tpu.memory_space<hbm>>
      %dma_start3A_2665 = arith.constant 0 : i32
      %dma_start3A_2666 = arith.constant 0 : i32
      %dma_start3A_2667 = tpu.memref_slice %arg10[%dma_start3A_2657, %dma_start3A_2658, %dma_start3A_2665, %dma_start3A_2666] : memref<2x4x32x128xf32, #tpu.memory_space<vmem>> -> memref<1x1x32x128xf32, #tpu.memory_space<vmem>>
      %dma_start3A_2668 = tpu.memref_squeeze %dma_start3A_2667 : memref<1x1x32x128xf32, #tpu.memory_space<vmem>> -> memref<32x128xf32, #tpu.memory_space<vmem>>
      %dma_start3A_2669 = arith.constant 0 : i32
      %dma_start3A_2670 = tpu.memref_slice %arg3[%dma_start3A_2669, %multiple_of3A_2629] : memref<32x1000000xf32, #tpu.memory_space<hbm>> -> memref<32x128xf32, #tpu.memory_space<hbm>>
      tpu.enqueue_dma source(%dma_start3A_2670 : memref<32x128xf32, #tpu.memory_space<hbm>>) target(%dma_start3A_2668 : memref<32x128xf32, #tpu.memory_space<vmem>>) target_semaphore(%arg16 : memref<!tpu.dma_semaphore, #tpu.memory_space<semaphore_mem>>)
      %dma_start3A_2671 = arith.constant 1 : i32
      %dma_start3A_2672 = arith.constant 2 : i32
      %dma_start3A_2673 = arith.constant 0 : i32
      %dma_start3A_2674 = arith.constant 0 : i32
      %dma_start3A_2675 = tpu.memref_slice %arg11[%dma_start3A_2671, %dma_start3A_2672, %dma_start3A_2673, %dma_start3A_2674] : memref<2x4x32x128xf32, #tpu.memory_space<vmem>> -> memref<1x1x32x128xf32, #tpu.memory_space<vmem>>
      %dma_start3A_2676 = tpu.memref_squeeze %dma_start3A_2675 : memref<1x1x32x128xf32, #tpu.memory_space<vmem>> -> memref<32x128xf32, #tpu.memory_space<vmem>>
      %dma_start3A_2677 = arith.constant 0 : i32
      %dma_start3A_2678 = tpu.memref_slice %arg4[%dma_start3A_2677, %multiple_of3A_2656] : memref<32x1000000xf32, #tpu.memory_space<hbm>> -> memref<32x128xf32, #tpu.memory_space<hbm>>
      %dma_start3A_2679 = arith.constant 0 : i32
      %dma_start3A_2680 = arith.constant 0 : i32
      %dma_start3A_2681 = tpu.memref_slice %arg11[%dma_start3A_2671, %dma_start3A_2672, %dma_start3A_2679, %dma_start3A_2680] : memref<2x4x32x128xf32, #tpu.memory_space<vmem>> -> memref<1x1x32x128xf32, #tpu.memory_space<vmem>>
      %dma_start3A_2682 = tpu.memref_squeeze %dma_start3A_2681 : memref<1x1x32x128xf32, #tpu.memory_space<vmem>> -> memref<32x128xf32, #tpu.memory_space<vmem>>
      %dma_start3A_2683 = arith.constant 0 : i32
      %dma_start3A_2684 = tpu.memref_slice %arg4[%dma_start3A_2683, %multiple_of3A_2656] : memref<32x1000000xf32, #tpu.memory_space<hbm>> -> memref<32x128xf32, #tpu.memory_space<hbm>>
      tpu.enqueue_dma source(%dma_start3A_2684 : memref<32x128xf32, #tpu.memory_space<hbm>>) target(%dma_start3A_2682 : memref<32x128xf32, #tpu.memory_space<vmem>>) target_semaphore(%arg16 : memref<!tpu.dma_semaphore, #tpu.memory_space<semaphore_mem>>)
      %mul3A_2685 = arith.constant 4 : i32
      %mul3A_2686 = arith.muli %add3A_2396, %mul3A_2685 : i32
      %add3A_2687 = arith.constant 3 : i32
      %add3A_2688 = arith.addi %mul3A_2686, %add3A_2687 : i32
      %min3A_2689 = arith.constant 511 : i32
      %min3A_2690 = arith.minsi %add3A_2688, %min3A_2689 : i32
      %get3A_2691 = arith.index_cast %min3A_2690 : i32 to index
      %get3A_2692 = tpu.vector_load %arg8[%get3A_2691] {strides = array<i32>} : memref<528xi32, #tpu.memory_space<vmem>>, vector<16xi32>,
      %get3A_2693 = arith.index_cast %min3A_2690 : i32 to index
      %get3A_2694 = tpu.vector_load %arg9[%get3A_2693] {strides = array<i32>} : memref<528xi32, #tpu.memory_space<vmem>>, vector<16xi32>,
      %slice3A_2695 = vector.extract_strided_slice %get3A_2692 {offsets = [0], sizes = [1], strides = [1]} : vector<16xi32> to vector<1xi32>
      %squeeze3A_2696 = vector.extract %slice3A_2695[0] : i32 from vector<1xi32>
      %slice3A_2697 = vector.extract_strided_slice %get3A_2694 {offsets = [0], sizes = [1], strides = [1]} : vector<16xi32> to vector<1xi32>
      %squeeze3A_2698 = vector.extract %slice3A_2697[0] : i32 from vector<1xi32>
      %jit3A_2699 = arith.constant 128 : i32
      %div3A_2700 = arith.divsi %squeeze3A_2696, %jit3A_2699 : i32
      %sign3A_2701 = arith.constant 0 : i32
      %sign3A_2702 = arith.cmpi sgt, %squeeze3A_2696, %sign3A_2701 : i32
      %sign3A_2703 = arith.extui %sign3A_2702 : i1 to i32
      %sign3A_2704 = arith.constant 0 : i32
      %sign3A_2705 = arith.cmpi slt, %squeeze3A_2696, %sign3A_2704 : i32
      %sign3A_2706 = arith.extui %sign3A_2705 : i1 to i32
      %sign3A_2707 = arith.subi %sign3A_2703, %sign3A_2706 : i32
      %sign3A_2708 = arith.constant 0 : i32
      %sign3A_2709 = arith.cmpi sgt, %jit3A_2699, %sign3A_2708 : i32
      %sign3A_2710 = arith.extui %sign3A_2709 : i1 to i32
      %sign3A_2711 = arith.constant 0 : i32
      %sign3A_2712 = arith.cmpi slt, %jit3A_2699, %sign3A_2711 : i32
      %sign3A_2713 = arith.extui %sign3A_2712 : i1 to i32
      %sign3A_2714 = arith.subi %sign3A_2710, %sign3A_2713 : i32
      %ne3A_2715 = arith.cmpi ne, %sign3A_2707, %sign3A_2714 : i32
      %rem3A_2716 = arith.remsi %squeeze3A_2696, %jit3A_2699 : i32
      %ne3A_2717 = arith.constant 0 : i32
      %ne3A_2718 = arith.cmpi ne, %rem3A_2716, %ne3A_2717 : i32
      %and3A_2719 = arith.andi %ne3A_2715, %ne3A_2718 : i1
      %sub3A_2720 = arith.constant 1 : i32
      %sub3A_2721 = arith.subi %div3A_2700, %sub3A_2720 : i32
      %select_n3A_2722 = arith.select %and3A_2719, %sub3A_2721, %div3A_2700 : i32
      %mul3A_2723 = arith.constant 128 : i32
      %mul3A_2724 = arith.muli %select_n3A_2722, %mul3A_2723 : i32
      %multiple_of3A_2725 = tpu.assume_multiple %mul3A_2724, 128 : i32
      %jit3A_2726 = arith.constant 128 : i32
      %div3A_2727 = arith.divsi %squeeze3A_2698, %jit3A_2726 : i32
      %sign3A_2728 = arith.constant 0 : i32
      %sign3A_2729 = arith.cmpi sgt, %squeeze3A_2698, %sign3A_2728 : i32
      %sign3A_2730 = arith.extui %sign3A_2729 : i1 to i32
      %sign3A_2731 = arith.constant 0 : i32
      %sign3A_2732 = arith.cmpi slt, %squeeze3A_2698, %sign3A_2731 : i32
      %sign3A_2733 = arith.extui %sign3A_2732 : i1 to i32
      %sign3A_2734 = arith.subi %sign3A_2730, %sign3A_2733 : i32
      %sign3A_2735 = arith.constant 0 : i32
      %sign3A_2736 = arith.cmpi sgt, %jit3A_2726, %sign3A_2735 : i32
      %sign3A_2737 = arith.extui %sign3A_2736 : i1 to i32
      %sign3A_2738 = arith.constant 0 : i32
      %sign3A_2739 = arith.cmpi slt, %jit3A_2726, %sign3A_2738 : i32
      %sign3A_2740 = arith.extui %sign3A_2739 : i1 to i32
      %sign3A_2741 = arith.subi %sign3A_2737, %sign3A_2740 : i32
      %ne3A_2742 = arith.cmpi ne, %sign3A_2734, %sign3A_2741 : i32
      %rem3A_2743 = arith.remsi %squeeze3A_2698, %jit3A_2726 : i32
      %ne3A_2744 = arith.constant 0 : i32
      %ne3A_2745 = arith.cmpi ne, %rem3A_2743, %ne3A_2744 : i32
      %and3A_2746 = arith.andi %ne3A_2742, %ne3A_2745 : i1
      %sub3A_2747 = arith.constant 1 : i32
      %sub3A_2748 = arith.subi %div3A_2727, %sub3A_2747 : i32
      %select_n3A_2749 = arith.select %and3A_2746, %sub3A_2748, %div3A_2727 : i32
      %mul3A_2750 = arith.constant 128 : i32
      %mul3A_2751 = arith.muli %select_n3A_2749, %mul3A_2750 : i32
      %multiple_of3A_2752 = tpu.assume_multiple %mul3A_2751, 128 : i32
      %dma_start3A_2753 = arith.constant 1 : i32
      %dma_start3A_2754 = arith.constant 3 : i32
      %dma_start3A_2755 = arith.constant 0 : i32
      %dma_start3A_2756 = arith.constant 0 : i32
      %dma_start3A_2757 = tpu.memref_slice %arg10[%dma_start3A_2753, %dma_start3A_2754, %dma_start3A_2755, %dma_start3A_2756] : memref<2x4x32x128xf32, #tpu.memory_space<vmem>> -> memref<1x1x32x128xf32, #tpu.memory_space<vmem>>
      %dma_start3A_2758 = tpu.memref_squeeze %dma_start3A_2757 : memref<1x1x32x128xf32, #tpu.memory_space<vmem>> -> memref<32x128xf32, #tpu.memory_space<vmem>>
      %dma_start3A_2759 = arith.constant 0 : i32
      %dma_start3A_2760 = tpu.memref_slice %arg3[%dma_start3A_2759, %multiple_of3A_2725] : memref<32x1000000xf32, #tpu.memory_space<hbm>> -> memref<32x128xf32, #tpu.memory_space<hbm>>
      %dma_start3A_2761 = arith.constant 0 : i32
      %dma_start3A_2762 = arith.constant 0 : i32
      %dma_start3A_2763 = tpu.memref_slice %arg10[%dma_start3A_2753, %dma_start3A_2754, %dma_start3A_2761, %dma_start3A_2762] : memref<2x4x32x128xf32, #tpu.memory_space<vmem>> -> memref<1x1x32x128xf32, #tpu.memory_space<vmem>>
      %dma_start3A_2764 = tpu.memref_squeeze %dma_start3A_2763 : memref<1x1x32x128xf32, #tpu.memory_space<vmem>> -> memref<32x128xf32, #tpu.memory_space<vmem>>
      %dma_start3A_2765 = arith.constant 0 : i32
      %dma_start3A_2766 = tpu.memref_slice %arg3[%dma_start3A_2765, %multiple_of3A_2725] : memref<32x1000000xf32, #tpu.memory_space<hbm>> -> memref<32x128xf32, #tpu.memory_space<hbm>>
      tpu.enqueue_dma source(%dma_start3A_2766 : memref<32x128xf32, #tpu.memory_space<hbm>>) target(%dma_start3A_2764 : memref<32x128xf32, #tpu.memory_space<vmem>>) target_semaphore(%arg16 : memref<!tpu.dma_semaphore, #tpu.memory_space<semaphore_mem>>)
      %dma_start3A_2767 = arith.constant 1 : i32
      %dma_start3A_2768 = arith.constant 3 : i32
      %dma_start3A_2769 = arith.constant 0 : i32
      %dma_start3A_2770 = arith.constant 0 : i32
      %dma_start3A_2771 = tpu.memref_slice %arg11[%dma_start3A_2767, %dma_start3A_2768, %dma_start3A_2769, %dma_start3A_2770] : memref<2x4x32x128xf32, #tpu.memory_space<vmem>> -> memref<1x1x32x128xf32, #tpu.memory_space<vmem>>
      %dma_start3A_2772 = tpu.memref_squeeze %dma_start3A_2771 : memref<1x1x32x128xf32, #tpu.memory_space<vmem>> -> memref<32x128xf32, #tpu.memory_space<vmem>>
      %dma_start3A_2773 = arith.constant 0 : i32
      %dma_start3A_2774 = tpu.memref_slice %arg4[%dma_start3A_2773, %multiple_of3A_2752] : memref<32x1000000xf32, #tpu.memory_space<hbm>> -> memref<32x128xf32, #tpu.memory_space<hbm>>
      %dma_start3A_2775 = arith.constant 0 : i32
      %dma_start3A_2776 = arith.constant 0 : i32
      %dma_start3A_2777 = tpu.memref_slice %arg11[%dma_start3A_2767, %dma_start3A_2768, %dma_start3A_2775, %dma_start3A_2776] : memref<2x4x32x128xf32, #tpu.memory_space<vmem>> -> memref<1x1x32x128xf32, #tpu.memory_space<vmem>>
      %dma_start3A_2778 = tpu.memref_squeeze %dma_start3A_2777 : memref<1x1x32x128xf32, #tpu.memory_space<vmem>> -> memref<32x128xf32, #tpu.memory_space<vmem>>
      %dma_start3A_2779 = arith.constant 0 : i32
      %dma_start3A_2780 = tpu.memref_slice %arg4[%dma_start3A_2779, %multiple_of3A_2752] : memref<32x1000000xf32, #tpu.memory_space<hbm>> -> memref<32x128xf32, #tpu.memory_space<hbm>>
      tpu.enqueue_dma source(%dma_start3A_2780 : memref<32x128xf32, #tpu.memory_space<hbm>>) target(%dma_start3A_2778 : memref<32x128xf32, #tpu.memory_space<vmem>>) target_semaphore(%arg16 : memref<!tpu.dma_semaphore, #tpu.memory_space<semaphore_mem>>)
      %mul3A_2781 = arith.constant 4 : i32
      %mul3A_2782 = arith.muli %scan3A_1051, %mul3A_2781 : i32
      %add3A_2783 = arith.constant 2 : i32
      %add3A_2784 = arith.addi %mul3A_2782, %add3A_2783 : i32
      %dma_wait3A_2785 = arith.constant 0 : i32
      %dma_wait3A_2786 = arith.constant 0 : i32
      %dma_wait3A_2787 = arith.constant 0 : i32
      %dma_wait3A_2788 = arith.constant 0 : i32
      %dma_wait3A_2789 = tpu.memref_slice %arg10[%dma_wait3A_2785, %dma_wait3A_2786, %dma_wait3A_2787, %dma_wait3A_2788] : memref<2x4x32x128xf32, #tpu.memory_space<vmem>> -> memref<1x1x32x128xf32, #tpu.memory_space<vmem>>
      %dma_wait3A_2790 = tpu.memref_squeeze %dma_wait3A_2789 : memref<1x1x32x128xf32, #tpu.memory_space<vmem>> -> memref<32x128xf32, #tpu.memory_space<vmem>>
      %dma_wait3A_2791 = arith.constant 0 : i32
      %dma_wait3A_2792 = arith.constant 0 : i32
      %dma_wait3A_2793 = tpu.memref_slice %arg3[%dma_wait3A_2791, %dma_wait3A_2792] : memref<32x1000000xf32, #tpu.memory_space<hbm>> -> memref<32x128xf32, #tpu.memory_space<hbm>>
      %dma_wait3A_2794 = arith.constant 0 : i32
      %dma_wait3A_2795 = arith.constant 0 : i32
      %dma_wait3A_2796 = tpu.memref_slice %arg10[%dma_wait3A_2785, %dma_wait3A_2786, %dma_wait3A_2794, %dma_wait3A_2795] : memref<2x4x32x128xf32, #tpu.memory_space<vmem>> -> memref<1x1x32x128xf32, #tpu.memory_space<vmem>>
      %dma_wait3A_2797 = tpu.memref_squeeze %dma_wait3A_2796 : memref<1x1x32x128xf32, #tpu.memory_space<vmem>> -> memref<32x128xf32, #tpu.memory_space<vmem>>
      %dma_wait3A_2798 = arith.constant 0 : i32
      %dma_wait3A_2799 = arith.constant 0 : i32
      %dma_wait3A_2800 = tpu.memref_slice %arg3[%dma_wait3A_2798, %dma_wait3A_2799] : memref<32x1000000xf32, #tpu.memory_space<hbm>> -> memref<32x128xf32, #tpu.memory_space<hbm>>
      tpu.wait_dma2 semaphore(%arg16 : memref<!tpu.dma_semaphore, #tpu.memory_space<semaphore_mem>>) src(%dma_wait3A_2800 : memref<32x128xf32, #tpu.memory_space<hbm>>) dst(%dma_wait3A_2797 : memref<32x128xf32, #tpu.memory_space<vmem>>)
      %dma_wait3A_2801 = arith.constant 0 : i32
      %dma_wait3A_2802 = arith.constant 0 : i32
      %dma_wait3A_2803 = arith.constant 0 : i32
      %dma_wait3A_2804 = arith.constant 0 : i32
      %dma_wait3A_2805 = tpu.memref_slice %arg10[%dma_wait3A_2801, %dma_wait3A_2802, %dma_wait3A_2803, %dma_wait3A_2804] : memref<2x4x32x128xf32, #tpu.memory_space<vmem>> -> memref<1x1x32x128xf32, #tpu.memory_space<vmem>>
      %dma_wait3A_2806 = tpu.memref_squeeze %dma_wait3A_2805 : memref<1x1x32x128xf32, #tpu.memory_space<vmem>> -> memref<32x128xf32, #tpu.memory_space<vmem>>
      %dma_wait3A_2807 = arith.constant 0 : i32
      %dma_wait3A_2808 = arith.constant 0 : i32
      %dma_wait3A_2809 = tpu.memref_slice %arg3[%dma_wait3A_2807, %dma_wait3A_2808] : memref<32x1000000xf32, #tpu.memory_space<hbm>> -> memref<32x128xf32, #tpu.memory_space<hbm>>
      %dma_wait3A_2810 = arith.constant 0 : i32
      %dma_wait3A_2811 = arith.constant 0 : i32
      %dma_wait3A_2812 = tpu.memref_slice %arg10[%dma_wait3A_2801, %dma_wait3A_2802, %dma_wait3A_2810, %dma_wait3A_2811] : memref<2x4x32x128xf32, #tpu.memory_space<vmem>> -> memref<1x1x32x128xf32, #tpu.memory_space<vmem>>
      %dma_wait3A_2813 = tpu.memref_squeeze %dma_wait3A_2812 : memref<1x1x32x128xf32, #tpu.memory_space<vmem>> -> memref<32x128xf32, #tpu.memory_space<vmem>>
      %dma_wait3A_2814 = arith.constant 0 : i32
      %dma_wait3A_2815 = arith.constant 0 : i32
      %dma_wait3A_2816 = tpu.memref_slice %arg3[%dma_wait3A_2814, %dma_wait3A_2815] : memref<32x1000000xf32, #tpu.memory_space<hbm>> -> memref<32x128xf32, #tpu.memory_space<hbm>>
      tpu.wait_dma2 semaphore(%arg16 : memref<!tpu.dma_semaphore, #tpu.memory_space<semaphore_mem>>) src(%dma_wait3A_2816 : memref<32x128xf32, #tpu.memory_space<hbm>>) dst(%dma_wait3A_2813 : memref<32x128xf32, #tpu.memory_space<vmem>>)
      %dma_wait3A_2817 = arith.constant 0 : i32
      %dma_wait3A_2818 = arith.constant 0 : i32
      %dma_wait3A_2819 = arith.constant 0 : i32
      %dma_wait3A_2820 = arith.constant 0 : i32
      %dma_wait3A_2821 = tpu.memref_slice %arg10[%dma_wait3A_2817, %dma_wait3A_2818, %dma_wait3A_2819, %dma_wait3A_2820] : memref<2x4x32x128xf32, #tpu.memory_space<vmem>> -> memref<1x1x32x128xf32, #tpu.memory_space<vmem>>
      %dma_wait3A_2822 = tpu.memref_squeeze %dma_wait3A_2821 : memref<1x1x32x128xf32, #tpu.memory_space<vmem>> -> memref<32x128xf32, #tpu.memory_space<vmem>>
      %dma_wait3A_2823 = arith.constant 0 : i32
      %dma_wait3A_2824 = arith.constant 0 : i32
      %dma_wait3A_2825 = tpu.memref_slice %arg3[%dma_wait3A_2823, %dma_wait3A_2824] : memref<32x1000000xf32, #tpu.memory_space<hbm>> -> memref<32x128xf32, #tpu.memory_space<hbm>>
      %dma_wait3A_2826 = arith.constant 0 : i32
      %dma_wait3A_2827 = arith.constant 0 : i32
      %dma_wait3A_2828 = tpu.memref_slice %arg10[%dma_wait3A_2817, %dma_wait3A_2818, %dma_wait3A_2826, %dma_wait3A_2827] : memref<2x4x32x128xf32, #tpu.memory_space<vmem>> -> memref<1x1x32x128xf32, #tpu.memory_space<vmem>>
      %dma_wait3A_2829 = tpu.memref_squeeze %dma_wait3A_2828 : memref<1x1x32x128xf32, #tpu.memory_space<vmem>> -> memref<32x128xf32, #tpu.memory_space<vmem>>
      %dma_wait3A_2830 = arith.constant 0 : i32
      %dma_wait3A_2831 = arith.constant 0 : i32
      %dma_wait3A_2832 = tpu.memref_slice %arg3[%dma_wait3A_2830, %dma_wait3A_2831] : memref<32x1000000xf32, #tpu.memory_space<hbm>> -> memref<32x128xf32, #tpu.memory_space<hbm>>
      tpu.wait_dma2 semaphore(%arg16 : memref<!tpu.dma_semaphore, #tpu.memory_space<semaphore_mem>>) src(%dma_wait3A_2832 : memref<32x128xf32, #tpu.memory_space<hbm>>) dst(%dma_wait3A_2829 : memref<32x128xf32, #tpu.memory_space<vmem>>)
      %dma_wait3A_2833 = arith.constant 0 : i32
      %dma_wait3A_2834 = arith.constant 0 : i32
      %dma_wait3A_2835 = arith.constant 0 : i32
      %dma_wait3A_2836 = arith.constant 0 : i32
      %dma_wait3A_2837 = tpu.memref_slice %arg10[%dma_wait3A_2833, %dma_wait3A_2834, %dma_wait3A_2835, %dma_wait3A_2836] : memref<2x4x32x128xf32, #tpu.memory_space<vmem>> -> memref<1x1x32x128xf32, #tpu.memory_space<vmem>>
      %dma_wait3A_2838 = tpu.memref_squeeze %dma_wait3A_2837 : memref<1x1x32x128xf32, #tpu.memory_space<vmem>> -> memref<32x128xf32, #tpu.memory_space<vmem>>
      %dma_wait3A_2839 = arith.constant 0 : i32
      %dma_wait3A_2840 = arith.constant 0 : i32
      %dma_wait3A_2841 = tpu.memref_slice %arg3[%dma_wait3A_2839, %dma_wait3A_2840] : memref<32x1000000xf32, #tpu.memory_space<hbm>> -> memref<32x128xf32, #tpu.memory_space<hbm>>
      %dma_wait3A_2842 = arith.constant 0 : i32
      %dma_wait3A_2843 = arith.constant 0 : i32
      %dma_wait3A_2844 = tpu.memref_slice %arg10[%dma_wait3A_2833, %dma_wait3A_2834, %dma_wait3A_2842, %dma_wait3A_2843] : memref<2x4x32x128xf32, #tpu.memory_space<vmem>> -> memref<1x1x32x128xf32, #tpu.memory_space<vmem>>
      %dma_wait3A_2845 = tpu.memref_squeeze %dma_wait3A_2844 : memref<1x1x32x128xf32, #tpu.memory_space<vmem>> -> memref<32x128xf32, #tpu.memory_space<vmem>>
      %dma_wait3A_2846 = arith.constant 0 : i32
      %dma_wait3A_2847 = arith.constant 0 : i32
      %dma_wait3A_2848 = tpu.memref_slice %arg3[%dma_wait3A_2846, %dma_wait3A_2847] : memref<32x1000000xf32, #tpu.memory_space<hbm>> -> memref<32x128xf32, #tpu.memory_space<hbm>>
      tpu.wait_dma2 semaphore(%arg16 : memref<!tpu.dma_semaphore, #tpu.memory_space<semaphore_mem>>) src(%dma_wait3A_2848 : memref<32x128xf32, #tpu.memory_space<hbm>>) dst(%dma_wait3A_2845 : memref<32x128xf32, #tpu.memory_space<vmem>>)
      %dma_wait3A_2849 = arith.constant 0 : i32
      %dma_wait3A_2850 = arith.constant 0 : i32
      %dma_wait3A_2851 = arith.constant 0 : i32
      %dma_wait3A_2852 = arith.constant 0 : i32
      %dma_wait3A_2853 = tpu.memref_slice %arg10[%dma_wait3A_2849, %dma_wait3A_2850, %dma_wait3A_2851, %dma_wait3A_2852] : memref<2x4x32x128xf32, #tpu.memory_space<vmem>> -> memref<1x1x32x128xf32, #tpu.memory_space<vmem>>
      %dma_wait3A_2854 = tpu.memref_squeeze %dma_wait3A_2853 : memref<1x1x32x128xf32, #tpu.memory_space<vmem>> -> memref<32x128xf32, #tpu.memory_space<vmem>>
      %dma_wait3A_2855 = arith.constant 0 : i32
      %dma_wait3A_2856 = arith.constant 0 : i32
      %dma_wait3A_2857 = tpu.memref_slice %arg3[%dma_wait3A_2855, %dma_wait3A_2856] : memref<32x1000000xf32, #tpu.memory_space<hbm>> -> memref<32x128xf32, #tpu.memory_space<hbm>>
      %dma_wait3A_2858 = arith.constant 0 : i32
      %dma_wait3A_2859 = arith.constant 0 : i32
      %dma_wait3A_2860 = tpu.memref_slice %arg10[%dma_wait3A_2849, %dma_wait3A_2850, %dma_wait3A_2858, %dma_wait3A_2859] : memref<2x4x32x128xf32, #tpu.memory_space<vmem>> -> memref<1x1x32x128xf32, #tpu.memory_space<vmem>>
      %dma_wait3A_2861 = tpu.memref_squeeze %dma_wait3A_2860 : memref<1x1x32x128xf32, #tpu.memory_space<vmem>> -> memref<32x128xf32, #tpu.memory_space<vmem>>
      %dma_wait3A_2862 = arith.constant 0 : i32
      %dma_wait3A_2863 = arith.constant 0 : i32
      %dma_wait3A_2864 = tpu.memref_slice %arg3[%dma_wait3A_2862, %dma_wait3A_2863] : memref<32x1000000xf32, #tpu.memory_space<hbm>> -> memref<32x128xf32, #tpu.memory_space<hbm>>
      tpu.wait_dma2 semaphore(%arg16 : memref<!tpu.dma_semaphore, #tpu.memory_space<semaphore_mem>>) src(%dma_wait3A_2864 : memref<32x128xf32, #tpu.memory_space<hbm>>) dst(%dma_wait3A_2861 : memref<32x128xf32, #tpu.memory_space<vmem>>)
      %dma_wait3A_2865 = arith.constant 0 : i32
      %dma_wait3A_2866 = arith.constant 0 : i32
      %dma_wait3A_2867 = arith.constant 0 : i32
      %dma_wait3A_2868 = arith.constant 0 : i32
      %dma_wait3A_2869 = tpu.memref_slice %arg10[%dma_wait3A_2865, %dma_wait3A_2866, %dma_wait3A_2867, %dma_wait3A_2868] : memref<2x4x32x128xf32, #tpu.memory_space<vmem>> -> memref<1x1x32x128xf32, #tpu.memory_space<vmem>>
      %dma_wait3A_2870 = tpu.memref_squeeze %dma_wait3A_2869 : memref<1x1x32x128xf32, #tpu.memory_space<vmem>> -> memref<32x128xf32, #tpu.memory_space<vmem>>
      %dma_wait3A_2871 = arith.constant 0 : i32
      %dma_wait3A_2872 = arith.constant 0 : i32
      %dma_wait3A_2873 = tpu.memref_slice %arg3[%dma_wait3A_2871, %dma_wait3A_2872] : memref<32x1000000xf32, #tpu.memory_space<hbm>> -> memref<32x128xf32, #tpu.memory_space<hbm>>
      %dma_wait3A_2874 = arith.constant 0 : i32
      %dma_wait3A_2875 = arith.constant 0 : i32
      %dma_wait3A_2876 = tpu.memref_slice %arg10[%dma_wait3A_2865, %dma_wait3A_2866, %dma_wait3A_2874, %dma_wait3A_2875] : memref<2x4x32x128xf32, #tpu.memory_space<vmem>> -> memref<1x1x32x128xf32, #tpu.memory_space<vmem>>
      %dma_wait3A_2877 = tpu.memref_squeeze %dma_wait3A_2876 : memref<1x1x32x128xf32, #tpu.memory_space<vmem>> -> memref<32x128xf32, #tpu.memory_space<vmem>>
      %dma_wait3A_2878 = arith.constant 0 : i32
      %dma_wait3A_2879 = arith.constant 0 : i32
      %dma_wait3A_2880 = tpu.memref_slice %arg3[%dma_wait3A_2878, %dma_wait3A_2879] : memref<32x1000000xf32, #tpu.memory_space<hbm>> -> memref<32x128xf32, #tpu.memory_space<hbm>>
      tpu.wait_dma2 semaphore(%arg16 : memref<!tpu.dma_semaphore, #tpu.memory_space<semaphore_mem>>) src(%dma_wait3A_2880 : memref<32x128xf32, #tpu.memory_space<hbm>>) dst(%dma_wait3A_2877 : memref<32x128xf32, #tpu.memory_space<vmem>>)
      %dma_wait3A_2881 = arith.constant 0 : i32
      %dma_wait3A_2882 = arith.constant 0 : i32
      %dma_wait3A_2883 = arith.constant 0 : i32
      %dma_wait3A_2884 = arith.constant 0 : i32
      %dma_wait3A_2885 = tpu.memref_slice %arg10[%dma_wait3A_2881, %dma_wait3A_2882, %dma_wait3A_2883, %dma_wait3A_2884] : memref<2x4x32x128xf32, #tpu.memory_space<vmem>> -> memref<1x1x32x128xf32, #tpu.memory_space<vmem>>
      %dma_wait3A_2886 = tpu.memref_squeeze %dma_wait3A_2885 : memref<1x1x32x128xf32, #tpu.memory_space<vmem>> -> memref<32x128xf32, #tpu.memory_space<vmem>>
      %dma_wait3A_2887 = arith.constant 0 : i32
      %dma_wait3A_2888 = arith.constant 0 : i32
      %dma_wait3A_2889 = tpu.memref_slice %arg3[%dma_wait3A_2887, %dma_wait3A_2888] : memref<32x1000000xf32, #tpu.memory_space<hbm>> -> memref<32x128xf32, #tpu.memory_space<hbm>>
      %dma_wait3A_2890 = arith.constant 0 : i32
      %dma_wait3A_2891 = arith.constant 0 : i32
      %dma_wait3A_2892 = tpu.memref_slice %arg10[%dma_wait3A_2881, %dma_wait3A_2882, %dma_wait3A_2890, %dma_wait3A_2891] : memref<2x4x32x128xf32, #tpu.memory_space<vmem>> -> memref<1x1x32x128xf32, #tpu.memory_space<vmem>>
      %dma_wait3A_2893 = tpu.memref_squeeze %dma_wait3A_2892 : memref<1x1x32x128xf32, #tpu.memory_space<vmem>> -> memref<32x128xf32, #tpu.memory_space<vmem>>
      %dma_wait3A_2894 = arith.constant 0 : i32
      %dma_wait3A_2895 = arith.constant 0 : i32
      %dma_wait3A_2896 = tpu.memref_slice %arg3[%dma_wait3A_2894, %dma_wait3A_2895] : memref<32x1000000xf32, #tpu.memory_space<hbm>> -> memref<32x128xf32, #tpu.memory_space<hbm>>
      tpu.wait_dma2 semaphore(%arg16 : memref<!tpu.dma_semaphore, #tpu.memory_space<semaphore_mem>>) src(%dma_wait3A_2896 : memref<32x128xf32, #tpu.memory_space<hbm>>) dst(%dma_wait3A_2893 : memref<32x128xf32, #tpu.memory_space<vmem>>)
      %dma_wait3A_2897 = arith.constant 0 : i32
      %dma_wait3A_2898 = arith.constant 0 : i32
      %dma_wait3A_2899 = arith.constant 0 : i32
      %dma_wait3A_2900 = arith.constant 0 : i32
      %dma_wait3A_2901 = tpu.memref_slice %arg10[%dma_wait3A_2897, %dma_wait3A_2898, %dma_wait3A_2899, %dma_wait3A_2900] : memref<2x4x32x128xf32, #tpu.memory_space<vmem>> -> memref<1x1x32x128xf32, #tpu.memory_space<vmem>>
      %dma_wait3A_2902 = tpu.memref_squeeze %dma_wait3A_2901 : memref<1x1x32x128xf32, #tpu.memory_space<vmem>> -> memref<32x128xf32, #tpu.memory_space<vmem>>
      %dma_wait3A_2903 = arith.constant 0 : i32
      %dma_wait3A_2904 = arith.constant 0 : i32
      %dma_wait3A_2905 = tpu.memref_slice %arg3[%dma_wait3A_2903, %dma_wait3A_2904] : memref<32x1000000xf32, #tpu.memory_space<hbm>> -> memref<32x128xf32, #tpu.memory_space<hbm>>
      %dma_wait3A_2906 = arith.constant 0 : i32
      %dma_wait3A_2907 = arith.constant 0 : i32
      %dma_wait3A_2908 = tpu.memref_slice %arg10[%dma_wait3A_2897, %dma_wait3A_2898, %dma_wait3A_2906, %dma_wait3A_2907] : memref<2x4x32x128xf32, #tpu.memory_space<vmem>> -> memref<1x1x32x128xf32, #tpu.memory_space<vmem>>
      %dma_wait3A_2909 = tpu.memref_squeeze %dma_wait3A_2908 : memref<1x1x32x128xf32, #tpu.memory_space<vmem>> -> memref<32x128xf32, #tpu.memory_space<vmem>>
      %dma_wait3A_2910 = arith.constant 0 : i32
      %dma_wait3A_2911 = arith.constant 0 : i32
      %dma_wait3A_2912 = tpu.memref_slice %arg3[%dma_wait3A_2910, %dma_wait3A_2911] : memref<32x1000000xf32, #tpu.memory_space<hbm>> -> memref<32x128xf32, #tpu.memory_space<hbm>>
      tpu.wait_dma2 semaphore(%arg16 : memref<!tpu.dma_semaphore, #tpu.memory_space<semaphore_mem>>) src(%dma_wait3A_2912 : memref<32x128xf32, #tpu.memory_space<hbm>>) dst(%dma_wait3A_2909 : memref<32x128xf32, #tpu.memory_space<vmem>>)
      %mul3A_2913 = arith.constant 4 : i32
      %mul3A_2914 = arith.muli %add3A_2784, %mul3A_2913 : i32
      %add3A_2915 = arith.constant 0 : i32
      %add3A_2916 = arith.addi %mul3A_2914, %add3A_2915 : i32
      %get3A_2917 = arith.index_cast %add3A_2916 : i32 to index
      %get3A_2918 = tpu.vector_load %arg8[%get3A_2917] {strides = array<i32>} : memref<528xi32, #tpu.memory_space<vmem>>, vector<16xi32>,
      %get3A_2919 = arith.index_cast %add3A_2916 : i32 to index
      %get3A_2920 = tpu.vector_load %arg9[%get3A_2919] {strides = array<i32>} : memref<528xi32, #tpu.memory_space<vmem>>, vector<16xi32>,
      %slice3A_2921 = vector.extract_strided_slice %get3A_2918 {offsets = [0], sizes = [1], strides = [1]} : vector<16xi32> to vector<1xi32>
      %squeeze3A_2922 = vector.extract %slice3A_2921[0] : i32 from vector<1xi32>
      %slice3A_2923 = vector.extract_strided_slice %get3A_2920 {offsets = [0], sizes = [1], strides = [1]} : vector<16xi32> to vector<1xi32>
      %squeeze3A_2924 = vector.extract %slice3A_2923[0] : i32 from vector<1xi32>
      %jit3A_2925 = arith.constant 128 : i32
      %eq3A_2926 = arith.constant 0 : i32
      %eq3A_2927 = arith.cmpi eq, %jit3A_2925, %eq3A_2926 : i32
      %jit3A_2928 = arith.constant 1 : i32
      %select_n3A_2929 = arith.select %eq3A_2927, %jit3A_2928, %jit3A_2925 : i32
      %rem3A_2930 = arith.remsi %squeeze3A_2922, %select_n3A_2929 : i32
      %ne3A_2931 = arith.constant 0 : i32
      %ne3A_2932 = arith.cmpi ne, %rem3A_2930, %ne3A_2931 : i32
      %lt3A_2933 = arith.constant 0 : i32
      %lt3A_2934 = arith.cmpi slt, %rem3A_2930, %lt3A_2933 : i32
      %lt3A_2935 = arith.constant 0 : i32
      %lt3A_2936 = arith.cmpi slt, %select_n3A_2929, %lt3A_2935 : i32
      %ne3A_2937 = arith.xori %lt3A_2934, %lt3A_2936 : i1
      %and3A_2938 = arith.andi %ne3A_2937, %ne3A_2932 : i1
      %add3A_2939 = arith.addi %rem3A_2930, %select_n3A_2929 : i32
      %select_n3A_2940 = arith.select %and3A_2938, %add3A_2939, %rem3A_2930 : i32
      %broadcast_in_dim3A_2941 = vector.broadcast %select_n3A_2940 : i32 to vector<16xi32>
      %jit3A_2942 = arith.constant 128 : i32
      %eq3A_2943 = arith.constant 0 : i32
      %eq3A_2944 = arith.cmpi eq, %jit3A_2942, %eq3A_2943 : i32
      %jit3A_2945 = arith.constant 1 : i32
      %select_n3A_2946 = arith.select %eq3A_2944, %jit3A_2945, %jit3A_2942 : i32
      %rem3A_2947 = arith.remsi %squeeze3A_2924, %select_n3A_2946 : i32
      %ne3A_2948 = arith.constant 0 : i32
      %ne3A_2949 = arith.cmpi ne, %rem3A_2947, %ne3A_2948 : i32
      %lt3A_2950 = arith.constant 0 : i32
      %lt3A_2951 = arith.cmpi slt, %rem3A_2947, %lt3A_2950 : i32
      %lt3A_2952 = arith.constant 0 : i32
      %lt3A_2953 = arith.cmpi slt, %select_n3A_2946, %lt3A_2952 : i32
      %ne3A_2954 = arith.xori %lt3A_2951, %lt3A_2953 : i1
      %and3A_2955 = arith.andi %ne3A_2954, %ne3A_2949 : i1
      %add3A_2956 = arith.addi %rem3A_2947, %select_n3A_2946 : i32
      %select_n3A_2957 = arith.select %and3A_2955, %add3A_2956, %rem3A_2947 : i32
      %broadcast_in_dim3A_2958 = vector.broadcast %select_n3A_2957 : i32 to vector<16xi32>
      %gather3A_2959 = arith.constant 0 : i32
      %gather3A_2960 = arith.constant 0 : i32
      %gather3A_2961 = arith.constant 0 : i32
      %gather3A_2962 = arith.constant 0 : i32
      %gather3A_2963 = tpu.memref_slice %arg10[%gather3A_2959, %gather3A_2960, %gather3A_2961, %gather3A_2962] : memref<2x4x32x128xf32, #tpu.memory_space<vmem>> -> memref<1x1x32x128xf32, #tpu.memory_space<vmem>>
      %gather3A_2964 = tpu.memref_squeeze %gather3A_2963 : memref<1x1x32x128xf32, #tpu.memory_space<vmem>> -> memref<32x128xf32, #tpu.memory_space<vmem>>
      %gather3A_2965 = tpu.vector_load_idx %gather3A_2964[%iota3A, %broadcast_in_dim3A_2941] : memref<32x128xf32, #tpu.memory_space<vmem>>[vector<16xi32>, vector<16xi32>], vector<16xf32>,
      %gather3A_2966 = arith.constant 0 : i32
      %gather3A_2967 = arith.constant 0 : i32
      %gather3A_2968 = arith.constant 0 : i32
      %gather3A_2969 = arith.constant 0 : i32
      %gather3A_2970 = tpu.memref_slice %arg10[%gather3A_2966, %gather3A_2967, %gather3A_2968, %gather3A_2969] : memref<2x4x32x128xf32, #tpu.memory_space<vmem>> -> memref<1x1x32x128xf32, #tpu.memory_space<vmem>>
      %gather3A_2971 = tpu.memref_squeeze %gather3A_2970 : memref<1x1x32x128xf32, #tpu.memory_space<vmem>> -> memref<32x128xf32, #tpu.memory_space<vmem>>
      %gather3A_2972 = tpu.vector_load_idx %gather3A_2971[%add3A_25, %broadcast_in_dim3A_2941] : memref<32x128xf32, #tpu.memory_space<vmem>>[vector<16xi32>, vector<16xi32>], vector<16xf32>,
      %gather3A_2973 = arith.constant 0 : i32
      %gather3A_2974 = arith.constant 0 : i32
      %gather3A_2975 = arith.constant 0 : i32
      %gather3A_2976 = arith.constant 0 : i32
      %gather3A_2977 = tpu.memref_slice %arg11[%gather3A_2973, %gather3A_2974, %gather3A_2975, %gather3A_2976] : memref<2x4x32x128xf32, #tpu.memory_space<vmem>> -> memref<1x1x32x128xf32, #tpu.memory_space<vmem>>
      %gather3A_2978 = tpu.memref_squeeze %gather3A_2977 : memref<1x1x32x128xf32, #tpu.memory_space<vmem>> -> memref<32x128xf32, #tpu.memory_space<vmem>>
      %gather3A_2979 = tpu.vector_load_idx %gather3A_2978[%iota3A, %broadcast_in_dim3A_2958] : memref<32x128xf32, #tpu.memory_space<vmem>>[vector<16xi32>, vector<16xi32>], vector<16xf32>,
      %gather3A_2980 = arith.constant 0 : i32
      %gather3A_2981 = arith.constant 0 : i32
      %gather3A_2982 = arith.constant 0 : i32
      %gather3A_2983 = arith.constant 0 : i32
      %gather3A_2984 = tpu.memref_slice %arg11[%gather3A_2980, %gather3A_2981, %gather3A_2982, %gather3A_2983] : memref<2x4x32x128xf32, #tpu.memory_space<vmem>> -> memref<1x1x32x128xf32, #tpu.memory_space<vmem>>
      %gather3A_2985 = tpu.memref_squeeze %gather3A_2984 : memref<1x1x32x128xf32, #tpu.memory_space<vmem>> -> memref<32x128xf32, #tpu.memory_space<vmem>>
      %gather3A_2986 = tpu.vector_load_idx %gather3A_2985[%add3A_25, %broadcast_in_dim3A_2958] : memref<32x128xf32, #tpu.memory_space<vmem>>[vector<16xi32>, vector<16xi32>], vector<16xf32>,
      %mul3A_2987 = arith.mulf %gather3A_2965, %gather3A_2979 : vector<16xf32>
      %mul3A_2988 = arith.mulf %gather3A_2972, %gather3A_2986 : vector<16xf32>
      %add3A_2989 = arith.addf %mul3A_2987, %mul3A_2988 : vector<16xf32>
      %reduce_sum3A_2990 = arith.constant true
      %reduce_sum3A_2991 = vector.broadcast %reduce_sum3A_2990 : i1 to vector<16xi1>
      %reduce_sum3A_2992 = tpu.scan <sum>, %add3A_2989 masked %reduce_sum3A_2991 : vector<16xf32>, vector<16xi1> -> vector<16xf32>
      %reduce_sum3A_2993 = vector.extract %reduce_sum3A_2992[15] : f32 from vector<16xf32>
      %eq3A_2994 = arith.constant 8 : i32
      %eq3A_2995 = vector.broadcast %eq3A_2994 : i32 to vector<16xi32>
      %eq3A_2996 = arith.cmpi eq, %iota3A, %eq3A_2995 : vector<16xi32>
      %add3A_2997 = vector.broadcast %reduce_sum3A_2993 : f32 to vector<16xf32>
      %add3A_2998 = arith.addf %select_n3A_2394, %add3A_2997 : vector<16xf32>
      %select_n3A_2999 = arith.select %eq3A_2996, %add3A_2998, %select_n3A_2394 : vector<16xi1>, vector<16xf32>
      %mul3A_3000 = arith.constant 4 : i32
      %mul3A_3001 = arith.muli %add3A_2784, %mul3A_3000 : i32
      %add3A_3002 = arith.constant 1 : i32
      %add3A_3003 = arith.addi %mul3A_3001, %add3A_3002 : i32
      %get3A_3004 = arith.index_cast %add3A_3003 : i32 to index
      %get3A_3005 = tpu.vector_load %arg8[%get3A_3004] {strides = array<i32>} : memref<528xi32, #tpu.memory_space<vmem>>, vector<16xi32>,
      %get3A_3006 = arith.index_cast %add3A_3003 : i32 to index
      %get3A_3007 = tpu.vector_load %arg9[%get3A_3006] {strides = array<i32>} : memref<528xi32, #tpu.memory_space<vmem>>, vector<16xi32>,
      %slice3A_3008 = vector.extract_strided_slice %get3A_3005 {offsets = [0], sizes = [1], strides = [1]} : vector<16xi32> to vector<1xi32>
      %squeeze3A_3009 = vector.extract %slice3A_3008[0] : i32 from vector<1xi32>
      %slice3A_3010 = vector.extract_strided_slice %get3A_3007 {offsets = [0], sizes = [1], strides = [1]} : vector<16xi32> to vector<1xi32>
      %squeeze3A_3011 = vector.extract %slice3A_3010[0] : i32 from vector<1xi32>
      %jit3A_3012 = arith.constant 128 : i32
      %eq3A_3013 = arith.constant 0 : i32
      %eq3A_3014 = arith.cmpi eq, %jit3A_3012, %eq3A_3013 : i32
      %jit3A_3015 = arith.constant 1 : i32
      %select_n3A_3016 = arith.select %eq3A_3014, %jit3A_3015, %jit3A_3012 : i32
      %rem3A_3017 = arith.remsi %squeeze3A_3009, %select_n3A_3016 : i32
      %ne3A_3018 = arith.constant 0 : i32
      %ne3A_3019 = arith.cmpi ne, %rem3A_3017, %ne3A_3018 : i32
      %lt3A_3020 = arith.constant 0 : i32
      %lt3A_3021 = arith.cmpi slt, %rem3A_3017, %lt3A_3020 : i32
      %lt3A_3022 = arith.constant 0 : i32
      %lt3A_3023 = arith.cmpi slt, %select_n3A_3016, %lt3A_3022 : i32
      %ne3A_3024 = arith.xori %lt3A_3021, %lt3A_3023 : i1
      %and3A_3025 = arith.andi %ne3A_3024, %ne3A_3019 : i1
      %add3A_3026 = arith.addi %rem3A_3017, %select_n3A_3016 : i32
      %select_n3A_3027 = arith.select %and3A_3025, %add3A_3026, %rem3A_3017 : i32
      %broadcast_in_dim3A_3028 = vector.broadcast %select_n3A_3027 : i32 to vector<16xi32>
      %jit3A_3029 = arith.constant 128 : i32
      %eq3A_3030 = arith.constant 0 : i32
      %eq3A_3031 = arith.cmpi eq, %jit3A_3029, %eq3A_3030 : i32
      %jit3A_3032 = arith.constant 1 : i32
      %select_n3A_3033 = arith.select %eq3A_3031, %jit3A_3032, %jit3A_3029 : i32
      %rem3A_3034 = arith.remsi %squeeze3A_3011, %select_n3A_3033 : i32
      %ne3A_3035 = arith.constant 0 : i32
      %ne3A_3036 = arith.cmpi ne, %rem3A_3034, %ne3A_3035 : i32
      %lt3A_3037 = arith.constant 0 : i32
      %lt3A_3038 = arith.cmpi slt, %rem3A_3034, %lt3A_3037 : i32
      %lt3A_3039 = arith.constant 0 : i32
      %lt3A_3040 = arith.cmpi slt, %select_n3A_3033, %lt3A_3039 : i32
      %ne3A_3041 = arith.xori %lt3A_3038, %lt3A_3040 : i1
      %and3A_3042 = arith.andi %ne3A_3041, %ne3A_3036 : i1
      %add3A_3043 = arith.addi %rem3A_3034, %select_n3A_3033 : i32
      %select_n3A_3044 = arith.select %and3A_3042, %add3A_3043, %rem3A_3034 : i32
      %broadcast_in_dim3A_3045 = vector.broadcast %select_n3A_3044 : i32 to vector<16xi32>
      %gather3A_3046 = arith.constant 0 : i32
      %gather3A_3047 = arith.constant 1 : i32
      %gather3A_3048 = arith.constant 0 : i32
      %gather3A_3049 = arith.constant 0 : i32
      %gather3A_3050 = tpu.memref_slice %arg10[%gather3A_3046, %gather3A_3047, %gather3A_3048, %gather3A_3049] : memref<2x4x32x128xf32, #tpu.memory_space<vmem>> -> memref<1x1x32x128xf32, #tpu.memory_space<vmem>>
      %gather3A_3051 = tpu.memref_squeeze %gather3A_3050 : memref<1x1x32x128xf32, #tpu.memory_space<vmem>> -> memref<32x128xf32, #tpu.memory_space<vmem>>
      %gather3A_3052 = tpu.vector_load_idx %gather3A_3051[%iota3A, %broadcast_in_dim3A_3028] : memref<32x128xf32, #tpu.memory_space<vmem>>[vector<16xi32>, vector<16xi32>], vector<16xf32>,
      %gather3A_3053 = arith.constant 0 : i32
      %gather3A_3054 = arith.constant 1 : i32
      %gather3A_3055 = arith.constant 0 : i32
      %gather3A_3056 = arith.constant 0 : i32
      %gather3A_3057 = tpu.memref_slice %arg10[%gather3A_3053, %gather3A_3054, %gather3A_3055, %gather3A_3056] : memref<2x4x32x128xf32, #tpu.memory_space<vmem>> -> memref<1x1x32x128xf32, #tpu.memory_space<vmem>>
      %gather3A_3058 = tpu.memref_squeeze %gather3A_3057 : memref<1x1x32x128xf32, #tpu.memory_space<vmem>> -> memref<32x128xf32, #tpu.memory_space<vmem>>
      %gather3A_3059 = tpu.vector_load_idx %gather3A_3058[%add3A_25, %broadcast_in_dim3A_3028] : memref<32x128xf32, #tpu.memory_space<vmem>>[vector<16xi32>, vector<16xi32>], vector<16xf32>,
      %gather3A_3060 = arith.constant 0 : i32
      %gather3A_3061 = arith.constant 1 : i32
      %gather3A_3062 = arith.constant 0 : i32
      %gather3A_3063 = arith.constant 0 : i32
      %gather3A_3064 = tpu.memref_slice %arg11[%gather3A_3060, %gather3A_3061, %gather3A_3062, %gather3A_3063] : memref<2x4x32x128xf32, #tpu.memory_space<vmem>> -> memref<1x1x32x128xf32, #tpu.memory_space<vmem>>
      %gather3A_3065 = tpu.memref_squeeze %gather3A_3064 : memref<1x1x32x128xf32, #tpu.memory_space<vmem>> -> memref<32x128xf32, #tpu.memory_space<vmem>>
      %gather3A_3066 = tpu.vector_load_idx %gather3A_3065[%iota3A, %broadcast_in_dim3A_3045] : memref<32x128xf32, #tpu.memory_space<vmem>>[vector<16xi32>, vector<16xi32>], vector<16xf32>,
      %gather3A_3067 = arith.constant 0 : i32
      %gather3A_3068 = arith.constant 1 : i32
      %gather3A_3069 = arith.constant 0 : i32
      %gather3A_3070 = arith.constant 0 : i32
      %gather3A_3071 = tpu.memref_slice %arg11[%gather3A_3067, %gather3A_3068, %gather3A_3069, %gather3A_3070] : memref<2x4x32x128xf32, #tpu.memory_space<vmem>> -> memref<1x1x32x128xf32, #tpu.memory_space<vmem>>
      %gather3A_3072 = tpu.memref_squeeze %gather3A_3071 : memref<1x1x32x128xf32, #tpu.memory_space<vmem>> -> memref<32x128xf32, #tpu.memory_space<vmem>>
      %gather3A_3073 = tpu.vector_load_idx %gather3A_3072[%add3A_25, %broadcast_in_dim3A_3045] : memref<32x128xf32, #tpu.memory_space<vmem>>[vector<16xi32>, vector<16xi32>], vector<16xf32>,
      %mul3A_3074 = arith.mulf %gather3A_3052, %gather3A_3066 : vector<16xf32>
      %mul3A_3075 = arith.mulf %gather3A_3059, %gather3A_3073 : vector<16xf32>
      %add3A_3076 = arith.addf %mul3A_3074, %mul3A_3075 : vector<16xf32>
      %reduce_sum3A_3077 = arith.constant true
      %reduce_sum3A_3078 = vector.broadcast %reduce_sum3A_3077 : i1 to vector<16xi1>
      %reduce_sum3A_3079 = tpu.scan <sum>, %add3A_3076 masked %reduce_sum3A_3078 : vector<16xf32>, vector<16xi1> -> vector<16xf32>
      %reduce_sum3A_3080 = vector.extract %reduce_sum3A_3079[15] : f32 from vector<16xf32>
      %eq3A_3081 = arith.constant 9 : i32
      %eq3A_3082 = vector.broadcast %eq3A_3081 : i32 to vector<16xi32>
      %eq3A_3083 = arith.cmpi eq, %iota3A, %eq3A_3082 : vector<16xi32>
      %add3A_3084 = vector.broadcast %reduce_sum3A_3080 : f32 to vector<16xf32>
      %add3A_3085 = arith.addf %select_n3A_2999, %add3A_3084 : vector<16xf32>
      %select_n3A_3086 = arith.select %eq3A_3083, %add3A_3085, %select_n3A_2999 : vector<16xi1>, vector<16xf32>
      %mul3A_3087 = arith.constant 4 : i32
      %mul3A_3088 = arith.muli %add3A_2784, %mul3A_3087 : i32
      %add3A_3089 = arith.constant 2 : i32
      %add3A_3090 = arith.addi %mul3A_3088, %add3A_3089 : i32
      %get3A_3091 = arith.index_cast %add3A_3090 : i32 to index
      %get3A_3092 = tpu.vector_load %arg8[%get3A_3091] {strides = array<i32>} : memref<528xi32, #tpu.memory_space<vmem>>, vector<16xi32>,
      %get3A_3093 = arith.index_cast %add3A_3090 : i32 to index
      %get3A_3094 = tpu.vector_load %arg9[%get3A_3093] {strides = array<i32>} : memref<528xi32, #tpu.memory_space<vmem>>, vector<16xi32>,
      %slice3A_3095 = vector.extract_strided_slice %get3A_3092 {offsets = [0], sizes = [1], strides = [1]} : vector<16xi32> to vector<1xi32>
      %squeeze3A_3096 = vector.extract %slice3A_3095[0] : i32 from vector<1xi32>
      %slice3A_3097 = vector.extract_strided_slice %get3A_3094 {offsets = [0], sizes = [1], strides = [1]} : vector<16xi32> to vector<1xi32>
      %squeeze3A_3098 = vector.extract %slice3A_3097[0] : i32 from vector<1xi32>
      %jit3A_3099 = arith.constant 128 : i32
      %eq3A_3100 = arith.constant 0 : i32
      %eq3A_3101 = arith.cmpi eq, %jit3A_3099, %eq3A_3100 : i32
      %jit3A_3102 = arith.constant 1 : i32
      %select_n3A_3103 = arith.select %eq3A_3101, %jit3A_3102, %jit3A_3099 : i32
      %rem3A_3104 = arith.remsi %squeeze3A_3096, %select_n3A_3103 : i32
      %ne3A_3105 = arith.constant 0 : i32
      %ne3A_3106 = arith.cmpi ne, %rem3A_3104, %ne3A_3105 : i32
      %lt3A_3107 = arith.constant 0 : i32
      %lt3A_3108 = arith.cmpi slt, %rem3A_3104, %lt3A_3107 : i32
      %lt3A_3109 = arith.constant 0 : i32
      %lt3A_3110 = arith.cmpi slt, %select_n3A_3103, %lt3A_3109 : i32
      %ne3A_3111 = arith.xori %lt3A_3108, %lt3A_3110 : i1
      %and3A_3112 = arith.andi %ne3A_3111, %ne3A_3106 : i1
      %add3A_3113 = arith.addi %rem3A_3104, %select_n3A_3103 : i32
      %select_n3A_3114 = arith.select %and3A_3112, %add3A_3113, %rem3A_3104 : i32
      %broadcast_in_dim3A_3115 = vector.broadcast %select_n3A_3114 : i32 to vector<16xi32>
      %jit3A_3116 = arith.constant 128 : i32
      %eq3A_3117 = arith.constant 0 : i32
      %eq3A_3118 = arith.cmpi eq, %jit3A_3116, %eq3A_3117 : i32
      %jit3A_3119 = arith.constant 1 : i32
      %select_n3A_3120 = arith.select %eq3A_3118, %jit3A_3119, %jit3A_3116 : i32
      %rem3A_3121 = arith.remsi %squeeze3A_3098, %select_n3A_3120 : i32
      %ne3A_3122 = arith.constant 0 : i32
      %ne3A_3123 = arith.cmpi ne, %rem3A_3121, %ne3A_3122 : i32
      %lt3A_3124 = arith.constant 0 : i32
      %lt3A_3125 = arith.cmpi slt, %rem3A_3121, %lt3A_3124 : i32
      %lt3A_3126 = arith.constant 0 : i32
      %lt3A_3127 = arith.cmpi slt, %select_n3A_3120, %lt3A_3126 : i32
      %ne3A_3128 = arith.xori %lt3A_3125, %lt3A_3127 : i1
      %and3A_3129 = arith.andi %ne3A_3128, %ne3A_3123 : i1
      %add3A_3130 = arith.addi %rem3A_3121, %select_n3A_3120 : i32
      %select_n3A_3131 = arith.select %and3A_3129, %add3A_3130, %rem3A_3121 : i32
      %broadcast_in_dim3A_3132 = vector.broadcast %select_n3A_3131 : i32 to vector<16xi32>
      %gather3A_3133 = arith.constant 0 : i32
      %gather3A_3134 = arith.constant 2 : i32
      %gather3A_3135 = arith.constant 0 : i32
      %gather3A_3136 = arith.constant 0 : i32
      %gather3A_3137 = tpu.memref_slice %arg10[%gather3A_3133, %gather3A_3134, %gather3A_3135, %gather3A_3136] : memref<2x4x32x128xf32, #tpu.memory_space<vmem>> -> memref<1x1x32x128xf32, #tpu.memory_space<vmem>>
      %gather3A_3138 = tpu.memref_squeeze %gather3A_3137 : memref<1x1x32x128xf32, #tpu.memory_space<vmem>> -> memref<32x128xf32, #tpu.memory_space<vmem>>
      %gather3A_3139 = tpu.vector_load_idx %gather3A_3138[%iota3A, %broadcast_in_dim3A_3115] : memref<32x128xf32, #tpu.memory_space<vmem>>[vector<16xi32>, vector<16xi32>], vector<16xf32>,
      %gather3A_3140 = arith.constant 0 : i32
      %gather3A_3141 = arith.constant 2 : i32
      %gather3A_3142 = arith.constant 0 : i32
      %gather3A_3143 = arith.constant 0 : i32
      %gather3A_3144 = tpu.memref_slice %arg10[%gather3A_3140, %gather3A_3141, %gather3A_3142, %gather3A_3143] : memref<2x4x32x128xf32, #tpu.memory_space<vmem>> -> memref<1x1x32x128xf32, #tpu.memory_space<vmem>>
      %gather3A_3145 = tpu.memref_squeeze %gather3A_3144 : memref<1x1x32x128xf32, #tpu.memory_space<vmem>> -> memref<32x128xf32, #tpu.memory_space<vmem>>
      %gather3A_3146 = tpu.vector_load_idx %gather3A_3145[%add3A_25, %broadcast_in_dim3A_3115] : memref<32x128xf32, #tpu.memory_space<vmem>>[vector<16xi32>, vector<16xi32>], vector<16xf32>,
      %gather3A_3147 = arith.constant 0 : i32
      %gather3A_3148 = arith.constant 2 : i32
      %gather3A_3149 = arith.constant 0 : i32
      %gather3A_3150 = arith.constant 0 : i32
      %gather3A_3151 = tpu.memref_slice %arg11[%gather3A_3147, %gather3A_3148, %gather3A_3149, %gather3A_3150] : memref<2x4x32x128xf32, #tpu.memory_space<vmem>> -> memref<1x1x32x128xf32, #tpu.memory_space<vmem>>
      %gather3A_3152 = tpu.memref_squeeze %gather3A_3151 : memref<1x1x32x128xf32, #tpu.memory_space<vmem>> -> memref<32x128xf32, #tpu.memory_space<vmem>>
      %gather3A_3153 = tpu.vector_load_idx %gather3A_3152[%iota3A, %broadcast_in_dim3A_3132] : memref<32x128xf32, #tpu.memory_space<vmem>>[vector<16xi32>, vector<16xi32>], vector<16xf32>,
      %gather3A_3154 = arith.constant 0 : i32
      %gather3A_3155 = arith.constant 2 : i32
      %gather3A_3156 = arith.constant 0 : i32
      %gather3A_3157 = arith.constant 0 : i32
      %gather3A_3158 = tpu.memref_slice %arg11[%gather3A_3154, %gather3A_3155, %gather3A_3156, %gather3A_3157] : memref<2x4x32x128xf32, #tpu.memory_space<vmem>> -> memref<1x1x32x128xf32, #tpu.memory_space<vmem>>
      %gather3A_3159 = tpu.memref_squeeze %gather3A_3158 : memref<1x1x32x128xf32, #tpu.memory_space<vmem>> -> memref<32x128xf32, #tpu.memory_space<vmem>>
      %gather3A_3160 = tpu.vector_load_idx %gather3A_3159[%add3A_25, %broadcast_in_dim3A_3132] : memref<32x128xf32, #tpu.memory_space<vmem>>[vector<16xi32>, vector<16xi32>], vector<16xf32>,
      %mul3A_3161 = arith.mulf %gather3A_3139, %gather3A_3153 : vector<16xf32>
      %mul3A_3162 = arith.mulf %gather3A_3146, %gather3A_3160 : vector<16xf32>
      %add3A_3163 = arith.addf %mul3A_3161, %mul3A_3162 : vector<16xf32>
      %reduce_sum3A_3164 = arith.constant true
      %reduce_sum3A_3165 = vector.broadcast %reduce_sum3A_3164 : i1 to vector<16xi1>
      %reduce_sum3A_3166 = tpu.scan <sum>, %add3A_3163 masked %reduce_sum3A_3165 : vector<16xf32>, vector<16xi1> -> vector<16xf32>
      %reduce_sum3A_3167 = vector.extract %reduce_sum3A_3166[15] : f32 from vector<16xf32>
      %eq3A_3168 = arith.constant 10 : i32
      %eq3A_3169 = vector.broadcast %eq3A_3168 : i32 to vector<16xi32>
      %eq3A_3170 = arith.cmpi eq, %iota3A, %eq3A_3169 : vector<16xi32>
      %add3A_3171 = vector.broadcast %reduce_sum3A_3167 : f32 to vector<16xf32>
      %add3A_3172 = arith.addf %select_n3A_3086, %add3A_3171 : vector<16xf32>
      %select_n3A_3173 = arith.select %eq3A_3170, %add3A_3172, %select_n3A_3086 : vector<16xi1>, vector<16xf32>
      %mul3A_3174 = arith.constant 4 : i32
      %mul3A_3175 = arith.muli %add3A_2784, %mul3A_3174 : i32
      %add3A_3176 = arith.constant 3 : i32
      %add3A_3177 = arith.addi %mul3A_3175, %add3A_3176 : i32
      %get3A_3178 = arith.index_cast %add3A_3177 : i32 to index
      %get3A_3179 = tpu.vector_load %arg8[%get3A_3178] {strides = array<i32>} : memref<528xi32, #tpu.memory_space<vmem>>, vector<16xi32>,
      %get3A_3180 = arith.index_cast %add3A_3177 : i32 to index
      %get3A_3181 = tpu.vector_load %arg9[%get3A_3180] {strides = array<i32>} : memref<528xi32, #tpu.memory_space<vmem>>, vector<16xi32>,
      %slice3A_3182 = vector.extract_strided_slice %get3A_3179 {offsets = [0], sizes = [1], strides = [1]} : vector<16xi32> to vector<1xi32>
      %squeeze3A_3183 = vector.extract %slice3A_3182[0] : i32 from vector<1xi32>
      %slice3A_3184 = vector.extract_strided_slice %get3A_3181 {offsets = [0], sizes = [1], strides = [1]} : vector<16xi32> to vector<1xi32>
      %squeeze3A_3185 = vector.extract %slice3A_3184[0] : i32 from vector<1xi32>
      %jit3A_3186 = arith.constant 128 : i32
      %eq3A_3187 = arith.constant 0 : i32
      %eq3A_3188 = arith.cmpi eq, %jit3A_3186, %eq3A_3187 : i32
      %jit3A_3189 = arith.constant 1 : i32
      %select_n3A_3190 = arith.select %eq3A_3188, %jit3A_3189, %jit3A_3186 : i32
      %rem3A_3191 = arith.remsi %squeeze3A_3183, %select_n3A_3190 : i32
      %ne3A_3192 = arith.constant 0 : i32
      %ne3A_3193 = arith.cmpi ne, %rem3A_3191, %ne3A_3192 : i32
      %lt3A_3194 = arith.constant 0 : i32
      %lt3A_3195 = arith.cmpi slt, %rem3A_3191, %lt3A_3194 : i32
      %lt3A_3196 = arith.constant 0 : i32
      %lt3A_3197 = arith.cmpi slt, %select_n3A_3190, %lt3A_3196 : i32
      %ne3A_3198 = arith.xori %lt3A_3195, %lt3A_3197 : i1
      %and3A_3199 = arith.andi %ne3A_3198, %ne3A_3193 : i1
      %add3A_3200 = arith.addi %rem3A_3191, %select_n3A_3190 : i32
      %select_n3A_3201 = arith.select %and3A_3199, %add3A_3200, %rem3A_3191 : i32
      %broadcast_in_dim3A_3202 = vector.broadcast %select_n3A_3201 : i32 to vector<16xi32>
      %jit3A_3203 = arith.constant 128 : i32
      %eq3A_3204 = arith.constant 0 : i32
      %eq3A_3205 = arith.cmpi eq, %jit3A_3203, %eq3A_3204 : i32
      %jit3A_3206 = arith.constant 1 : i32
      %select_n3A_3207 = arith.select %eq3A_3205, %jit3A_3206, %jit3A_3203 : i32
      %rem3A_3208 = arith.remsi %squeeze3A_3185, %select_n3A_3207 : i32
      %ne3A_3209 = arith.constant 0 : i32
      %ne3A_3210 = arith.cmpi ne, %rem3A_3208, %ne3A_3209 : i32
      %lt3A_3211 = arith.constant 0 : i32
      %lt3A_3212 = arith.cmpi slt, %rem3A_3208, %lt3A_3211 : i32
      %lt3A_3213 = arith.constant 0 : i32
      %lt3A_3214 = arith.cmpi slt, %select_n3A_3207, %lt3A_3213 : i32
      %ne3A_3215 = arith.xori %lt3A_3212, %lt3A_3214 : i1
      %and3A_3216 = arith.andi %ne3A_3215, %ne3A_3210 : i1
      %add3A_3217 = arith.addi %rem3A_3208, %select_n3A_3207 : i32
      %select_n3A_3218 = arith.select %and3A_3216, %add3A_3217, %rem3A_3208 : i32
      %broadcast_in_dim3A_3219 = vector.broadcast %select_n3A_3218 : i32 to vector<16xi32>
      %gather3A_3220 = arith.constant 0 : i32
      %gather3A_3221 = arith.constant 3 : i32
      %gather3A_3222 = arith.constant 0 : i32
      %gather3A_3223 = arith.constant 0 : i32
      %gather3A_3224 = tpu.memref_slice %arg10[%gather3A_3220, %gather3A_3221, %gather3A_3222, %gather3A_3223] : memref<2x4x32x128xf32, #tpu.memory_space<vmem>> -> memref<1x1x32x128xf32, #tpu.memory_space<vmem>>
      %gather3A_3225 = tpu.memref_squeeze %gather3A_3224 : memref<1x1x32x128xf32, #tpu.memory_space<vmem>> -> memref<32x128xf32, #tpu.memory_space<vmem>>
      %gather3A_3226 = tpu.vector_load_idx %gather3A_3225[%iota3A, %broadcast_in_dim3A_3202] : memref<32x128xf32, #tpu.memory_space<vmem>>[vector<16xi32>, vector<16xi32>], vector<16xf32>,
      %gather3A_3227 = arith.constant 0 : i32
      %gather3A_3228 = arith.constant 3 : i32
      %gather3A_3229 = arith.constant 0 : i32
      %gather3A_3230 = arith.constant 0 : i32
      %gather3A_3231 = tpu.memref_slice %arg10[%gather3A_3227, %gather3A_3228, %gather3A_3229, %gather3A_3230] : memref<2x4x32x128xf32, #tpu.memory_space<vmem>> -> memref<1x1x32x128xf32, #tpu.memory_space<vmem>>
      %gather3A_3232 = tpu.memref_squeeze %gather3A_3231 : memref<1x1x32x128xf32, #tpu.memory_space<vmem>> -> memref<32x128xf32, #tpu.memory_space<vmem>>
      %gather3A_3233 = tpu.vector_load_idx %gather3A_3232[%add3A_25, %broadcast_in_dim3A_3202] : memref<32x128xf32, #tpu.memory_space<vmem>>[vector<16xi32>, vector<16xi32>], vector<16xf32>,
      %gather3A_3234 = arith.constant 0 : i32
      %gather3A_3235 = arith.constant 3 : i32
      %gather3A_3236 = arith.constant 0 : i32
      %gather3A_3237 = arith.constant 0 : i32
      %gather3A_3238 = tpu.memref_slice %arg11[%gather3A_3234, %gather3A_3235, %gather3A_3236, %gather3A_3237] : memref<2x4x32x128xf32, #tpu.memory_space<vmem>> -> memref<1x1x32x128xf32, #tpu.memory_space<vmem>>
      %gather3A_3239 = tpu.memref_squeeze %gather3A_3238 : memref<1x1x32x128xf32, #tpu.memory_space<vmem>> -> memref<32x128xf32, #tpu.memory_space<vmem>>
      %gather3A_3240 = tpu.vector_load_idx %gather3A_3239[%iota3A, %broadcast_in_dim3A_3219] : memref<32x128xf32, #tpu.memory_space<vmem>>[vector<16xi32>, vector<16xi32>], vector<16xf32>,
      %gather3A_3241 = arith.constant 0 : i32
      %gather3A_3242 = arith.constant 3 : i32
      %gather3A_3243 = arith.constant 0 : i32
      %gather3A_3244 = arith.constant 0 : i32
      %gather3A_3245 = tpu.memref_slice %arg11[%gather3A_3241, %gather3A_3242, %gather3A_3243, %gather3A_3244] : memref<2x4x32x128xf32, #tpu.memory_space<vmem>> -> memref<1x1x32x128xf32, #tpu.memory_space<vmem>>
      %gather3A_3246 = tpu.memref_squeeze %gather3A_3245 : memref<1x1x32x128xf32, #tpu.memory_space<vmem>> -> memref<32x128xf32, #tpu.memory_space<vmem>>
      %gather3A_3247 = tpu.vector_load_idx %gather3A_3246[%add3A_25, %broadcast_in_dim3A_3219] : memref<32x128xf32, #tpu.memory_space<vmem>>[vector<16xi32>, vector<16xi32>], vector<16xf32>,
      %mul3A_3248 = arith.mulf %gather3A_3226, %gather3A_3240 : vector<16xf32>
      %mul3A_3249 = arith.mulf %gather3A_3233, %gather3A_3247 : vector<16xf32>
      %add3A_3250 = arith.addf %mul3A_3248, %mul3A_3249 : vector<16xf32>
      %reduce_sum3A_3251 = arith.constant true
      %reduce_sum3A_3252 = vector.broadcast %reduce_sum3A_3251 : i1 to vector<16xi1>
      %reduce_sum3A_3253 = tpu.scan <sum>, %add3A_3250 masked %reduce_sum3A_3252 : vector<16xf32>, vector<16xi1> -> vector<16xf32>
      %reduce_sum3A_3254 = vector.extract %reduce_sum3A_3253[15] : f32 from vector<16xf32>
      %eq3A_3255 = arith.constant 11 : i32
      %eq3A_3256 = vector.broadcast %eq3A_3255 : i32 to vector<16xi32>
      %eq3A_3257 = arith.cmpi eq, %iota3A, %eq3A_3256 : vector<16xi32>
      %add3A_3258 = vector.broadcast %reduce_sum3A_3254 : f32 to vector<16xf32>
      %add3A_3259 = arith.addf %select_n3A_3173, %add3A_3258 : vector<16xf32>
      %select_n3A_3260 = arith.select %eq3A_3257, %add3A_3259, %select_n3A_3173 : vector<16xi1>, vector<16xf32>
      %add3A_3261 = arith.constant 2 : i32
      %add3A_3262 = arith.addi %add3A_2784, %add3A_3261 : i32
      %mul3A_3263 = arith.constant 4 : i32
      %mul3A_3264 = arith.muli %add3A_3262, %mul3A_3263 : i32
      %add3A_3265 = arith.constant 0 : i32
      %add3A_3266 = arith.addi %mul3A_3264, %add3A_3265 : i32
      %min3A_3267 = arith.constant 511 : i32
      %min3A_3268 = arith.minsi %add3A_3266, %min3A_3267 : i32
      %get3A_3269 = arith.index_cast %min3A_3268 : i32 to index
      %get3A_3270 = tpu.vector_load %arg8[%get3A_3269] {strides = array<i32>} : memref<528xi32, #tpu.memory_space<vmem>>, vector<16xi32>,
      %get3A_3271 = arith.index_cast %min3A_3268 : i32 to index
      %get3A_3272 = tpu.vector_load %arg9[%get3A_3271] {strides = array<i32>} : memref<528xi32, #tpu.memory_space<vmem>>, vector<16xi32>,
      %slice3A_3273 = vector.extract_strided_slice %get3A_3270 {offsets = [0], sizes = [1], strides = [1]} : vector<16xi32> to vector<1xi32>
      %squeeze3A_3274 = vector.extract %slice3A_3273[0] : i32 from vector<1xi32>
      %slice3A_3275 = vector.extract_strided_slice %get3A_3272 {offsets = [0], sizes = [1], strides = [1]} : vector<16xi32> to vector<1xi32>
      %squeeze3A_3276 = vector.extract %slice3A_3275[0] : i32 from vector<1xi32>
      %jit3A_3277 = arith.constant 128 : i32
      %div3A_3278 = arith.divsi %squeeze3A_3274, %jit3A_3277 : i32
      %sign3A_3279 = arith.constant 0 : i32
      %sign3A_3280 = arith.cmpi sgt, %squeeze3A_3274, %sign3A_3279 : i32
      %sign3A_3281 = arith.extui %sign3A_3280 : i1 to i32
      %sign3A_3282 = arith.constant 0 : i32
      %sign3A_3283 = arith.cmpi slt, %squeeze3A_3274, %sign3A_3282 : i32
      %sign3A_3284 = arith.extui %sign3A_3283 : i1 to i32
      %sign3A_3285 = arith.subi %sign3A_3281, %sign3A_3284 : i32
      %sign3A_3286 = arith.constant 0 : i32
      %sign3A_3287 = arith.cmpi sgt, %jit3A_3277, %sign3A_3286 : i32
      %sign3A_3288 = arith.extui %sign3A_3287 : i1 to i32
      %sign3A_3289 = arith.constant 0 : i32
      %sign3A_3290 = arith.cmpi slt, %jit3A_3277, %sign3A_3289 : i32
      %sign3A_3291 = arith.extui %sign3A_3290 : i1 to i32
      %sign3A_3292 = arith.subi %sign3A_3288, %sign3A_3291 : i32
      %ne3A_3293 = arith.cmpi ne, %sign3A_3285, %sign3A_3292 : i32
      %rem3A_3294 = arith.remsi %squeeze3A_3274, %jit3A_3277 : i32
      %ne3A_3295 = arith.constant 0 : i32
      %ne3A_3296 = arith.cmpi ne, %rem3A_3294, %ne3A_3295 : i32
      %and3A_3297 = arith.andi %ne3A_3293, %ne3A_3296 : i1
      %sub3A_3298 = arith.constant 1 : i32
      %sub3A_3299 = arith.subi %div3A_3278, %sub3A_3298 : i32
      %select_n3A_3300 = arith.select %and3A_3297, %sub3A_3299, %div3A_3278 : i32
      %mul3A_3301 = arith.constant 128 : i32
      %mul3A_3302 = arith.muli %select_n3A_3300, %mul3A_3301 : i32
      %multiple_of3A_3303 = tpu.assume_multiple %mul3A_3302, 128 : i32
      %jit3A_3304 = arith.constant 128 : i32
      %div3A_3305 = arith.divsi %squeeze3A_3276, %jit3A_3304 : i32
      %sign3A_3306 = arith.constant 0 : i32
      %sign3A_3307 = arith.cmpi sgt, %squeeze3A_3276, %sign3A_3306 : i32
      %sign3A_3308 = arith.extui %sign3A_3307 : i1 to i32
      %sign3A_3309 = arith.constant 0 : i32
      %sign3A_3310 = arith.cmpi slt, %squeeze3A_3276, %sign3A_3309 : i32
      %sign3A_3311 = arith.extui %sign3A_3310 : i1 to i32
      %sign3A_3312 = arith.subi %sign3A_3308, %sign3A_3311 : i32
      %sign3A_3313 = arith.constant 0 : i32
      %sign3A_3314 = arith.cmpi sgt, %jit3A_3304, %sign3A_3313 : i32
      %sign3A_3315 = arith.extui %sign3A_3314 : i1 to i32
      %sign3A_3316 = arith.constant 0 : i32
      %sign3A_3317 = arith.cmpi slt, %jit3A_3304, %sign3A_3316 : i32
      %sign3A_3318 = arith.extui %sign3A_3317 : i1 to i32
      %sign3A_3319 = arith.subi %sign3A_3315, %sign3A_3318 : i32
      %ne3A_3320 = arith.cmpi ne, %sign3A_3312, %sign3A_3319 : i32
      %rem3A_3321 = arith.remsi %squeeze3A_3276, %jit3A_3304 : i32
      %ne3A_3322 = arith.constant 0 : i32
      %ne3A_3323 = arith.cmpi ne, %rem3A_3321, %ne3A_3322 : i32
      %and3A_3324 = arith.andi %ne3A_3320, %ne3A_3323 : i1
      %sub3A_3325 = arith.constant 1 : i32
      %sub3A_3326 = arith.subi %div3A_3305, %sub3A_3325 : i32
      %select_n3A_3327 = arith.select %and3A_3324, %sub3A_3326, %div3A_3305 : i32
      %mul3A_3328 = arith.constant 128 : i32
      %mul3A_3329 = arith.muli %select_n3A_3327, %mul3A_3328 : i32
      %multiple_of3A_3330 = tpu.assume_multiple %mul3A_3329, 128 : i32
      %dma_start3A_3331 = arith.constant 0 : i32
      %dma_start3A_3332 = arith.constant 0 : i32
      %dma_start3A_3333 = arith.constant 0 : i32
      %dma_start3A_3334 = arith.constant 0 : i32
      %dma_start3A_3335 = tpu.memref_slice %arg10[%dma_start3A_3331, %dma_start3A_3332, %dma_start3A_3333, %dma_start3A_3334] : memref<2x4x32x128xf32, #tpu.memory_space<vmem>> -> memref<1x1x32x128xf32, #tpu.memory_space<vmem>>
      %dma_start3A_3336 = tpu.memref_squeeze %dma_start3A_3335 : memref<1x1x32x128xf32, #tpu.memory_space<vmem>> -> memref<32x128xf32, #tpu.memory_space<vmem>>
      %dma_start3A_3337 = arith.constant 0 : i32
      %dma_start3A_3338 = tpu.memref_slice %arg3[%dma_start3A_3337, %multiple_of3A_3303] : memref<32x1000000xf32, #tpu.memory_space<hbm>> -> memref<32x128xf32, #tpu.memory_space<hbm>>
      %dma_start3A_3339 = arith.constant 0 : i32
      %dma_start3A_3340 = arith.constant 0 : i32
      %dma_start3A_3341 = tpu.memref_slice %arg10[%dma_start3A_3331, %dma_start3A_3332, %dma_start3A_3339, %dma_start3A_3340] : memref<2x4x32x128xf32, #tpu.memory_space<vmem>> -> memref<1x1x32x128xf32, #tpu.memory_space<vmem>>
      %dma_start3A_3342 = tpu.memref_squeeze %dma_start3A_3341 : memref<1x1x32x128xf32, #tpu.memory_space<vmem>> -> memref<32x128xf32, #tpu.memory_space<vmem>>
      %dma_start3A_3343 = arith.constant 0 : i32
      %dma_start3A_3344 = tpu.memref_slice %arg3[%dma_start3A_3343, %multiple_of3A_3303] : memref<32x1000000xf32, #tpu.memory_space<hbm>> -> memref<32x128xf32, #tpu.memory_space<hbm>>
      tpu.enqueue_dma source(%dma_start3A_3344 : memref<32x128xf32, #tpu.memory_space<hbm>>) target(%dma_start3A_3342 : memref<32x128xf32, #tpu.memory_space<vmem>>) target_semaphore(%arg16 : memref<!tpu.dma_semaphore, #tpu.memory_space<semaphore_mem>>)
      %dma_start3A_3345 = arith.constant 0 : i32
      %dma_start3A_3346 = arith.constant 0 : i32
      %dma_start3A_3347 = arith.constant 0 : i32
      %dma_start3A_3348 = arith.constant 0 : i32
      %dma_start3A_3349 = tpu.memref_slice %arg11[%dma_start3A_3345, %dma_start3A_3346, %dma_start3A_3347, %dma_start3A_3348] : memref<2x4x32x128xf32, #tpu.memory_space<vmem>> -> memref<1x1x32x128xf32, #tpu.memory_space<vmem>>
      %dma_start3A_3350 = tpu.memref_squeeze %dma_start3A_3349 : memref<1x1x32x128xf32, #tpu.memory_space<vmem>> -> memref<32x128xf32, #tpu.memory_space<vmem>>
      %dma_start3A_3351 = arith.constant 0 : i32
      %dma_start3A_3352 = tpu.memref_slice %arg4[%dma_start3A_3351, %multiple_of3A_3330] : memref<32x1000000xf32, #tpu.memory_space<hbm>> -> memref<32x128xf32, #tpu.memory_space<hbm>>
      %dma_start3A_3353 = arith.constant 0 : i32
      %dma_start3A_3354 = arith.constant 0 : i32
      %dma_start3A_3355 = tpu.memref_slice %arg11[%dma_start3A_3345, %dma_start3A_3346, %dma_start3A_3353, %dma_start3A_3354] : memref<2x4x32x128xf32, #tpu.memory_space<vmem>> -> memref<1x1x32x128xf32, #tpu.memory_space<vmem>>
      %dma_start3A_3356 = tpu.memref_squeeze %dma_start3A_3355 : memref<1x1x32x128xf32, #tpu.memory_space<vmem>> -> memref<32x128xf32, #tpu.memory_space<vmem>>
      %dma_start3A_3357 = arith.constant 0 : i32
      %dma_start3A_3358 = tpu.memref_slice %arg4[%dma_start3A_3357, %multiple_of3A_3330] : memref<32x1000000xf32, #tpu.memory_space<hbm>> -> memref<32x128xf32, #tpu.memory_space<hbm>>
      tpu.enqueue_dma source(%dma_start3A_3358 : memref<32x128xf32, #tpu.memory_space<hbm>>) target(%dma_start3A_3356 : memref<32x128xf32, #tpu.memory_space<vmem>>) target_semaphore(%arg16 : memref<!tpu.dma_semaphore, #tpu.memory_space<semaphore_mem>>)
      %mul3A_3359 = arith.constant 4 : i32
      %mul3A_3360 = arith.muli %add3A_3262, %mul3A_3359 : i32
      %add3A_3361 = arith.constant 1 : i32
      %add3A_3362 = arith.addi %mul3A_3360, %add3A_3361 : i32
      %min3A_3363 = arith.constant 511 : i32
      %min3A_3364 = arith.minsi %add3A_3362, %min3A_3363 : i32
      %get3A_3365 = arith.index_cast %min3A_3364 : i32 to index
      %get3A_3366 = tpu.vector_load %arg8[%get3A_3365] {strides = array<i32>} : memref<528xi32, #tpu.memory_space<vmem>>, vector<16xi32>,
      %get3A_3367 = arith.index_cast %min3A_3364 : i32 to index
      %get3A_3368 = tpu.vector_load %arg9[%get3A_3367] {strides = array<i32>} : memref<528xi32, #tpu.memory_space<vmem>>, vector<16xi32>,
      %slice3A_3369 = vector.extract_strided_slice %get3A_3366 {offsets = [0], sizes = [1], strides = [1]} : vector<16xi32> to vector<1xi32>
      %squeeze3A_3370 = vector.extract %slice3A_3369[0] : i32 from vector<1xi32>
      %slice3A_3371 = vector.extract_strided_slice %get3A_3368 {offsets = [0], sizes = [1], strides = [1]} : vector<16xi32> to vector<1xi32>
      %squeeze3A_3372 = vector.extract %slice3A_3371[0] : i32 from vector<1xi32>
      %jit3A_3373 = arith.constant 128 : i32
      %div3A_3374 = arith.divsi %squeeze3A_3370, %jit3A_3373 : i32
      %sign3A_3375 = arith.constant 0 : i32
      %sign3A_3376 = arith.cmpi sgt, %squeeze3A_3370, %sign3A_3375 : i32
      %sign3A_3377 = arith.extui %sign3A_3376 : i1 to i32
      %sign3A_3378 = arith.constant 0 : i32
      %sign3A_3379 = arith.cmpi slt, %squeeze3A_3370, %sign3A_3378 : i32
      %sign3A_3380 = arith.extui %sign3A_3379 : i1 to i32
      %sign3A_3381 = arith.subi %sign3A_3377, %sign3A_3380 : i32
      %sign3A_3382 = arith.constant 0 : i32
      %sign3A_3383 = arith.cmpi sgt, %jit3A_3373, %sign3A_3382 : i32
      %sign3A_3384 = arith.extui %sign3A_3383 : i1 to i32
      %sign3A_3385 = arith.constant 0 : i32
      %sign3A_3386 = arith.cmpi slt, %jit3A_3373, %sign3A_3385 : i32
      %sign3A_3387 = arith.extui %sign3A_3386 : i1 to i32
      %sign3A_3388 = arith.subi %sign3A_3384, %sign3A_3387 : i32
      %ne3A_3389 = arith.cmpi ne, %sign3A_3381, %sign3A_3388 : i32
      %rem3A_3390 = arith.remsi %squeeze3A_3370, %jit3A_3373 : i32
      %ne3A_3391 = arith.constant 0 : i32
      %ne3A_3392 = arith.cmpi ne, %rem3A_3390, %ne3A_3391 : i32
      %and3A_3393 = arith.andi %ne3A_3389, %ne3A_3392 : i1
      %sub3A_3394 = arith.constant 1 : i32
      %sub3A_3395 = arith.subi %div3A_3374, %sub3A_3394 : i32
      %select_n3A_3396 = arith.select %and3A_3393, %sub3A_3395, %div3A_3374 : i32
      %mul3A_3397 = arith.constant 128 : i32
      %mul3A_3398 = arith.muli %select_n3A_3396, %mul3A_3397 : i32
      %multiple_of3A_3399 = tpu.assume_multiple %mul3A_3398, 128 : i32
      %jit3A_3400 = arith.constant 128 : i32
      %div3A_3401 = arith.divsi %squeeze3A_3372, %jit3A_3400 : i32
      %sign3A_3402 = arith.constant 0 : i32
      %sign3A_3403 = arith.cmpi sgt, %squeeze3A_3372, %sign3A_3402 : i32
      %sign3A_3404 = arith.extui %sign3A_3403 : i1 to i32
      %sign3A_3405 = arith.constant 0 : i32
      %sign3A_3406 = arith.cmpi slt, %squeeze3A_3372, %sign3A_3405 : i32
      %sign3A_3407 = arith.extui %sign3A_3406 : i1 to i32
      %sign3A_3408 = arith.subi %sign3A_3404, %sign3A_3407 : i32
      %sign3A_3409 = arith.constant 0 : i32
      %sign3A_3410 = arith.cmpi sgt, %jit3A_3400, %sign3A_3409 : i32
      %sign3A_3411 = arith.extui %sign3A_3410 : i1 to i32
      %sign3A_3412 = arith.constant 0 : i32
      %sign3A_3413 = arith.cmpi slt, %jit3A_3400, %sign3A_3412 : i32
      %sign3A_3414 = arith.extui %sign3A_3413 : i1 to i32
      %sign3A_3415 = arith.subi %sign3A_3411, %sign3A_3414 : i32
      %ne3A_3416 = arith.cmpi ne, %sign3A_3408, %sign3A_3415 : i32
      %rem3A_3417 = arith.remsi %squeeze3A_3372, %jit3A_3400 : i32
      %ne3A_3418 = arith.constant 0 : i32
      %ne3A_3419 = arith.cmpi ne, %rem3A_3417, %ne3A_3418 : i32
      %and3A_3420 = arith.andi %ne3A_3416, %ne3A_3419 : i1
      %sub3A_3421 = arith.constant 1 : i32
      %sub3A_3422 = arith.subi %div3A_3401, %sub3A_3421 : i32
      %select_n3A_3423 = arith.select %and3A_3420, %sub3A_3422, %div3A_3401 : i32
      %mul3A_3424 = arith.constant 128 : i32
      %mul3A_3425 = arith.muli %select_n3A_3423, %mul3A_3424 : i32
      %multiple_of3A_3426 = tpu.assume_multiple %mul3A_3425, 128 : i32
      %dma_start3A_3427 = arith.constant 0 : i32
      %dma_start3A_3428 = arith.constant 1 : i32
      %dma_start3A_3429 = arith.constant 0 : i32
      %dma_start3A_3430 = arith.constant 0 : i32
      %dma_start3A_3431 = tpu.memref_slice %arg10[%dma_start3A_3427, %dma_start3A_3428, %dma_start3A_3429, %dma_start3A_3430] : memref<2x4x32x128xf32, #tpu.memory_space<vmem>> -> memref<1x1x32x128xf32, #tpu.memory_space<vmem>>
      %dma_start3A_3432 = tpu.memref_squeeze %dma_start3A_3431 : memref<1x1x32x128xf32, #tpu.memory_space<vmem>> -> memref<32x128xf32, #tpu.memory_space<vmem>>
      %dma_start3A_3433 = arith.constant 0 : i32
      %dma_start3A_3434 = tpu.memref_slice %arg3[%dma_start3A_3433, %multiple_of3A_3399] : memref<32x1000000xf32, #tpu.memory_space<hbm>> -> memref<32x128xf32, #tpu.memory_space<hbm>>
      %dma_start3A_3435 = arith.constant 0 : i32
      %dma_start3A_3436 = arith.constant 0 : i32
      %dma_start3A_3437 = tpu.memref_slice %arg10[%dma_start3A_3427, %dma_start3A_3428, %dma_start3A_3435, %dma_start3A_3436] : memref<2x4x32x128xf32, #tpu.memory_space<vmem>> -> memref<1x1x32x128xf32, #tpu.memory_space<vmem>>
      %dma_start3A_3438 = tpu.memref_squeeze %dma_start3A_3437 : memref<1x1x32x128xf32, #tpu.memory_space<vmem>> -> memref<32x128xf32, #tpu.memory_space<vmem>>
      %dma_start3A_3439 = arith.constant 0 : i32
      %dma_start3A_3440 = tpu.memref_slice %arg3[%dma_start3A_3439, %multiple_of3A_3399] : memref<32x1000000xf32, #tpu.memory_space<hbm>> -> memref<32x128xf32, #tpu.memory_space<hbm>>
      tpu.enqueue_dma source(%dma_start3A_3440 : memref<32x128xf32, #tpu.memory_space<hbm>>) target(%dma_start3A_3438 : memref<32x128xf32, #tpu.memory_space<vmem>>) target_semaphore(%arg16 : memref<!tpu.dma_semaphore, #tpu.memory_space<semaphore_mem>>)
      %dma_start3A_3441 = arith.constant 0 : i32
      %dma_start3A_3442 = arith.constant 1 : i32
      %dma_start3A_3443 = arith.constant 0 : i32
      %dma_start3A_3444 = arith.constant 0 : i32
      %dma_start3A_3445 = tpu.memref_slice %arg11[%dma_start3A_3441, %dma_start3A_3442, %dma_start3A_3443, %dma_start3A_3444] : memref<2x4x32x128xf32, #tpu.memory_space<vmem>> -> memref<1x1x32x128xf32, #tpu.memory_space<vmem>>
      %dma_start3A_3446 = tpu.memref_squeeze %dma_start3A_3445 : memref<1x1x32x128xf32, #tpu.memory_space<vmem>> -> memref<32x128xf32, #tpu.memory_space<vmem>>
      %dma_start3A_3447 = arith.constant 0 : i32
      %dma_start3A_3448 = tpu.memref_slice %arg4[%dma_start3A_3447, %multiple_of3A_3426] : memref<32x1000000xf32, #tpu.memory_space<hbm>> -> memref<32x128xf32, #tpu.memory_space<hbm>>
      %dma_start3A_3449 = arith.constant 0 : i32
      %dma_start3A_3450 = arith.constant 0 : i32
      %dma_start3A_3451 = tpu.memref_slice %arg11[%dma_start3A_3441, %dma_start3A_3442, %dma_start3A_3449, %dma_start3A_3450] : memref<2x4x32x128xf32, #tpu.memory_space<vmem>> -> memref<1x1x32x128xf32, #tpu.memory_space<vmem>>
      %dma_start3A_3452 = tpu.memref_squeeze %dma_start3A_3451 : memref<1x1x32x128xf32, #tpu.memory_space<vmem>> -> memref<32x128xf32, #tpu.memory_space<vmem>>
      %dma_start3A_3453 = arith.constant 0 : i32
      %dma_start3A_3454 = tpu.memref_slice %arg4[%dma_start3A_3453, %multiple_of3A_3426] : memref<32x1000000xf32, #tpu.memory_space<hbm>> -> memref<32x128xf32, #tpu.memory_space<hbm>>
      tpu.enqueue_dma source(%dma_start3A_3454 : memref<32x128xf32, #tpu.memory_space<hbm>>) target(%dma_start3A_3452 : memref<32x128xf32, #tpu.memory_space<vmem>>) target_semaphore(%arg16 : memref<!tpu.dma_semaphore, #tpu.memory_space<semaphore_mem>>)
      %mul3A_3455 = arith.constant 4 : i32
      %mul3A_3456 = arith.muli %add3A_3262, %mul3A_3455 : i32
      %add3A_3457 = arith.constant 2 : i32
      %add3A_3458 = arith.addi %mul3A_3456, %add3A_3457 : i32
      %min3A_3459 = arith.constant 511 : i32
      %min3A_3460 = arith.minsi %add3A_3458, %min3A_3459 : i32
      %get3A_3461 = arith.index_cast %min3A_3460 : i32 to index
      %get3A_3462 = tpu.vector_load %arg8[%get3A_3461] {strides = array<i32>} : memref<528xi32, #tpu.memory_space<vmem>>, vector<16xi32>,
      %get3A_3463 = arith.index_cast %min3A_3460 : i32 to index
      %get3A_3464 = tpu.vector_load %arg9[%get3A_3463] {strides = array<i32>} : memref<528xi32, #tpu.memory_space<vmem>>, vector<16xi32>,
      %slice3A_3465 = vector.extract_strided_slice %get3A_3462 {offsets = [0], sizes = [1], strides = [1]} : vector<16xi32> to vector<1xi32>
      %squeeze3A_3466 = vector.extract %slice3A_3465[0] : i32 from vector<1xi32>
      %slice3A_3467 = vector.extract_strided_slice %get3A_3464 {offsets = [0], sizes = [1], strides = [1]} : vector<16xi32> to vector<1xi32>
      %squeeze3A_3468 = vector.extract %slice3A_3467[0] : i32 from vector<1xi32>
      %jit3A_3469 = arith.constant 128 : i32
      %div3A_3470 = arith.divsi %squeeze3A_3466, %jit3A_3469 : i32
      %sign3A_3471 = arith.constant 0 : i32
      %sign3A_3472 = arith.cmpi sgt, %squeeze3A_3466, %sign3A_3471 : i32
      %sign3A_3473 = arith.extui %sign3A_3472 : i1 to i32
      %sign3A_3474 = arith.constant 0 : i32
      %sign3A_3475 = arith.cmpi slt, %squeeze3A_3466, %sign3A_3474 : i32
      %sign3A_3476 = arith.extui %sign3A_3475 : i1 to i32
      %sign3A_3477 = arith.subi %sign3A_3473, %sign3A_3476 : i32
      %sign3A_3478 = arith.constant 0 : i32
      %sign3A_3479 = arith.cmpi sgt, %jit3A_3469, %sign3A_3478 : i32
      %sign3A_3480 = arith.extui %sign3A_3479 : i1 to i32
      %sign3A_3481 = arith.constant 0 : i32
      %sign3A_3482 = arith.cmpi slt, %jit3A_3469, %sign3A_3481 : i32
      %sign3A_3483 = arith.extui %sign3A_3482 : i1 to i32
      %sign3A_3484 = arith.subi %sign3A_3480, %sign3A_3483 : i32
      %ne3A_3485 = arith.cmpi ne, %sign3A_3477, %sign3A_3484 : i32
      %rem3A_3486 = arith.remsi %squeeze3A_3466, %jit3A_3469 : i32
      %ne3A_3487 = arith.constant 0 : i32
      %ne3A_3488 = arith.cmpi ne, %rem3A_3486, %ne3A_3487 : i32
      %and3A_3489 = arith.andi %ne3A_3485, %ne3A_3488 : i1
      %sub3A_3490 = arith.constant 1 : i32
      %sub3A_3491 = arith.subi %div3A_3470, %sub3A_3490 : i32
      %select_n3A_3492 = arith.select %and3A_3489, %sub3A_3491, %div3A_3470 : i32
      %mul3A_3493 = arith.constant 128 : i32
      %mul3A_3494 = arith.muli %select_n3A_3492, %mul3A_3493 : i32
      %multiple_of3A_3495 = tpu.assume_multiple %mul3A_3494, 128 : i32
      %jit3A_3496 = arith.constant 128 : i32
      %div3A_3497 = arith.divsi %squeeze3A_3468, %jit3A_3496 : i32
      %sign3A_3498 = arith.constant 0 : i32
      %sign3A_3499 = arith.cmpi sgt, %squeeze3A_3468, %sign3A_3498 : i32
      %sign3A_3500 = arith.extui %sign3A_3499 : i1 to i32
      %sign3A_3501 = arith.constant 0 : i32
      %sign3A_3502 = arith.cmpi slt, %squeeze3A_3468, %sign3A_3501 : i32
      %sign3A_3503 = arith.extui %sign3A_3502 : i1 to i32
      %sign3A_3504 = arith.subi %sign3A_3500, %sign3A_3503 : i32
      %sign3A_3505 = arith.constant 0 : i32
      %sign3A_3506 = arith.cmpi sgt, %jit3A_3496, %sign3A_3505 : i32
      %sign3A_3507 = arith.extui %sign3A_3506 : i1 to i32
      %sign3A_3508 = arith.constant 0 : i32
      %sign3A_3509 = arith.cmpi slt, %jit3A_3496, %sign3A_3508 : i32
      %sign3A_3510 = arith.extui %sign3A_3509 : i1 to i32
      %sign3A_3511 = arith.subi %sign3A_3507, %sign3A_3510 : i32
      %ne3A_3512 = arith.cmpi ne, %sign3A_3504, %sign3A_3511 : i32
      %rem3A_3513 = arith.remsi %squeeze3A_3468, %jit3A_3496 : i32
      %ne3A_3514 = arith.constant 0 : i32
      %ne3A_3515 = arith.cmpi ne, %rem3A_3513, %ne3A_3514 : i32
      %and3A_3516 = arith.andi %ne3A_3512, %ne3A_3515 : i1
      %sub3A_3517 = arith.constant 1 : i32
      %sub3A_3518 = arith.subi %div3A_3497, %sub3A_3517 : i32
      %select_n3A_3519 = arith.select %and3A_3516, %sub3A_3518, %div3A_3497 : i32
      %mul3A_3520 = arith.constant 128 : i32
      %mul3A_3521 = arith.muli %select_n3A_3519, %mul3A_3520 : i32
      %multiple_of3A_3522 = tpu.assume_multiple %mul3A_3521, 128 : i32
      %dma_start3A_3523 = arith.constant 0 : i32
      %dma_start3A_3524 = arith.constant 2 : i32
      %dma_start3A_3525 = arith.constant 0 : i32
      %dma_start3A_3526 = arith.constant 0 : i32
      %dma_start3A_3527 = tpu.memref_slice %arg10[%dma_start3A_3523, %dma_start3A_3524, %dma_start3A_3525, %dma_start3A_3526] : memref<2x4x32x128xf32, #tpu.memory_space<vmem>> -> memref<1x1x32x128xf32, #tpu.memory_space<vmem>>
      %dma_start3A_3528 = tpu.memref_squeeze %dma_start3A_3527 : memref<1x1x32x128xf32, #tpu.memory_space<vmem>> -> memref<32x128xf32, #tpu.memory_space<vmem>>
      %dma_start3A_3529 = arith.constant 0 : i32
      %dma_start3A_3530 = tpu.memref_slice %arg3[%dma_start3A_3529, %multiple_of3A_3495] : memref<32x1000000xf32, #tpu.memory_space<hbm>> -> memref<32x128xf32, #tpu.memory_space<hbm>>
      %dma_start3A_3531 = arith.constant 0 : i32
      %dma_start3A_3532 = arith.constant 0 : i32
      %dma_start3A_3533 = tpu.memref_slice %arg10[%dma_start3A_3523, %dma_start3A_3524, %dma_start3A_3531, %dma_start3A_3532] : memref<2x4x32x128xf32, #tpu.memory_space<vmem>> -> memref<1x1x32x128xf32, #tpu.memory_space<vmem>>
      %dma_start3A_3534 = tpu.memref_squeeze %dma_start3A_3533 : memref<1x1x32x128xf32, #tpu.memory_space<vmem>> -> memref<32x128xf32, #tpu.memory_space<vmem>>
      %dma_start3A_3535 = arith.constant 0 : i32
      %dma_start3A_3536 = tpu.memref_slice %arg3[%dma_start3A_3535, %multiple_of3A_3495] : memref<32x1000000xf32, #tpu.memory_space<hbm>> -> memref<32x128xf32, #tpu.memory_space<hbm>>
      tpu.enqueue_dma source(%dma_start3A_3536 : memref<32x128xf32, #tpu.memory_space<hbm>>) target(%dma_start3A_3534 : memref<32x128xf32, #tpu.memory_space<vmem>>) target_semaphore(%arg16 : memref<!tpu.dma_semaphore, #tpu.memory_space<semaphore_mem>>)
      %dma_start3A_3537 = arith.constant 0 : i32
      %dma_start3A_3538 = arith.constant 2 : i32
      %dma_start3A_3539 = arith.constant 0 : i32
      %dma_start3A_3540 = arith.constant 0 : i32
      %dma_start3A_3541 = tpu.memref_slice %arg11[%dma_start3A_3537, %dma_start3A_3538, %dma_start3A_3539, %dma_start3A_3540] : memref<2x4x32x128xf32, #tpu.memory_space<vmem>> -> memref<1x1x32x128xf32, #tpu.memory_space<vmem>>
      %dma_start3A_3542 = tpu.memref_squeeze %dma_start3A_3541 : memref<1x1x32x128xf32, #tpu.memory_space<vmem>> -> memref<32x128xf32, #tpu.memory_space<vmem>>
      %dma_start3A_3543 = arith.constant 0 : i32
      %dma_start3A_3544 = tpu.memref_slice %arg4[%dma_start3A_3543, %multiple_of3A_3522] : memref<32x1000000xf32, #tpu.memory_space<hbm>> -> memref<32x128xf32, #tpu.memory_space<hbm>>
      %dma_start3A_3545 = arith.constant 0 : i32
      %dma_start3A_3546 = arith.constant 0 : i32
      %dma_start3A_3547 = tpu.memref_slice %arg11[%dma_start3A_3537, %dma_start3A_3538, %dma_start3A_3545, %dma_start3A_3546] : memref<2x4x32x128xf32, #tpu.memory_space<vmem>> -> memref<1x1x32x128xf32, #tpu.memory_space<vmem>>
      %dma_start3A_3548 = tpu.memref_squeeze %dma_start3A_3547 : memref<1x1x32x128xf32, #tpu.memory_space<vmem>> -> memref<32x128xf32, #tpu.memory_space<vmem>>
      %dma_start3A_3549 = arith.constant 0 : i32
      %dma_start3A_3550 = tpu.memref_slice %arg4[%dma_start3A_3549, %multiple_of3A_3522] : memref<32x1000000xf32, #tpu.memory_space<hbm>> -> memref<32x128xf32, #tpu.memory_space<hbm>>
      tpu.enqueue_dma source(%dma_start3A_3550 : memref<32x128xf32, #tpu.memory_space<hbm>>) target(%dma_start3A_3548 : memref<32x128xf32, #tpu.memory_space<vmem>>) target_semaphore(%arg16 : memref<!tpu.dma_semaphore, #tpu.memory_space<semaphore_mem>>)
      %mul3A_3551 = arith.constant 4 : i32
      %mul3A_3552 = arith.muli %add3A_3262, %mul3A_3551 : i32
      %add3A_3553 = arith.constant 3 : i32
      %add3A_3554 = arith.addi %mul3A_3552, %add3A_3553 : i32
      %min3A_3555 = arith.constant 511 : i32
      %min3A_3556 = arith.minsi %add3A_3554, %min3A_3555 : i32
      %get3A_3557 = arith.index_cast %min3A_3556 : i32 to index
      %get3A_3558 = tpu.vector_load %arg8[%get3A_3557] {strides = array<i32>} : memref<528xi32, #tpu.memory_space<vmem>>, vector<16xi32>,
      %get3A_3559 = arith.index_cast %min3A_3556 : i32 to index
      %get3A_3560 = tpu.vector_load %arg9[%get3A_3559] {strides = array<i32>} : memref<528xi32, #tpu.memory_space<vmem>>, vector<16xi32>,
      %slice3A_3561 = vector.extract_strided_slice %get3A_3558 {offsets = [0], sizes = [1], strides = [1]} : vector<16xi32> to vector<1xi32>
      %squeeze3A_3562 = vector.extract %slice3A_3561[0] : i32 from vector<1xi32>
      %slice3A_3563 = vector.extract_strided_slice %get3A_3560 {offsets = [0], sizes = [1], strides = [1]} : vector<16xi32> to vector<1xi32>
      %squeeze3A_3564 = vector.extract %slice3A_3563[0] : i32 from vector<1xi32>
      %jit3A_3565 = arith.constant 128 : i32
      %div3A_3566 = arith.divsi %squeeze3A_3562, %jit3A_3565 : i32
      %sign3A_3567 = arith.constant 0 : i32
      %sign3A_3568 = arith.cmpi sgt, %squeeze3A_3562, %sign3A_3567 : i32
      %sign3A_3569 = arith.extui %sign3A_3568 : i1 to i32
      %sign3A_3570 = arith.constant 0 : i32
      %sign3A_3571 = arith.cmpi slt, %squeeze3A_3562, %sign3A_3570 : i32
      %sign3A_3572 = arith.extui %sign3A_3571 : i1 to i32
      %sign3A_3573 = arith.subi %sign3A_3569, %sign3A_3572 : i32
      %sign3A_3574 = arith.constant 0 : i32
      %sign3A_3575 = arith.cmpi sgt, %jit3A_3565, %sign3A_3574 : i32
      %sign3A_3576 = arith.extui %sign3A_3575 : i1 to i32
      %sign3A_3577 = arith.constant 0 : i32
      %sign3A_3578 = arith.cmpi slt, %jit3A_3565, %sign3A_3577 : i32
      %sign3A_3579 = arith.extui %sign3A_3578 : i1 to i32
      %sign3A_3580 = arith.subi %sign3A_3576, %sign3A_3579 : i32
      %ne3A_3581 = arith.cmpi ne, %sign3A_3573, %sign3A_3580 : i32
      %rem3A_3582 = arith.remsi %squeeze3A_3562, %jit3A_3565 : i32
      %ne3A_3583 = arith.constant 0 : i32
      %ne3A_3584 = arith.cmpi ne, %rem3A_3582, %ne3A_3583 : i32
      %and3A_3585 = arith.andi %ne3A_3581, %ne3A_3584 : i1
      %sub3A_3586 = arith.constant 1 : i32
      %sub3A_3587 = arith.subi %div3A_3566, %sub3A_3586 : i32
      %select_n3A_3588 = arith.select %and3A_3585, %sub3A_3587, %div3A_3566 : i32
      %mul3A_3589 = arith.constant 128 : i32
      %mul3A_3590 = arith.muli %select_n3A_3588, %mul3A_3589 : i32
      %multiple_of3A_3591 = tpu.assume_multiple %mul3A_3590, 128 : i32
      %jit3A_3592 = arith.constant 128 : i32
      %div3A_3593 = arith.divsi %squeeze3A_3564, %jit3A_3592 : i32
      %sign3A_3594 = arith.constant 0 : i32
      %sign3A_3595 = arith.cmpi sgt, %squeeze3A_3564, %sign3A_3594 : i32
      %sign3A_3596 = arith.extui %sign3A_3595 : i1 to i32
      %sign3A_3597 = arith.constant 0 : i32
      %sign3A_3598 = arith.cmpi slt, %squeeze3A_3564, %sign3A_3597 : i32
      %sign3A_3599 = arith.extui %sign3A_3598 : i1 to i32
      %sign3A_3600 = arith.subi %sign3A_3596, %sign3A_3599 : i32
      %sign3A_3601 = arith.constant 0 : i32
      %sign3A_3602 = arith.cmpi sgt, %jit3A_3592, %sign3A_3601 : i32
      %sign3A_3603 = arith.extui %sign3A_3602 : i1 to i32
      %sign3A_3604 = arith.constant 0 : i32
      %sign3A_3605 = arith.cmpi slt, %jit3A_3592, %sign3A_3604 : i32
      %sign3A_3606 = arith.extui %sign3A_3605 : i1 to i32
      %sign3A_3607 = arith.subi %sign3A_3603, %sign3A_3606 : i32
      %ne3A_3608 = arith.cmpi ne, %sign3A_3600, %sign3A_3607 : i32
      %rem3A_3609 = arith.remsi %squeeze3A_3564, %jit3A_3592 : i32
      %ne3A_3610 = arith.constant 0 : i32
      %ne3A_3611 = arith.cmpi ne, %rem3A_3609, %ne3A_3610 : i32
      %and3A_3612 = arith.andi %ne3A_3608, %ne3A_3611 : i1
      %sub3A_3613 = arith.constant 1 : i32
      %sub3A_3614 = arith.subi %div3A_3593, %sub3A_3613 : i32
      %select_n3A_3615 = arith.select %and3A_3612, %sub3A_3614, %div3A_3593 : i32
      %mul3A_3616 = arith.constant 128 : i32
      %mul3A_3617 = arith.muli %select_n3A_3615, %mul3A_3616 : i32
      %multiple_of3A_3618 = tpu.assume_multiple %mul3A_3617, 128 : i32
      %dma_start3A_3619 = arith.constant 0 : i32
      %dma_start3A_3620 = arith.constant 3 : i32
      %dma_start3A_3621 = arith.constant 0 : i32
      %dma_start3A_3622 = arith.constant 0 : i32
      %dma_start3A_3623 = tpu.memref_slice %arg10[%dma_start3A_3619, %dma_start3A_3620, %dma_start3A_3621, %dma_start3A_3622] : memref<2x4x32x128xf32, #tpu.memory_space<vmem>> -> memref<1x1x32x128xf32, #tpu.memory_space<vmem>>
      %dma_start3A_3624 = tpu.memref_squeeze %dma_start3A_3623 : memref<1x1x32x128xf32, #tpu.memory_space<vmem>> -> memref<32x128xf32, #tpu.memory_space<vmem>>
      %dma_start3A_3625 = arith.constant 0 : i32
      %dma_start3A_3626 = tpu.memref_slice %arg3[%dma_start3A_3625, %multiple_of3A_3591] : memref<32x1000000xf32, #tpu.memory_space<hbm>> -> memref<32x128xf32, #tpu.memory_space<hbm>>
      %dma_start3A_3627 = arith.constant 0 : i32
      %dma_start3A_3628 = arith.constant 0 : i32
      %dma_start3A_3629 = tpu.memref_slice %arg10[%dma_start3A_3619, %dma_start3A_3620, %dma_start3A_3627, %dma_start3A_3628] : memref<2x4x32x128xf32, #tpu.memory_space<vmem>> -> memref<1x1x32x128xf32, #tpu.memory_space<vmem>>
      %dma_start3A_3630 = tpu.memref_squeeze %dma_start3A_3629 : memref<1x1x32x128xf32, #tpu.memory_space<vmem>> -> memref<32x128xf32, #tpu.memory_space<vmem>>
      %dma_start3A_3631 = arith.constant 0 : i32
      %dma_start3A_3632 = tpu.memref_slice %arg3[%dma_start3A_3631, %multiple_of3A_3591] : memref<32x1000000xf32, #tpu.memory_space<hbm>> -> memref<32x128xf32, #tpu.memory_space<hbm>>
      tpu.enqueue_dma source(%dma_start3A_3632 : memref<32x128xf32, #tpu.memory_space<hbm>>) target(%dma_start3A_3630 : memref<32x128xf32, #tpu.memory_space<vmem>>) target_semaphore(%arg16 : memref<!tpu.dma_semaphore, #tpu.memory_space<semaphore_mem>>)
      %dma_start3A_3633 = arith.constant 0 : i32
      %dma_start3A_3634 = arith.constant 3 : i32
      %dma_start3A_3635 = arith.constant 0 : i32
      %dma_start3A_3636 = arith.constant 0 : i32
      %dma_start3A_3637 = tpu.memref_slice %arg11[%dma_start3A_3633, %dma_start3A_3634, %dma_start3A_3635, %dma_start3A_3636] : memref<2x4x32x128xf32, #tpu.memory_space<vmem>> -> memref<1x1x32x128xf32, #tpu.memory_space<vmem>>
      %dma_start3A_3638 = tpu.memref_squeeze %dma_start3A_3637 : memref<1x1x32x128xf32, #tpu.memory_space<vmem>> -> memref<32x128xf32, #tpu.memory_space<vmem>>
      %dma_start3A_3639 = arith.constant 0 : i32
      %dma_start3A_3640 = tpu.memref_slice %arg4[%dma_start3A_3639, %multiple_of3A_3618] : memref<32x1000000xf32, #tpu.memory_space<hbm>> -> memref<32x128xf32, #tpu.memory_space<hbm>>
      %dma_start3A_3641 = arith.constant 0 : i32
      %dma_start3A_3642 = arith.constant 0 : i32
      %dma_start3A_3643 = tpu.memref_slice %arg11[%dma_start3A_3633, %dma_start3A_3634, %dma_start3A_3641, %dma_start3A_3642] : memref<2x4x32x128xf32, #tpu.memory_space<vmem>> -> memref<1x1x32x128xf32, #tpu.memory_space<vmem>>
      %dma_start3A_3644 = tpu.memref_squeeze %dma_start3A_3643 : memref<1x1x32x128xf32, #tpu.memory_space<vmem>> -> memref<32x128xf32, #tpu.memory_space<vmem>>
      %dma_start3A_3645 = arith.constant 0 : i32
      %dma_start3A_3646 = tpu.memref_slice %arg4[%dma_start3A_3645, %multiple_of3A_3618] : memref<32x1000000xf32, #tpu.memory_space<hbm>> -> memref<32x128xf32, #tpu.memory_space<hbm>>
      tpu.enqueue_dma source(%dma_start3A_3646 : memref<32x128xf32, #tpu.memory_space<hbm>>) target(%dma_start3A_3644 : memref<32x128xf32, #tpu.memory_space<vmem>>) target_semaphore(%arg16 : memref<!tpu.dma_semaphore, #tpu.memory_space<semaphore_mem>>)
      %mul3A_3647 = arith.constant 4 : i32
      %mul3A_3648 = arith.muli %scan3A_1051, %mul3A_3647 : i32
      %add3A_3649 = arith.constant 3 : i32
      %add3A_3650 = arith.addi %mul3A_3648, %add3A_3649 : i32
      %dma_wait3A_3651 = arith.constant 0 : i32
      %dma_wait3A_3652 = arith.constant 0 : i32
      %dma_wait3A_3653 = arith.constant 0 : i32
      %dma_wait3A_3654 = arith.constant 0 : i32
      %dma_wait3A_3655 = tpu.memref_slice %arg10[%dma_wait3A_3651, %dma_wait3A_3652, %dma_wait3A_3653, %dma_wait3A_3654] : memref<2x4x32x128xf32, #tpu.memory_space<vmem>> -> memref<1x1x32x128xf32, #tpu.memory_space<vmem>>
      %dma_wait3A_3656 = tpu.memref_squeeze %dma_wait3A_3655 : memref<1x1x32x128xf32, #tpu.memory_space<vmem>> -> memref<32x128xf32, #tpu.memory_space<vmem>>
      %dma_wait3A_3657 = arith.constant 0 : i32
      %dma_wait3A_3658 = arith.constant 0 : i32
      %dma_wait3A_3659 = tpu.memref_slice %arg3[%dma_wait3A_3657, %dma_wait3A_3658] : memref<32x1000000xf32, #tpu.memory_space<hbm>> -> memref<32x128xf32, #tpu.memory_space<hbm>>
      %dma_wait3A_3660 = arith.constant 0 : i32
      %dma_wait3A_3661 = arith.constant 0 : i32
      %dma_wait3A_3662 = tpu.memref_slice %arg10[%dma_wait3A_3651, %dma_wait3A_3652, %dma_wait3A_3660, %dma_wait3A_3661] : memref<2x4x32x128xf32, #tpu.memory_space<vmem>> -> memref<1x1x32x128xf32, #tpu.memory_space<vmem>>
      %dma_wait3A_3663 = tpu.memref_squeeze %dma_wait3A_3662 : memref<1x1x32x128xf32, #tpu.memory_space<vmem>> -> memref<32x128xf32, #tpu.memory_space<vmem>>
      %dma_wait3A_3664 = arith.constant 0 : i32
      %dma_wait3A_3665 = arith.constant 0 : i32
      %dma_wait3A_3666 = tpu.memref_slice %arg3[%dma_wait3A_3664, %dma_wait3A_3665] : memref<32x1000000xf32, #tpu.memory_space<hbm>> -> memref<32x128xf32, #tpu.memory_space<hbm>>
      tpu.wait_dma2 semaphore(%arg16 : memref<!tpu.dma_semaphore, #tpu.memory_space<semaphore_mem>>) src(%dma_wait3A_3666 : memref<32x128xf32, #tpu.memory_space<hbm>>) dst(%dma_wait3A_3663 : memref<32x128xf32, #tpu.memory_space<vmem>>)
      %dma_wait3A_3667 = arith.constant 0 : i32
      %dma_wait3A_3668 = arith.constant 0 : i32
      %dma_wait3A_3669 = arith.constant 0 : i32
      %dma_wait3A_3670 = arith.constant 0 : i32
      %dma_wait3A_3671 = tpu.memref_slice %arg10[%dma_wait3A_3667, %dma_wait3A_3668, %dma_wait3A_3669, %dma_wait3A_3670] : memref<2x4x32x128xf32, #tpu.memory_space<vmem>> -> memref<1x1x32x128xf32, #tpu.memory_space<vmem>>
      %dma_wait3A_3672 = tpu.memref_squeeze %dma_wait3A_3671 : memref<1x1x32x128xf32, #tpu.memory_space<vmem>> -> memref<32x128xf32, #tpu.memory_space<vmem>>
      %dma_wait3A_3673 = arith.constant 0 : i32
      %dma_wait3A_3674 = arith.constant 0 : i32
      %dma_wait3A_3675 = tpu.memref_slice %arg3[%dma_wait3A_3673, %dma_wait3A_3674] : memref<32x1000000xf32, #tpu.memory_space<hbm>> -> memref<32x128xf32, #tpu.memory_space<hbm>>
      %dma_wait3A_3676 = arith.constant 0 : i32
      %dma_wait3A_3677 = arith.constant 0 : i32
      %dma_wait3A_3678 = tpu.memref_slice %arg10[%dma_wait3A_3667, %dma_wait3A_3668, %dma_wait3A_3676, %dma_wait3A_3677] : memref<2x4x32x128xf32, #tpu.memory_space<vmem>> -> memref<1x1x32x128xf32, #tpu.memory_space<vmem>>
      %dma_wait3A_3679 = tpu.memref_squeeze %dma_wait3A_3678 : memref<1x1x32x128xf32, #tpu.memory_space<vmem>> -> memref<32x128xf32, #tpu.memory_space<vmem>>
      %dma_wait3A_3680 = arith.constant 0 : i32
      %dma_wait3A_3681 = arith.constant 0 : i32
      %dma_wait3A_3682 = tpu.memref_slice %arg3[%dma_wait3A_3680, %dma_wait3A_3681] : memref<32x1000000xf32, #tpu.memory_space<hbm>> -> memref<32x128xf32, #tpu.memory_space<hbm>>
      tpu.wait_dma2 semaphore(%arg16 : memref<!tpu.dma_semaphore, #tpu.memory_space<semaphore_mem>>) src(%dma_wait3A_3682 : memref<32x128xf32, #tpu.memory_space<hbm>>) dst(%dma_wait3A_3679 : memref<32x128xf32, #tpu.memory_space<vmem>>)
      %dma_wait3A_3683 = arith.constant 0 : i32
      %dma_wait3A_3684 = arith.constant 0 : i32
      %dma_wait3A_3685 = arith.constant 0 : i32
      %dma_wait3A_3686 = arith.constant 0 : i32
      %dma_wait3A_3687 = tpu.memref_slice %arg10[%dma_wait3A_3683, %dma_wait3A_3684, %dma_wait3A_3685, %dma_wait3A_3686] : memref<2x4x32x128xf32, #tpu.memory_space<vmem>> -> memref<1x1x32x128xf32, #tpu.memory_space<vmem>>
      %dma_wait3A_3688 = tpu.memref_squeeze %dma_wait3A_3687 : memref<1x1x32x128xf32, #tpu.memory_space<vmem>> -> memref<32x128xf32, #tpu.memory_space<vmem>>
      %dma_wait3A_3689 = arith.constant 0 : i32
      %dma_wait3A_3690 = arith.constant 0 : i32
      %dma_wait3A_3691 = tpu.memref_slice %arg3[%dma_wait3A_3689, %dma_wait3A_3690] : memref<32x1000000xf32, #tpu.memory_space<hbm>> -> memref<32x128xf32, #tpu.memory_space<hbm>>
      %dma_wait3A_3692 = arith.constant 0 : i32
      %dma_wait3A_3693 = arith.constant 0 : i32
      %dma_wait3A_3694 = tpu.memref_slice %arg10[%dma_wait3A_3683, %dma_wait3A_3684, %dma_wait3A_3692, %dma_wait3A_3693] : memref<2x4x32x128xf32, #tpu.memory_space<vmem>> -> memref<1x1x32x128xf32, #tpu.memory_space<vmem>>
      %dma_wait3A_3695 = tpu.memref_squeeze %dma_wait3A_3694 : memref<1x1x32x128xf32, #tpu.memory_space<vmem>> -> memref<32x128xf32, #tpu.memory_space<vmem>>
      %dma_wait3A_3696 = arith.constant 0 : i32
      %dma_wait3A_3697 = arith.constant 0 : i32
      %dma_wait3A_3698 = tpu.memref_slice %arg3[%dma_wait3A_3696, %dma_wait3A_3697] : memref<32x1000000xf32, #tpu.memory_space<hbm>> -> memref<32x128xf32, #tpu.memory_space<hbm>>
      tpu.wait_dma2 semaphore(%arg16 : memref<!tpu.dma_semaphore, #tpu.memory_space<semaphore_mem>>) src(%dma_wait3A_3698 : memref<32x128xf32, #tpu.memory_space<hbm>>) dst(%dma_wait3A_3695 : memref<32x128xf32, #tpu.memory_space<vmem>>)
      %dma_wait3A_3699 = arith.constant 0 : i32
      %dma_wait3A_3700 = arith.constant 0 : i32
      %dma_wait3A_3701 = arith.constant 0 : i32
      %dma_wait3A_3702 = arith.constant 0 : i32
      %dma_wait3A_3703 = tpu.memref_slice %arg10[%dma_wait3A_3699, %dma_wait3A_3700, %dma_wait3A_3701, %dma_wait3A_3702] : memref<2x4x32x128xf32, #tpu.memory_space<vmem>> -> memref<1x1x32x128xf32, #tpu.memory_space<vmem>>
      %dma_wait3A_3704 = tpu.memref_squeeze %dma_wait3A_3703 : memref<1x1x32x128xf32, #tpu.memory_space<vmem>> -> memref<32x128xf32, #tpu.memory_space<vmem>>
      %dma_wait3A_3705 = arith.constant 0 : i32
      %dma_wait3A_3706 = arith.constant 0 : i32
      %dma_wait3A_3707 = tpu.memref_slice %arg3[%dma_wait3A_3705, %dma_wait3A_3706] : memref<32x1000000xf32, #tpu.memory_space<hbm>> -> memref<32x128xf32, #tpu.memory_space<hbm>>
      %dma_wait3A_3708 = arith.constant 0 : i32
      %dma_wait3A_3709 = arith.constant 0 : i32
      %dma_wait3A_3710 = tpu.memref_slice %arg10[%dma_wait3A_3699, %dma_wait3A_3700, %dma_wait3A_3708, %dma_wait3A_3709] : memref<2x4x32x128xf32, #tpu.memory_space<vmem>> -> memref<1x1x32x128xf32, #tpu.memory_space<vmem>>
      %dma_wait3A_3711 = tpu.memref_squeeze %dma_wait3A_3710 : memref<1x1x32x128xf32, #tpu.memory_space<vmem>> -> memref<32x128xf32, #tpu.memory_space<vmem>>
      %dma_wait3A_3712 = arith.constant 0 : i32
      %dma_wait3A_3713 = arith.constant 0 : i32
      %dma_wait3A_3714 = tpu.memref_slice %arg3[%dma_wait3A_3712, %dma_wait3A_3713] : memref<32x1000000xf32, #tpu.memory_space<hbm>> -> memref<32x128xf32, #tpu.memory_space<hbm>>
      tpu.wait_dma2 semaphore(%arg16 : memref<!tpu.dma_semaphore, #tpu.memory_space<semaphore_mem>>) src(%dma_wait3A_3714 : memref<32x128xf32, #tpu.memory_space<hbm>>) dst(%dma_wait3A_3711 : memref<32x128xf32, #tpu.memory_space<vmem>>)
      %dma_wait3A_3715 = arith.constant 0 : i32
      %dma_wait3A_3716 = arith.constant 0 : i32
      %dma_wait3A_3717 = arith.constant 0 : i32
      %dma_wait3A_3718 = arith.constant 0 : i32
      %dma_wait3A_3719 = tpu.memref_slice %arg10[%dma_wait3A_3715, %dma_wait3A_3716, %dma_wait3A_3717, %dma_wait3A_3718] : memref<2x4x32x128xf32, #tpu.memory_space<vmem>> -> memref<1x1x32x128xf32, #tpu.memory_space<vmem>>
      %dma_wait3A_3720 = tpu.memref_squeeze %dma_wait3A_3719 : memref<1x1x32x128xf32, #tpu.memory_space<vmem>> -> memref<32x128xf32, #tpu.memory_space<vmem>>
      %dma_wait3A_3721 = arith.constant 0 : i32
      %dma_wait3A_3722 = arith.constant 0 : i32
      %dma_wait3A_3723 = tpu.memref_slice %arg3[%dma_wait3A_3721, %dma_wait3A_3722] : memref<32x1000000xf32, #tpu.memory_space<hbm>> -> memref<32x128xf32, #tpu.memory_space<hbm>>
      %dma_wait3A_3724 = arith.constant 0 : i32
      %dma_wait3A_3725 = arith.constant 0 : i32
      %dma_wait3A_3726 = tpu.memref_slice %arg10[%dma_wait3A_3715, %dma_wait3A_3716, %dma_wait3A_3724, %dma_wait3A_3725] : memref<2x4x32x128xf32, #tpu.memory_space<vmem>> -> memref<1x1x32x128xf32, #tpu.memory_space<vmem>>
      %dma_wait3A_3727 = tpu.memref_squeeze %dma_wait3A_3726 : memref<1x1x32x128xf32, #tpu.memory_space<vmem>> -> memref<32x128xf32, #tpu.memory_space<vmem>>
      %dma_wait3A_3728 = arith.constant 0 : i32
      %dma_wait3A_3729 = arith.constant 0 : i32
      %dma_wait3A_3730 = tpu.memref_slice %arg3[%dma_wait3A_3728, %dma_wait3A_3729] : memref<32x1000000xf32, #tpu.memory_space<hbm>> -> memref<32x128xf32, #tpu.memory_space<hbm>>
      tpu.wait_dma2 semaphore(%arg16 : memref<!tpu.dma_semaphore, #tpu.memory_space<semaphore_mem>>) src(%dma_wait3A_3730 : memref<32x128xf32, #tpu.memory_space<hbm>>) dst(%dma_wait3A_3727 : memref<32x128xf32, #tpu.memory_space<vmem>>)
      %dma_wait3A_3731 = arith.constant 0 : i32
      %dma_wait3A_3732 = arith.constant 0 : i32
      %dma_wait3A_3733 = arith.constant 0 : i32
      %dma_wait3A_3734 = arith.constant 0 : i32
      %dma_wait3A_3735 = tpu.memref_slice %arg10[%dma_wait3A_3731, %dma_wait3A_3732, %dma_wait3A_3733, %dma_wait3A_3734] : memref<2x4x32x128xf32, #tpu.memory_space<vmem>> -> memref<1x1x32x128xf32, #tpu.memory_space<vmem>>
      %dma_wait3A_3736 = tpu.memref_squeeze %dma_wait3A_3735 : memref<1x1x32x128xf32, #tpu.memory_space<vmem>> -> memref<32x128xf32, #tpu.memory_space<vmem>>
      %dma_wait3A_3737 = arith.constant 0 : i32
      %dma_wait3A_3738 = arith.constant 0 : i32
      %dma_wait3A_3739 = tpu.memref_slice %arg3[%dma_wait3A_3737, %dma_wait3A_3738] : memref<32x1000000xf32, #tpu.memory_space<hbm>> -> memref<32x128xf32, #tpu.memory_space<hbm>>
      %dma_wait3A_3740 = arith.constant 0 : i32
      %dma_wait3A_3741 = arith.constant 0 : i32
      %dma_wait3A_3742 = tpu.memref_slice %arg10[%dma_wait3A_3731, %dma_wait3A_3732, %dma_wait3A_3740, %dma_wait3A_3741] : memref<2x4x32x128xf32, #tpu.memory_space<vmem>> -> memref<1x1x32x128xf32, #tpu.memory_space<vmem>>
      %dma_wait3A_3743 = tpu.memref_squeeze %dma_wait3A_3742 : memref<1x1x32x128xf32, #tpu.memory_space<vmem>> -> memref<32x128xf32, #tpu.memory_space<vmem>>
      %dma_wait3A_3744 = arith.constant 0 : i32
      %dma_wait3A_3745 = arith.constant 0 : i32
      %dma_wait3A_3746 = tpu.memref_slice %arg3[%dma_wait3A_3744, %dma_wait3A_3745] : memref<32x1000000xf32, #tpu.memory_space<hbm>> -> memref<32x128xf32, #tpu.memory_space<hbm>>
      tpu.wait_dma2 semaphore(%arg16 : memref<!tpu.dma_semaphore, #tpu.memory_space<semaphore_mem>>) src(%dma_wait3A_3746 : memref<32x128xf32, #tpu.memory_space<hbm>>) dst(%dma_wait3A_3743 : memref<32x128xf32, #tpu.memory_space<vmem>>)
      %dma_wait3A_3747 = arith.constant 0 : i32
      %dma_wait3A_3748 = arith.constant 0 : i32
      %dma_wait3A_3749 = arith.constant 0 : i32
      %dma_wait3A_3750 = arith.constant 0 : i32
      %dma_wait3A_3751 = tpu.memref_slice %arg10[%dma_wait3A_3747, %dma_wait3A_3748, %dma_wait3A_3749, %dma_wait3A_3750] : memref<2x4x32x128xf32, #tpu.memory_space<vmem>> -> memref<1x1x32x128xf32, #tpu.memory_space<vmem>>
      %dma_wait3A_3752 = tpu.memref_squeeze %dma_wait3A_3751 : memref<1x1x32x128xf32, #tpu.memory_space<vmem>> -> memref<32x128xf32, #tpu.memory_space<vmem>>
      %dma_wait3A_3753 = arith.constant 0 : i32
      %dma_wait3A_3754 = arith.constant 0 : i32
      %dma_wait3A_3755 = tpu.memref_slice %arg3[%dma_wait3A_3753, %dma_wait3A_3754] : memref<32x1000000xf32, #tpu.memory_space<hbm>> -> memref<32x128xf32, #tpu.memory_space<hbm>>
      %dma_wait3A_3756 = arith.constant 0 : i32
      %dma_wait3A_3757 = arith.constant 0 : i32
      %dma_wait3A_3758 = tpu.memref_slice %arg10[%dma_wait3A_3747, %dma_wait3A_3748, %dma_wait3A_3756, %dma_wait3A_3757] : memref<2x4x32x128xf32, #tpu.memory_space<vmem>> -> memref<1x1x32x128xf32, #tpu.memory_space<vmem>>
      %dma_wait3A_3759 = tpu.memref_squeeze %dma_wait3A_3758 : memref<1x1x32x128xf32, #tpu.memory_space<vmem>> -> memref<32x128xf32, #tpu.memory_space<vmem>>
      %dma_wait3A_3760 = arith.constant 0 : i32
      %dma_wait3A_3761 = arith.constant 0 : i32
      %dma_wait3A_3762 = tpu.memref_slice %arg3[%dma_wait3A_3760, %dma_wait3A_3761] : memref<32x1000000xf32, #tpu.memory_space<hbm>> -> memref<32x128xf32, #tpu.memory_space<hbm>>
      tpu.wait_dma2 semaphore(%arg16 : memref<!tpu.dma_semaphore, #tpu.memory_space<semaphore_mem>>) src(%dma_wait3A_3762 : memref<32x128xf32, #tpu.memory_space<hbm>>) dst(%dma_wait3A_3759 : memref<32x128xf32, #tpu.memory_space<vmem>>)
      %dma_wait3A_3763 = arith.constant 0 : i32
      %dma_wait3A_3764 = arith.constant 0 : i32
      %dma_wait3A_3765 = arith.constant 0 : i32
      %dma_wait3A_3766 = arith.constant 0 : i32
      %dma_wait3A_3767 = tpu.memref_slice %arg10[%dma_wait3A_3763, %dma_wait3A_3764, %dma_wait3A_3765, %dma_wait3A_3766] : memref<2x4x32x128xf32, #tpu.memory_space<vmem>> -> memref<1x1x32x128xf32, #tpu.memory_space<vmem>>
      %dma_wait3A_3768 = tpu.memref_squeeze %dma_wait3A_3767 : memref<1x1x32x128xf32, #tpu.memory_space<vmem>> -> memref<32x128xf32, #tpu.memory_space<vmem>>
      %dma_wait3A_3769 = arith.constant 0 : i32
      %dma_wait3A_3770 = arith.constant 0 : i32
      %dma_wait3A_3771 = tpu.memref_slice %arg3[%dma_wait3A_3769, %dma_wait3A_3770] : memref<32x1000000xf32, #tpu.memory_space<hbm>> -> memref<32x128xf32, #tpu.memory_space<hbm>>
      %dma_wait3A_3772 = arith.constant 0 : i32
      %dma_wait3A_3773 = arith.constant 0 : i32
      %dma_wait3A_3774 = tpu.memref_slice %arg10[%dma_wait3A_3763, %dma_wait3A_3764, %dma_wait3A_3772, %dma_wait3A_3773] : memref<2x4x32x128xf32, #tpu.memory_space<vmem>> -> memref<1x1x32x128xf32, #tpu.memory_space<vmem>>
      %dma_wait3A_3775 = tpu.memref_squeeze %dma_wait3A_3774 : memref<1x1x32x128xf32, #tpu.memory_space<vmem>> -> memref<32x128xf32, #tpu.memory_space<vmem>>
      %dma_wait3A_3776 = arith.constant 0 : i32
      %dma_wait3A_3777 = arith.constant 0 : i32
      %dma_wait3A_3778 = tpu.memref_slice %arg3[%dma_wait3A_3776, %dma_wait3A_3777] : memref<32x1000000xf32, #tpu.memory_space<hbm>> -> memref<32x128xf32, #tpu.memory_space<hbm>>
      tpu.wait_dma2 semaphore(%arg16 : memref<!tpu.dma_semaphore, #tpu.memory_space<semaphore_mem>>) src(%dma_wait3A_3778 : memref<32x128xf32, #tpu.memory_space<hbm>>) dst(%dma_wait3A_3775 : memref<32x128xf32, #tpu.memory_space<vmem>>)
      %mul3A_3779 = arith.constant 4 : i32
      %mul3A_3780 = arith.muli %add3A_3650, %mul3A_3779 : i32
      %add3A_3781 = arith.constant 0 : i32
      %add3A_3782 = arith.addi %mul3A_3780, %add3A_3781 : i32
      %get3A_3783 = arith.index_cast %add3A_3782 : i32 to index
      %get3A_3784 = tpu.vector_load %arg8[%get3A_3783] {strides = array<i32>} : memref<528xi32, #tpu.memory_space<vmem>>, vector<16xi32>,
      %get3A_3785 = arith.index_cast %add3A_3782 : i32 to index
      %get3A_3786 = tpu.vector_load %arg9[%get3A_3785] {strides = array<i32>} : memref<528xi32, #tpu.memory_space<vmem>>, vector<16xi32>,
      %slice3A_3787 = vector.extract_strided_slice %get3A_3784 {offsets = [0], sizes = [1], strides = [1]} : vector<16xi32> to vector<1xi32>
      %squeeze3A_3788 = vector.extract %slice3A_3787[0] : i32 from vector<1xi32>
      %slice3A_3789 = vector.extract_strided_slice %get3A_3786 {offsets = [0], sizes = [1], strides = [1]} : vector<16xi32> to vector<1xi32>
      %squeeze3A_3790 = vector.extract %slice3A_3789[0] : i32 from vector<1xi32>
      %jit3A_3791 = arith.constant 128 : i32
      %eq3A_3792 = arith.constant 0 : i32
      %eq3A_3793 = arith.cmpi eq, %jit3A_3791, %eq3A_3792 : i32
      %jit3A_3794 = arith.constant 1 : i32
      %select_n3A_3795 = arith.select %eq3A_3793, %jit3A_3794, %jit3A_3791 : i32
      %rem3A_3796 = arith.remsi %squeeze3A_3788, %select_n3A_3795 : i32
      %ne3A_3797 = arith.constant 0 : i32
      %ne3A_3798 = arith.cmpi ne, %rem3A_3796, %ne3A_3797 : i32
      %lt3A_3799 = arith.constant 0 : i32
      %lt3A_3800 = arith.cmpi slt, %rem3A_3796, %lt3A_3799 : i32
      %lt3A_3801 = arith.constant 0 : i32
      %lt3A_3802 = arith.cmpi slt, %select_n3A_3795, %lt3A_3801 : i32
      %ne3A_3803 = arith.xori %lt3A_3800, %lt3A_3802 : i1
      %and3A_3804 = arith.andi %ne3A_3803, %ne3A_3798 : i1
      %add3A_3805 = arith.addi %rem3A_3796, %select_n3A_3795 : i32
      %select_n3A_3806 = arith.select %and3A_3804, %add3A_3805, %rem3A_3796 : i32
      %broadcast_in_dim3A_3807 = vector.broadcast %select_n3A_3806 : i32 to vector<16xi32>
      %jit3A_3808 = arith.constant 128 : i32
      %eq3A_3809 = arith.constant 0 : i32
      %eq3A_3810 = arith.cmpi eq, %jit3A_3808, %eq3A_3809 : i32
      %jit3A_3811 = arith.constant 1 : i32
      %select_n3A_3812 = arith.select %eq3A_3810, %jit3A_3811, %jit3A_3808 : i32
      %rem3A_3813 = arith.remsi %squeeze3A_3790, %select_n3A_3812 : i32
      %ne3A_3814 = arith.constant 0 : i32
      %ne3A_3815 = arith.cmpi ne, %rem3A_3813, %ne3A_3814 : i32
      %lt3A_3816 = arith.constant 0 : i32
      %lt3A_3817 = arith.cmpi slt, %rem3A_3813, %lt3A_3816 : i32
      %lt3A_3818 = arith.constant 0 : i32
      %lt3A_3819 = arith.cmpi slt, %select_n3A_3812, %lt3A_3818 : i32
      %ne3A_3820 = arith.xori %lt3A_3817, %lt3A_3819 : i1
      %and3A_3821 = arith.andi %ne3A_3820, %ne3A_3815 : i1
      %add3A_3822 = arith.addi %rem3A_3813, %select_n3A_3812 : i32
      %select_n3A_3823 = arith.select %and3A_3821, %add3A_3822, %rem3A_3813 : i32
      %broadcast_in_dim3A_3824 = vector.broadcast %select_n3A_3823 : i32 to vector<16xi32>
      %gather3A_3825 = arith.constant 1 : i32
      %gather3A_3826 = arith.constant 0 : i32
      %gather3A_3827 = arith.constant 0 : i32
      %gather3A_3828 = arith.constant 0 : i32
      %gather3A_3829 = tpu.memref_slice %arg10[%gather3A_3825, %gather3A_3826, %gather3A_3827, %gather3A_3828] : memref<2x4x32x128xf32, #tpu.memory_space<vmem>> -> memref<1x1x32x128xf32, #tpu.memory_space<vmem>>
      %gather3A_3830 = tpu.memref_squeeze %gather3A_3829 : memref<1x1x32x128xf32, #tpu.memory_space<vmem>> -> memref<32x128xf32, #tpu.memory_space<vmem>>
      %gather3A_3831 = tpu.vector_load_idx %gather3A_3830[%iota3A, %broadcast_in_dim3A_3807] : memref<32x128xf32, #tpu.memory_space<vmem>>[vector<16xi32>, vector<16xi32>], vector<16xf32>,
      %gather3A_3832 = arith.constant 1 : i32
      %gather3A_3833 = arith.constant 0 : i32
      %gather3A_3834 = arith.constant 0 : i32
      %gather3A_3835 = arith.constant 0 : i32
      %gather3A_3836 = tpu.memref_slice %arg10[%gather3A_3832, %gather3A_3833, %gather3A_3834, %gather3A_3835] : memref<2x4x32x128xf32, #tpu.memory_space<vmem>> -> memref<1x1x32x128xf32, #tpu.memory_space<vmem>>
      %gather3A_3837 = tpu.memref_squeeze %gather3A_3836 : memref<1x1x32x128xf32, #tpu.memory_space<vmem>> -> memref<32x128xf32, #tpu.memory_space<vmem>>
      %gather3A_3838 = tpu.vector_load_idx %gather3A_3837[%add3A_25, %broadcast_in_dim3A_3807] : memref<32x128xf32, #tpu.memory_space<vmem>>[vector<16xi32>, vector<16xi32>], vector<16xf32>,
      %gather3A_3839 = arith.constant 1 : i32
      %gather3A_3840 = arith.constant 0 : i32
      %gather3A_3841 = arith.constant 0 : i32
      %gather3A_3842 = arith.constant 0 : i32
      %gather3A_3843 = tpu.memref_slice %arg11[%gather3A_3839, %gather3A_3840, %gather3A_3841, %gather3A_3842] : memref<2x4x32x128xf32, #tpu.memory_space<vmem>> -> memref<1x1x32x128xf32, #tpu.memory_space<vmem>>
      %gather3A_3844 = tpu.memref_squeeze %gather3A_3843 : memref<1x1x32x128xf32, #tpu.memory_space<vmem>> -> memref<32x128xf32, #tpu.memory_space<vmem>>
      %gather3A_3845 = tpu.vector_load_idx %gather3A_3844[%iota3A, %broadcast_in_dim3A_3824] : memref<32x128xf32, #tpu.memory_space<vmem>>[vector<16xi32>, vector<16xi32>], vector<16xf32>,
      %gather3A_3846 = arith.constant 1 : i32
      %gather3A_3847 = arith.constant 0 : i32
      %gather3A_3848 = arith.constant 0 : i32
      %gather3A_3849 = arith.constant 0 : i32
      %gather3A_3850 = tpu.memref_slice %arg11[%gather3A_3846, %gather3A_3847, %gather3A_3848, %gather3A_3849] : memref<2x4x32x128xf32, #tpu.memory_space<vmem>> -> memref<1x1x32x128xf32, #tpu.memory_space<vmem>>
      %gather3A_3851 = tpu.memref_squeeze %gather3A_3850 : memref<1x1x32x128xf32, #tpu.memory_space<vmem>> -> memref<32x128xf32, #tpu.memory_space<vmem>>
      %gather3A_3852 = tpu.vector_load_idx %gather3A_3851[%add3A_25, %broadcast_in_dim3A_3824] : memref<32x128xf32, #tpu.memory_space<vmem>>[vector<16xi32>, vector<16xi32>], vector<16xf32>,
      %mul3A_3853 = arith.mulf %gather3A_3831, %gather3A_3845 : vector<16xf32>
      %mul3A_3854 = arith.mulf %gather3A_3838, %gather3A_3852 : vector<16xf32>
      %add3A_3855 = arith.addf %mul3A_3853, %mul3A_3854 : vector<16xf32>
      %reduce_sum3A_3856 = arith.constant true
      %reduce_sum3A_3857 = vector.broadcast %reduce_sum3A_3856 : i1 to vector<16xi1>
      %reduce_sum3A_3858 = tpu.scan <sum>, %add3A_3855 masked %reduce_sum3A_3857 : vector<16xf32>, vector<16xi1> -> vector<16xf32>
      %reduce_sum3A_3859 = vector.extract %reduce_sum3A_3858[15] : f32 from vector<16xf32>
      %eq3A_3860 = arith.constant 12 : i32
      %eq3A_3861 = vector.broadcast %eq3A_3860 : i32 to vector<16xi32>
      %eq3A_3862 = arith.cmpi eq, %iota3A, %eq3A_3861 : vector<16xi32>
      %add3A_3863 = vector.broadcast %reduce_sum3A_3859 : f32 to vector<16xf32>
      %add3A_3864 = arith.addf %select_n3A_3260, %add3A_3863 : vector<16xf32>
      %select_n3A_3865 = arith.select %eq3A_3862, %add3A_3864, %select_n3A_3260 : vector<16xi1>, vector<16xf32>
      %mul3A_3866 = arith.constant 4 : i32
      %mul3A_3867 = arith.muli %add3A_3650, %mul3A_3866 : i32
      %add3A_3868 = arith.constant 1 : i32
      %add3A_3869 = arith.addi %mul3A_3867, %add3A_3868 : i32
      %get3A_3870 = arith.index_cast %add3A_3869 : i32 to index
      %get3A_3871 = tpu.vector_load %arg8[%get3A_3870] {strides = array<i32>} : memref<528xi32, #tpu.memory_space<vmem>>, vector<16xi32>,
      %get3A_3872 = arith.index_cast %add3A_3869 : i32 to index
      %get3A_3873 = tpu.vector_load %arg9[%get3A_3872] {strides = array<i32>} : memref<528xi32, #tpu.memory_space<vmem>>, vector<16xi32>,
      %slice3A_3874 = vector.extract_strided_slice %get3A_3871 {offsets = [0], sizes = [1], strides = [1]} : vector<16xi32> to vector<1xi32>
      %squeeze3A_3875 = vector.extract %slice3A_3874[0] : i32 from vector<1xi32>
      %slice3A_3876 = vector.extract_strided_slice %get3A_3873 {offsets = [0], sizes = [1], strides = [1]} : vector<16xi32> to vector<1xi32>
      %squeeze3A_3877 = vector.extract %slice3A_3876[0] : i32 from vector<1xi32>
      %jit3A_3878 = arith.constant 128 : i32
      %eq3A_3879 = arith.constant 0 : i32
      %eq3A_3880 = arith.cmpi eq, %jit3A_3878, %eq3A_3879 : i32
      %jit3A_3881 = arith.constant 1 : i32
      %select_n3A_3882 = arith.select %eq3A_3880, %jit3A_3881, %jit3A_3878 : i32
      %rem3A_3883 = arith.remsi %squeeze3A_3875, %select_n3A_3882 : i32
      %ne3A_3884 = arith.constant 0 : i32
      %ne3A_3885 = arith.cmpi ne, %rem3A_3883, %ne3A_3884 : i32
      %lt3A_3886 = arith.constant 0 : i32
      %lt3A_3887 = arith.cmpi slt, %rem3A_3883, %lt3A_3886 : i32
      %lt3A_3888 = arith.constant 0 : i32
      %lt3A_3889 = arith.cmpi slt, %select_n3A_3882, %lt3A_3888 : i32
      %ne3A_3890 = arith.xori %lt3A_3887, %lt3A_3889 : i1
      %and3A_3891 = arith.andi %ne3A_3890, %ne3A_3885 : i1
      %add3A_3892 = arith.addi %rem3A_3883, %select_n3A_3882 : i32
      %select_n3A_3893 = arith.select %and3A_3891, %add3A_3892, %rem3A_3883 : i32
      %broadcast_in_dim3A_3894 = vector.broadcast %select_n3A_3893 : i32 to vector<16xi32>
      %jit3A_3895 = arith.constant 128 : i32
      %eq3A_3896 = arith.constant 0 : i32
      %eq3A_3897 = arith.cmpi eq, %jit3A_3895, %eq3A_3896 : i32
      %jit3A_3898 = arith.constant 1 : i32
      %select_n3A_3899 = arith.select %eq3A_3897, %jit3A_3898, %jit3A_3895 : i32
      %rem3A_3900 = arith.remsi %squeeze3A_3877, %select_n3A_3899 : i32
      %ne3A_3901 = arith.constant 0 : i32
      %ne3A_3902 = arith.cmpi ne, %rem3A_3900, %ne3A_3901 : i32
      %lt3A_3903 = arith.constant 0 : i32
      %lt3A_3904 = arith.cmpi slt, %rem3A_3900, %lt3A_3903 : i32
      %lt3A_3905 = arith.constant 0 : i32
      %lt3A_3906 = arith.cmpi slt, %select_n3A_3899, %lt3A_3905 : i32
      %ne3A_3907 = arith.xori %lt3A_3904, %lt3A_3906 : i1
      %and3A_3908 = arith.andi %ne3A_3907, %ne3A_3902 : i1
      %add3A_3909 = arith.addi %rem3A_3900, %select_n3A_3899 : i32
      %select_n3A_3910 = arith.select %and3A_3908, %add3A_3909, %rem3A_3900 : i32
      %broadcast_in_dim3A_3911 = vector.broadcast %select_n3A_3910 : i32 to vector<16xi32>
      %gather3A_3912 = arith.constant 1 : i32
      %gather3A_3913 = arith.constant 1 : i32
      %gather3A_3914 = arith.constant 0 : i32
      %gather3A_3915 = arith.constant 0 : i32
      %gather3A_3916 = tpu.memref_slice %arg10[%gather3A_3912, %gather3A_3913, %gather3A_3914, %gather3A_3915] : memref<2x4x32x128xf32, #tpu.memory_space<vmem>> -> memref<1x1x32x128xf32, #tpu.memory_space<vmem>>
      %gather3A_3917 = tpu.memref_squeeze %gather3A_3916 : memref<1x1x32x128xf32, #tpu.memory_space<vmem>> -> memref<32x128xf32, #tpu.memory_space<vmem>>
      %gather3A_3918 = tpu.vector_load_idx %gather3A_3917[%iota3A, %broadcast_in_dim3A_3894] : memref<32x128xf32, #tpu.memory_space<vmem>>[vector<16xi32>, vector<16xi32>], vector<16xf32>,
      %gather3A_3919 = arith.constant 1 : i32
      %gather3A_3920 = arith.constant 1 : i32
      %gather3A_3921 = arith.constant 0 : i32
      %gather3A_3922 = arith.constant 0 : i32
      %gather3A_3923 = tpu.memref_slice %arg10[%gather3A_3919, %gather3A_3920, %gather3A_3921, %gather3A_3922] : memref<2x4x32x128xf32, #tpu.memory_space<vmem>> -> memref<1x1x32x128xf32, #tpu.memory_space<vmem>>
      %gather3A_3924 = tpu.memref_squeeze %gather3A_3923 : memref<1x1x32x128xf32, #tpu.memory_space<vmem>> -> memref<32x128xf32, #tpu.memory_space<vmem>>
      %gather3A_3925 = tpu.vector_load_idx %gather3A_3924[%add3A_25, %broadcast_in_dim3A_3894] : memref<32x128xf32, #tpu.memory_space<vmem>>[vector<16xi32>, vector<16xi32>], vector<16xf32>,
      %gather3A_3926 = arith.constant 1 : i32
      %gather3A_3927 = arith.constant 1 : i32
      %gather3A_3928 = arith.constant 0 : i32
      %gather3A_3929 = arith.constant 0 : i32
      %gather3A_3930 = tpu.memref_slice %arg11[%gather3A_3926, %gather3A_3927, %gather3A_3928, %gather3A_3929] : memref<2x4x32x128xf32, #tpu.memory_space<vmem>> -> memref<1x1x32x128xf32, #tpu.memory_space<vmem>>
      %gather3A_3931 = tpu.memref_squeeze %gather3A_3930 : memref<1x1x32x128xf32, #tpu.memory_space<vmem>> -> memref<32x128xf32, #tpu.memory_space<vmem>>
      %gather3A_3932 = tpu.vector_load_idx %gather3A_3931[%iota3A, %broadcast_in_dim3A_3911] : memref<32x128xf32, #tpu.memory_space<vmem>>[vector<16xi32>, vector<16xi32>], vector<16xf32>,
      %gather3A_3933 = arith.constant 1 : i32
      %gather3A_3934 = arith.constant 1 : i32
      %gather3A_3935 = arith.constant 0 : i32
      %gather3A_3936 = arith.constant 0 : i32
      %gather3A_3937 = tpu.memref_slice %arg11[%gather3A_3933, %gather3A_3934, %gather3A_3935, %gather3A_3936] : memref<2x4x32x128xf32, #tpu.memory_space<vmem>> -> memref<1x1x32x128xf32, #tpu.memory_space<vmem>>
      %gather3A_3938 = tpu.memref_squeeze %gather3A_3937 : memref<1x1x32x128xf32, #tpu.memory_space<vmem>> -> memref<32x128xf32, #tpu.memory_space<vmem>>
      %gather3A_3939 = tpu.vector_load_idx %gather3A_3938[%add3A_25, %broadcast_in_dim3A_3911] : memref<32x128xf32, #tpu.memory_space<vmem>>[vector<16xi32>, vector<16xi32>], vector<16xf32>,
      %mul3A_3940 = arith.mulf %gather3A_3918, %gather3A_3932 : vector<16xf32>
      %mul3A_3941 = arith.mulf %gather3A_3925, %gather3A_3939 : vector<16xf32>
      %add3A_3942 = arith.addf %mul3A_3940, %mul3A_3941 : vector<16xf32>
      %reduce_sum3A_3943 = arith.constant true
      %reduce_sum3A_3944 = vector.broadcast %reduce_sum3A_3943 : i1 to vector<16xi1>
      %reduce_sum3A_3945 = tpu.scan <sum>, %add3A_3942 masked %reduce_sum3A_3944 : vector<16xf32>, vector<16xi1> -> vector<16xf32>
      %reduce_sum3A_3946 = vector.extract %reduce_sum3A_3945[15] : f32 from vector<16xf32>
      %eq3A_3947 = arith.constant 13 : i32
      %eq3A_3948 = vector.broadcast %eq3A_3947 : i32 to vector<16xi32>
      %eq3A_3949 = arith.cmpi eq, %iota3A, %eq3A_3948 : vector<16xi32>
      %add3A_3950 = vector.broadcast %reduce_sum3A_3946 : f32 to vector<16xf32>
      %add3A_3951 = arith.addf %select_n3A_3865, %add3A_3950 : vector<16xf32>
      %select_n3A_3952 = arith.select %eq3A_3949, %add3A_3951, %select_n3A_3865 : vector<16xi1>, vector<16xf32>
      %mul3A_3953 = arith.constant 4 : i32
      %mul3A_3954 = arith.muli %add3A_3650, %mul3A_3953 : i32
      %add3A_3955 = arith.constant 2 : i32
      %add3A_3956 = arith.addi %mul3A_3954, %add3A_3955 : i32
      %get3A_3957 = arith.index_cast %add3A_3956 : i32 to index
      %get3A_3958 = tpu.vector_load %arg8[%get3A_3957] {strides = array<i32>} : memref<528xi32, #tpu.memory_space<vmem>>, vector<16xi32>,
      %get3A_3959 = arith.index_cast %add3A_3956 : i32 to index
      %get3A_3960 = tpu.vector_load %arg9[%get3A_3959] {strides = array<i32>} : memref<528xi32, #tpu.memory_space<vmem>>, vector<16xi32>,
      %slice3A_3961 = vector.extract_strided_slice %get3A_3958 {offsets = [0], sizes = [1], strides = [1]} : vector<16xi32> to vector<1xi32>
      %squeeze3A_3962 = vector.extract %slice3A_3961[0] : i32 from vector<1xi32>
      %slice3A_3963 = vector.extract_strided_slice %get3A_3960 {offsets = [0], sizes = [1], strides = [1]} : vector<16xi32> to vector<1xi32>
      %squeeze3A_3964 = vector.extract %slice3A_3963[0] : i32 from vector<1xi32>
      %jit3A_3965 = arith.constant 128 : i32
      %eq3A_3966 = arith.constant 0 : i32
      %eq3A_3967 = arith.cmpi eq, %jit3A_3965, %eq3A_3966 : i32
      %jit3A_3968 = arith.constant 1 : i32
      %select_n3A_3969 = arith.select %eq3A_3967, %jit3A_3968, %jit3A_3965 : i32
      %rem3A_3970 = arith.remsi %squeeze3A_3962, %select_n3A_3969 : i32
      %ne3A_3971 = arith.constant 0 : i32
      %ne3A_3972 = arith.cmpi ne, %rem3A_3970, %ne3A_3971 : i32
      %lt3A_3973 = arith.constant 0 : i32
      %lt3A_3974 = arith.cmpi slt, %rem3A_3970, %lt3A_3973 : i32
      %lt3A_3975 = arith.constant 0 : i32
      %lt3A_3976 = arith.cmpi slt, %select_n3A_3969, %lt3A_3975 : i32
      %ne3A_3977 = arith.xori %lt3A_3974, %lt3A_3976 : i1
      %and3A_3978 = arith.andi %ne3A_3977, %ne3A_3972 : i1
      %add3A_3979 = arith.addi %rem3A_3970, %select_n3A_3969 : i32
      %select_n3A_3980 = arith.select %and3A_3978, %add3A_3979, %rem3A_3970 : i32
      %broadcast_in_dim3A_3981 = vector.broadcast %select_n3A_3980 : i32 to vector<16xi32>
      %jit3A_3982 = arith.constant 128 : i32
      %eq3A_3983 = arith.constant 0 : i32
      %eq3A_3984 = arith.cmpi eq, %jit3A_3982, %eq3A_3983 : i32
      %jit3A_3985 = arith.constant 1 : i32
      %select_n3A_3986 = arith.select %eq3A_3984, %jit3A_3985, %jit3A_3982 : i32
      %rem3A_3987 = arith.remsi %squeeze3A_3964, %select_n3A_3986 : i32
      %ne3A_3988 = arith.constant 0 : i32
      %ne3A_3989 = arith.cmpi ne, %rem3A_3987, %ne3A_3988 : i32
      %lt3A_3990 = arith.constant 0 : i32
      %lt3A_3991 = arith.cmpi slt, %rem3A_3987, %lt3A_3990 : i32
      %lt3A_3992 = arith.constant 0 : i32
      %lt3A_3993 = arith.cmpi slt, %select_n3A_3986, %lt3A_3992 : i32
      %ne3A_3994 = arith.xori %lt3A_3991, %lt3A_3993 : i1
      %and3A_3995 = arith.andi %ne3A_3994, %ne3A_3989 : i1
      %add3A_3996 = arith.addi %rem3A_3987, %select_n3A_3986 : i32
      %select_n3A_3997 = arith.select %and3A_3995, %add3A_3996, %rem3A_3987 : i32
      %broadcast_in_dim3A_3998 = vector.broadcast %select_n3A_3997 : i32 to vector<16xi32>
      %gather3A_3999 = arith.constant 1 : i32
      %gather3A_4000 = arith.constant 2 : i32
      %gather3A_4001 = arith.constant 0 : i32
      %gather3A_4002 = arith.constant 0 : i32
      %gather3A_4003 = tpu.memref_slice %arg10[%gather3A_3999, %gather3A_4000, %gather3A_4001, %gather3A_4002] : memref<2x4x32x128xf32, #tpu.memory_space<vmem>> -> memref<1x1x32x128xf32, #tpu.memory_space<vmem>>
      %gather3A_4004 = tpu.memref_squeeze %gather3A_4003 : memref<1x1x32x128xf32, #tpu.memory_space<vmem>> -> memref<32x128xf32, #tpu.memory_space<vmem>>
      %gather3A_4005 = tpu.vector_load_idx %gather3A_4004[%iota3A, %broadcast_in_dim3A_3981] : memref<32x128xf32, #tpu.memory_space<vmem>>[vector<16xi32>, vector<16xi32>], vector<16xf32>,
      %gather3A_4006 = arith.constant 1 : i32
      %gather3A_4007 = arith.constant 2 : i32
      %gather3A_4008 = arith.constant 0 : i32
      %gather3A_4009 = arith.constant 0 : i32
      %gather3A_4010 = tpu.memref_slice %arg10[%gather3A_4006, %gather3A_4007, %gather3A_4008, %gather3A_4009] : memref<2x4x32x128xf32, #tpu.memory_space<vmem>> -> memref<1x1x32x128xf32, #tpu.memory_space<vmem>>
      %gather3A_4011 = tpu.memref_squeeze %gather3A_4010 : memref<1x1x32x128xf32, #tpu.memory_space<vmem>> -> memref<32x128xf32, #tpu.memory_space<vmem>>
      %gather3A_4012 = tpu.vector_load_idx %gather3A_4011[%add3A_25, %broadcast_in_dim3A_3981] : memref<32x128xf32, #tpu.memory_space<vmem>>[vector<16xi32>, vector<16xi32>], vector<16xf32>,
      %gather3A_4013 = arith.constant 1 : i32
      %gather3A_4014 = arith.constant 2 : i32
      %gather3A_4015 = arith.constant 0 : i32
      %gather3A_4016 = arith.constant 0 : i32
      %gather3A_4017 = tpu.memref_slice %arg11[%gather3A_4013, %gather3A_4014, %gather3A_4015, %gather3A_4016] : memref<2x4x32x128xf32, #tpu.memory_space<vmem>> -> memref<1x1x32x128xf32, #tpu.memory_space<vmem>>
      %gather3A_4018 = tpu.memref_squeeze %gather3A_4017 : memref<1x1x32x128xf32, #tpu.memory_space<vmem>> -> memref<32x128xf32, #tpu.memory_space<vmem>>
      %gather3A_4019 = tpu.vector_load_idx %gather3A_4018[%iota3A, %broadcast_in_dim3A_3998] : memref<32x128xf32, #tpu.memory_space<vmem>>[vector<16xi32>, vector<16xi32>], vector<16xf32>,
      %gather3A_4020 = arith.constant 1 : i32
      %gather3A_4021 = arith.constant 2 : i32
      %gather3A_4022 = arith.constant 0 : i32
      %gather3A_4023 = arith.constant 0 : i32
      %gather3A_4024 = tpu.memref_slice %arg11[%gather3A_4020, %gather3A_4021, %gather3A_4022, %gather3A_4023] : memref<2x4x32x128xf32, #tpu.memory_space<vmem>> -> memref<1x1x32x128xf32, #tpu.memory_space<vmem>>
      %gather3A_4025 = tpu.memref_squeeze %gather3A_4024 : memref<1x1x32x128xf32, #tpu.memory_space<vmem>> -> memref<32x128xf32, #tpu.memory_space<vmem>>
      %gather3A_4026 = tpu.vector_load_idx %gather3A_4025[%add3A_25, %broadcast_in_dim3A_3998] : memref<32x128xf32, #tpu.memory_space<vmem>>[vector<16xi32>, vector<16xi32>], vector<16xf32>,
      %mul3A_4027 = arith.mulf %gather3A_4005, %gather3A_4019 : vector<16xf32>
      %mul3A_4028 = arith.mulf %gather3A_4012, %gather3A_4026 : vector<16xf32>
      %add3A_4029 = arith.addf %mul3A_4027, %mul3A_4028 : vector<16xf32>
      %reduce_sum3A_4030 = arith.constant true
      %reduce_sum3A_4031 = vector.broadcast %reduce_sum3A_4030 : i1 to vector<16xi1>
      %reduce_sum3A_4032 = tpu.scan <sum>, %add3A_4029 masked %reduce_sum3A_4031 : vector<16xf32>, vector<16xi1> -> vector<16xf32>
      %reduce_sum3A_4033 = vector.extract %reduce_sum3A_4032[15] : f32 from vector<16xf32>
      %eq3A_4034 = arith.constant 14 : i32
      %eq3A_4035 = vector.broadcast %eq3A_4034 : i32 to vector<16xi32>
      %eq3A_4036 = arith.cmpi eq, %iota3A, %eq3A_4035 : vector<16xi32>
      %add3A_4037 = vector.broadcast %reduce_sum3A_4033 : f32 to vector<16xf32>
      %add3A_4038 = arith.addf %select_n3A_3952, %add3A_4037 : vector<16xf32>
      %select_n3A_4039 = arith.select %eq3A_4036, %add3A_4038, %select_n3A_3952 : vector<16xi1>, vector<16xf32>
      %mul3A_4040 = arith.constant 4 : i32
      %mul3A_4041 = arith.muli %add3A_3650, %mul3A_4040 : i32
      %add3A_4042 = arith.constant 3 : i32
      %add3A_4043 = arith.addi %mul3A_4041, %add3A_4042 : i32
      %get3A_4044 = arith.index_cast %add3A_4043 : i32 to index
      %get3A_4045 = tpu.vector_load %arg8[%get3A_4044] {strides = array<i32>} : memref<528xi32, #tpu.memory_space<vmem>>, vector<16xi32>,
      %get3A_4046 = arith.index_cast %add3A_4043 : i32 to index
      %get3A_4047 = tpu.vector_load %arg9[%get3A_4046] {strides = array<i32>} : memref<528xi32, #tpu.memory_space<vmem>>, vector<16xi32>,
      %slice3A_4048 = vector.extract_strided_slice %get3A_4045 {offsets = [0], sizes = [1], strides = [1]} : vector<16xi32> to vector<1xi32>
      %squeeze3A_4049 = vector.extract %slice3A_4048[0] : i32 from vector<1xi32>
      %slice3A_4050 = vector.extract_strided_slice %get3A_4047 {offsets = [0], sizes = [1], strides = [1]} : vector<16xi32> to vector<1xi32>
      %squeeze3A_4051 = vector.extract %slice3A_4050[0] : i32 from vector<1xi32>
      %jit3A_4052 = arith.constant 128 : i32
      %eq3A_4053 = arith.constant 0 : i32
      %eq3A_4054 = arith.cmpi eq, %jit3A_4052, %eq3A_4053 : i32
      %jit3A_4055 = arith.constant 1 : i32
      %select_n3A_4056 = arith.select %eq3A_4054, %jit3A_4055, %jit3A_4052 : i32
      %rem3A_4057 = arith.remsi %squeeze3A_4049, %select_n3A_4056 : i32
      %ne3A_4058 = arith.constant 0 : i32
      %ne3A_4059 = arith.cmpi ne, %rem3A_4057, %ne3A_4058 : i32
      %lt3A_4060 = arith.constant 0 : i32
      %lt3A_4061 = arith.cmpi slt, %rem3A_4057, %lt3A_4060 : i32
      %lt3A_4062 = arith.constant 0 : i32
      %lt3A_4063 = arith.cmpi slt, %select_n3A_4056, %lt3A_4062 : i32
      %ne3A_4064 = arith.xori %lt3A_4061, %lt3A_4063 : i1
      %and3A_4065 = arith.andi %ne3A_4064, %ne3A_4059 : i1
      %add3A_4066 = arith.addi %rem3A_4057, %select_n3A_4056 : i32
      %select_n3A_4067 = arith.select %and3A_4065, %add3A_4066, %rem3A_4057 : i32
      %broadcast_in_dim3A_4068 = vector.broadcast %select_n3A_4067 : i32 to vector<16xi32>
      %jit3A_4069 = arith.constant 128 : i32
      %eq3A_4070 = arith.constant 0 : i32
      %eq3A_4071 = arith.cmpi eq, %jit3A_4069, %eq3A_4070 : i32
      %jit3A_4072 = arith.constant 1 : i32
      %select_n3A_4073 = arith.select %eq3A_4071, %jit3A_4072, %jit3A_4069 : i32
      %rem3A_4074 = arith.remsi %squeeze3A_4051, %select_n3A_4073 : i32
      %ne3A_4075 = arith.constant 0 : i32
      %ne3A_4076 = arith.cmpi ne, %rem3A_4074, %ne3A_4075 : i32
      %lt3A_4077 = arith.constant 0 : i32
      %lt3A_4078 = arith.cmpi slt, %rem3A_4074, %lt3A_4077 : i32
      %lt3A_4079 = arith.constant 0 : i32
      %lt3A_4080 = arith.cmpi slt, %select_n3A_4073, %lt3A_4079 : i32
      %ne3A_4081 = arith.xori %lt3A_4078, %lt3A_4080 : i1
      %and3A_4082 = arith.andi %ne3A_4081, %ne3A_4076 : i1
      %add3A_4083 = arith.addi %rem3A_4074, %select_n3A_4073 : i32
      %select_n3A_4084 = arith.select %and3A_4082, %add3A_4083, %rem3A_4074 : i32
      %broadcast_in_dim3A_4085 = vector.broadcast %select_n3A_4084 : i32 to vector<16xi32>
      %gather3A_4086 = arith.constant 1 : i32
      %gather3A_4087 = arith.constant 3 : i32
      %gather3A_4088 = arith.constant 0 : i32
      %gather3A_4089 = arith.constant 0 : i32
      %gather3A_4090 = tpu.memref_slice %arg10[%gather3A_4086, %gather3A_4087, %gather3A_4088, %gather3A_4089] : memref<2x4x32x128xf32, #tpu.memory_space<vmem>> -> memref<1x1x32x128xf32, #tpu.memory_space<vmem>>
      %gather3A_4091 = tpu.memref_squeeze %gather3A_4090 : memref<1x1x32x128xf32, #tpu.memory_space<vmem>> -> memref<32x128xf32, #tpu.memory_space<vmem>>
      %gather3A_4092 = tpu.vector_load_idx %gather3A_4091[%iota3A, %broadcast_in_dim3A_4068] : memref<32x128xf32, #tpu.memory_space<vmem>>[vector<16xi32>, vector<16xi32>], vector<16xf32>,
      %gather3A_4093 = arith.constant 1 : i32
      %gather3A_4094 = arith.constant 3 : i32
      %gather3A_4095 = arith.constant 0 : i32
      %gather3A_4096 = arith.constant 0 : i32
      %gather3A_4097 = tpu.memref_slice %arg10[%gather3A_4093, %gather3A_4094, %gather3A_4095, %gather3A_4096] : memref<2x4x32x128xf32, #tpu.memory_space<vmem>> -> memref<1x1x32x128xf32, #tpu.memory_space<vmem>>
      %gather3A_4098 = tpu.memref_squeeze %gather3A_4097 : memref<1x1x32x128xf32, #tpu.memory_space<vmem>> -> memref<32x128xf32, #tpu.memory_space<vmem>>
      %gather3A_4099 = tpu.vector_load_idx %gather3A_4098[%add3A_25, %broadcast_in_dim3A_4068] : memref<32x128xf32, #tpu.memory_space<vmem>>[vector<16xi32>, vector<16xi32>], vector<16xf32>,
      %gather3A_4100 = arith.constant 1 : i32
      %gather3A_4101 = arith.constant 3 : i32
      %gather3A_4102 = arith.constant 0 : i32
      %gather3A_4103 = arith.constant 0 : i32
      %gather3A_4104 = tpu.memref_slice %arg11[%gather3A_4100, %gather3A_4101, %gather3A_4102, %gather3A_4103] : memref<2x4x32x128xf32, #tpu.memory_space<vmem>> -> memref<1x1x32x128xf32, #tpu.memory_space<vmem>>
      %gather3A_4105 = tpu.memref_squeeze %gather3A_4104 : memref<1x1x32x128xf32, #tpu.memory_space<vmem>> -> memref<32x128xf32, #tpu.memory_space<vmem>>
      %gather3A_4106 = tpu.vector_load_idx %gather3A_4105[%iota3A, %broadcast_in_dim3A_4085] : memref<32x128xf32, #tpu.memory_space<vmem>>[vector<16xi32>, vector<16xi32>], vector<16xf32>,
      %gather3A_4107 = arith.constant 1 : i32
      %gather3A_4108 = arith.constant 3 : i32
      %gather3A_4109 = arith.constant 0 : i32
      %gather3A_4110 = arith.constant 0 : i32
      %gather3A_4111 = tpu.memref_slice %arg11[%gather3A_4107, %gather3A_4108, %gather3A_4109, %gather3A_4110] : memref<2x4x32x128xf32, #tpu.memory_space<vmem>> -> memref<1x1x32x128xf32, #tpu.memory_space<vmem>>
      %gather3A_4112 = tpu.memref_squeeze %gather3A_4111 : memref<1x1x32x128xf32, #tpu.memory_space<vmem>> -> memref<32x128xf32, #tpu.memory_space<vmem>>
      %gather3A_4113 = tpu.vector_load_idx %gather3A_4112[%add3A_25, %broadcast_in_dim3A_4085] : memref<32x128xf32, #tpu.memory_space<vmem>>[vector<16xi32>, vector<16xi32>], vector<16xf32>,
      %mul3A_4114 = arith.mulf %gather3A_4092, %gather3A_4106 : vector<16xf32>
      %mul3A_4115 = arith.mulf %gather3A_4099, %gather3A_4113 : vector<16xf32>
      %add3A_4116 = arith.addf %mul3A_4114, %mul3A_4115 : vector<16xf32>
      %reduce_sum3A_4117 = arith.constant true
      %reduce_sum3A_4118 = vector.broadcast %reduce_sum3A_4117 : i1 to vector<16xi1>
      %reduce_sum3A_4119 = tpu.scan <sum>, %add3A_4116 masked %reduce_sum3A_4118 : vector<16xf32>, vector<16xi1> -> vector<16xf32>
      %reduce_sum3A_4120 = vector.extract %reduce_sum3A_4119[15] : f32 from vector<16xf32>
      %eq3A_4121 = arith.constant 15 : i32
      %eq3A_4122 = vector.broadcast %eq3A_4121 : i32 to vector<16xi32>
      %eq3A_4123 = arith.cmpi eq, %iota3A, %eq3A_4122 : vector<16xi32>
      %add3A_4124 = vector.broadcast %reduce_sum3A_4120 : f32 to vector<16xf32>
      %add3A_4125 = arith.addf %select_n3A_4039, %add3A_4124 : vector<16xf32>
      %select_n3A_4126 = arith.select %eq3A_4123, %add3A_4125, %select_n3A_4039 : vector<16xi1>, vector<16xf32>
      %add3A_4127 = arith.constant 2 : i32
      %add3A_4128 = arith.addi %add3A_3650, %add3A_4127 : i32
      %mul3A_4129 = arith.constant 4 : i32
      %mul3A_4130 = arith.muli %add3A_4128, %mul3A_4129 : i32
      %add3A_4131 = arith.constant 0 : i32
      %add3A_4132 = arith.addi %mul3A_4130, %add3A_4131 : i32
      %min3A_4133 = arith.constant 511 : i32
      %min3A_4134 = arith.minsi %add3A_4132, %min3A_4133 : i32
      %get3A_4135 = arith.index_cast %min3A_4134 : i32 to index
      %get3A_4136 = tpu.vector_load %arg8[%get3A_4135] {strides = array<i32>} : memref<528xi32, #tpu.memory_space<vmem>>, vector<16xi32>,
      %get3A_4137 = arith.index_cast %min3A_4134 : i32 to index
      %get3A_4138 = tpu.vector_load %arg9[%get3A_4137] {strides = array<i32>} : memref<528xi32, #tpu.memory_space<vmem>>, vector<16xi32>,
      %slice3A_4139 = vector.extract_strided_slice %get3A_4136 {offsets = [0], sizes = [1], strides = [1]} : vector<16xi32> to vector<1xi32>
      %squeeze3A_4140 = vector.extract %slice3A_4139[0] : i32 from vector<1xi32>
      %slice3A_4141 = vector.extract_strided_slice %get3A_4138 {offsets = [0], sizes = [1], strides = [1]} : vector<16xi32> to vector<1xi32>
      %squeeze3A_4142 = vector.extract %slice3A_4141[0] : i32 from vector<1xi32>
      %jit3A_4143 = arith.constant 128 : i32
      %div3A_4144 = arith.divsi %squeeze3A_4140, %jit3A_4143 : i32
      %sign3A_4145 = arith.constant 0 : i32
      %sign3A_4146 = arith.cmpi sgt, %squeeze3A_4140, %sign3A_4145 : i32
      %sign3A_4147 = arith.extui %sign3A_4146 : i1 to i32
      %sign3A_4148 = arith.constant 0 : i32
      %sign3A_4149 = arith.cmpi slt, %squeeze3A_4140, %sign3A_4148 : i32
      %sign3A_4150 = arith.extui %sign3A_4149 : i1 to i32
      %sign3A_4151 = arith.subi %sign3A_4147, %sign3A_4150 : i32
      %sign3A_4152 = arith.constant 0 : i32
      %sign3A_4153 = arith.cmpi sgt, %jit3A_4143, %sign3A_4152 : i32
      %sign3A_4154 = arith.extui %sign3A_4153 : i1 to i32
      %sign3A_4155 = arith.constant 0 : i32
      %sign3A_4156 = arith.cmpi slt, %jit3A_4143, %sign3A_4155 : i32
      %sign3A_4157 = arith.extui %sign3A_4156 : i1 to i32
      %sign3A_4158 = arith.subi %sign3A_4154, %sign3A_4157 : i32
      %ne3A_4159 = arith.cmpi ne, %sign3A_4151, %sign3A_4158 : i32
      %rem3A_4160 = arith.remsi %squeeze3A_4140, %jit3A_4143 : i32
      %ne3A_4161 = arith.constant 0 : i32
      %ne3A_4162 = arith.cmpi ne, %rem3A_4160, %ne3A_4161 : i32
      %and3A_4163 = arith.andi %ne3A_4159, %ne3A_4162 : i1
      %sub3A_4164 = arith.constant 1 : i32
      %sub3A_4165 = arith.subi %div3A_4144, %sub3A_4164 : i32
      %select_n3A_4166 = arith.select %and3A_4163, %sub3A_4165, %div3A_4144 : i32
      %mul3A_4167 = arith.constant 128 : i32
      %mul3A_4168 = arith.muli %select_n3A_4166, %mul3A_4167 : i32
      %multiple_of3A_4169 = tpu.assume_multiple %mul3A_4168, 128 : i32
      %jit3A_4170 = arith.constant 128 : i32
      %div3A_4171 = arith.divsi %squeeze3A_4142, %jit3A_4170 : i32
      %sign3A_4172 = arith.constant 0 : i32
      %sign3A_4173 = arith.cmpi sgt, %squeeze3A_4142, %sign3A_4172 : i32
      %sign3A_4174 = arith.extui %sign3A_4173 : i1 to i32
      %sign3A_4175 = arith.constant 0 : i32
      %sign3A_4176 = arith.cmpi slt, %squeeze3A_4142, %sign3A_4175 : i32
      %sign3A_4177 = arith.extui %sign3A_4176 : i1 to i32
      %sign3A_4178 = arith.subi %sign3A_4174, %sign3A_4177 : i32
      %sign3A_4179 = arith.constant 0 : i32
      %sign3A_4180 = arith.cmpi sgt, %jit3A_4170, %sign3A_4179 : i32
      %sign3A_4181 = arith.extui %sign3A_4180 : i1 to i32
      %sign3A_4182 = arith.constant 0 : i32
      %sign3A_4183 = arith.cmpi slt, %jit3A_4170, %sign3A_4182 : i32
      %sign3A_4184 = arith.extui %sign3A_4183 : i1 to i32
      %sign3A_4185 = arith.subi %sign3A_4181, %sign3A_4184 : i32
      %ne3A_4186 = arith.cmpi ne, %sign3A_4178, %sign3A_4185 : i32
      %rem3A_4187 = arith.remsi %squeeze3A_4142, %jit3A_4170 : i32
      %ne3A_4188 = arith.constant 0 : i32
      %ne3A_4189 = arith.cmpi ne, %rem3A_4187, %ne3A_4188 : i32
      %and3A_4190 = arith.andi %ne3A_4186, %ne3A_4189 : i1
      %sub3A_4191 = arith.constant 1 : i32
      %sub3A_4192 = arith.subi %div3A_4171, %sub3A_4191 : i32
      %select_n3A_4193 = arith.select %and3A_4190, %sub3A_4192, %div3A_4171 : i32
      %mul3A_4194 = arith.constant 128 : i32
      %mul3A_4195 = arith.muli %select_n3A_4193, %mul3A_4194 : i32
      %multiple_of3A_4196 = tpu.assume_multiple %mul3A_4195, 128 : i32
      %dma_start3A_4197 = arith.constant 1 : i32
      %dma_start3A_4198 = arith.constant 0 : i32
      %dma_start3A_4199 = arith.constant 0 : i32
      %dma_start3A_4200 = arith.constant 0 : i32
      %dma_start3A_4201 = tpu.memref_slice %arg10[%dma_start3A_4197, %dma_start3A_4198, %dma_start3A_4199, %dma_start3A_4200] : memref<2x4x32x128xf32, #tpu.memory_space<vmem>> -> memref<1x1x32x128xf32, #tpu.memory_space<vmem>>
      %dma_start3A_4202 = tpu.memref_squeeze %dma_start3A_4201 : memref<1x1x32x128xf32, #tpu.memory_space<vmem>> -> memref<32x128xf32, #tpu.memory_space<vmem>>
      %dma_start3A_4203 = arith.constant 0 : i32
      %dma_start3A_4204 = tpu.memref_slice %arg3[%dma_start3A_4203, %multiple_of3A_4169] : memref<32x1000000xf32, #tpu.memory_space<hbm>> -> memref<32x128xf32, #tpu.memory_space<hbm>>
      %dma_start3A_4205 = arith.constant 0 : i32
      %dma_start3A_4206 = arith.constant 0 : i32
      %dma_start3A_4207 = tpu.memref_slice %arg10[%dma_start3A_4197, %dma_start3A_4198, %dma_start3A_4205, %dma_start3A_4206] : memref<2x4x32x128xf32, #tpu.memory_space<vmem>> -> memref<1x1x32x128xf32, #tpu.memory_space<vmem>>
      %dma_start3A_4208 = tpu.memref_squeeze %dma_start3A_4207 : memref<1x1x32x128xf32, #tpu.memory_space<vmem>> -> memref<32x128xf32, #tpu.memory_space<vmem>>
      %dma_start3A_4209 = arith.constant 0 : i32
      %dma_start3A_4210 = tpu.memref_slice %arg3[%dma_start3A_4209, %multiple_of3A_4169] : memref<32x1000000xf32, #tpu.memory_space<hbm>> -> memref<32x128xf32, #tpu.memory_space<hbm>>
      tpu.enqueue_dma source(%dma_start3A_4210 : memref<32x128xf32, #tpu.memory_space<hbm>>) target(%dma_start3A_4208 : memref<32x128xf32, #tpu.memory_space<vmem>>) target_semaphore(%arg16 : memref<!tpu.dma_semaphore, #tpu.memory_space<semaphore_mem>>)
      %dma_start3A_4211 = arith.constant 1 : i32
      %dma_start3A_4212 = arith.constant 0 : i32
      %dma_start3A_4213 = arith.constant 0 : i32
      %dma_start3A_4214 = arith.constant 0 : i32
      %dma_start3A_4215 = tpu.memref_slice %arg11[%dma_start3A_4211, %dma_start3A_4212, %dma_start3A_4213, %dma_start3A_4214] : memref<2x4x32x128xf32, #tpu.memory_space<vmem>> -> memref<1x1x32x128xf32, #tpu.memory_space<vmem>>
      %dma_start3A_4216 = tpu.memref_squeeze %dma_start3A_4215 : memref<1x1x32x128xf32, #tpu.memory_space<vmem>> -> memref<32x128xf32, #tpu.memory_space<vmem>>
      %dma_start3A_4217 = arith.constant 0 : i32
      %dma_start3A_4218 = tpu.memref_slice %arg4[%dma_start3A_4217, %multiple_of3A_4196] : memref<32x1000000xf32, #tpu.memory_space<hbm>> -> memref<32x128xf32, #tpu.memory_space<hbm>>
      %dma_start3A_4219 = arith.constant 0 : i32
      %dma_start3A_4220 = arith.constant 0 : i32
      %dma_start3A_4221 = tpu.memref_slice %arg11[%dma_start3A_4211, %dma_start3A_4212, %dma_start3A_4219, %dma_start3A_4220] : memref<2x4x32x128xf32, #tpu.memory_space<vmem>> -> memref<1x1x32x128xf32, #tpu.memory_space<vmem>>
      %dma_start3A_4222 = tpu.memref_squeeze %dma_start3A_4221 : memref<1x1x32x128xf32, #tpu.memory_space<vmem>> -> memref<32x128xf32, #tpu.memory_space<vmem>>
      %dma_start3A_4223 = arith.constant 0 : i32
      %dma_start3A_4224 = tpu.memref_slice %arg4[%dma_start3A_4223, %multiple_of3A_4196] : memref<32x1000000xf32, #tpu.memory_space<hbm>> -> memref<32x128xf32, #tpu.memory_space<hbm>>
      tpu.enqueue_dma source(%dma_start3A_4224 : memref<32x128xf32, #tpu.memory_space<hbm>>) target(%dma_start3A_4222 : memref<32x128xf32, #tpu.memory_space<vmem>>) target_semaphore(%arg16 : memref<!tpu.dma_semaphore, #tpu.memory_space<semaphore_mem>>)
      %mul3A_4225 = arith.constant 4 : i32
      %mul3A_4226 = arith.muli %add3A_4128, %mul3A_4225 : i32
      %add3A_4227 = arith.constant 1 : i32
      %add3A_4228 = arith.addi %mul3A_4226, %add3A_4227 : i32
      %min3A_4229 = arith.constant 511 : i32
      %min3A_4230 = arith.minsi %add3A_4228, %min3A_4229 : i32
      %get3A_4231 = arith.index_cast %min3A_4230 : i32 to index
      %get3A_4232 = tpu.vector_load %arg8[%get3A_4231] {strides = array<i32>} : memref<528xi32, #tpu.memory_space<vmem>>, vector<16xi32>,
      %get3A_4233 = arith.index_cast %min3A_4230 : i32 to index
      %get3A_4234 = tpu.vector_load %arg9[%get3A_4233] {strides = array<i32>} : memref<528xi32, #tpu.memory_space<vmem>>, vector<16xi32>,
      %slice3A_4235 = vector.extract_strided_slice %get3A_4232 {offsets = [0], sizes = [1], strides = [1]} : vector<16xi32> to vector<1xi32>
      %squeeze3A_4236 = vector.extract %slice3A_4235[0] : i32 from vector<1xi32>
      %slice3A_4237 = vector.extract_strided_slice %get3A_4234 {offsets = [0], sizes = [1], strides = [1]} : vector<16xi32> to vector<1xi32>
      %squeeze3A_4238 = vector.extract %slice3A_4237[0] : i32 from vector<1xi32>
      %jit3A_4239 = arith.constant 128 : i32
      %div3A_4240 = arith.divsi %squeeze3A_4236, %jit3A_4239 : i32
      %sign3A_4241 = arith.constant 0 : i32
      %sign3A_4242 = arith.cmpi sgt, %squeeze3A_4236, %sign3A_4241 : i32
      %sign3A_4243 = arith.extui %sign3A_4242 : i1 to i32
      %sign3A_4244 = arith.constant 0 : i32
      %sign3A_4245 = arith.cmpi slt, %squeeze3A_4236, %sign3A_4244 : i32
      %sign3A_4246 = arith.extui %sign3A_4245 : i1 to i32
      %sign3A_4247 = arith.subi %sign3A_4243, %sign3A_4246 : i32
      %sign3A_4248 = arith.constant 0 : i32
      %sign3A_4249 = arith.cmpi sgt, %jit3A_4239, %sign3A_4248 : i32
      %sign3A_4250 = arith.extui %sign3A_4249 : i1 to i32
      %sign3A_4251 = arith.constant 0 : i32
      %sign3A_4252 = arith.cmpi slt, %jit3A_4239, %sign3A_4251 : i32
      %sign3A_4253 = arith.extui %sign3A_4252 : i1 to i32
      %sign3A_4254 = arith.subi %sign3A_4250, %sign3A_4253 : i32
      %ne3A_4255 = arith.cmpi ne, %sign3A_4247, %sign3A_4254 : i32
      %rem3A_4256 = arith.remsi %squeeze3A_4236, %jit3A_4239 : i32
      %ne3A_4257 = arith.constant 0 : i32
      %ne3A_4258 = arith.cmpi ne, %rem3A_4256, %ne3A_4257 : i32
      %and3A_4259 = arith.andi %ne3A_4255, %ne3A_4258 : i1
      %sub3A_4260 = arith.constant 1 : i32
      %sub3A_4261 = arith.subi %div3A_4240, %sub3A_4260 : i32
      %select_n3A_4262 = arith.select %and3A_4259, %sub3A_4261, %div3A_4240 : i32
      %mul3A_4263 = arith.constant 128 : i32
      %mul3A_4264 = arith.muli %select_n3A_4262, %mul3A_4263 : i32
      %multiple_of3A_4265 = tpu.assume_multiple %mul3A_4264, 128 : i32
      %jit3A_4266 = arith.constant 128 : i32
      %div3A_4267 = arith.divsi %squeeze3A_4238, %jit3A_4266 : i32
      %sign3A_4268 = arith.constant 0 : i32
      %sign3A_4269 = arith.cmpi sgt, %squeeze3A_4238, %sign3A_4268 : i32
      %sign3A_4270 = arith.extui %sign3A_4269 : i1 to i32
      %sign3A_4271 = arith.constant 0 : i32
      %sign3A_4272 = arith.cmpi slt, %squeeze3A_4238, %sign3A_4271 : i32
      %sign3A_4273 = arith.extui %sign3A_4272 : i1 to i32
      %sign3A_4274 = arith.subi %sign3A_4270, %sign3A_4273 : i32
      %sign3A_4275 = arith.constant 0 : i32
      %sign3A_4276 = arith.cmpi sgt, %jit3A_4266, %sign3A_4275 : i32
      %sign3A_4277 = arith.extui %sign3A_4276 : i1 to i32
      %sign3A_4278 = arith.constant 0 : i32
      %sign3A_4279 = arith.cmpi slt, %jit3A_4266, %sign3A_4278 : i32
      %sign3A_4280 = arith.extui %sign3A_4279 : i1 to i32
      %sign3A_4281 = arith.subi %sign3A_4277, %sign3A_4280 : i32
      %ne3A_4282 = arith.cmpi ne, %sign3A_4274, %sign3A_4281 : i32
      %rem3A_4283 = arith.remsi %squeeze3A_4238, %jit3A_4266 : i32
      %ne3A_4284 = arith.constant 0 : i32
      %ne3A_4285 = arith.cmpi ne, %rem3A_4283, %ne3A_4284 : i32
      %and3A_4286 = arith.andi %ne3A_4282, %ne3A_4285 : i1
      %sub3A_4287 = arith.constant 1 : i32
      %sub3A_4288 = arith.subi %div3A_4267, %sub3A_4287 : i32
      %select_n3A_4289 = arith.select %and3A_4286, %sub3A_4288, %div3A_4267 : i32
      %mul3A_4290 = arith.constant 128 : i32
      %mul3A_4291 = arith.muli %select_n3A_4289, %mul3A_4290 : i32
      %multiple_of3A_4292 = tpu.assume_multiple %mul3A_4291, 128 : i32
      %dma_start3A_4293 = arith.constant 1 : i32
      %dma_start3A_4294 = arith.constant 1 : i32
      %dma_start3A_4295 = arith.constant 0 : i32
      %dma_start3A_4296 = arith.constant 0 : i32
      %dma_start3A_4297 = tpu.memref_slice %arg10[%dma_start3A_4293, %dma_start3A_4294, %dma_start3A_4295, %dma_start3A_4296] : memref<2x4x32x128xf32, #tpu.memory_space<vmem>> -> memref<1x1x32x128xf32, #tpu.memory_space<vmem>>
      %dma_start3A_4298 = tpu.memref_squeeze %dma_start3A_4297 : memref<1x1x32x128xf32, #tpu.memory_space<vmem>> -> memref<32x128xf32, #tpu.memory_space<vmem>>
      %dma_start3A_4299 = arith.constant 0 : i32
      %dma_start3A_4300 = tpu.memref_slice %arg3[%dma_start3A_4299, %multiple_of3A_4265] : memref<32x1000000xf32, #tpu.memory_space<hbm>> -> memref<32x128xf32, #tpu.memory_space<hbm>>
      %dma_start3A_4301 = arith.constant 0 : i32
      %dma_start3A_4302 = arith.constant 0 : i32
      %dma_start3A_4303 = tpu.memref_slice %arg10[%dma_start3A_4293, %dma_start3A_4294, %dma_start3A_4301, %dma_start3A_4302] : memref<2x4x32x128xf32, #tpu.memory_space<vmem>> -> memref<1x1x32x128xf32, #tpu.memory_space<vmem>>
      %dma_start3A_4304 = tpu.memref_squeeze %dma_start3A_4303 : memref<1x1x32x128xf32, #tpu.memory_space<vmem>> -> memref<32x128xf32, #tpu.memory_space<vmem>>
      %dma_start3A_4305 = arith.constant 0 : i32
      %dma_start3A_4306 = tpu.memref_slice %arg3[%dma_start3A_4305, %multiple_of3A_4265] : memref<32x1000000xf32, #tpu.memory_space<hbm>> -> memref<32x128xf32, #tpu.memory_space<hbm>>
      tpu.enqueue_dma source(%dma_start3A_4306 : memref<32x128xf32, #tpu.memory_space<hbm>>) target(%dma_start3A_4304 : memref<32x128xf32, #tpu.memory_space<vmem>>) target_semaphore(%arg16 : memref<!tpu.dma_semaphore, #tpu.memory_space<semaphore_mem>>)
      %dma_start3A_4307 = arith.constant 1 : i32
      %dma_start3A_4308 = arith.constant 1 : i32
      %dma_start3A_4309 = arith.constant 0 : i32
      %dma_start3A_4310 = arith.constant 0 : i32
      %dma_start3A_4311 = tpu.memref_slice %arg11[%dma_start3A_4307, %dma_start3A_4308, %dma_start3A_4309, %dma_start3A_4310] : memref<2x4x32x128xf32, #tpu.memory_space<vmem>> -> memref<1x1x32x128xf32, #tpu.memory_space<vmem>>
      %dma_start3A_4312 = tpu.memref_squeeze %dma_start3A_4311 : memref<1x1x32x128xf32, #tpu.memory_space<vmem>> -> memref<32x128xf32, #tpu.memory_space<vmem>>
      %dma_start3A_4313 = arith.constant 0 : i32
      %dma_start3A_4314 = tpu.memref_slice %arg4[%dma_start3A_4313, %multiple_of3A_4292] : memref<32x1000000xf32, #tpu.memory_space<hbm>> -> memref<32x128xf32, #tpu.memory_space<hbm>>
      %dma_start3A_4315 = arith.constant 0 : i32
      %dma_start3A_4316 = arith.constant 0 : i32
      %dma_start3A_4317 = tpu.memref_slice %arg11[%dma_start3A_4307, %dma_start3A_4308, %dma_start3A_4315, %dma_start3A_4316] : memref<2x4x32x128xf32, #tpu.memory_space<vmem>> -> memref<1x1x32x128xf32, #tpu.memory_space<vmem>>
      %dma_start3A_4318 = tpu.memref_squeeze %dma_start3A_4317 : memref<1x1x32x128xf32, #tpu.memory_space<vmem>> -> memref<32x128xf32, #tpu.memory_space<vmem>>
      %dma_start3A_4319 = arith.constant 0 : i32
      %dma_start3A_4320 = tpu.memref_slice %arg4[%dma_start3A_4319, %multiple_of3A_4292] : memref<32x1000000xf32, #tpu.memory_space<hbm>> -> memref<32x128xf32, #tpu.memory_space<hbm>>
      tpu.enqueue_dma source(%dma_start3A_4320 : memref<32x128xf32, #tpu.memory_space<hbm>>) target(%dma_start3A_4318 : memref<32x128xf32, #tpu.memory_space<vmem>>) target_semaphore(%arg16 : memref<!tpu.dma_semaphore, #tpu.memory_space<semaphore_mem>>)
      %mul3A_4321 = arith.constant 4 : i32
      %mul3A_4322 = arith.muli %add3A_4128, %mul3A_4321 : i32
      %add3A_4323 = arith.constant 2 : i32
      %add3A_4324 = arith.addi %mul3A_4322, %add3A_4323 : i32
      %min3A_4325 = arith.constant 511 : i32
      %min3A_4326 = arith.minsi %add3A_4324, %min3A_4325 : i32
      %get3A_4327 = arith.index_cast %min3A_4326 : i32 to index
      %get3A_4328 = tpu.vector_load %arg8[%get3A_4327] {strides = array<i32>} : memref<528xi32, #tpu.memory_space<vmem>>, vector<16xi32>,
      %get3A_4329 = arith.index_cast %min3A_4326 : i32 to index
      %get3A_4330 = tpu.vector_load %arg9[%get3A_4329] {strides = array<i32>} : memref<528xi32, #tpu.memory_space<vmem>>, vector<16xi32>,
      %slice3A_4331 = vector.extract_strided_slice %get3A_4328 {offsets = [0], sizes = [1], strides = [1]} : vector<16xi32> to vector<1xi32>
      %squeeze3A_4332 = vector.extract %slice3A_4331[0] : i32 from vector<1xi32>
      %slice3A_4333 = vector.extract_strided_slice %get3A_4330 {offsets = [0], sizes = [1], strides = [1]} : vector<16xi32> to vector<1xi32>
      %squeeze3A_4334 = vector.extract %slice3A_4333[0] : i32 from vector<1xi32>
      %jit3A_4335 = arith.constant 128 : i32
      %div3A_4336 = arith.divsi %squeeze3A_4332, %jit3A_4335 : i32
      %sign3A_4337 = arith.constant 0 : i32
      %sign3A_4338 = arith.cmpi sgt, %squeeze3A_4332, %sign3A_4337 : i32
      %sign3A_4339 = arith.extui %sign3A_4338 : i1 to i32
      %sign3A_4340 = arith.constant 0 : i32
      %sign3A_4341 = arith.cmpi slt, %squeeze3A_4332, %sign3A_4340 : i32
      %sign3A_4342 = arith.extui %sign3A_4341 : i1 to i32
      %sign3A_4343 = arith.subi %sign3A_4339, %sign3A_4342 : i32
      %sign3A_4344 = arith.constant 0 : i32
      %sign3A_4345 = arith.cmpi sgt, %jit3A_4335, %sign3A_4344 : i32
      %sign3A_4346 = arith.extui %sign3A_4345 : i1 to i32
      %sign3A_4347 = arith.constant 0 : i32
      %sign3A_4348 = arith.cmpi slt, %jit3A_4335, %sign3A_4347 : i32
      %sign3A_4349 = arith.extui %sign3A_4348 : i1 to i32
      %sign3A_4350 = arith.subi %sign3A_4346, %sign3A_4349 : i32
      %ne3A_4351 = arith.cmpi ne, %sign3A_4343, %sign3A_4350 : i32
      %rem3A_4352 = arith.remsi %squeeze3A_4332, %jit3A_4335 : i32
      %ne3A_4353 = arith.constant 0 : i32
      %ne3A_4354 = arith.cmpi ne, %rem3A_4352, %ne3A_4353 : i32
      %and3A_4355 = arith.andi %ne3A_4351, %ne3A_4354 : i1
      %sub3A_4356 = arith.constant 1 : i32
      %sub3A_4357 = arith.subi %div3A_4336, %sub3A_4356 : i32
      %select_n3A_4358 = arith.select %and3A_4355, %sub3A_4357, %div3A_4336 : i32
      %mul3A_4359 = arith.constant 128 : i32
      %mul3A_4360 = arith.muli %select_n3A_4358, %mul3A_4359 : i32
      %multiple_of3A_4361 = tpu.assume_multiple %mul3A_4360, 128 : i32
      %jit3A_4362 = arith.constant 128 : i32
      %div3A_4363 = arith.divsi %squeeze3A_4334, %jit3A_4362 : i32
      %sign3A_4364 = arith.constant 0 : i32
      %sign3A_4365 = arith.cmpi sgt, %squeeze3A_4334, %sign3A_4364 : i32
      %sign3A_4366 = arith.extui %sign3A_4365 : i1 to i32
      %sign3A_4367 = arith.constant 0 : i32
      %sign3A_4368 = arith.cmpi slt, %squeeze3A_4334, %sign3A_4367 : i32
      %sign3A_4369 = arith.extui %sign3A_4368 : i1 to i32
      %sign3A_4370 = arith.subi %sign3A_4366, %sign3A_4369 : i32
      %sign3A_4371 = arith.constant 0 : i32
      %sign3A_4372 = arith.cmpi sgt, %jit3A_4362, %sign3A_4371 : i32
      %sign3A_4373 = arith.extui %sign3A_4372 : i1 to i32
      %sign3A_4374 = arith.constant 0 : i32
      %sign3A_4375 = arith.cmpi slt, %jit3A_4362, %sign3A_4374 : i32
      %sign3A_4376 = arith.extui %sign3A_4375 : i1 to i32
      %sign3A_4377 = arith.subi %sign3A_4373, %sign3A_4376 : i32
      %ne3A_4378 = arith.cmpi ne, %sign3A_4370, %sign3A_4377 : i32
      %rem3A_4379 = arith.remsi %squeeze3A_4334, %jit3A_4362 : i32
      %ne3A_4380 = arith.constant 0 : i32
      %ne3A_4381 = arith.cmpi ne, %rem3A_4379, %ne3A_4380 : i32
      %and3A_4382 = arith.andi %ne3A_4378, %ne3A_4381 : i1
      %sub3A_4383 = arith.constant 1 : i32
      %sub3A_4384 = arith.subi %div3A_4363, %sub3A_4383 : i32
      %select_n3A_4385 = arith.select %and3A_4382, %sub3A_4384, %div3A_4363 : i32
      %mul3A_4386 = arith.constant 128 : i32
      %mul3A_4387 = arith.muli %select_n3A_4385, %mul3A_4386 : i32
      %multiple_of3A_4388 = tpu.assume_multiple %mul3A_4387, 128 : i32
      %dma_start3A_4389 = arith.constant 1 : i32
      %dma_start3A_4390 = arith.constant 2 : i32
      %dma_start3A_4391 = arith.constant 0 : i32
      %dma_start3A_4392 = arith.constant 0 : i32
      %dma_start3A_4393 = tpu.memref_slice %arg10[%dma_start3A_4389, %dma_start3A_4390, %dma_start3A_4391, %dma_start3A_4392] : memref<2x4x32x128xf32, #tpu.memory_space<vmem>> -> memref<1x1x32x128xf32, #tpu.memory_space<vmem>>
      %dma_start3A_4394 = tpu.memref_squeeze %dma_start3A_4393 : memref<1x1x32x128xf32, #tpu.memory_space<vmem>> -> memref<32x128xf32, #tpu.memory_space<vmem>>
      %dma_start3A_4395 = arith.constant 0 : i32
      %dma_start3A_4396 = tpu.memref_slice %arg3[%dma_start3A_4395, %multiple_of3A_4361] : memref<32x1000000xf32, #tpu.memory_space<hbm>> -> memref<32x128xf32, #tpu.memory_space<hbm>>
      %dma_start3A_4397 = arith.constant 0 : i32
      %dma_start3A_4398 = arith.constant 0 : i32
      %dma_start3A_4399 = tpu.memref_slice %arg10[%dma_start3A_4389, %dma_start3A_4390, %dma_start3A_4397, %dma_start3A_4398] : memref<2x4x32x128xf32, #tpu.memory_space<vmem>> -> memref<1x1x32x128xf32, #tpu.memory_space<vmem>>
      %dma_start3A_4400 = tpu.memref_squeeze %dma_start3A_4399 : memref<1x1x32x128xf32, #tpu.memory_space<vmem>> -> memref<32x128xf32, #tpu.memory_space<vmem>>
      %dma_start3A_4401 = arith.constant 0 : i32
      %dma_start3A_4402 = tpu.memref_slice %arg3[%dma_start3A_4401, %multiple_of3A_4361] : memref<32x1000000xf32, #tpu.memory_space<hbm>> -> memref<32x128xf32, #tpu.memory_space<hbm>>
      tpu.enqueue_dma source(%dma_start3A_4402 : memref<32x128xf32, #tpu.memory_space<hbm>>) target(%dma_start3A_4400 : memref<32x128xf32, #tpu.memory_space<vmem>>) target_semaphore(%arg16 : memref<!tpu.dma_semaphore, #tpu.memory_space<semaphore_mem>>)
      %dma_start3A_4403 = arith.constant 1 : i32
      %dma_start3A_4404 = arith.constant 2 : i32
      %dma_start3A_4405 = arith.constant 0 : i32
      %dma_start3A_4406 = arith.constant 0 : i32
      %dma_start3A_4407 = tpu.memref_slice %arg11[%dma_start3A_4403, %dma_start3A_4404, %dma_start3A_4405, %dma_start3A_4406] : memref<2x4x32x128xf32, #tpu.memory_space<vmem>> -> memref<1x1x32x128xf32, #tpu.memory_space<vmem>>
      %dma_start3A_4408 = tpu.memref_squeeze %dma_start3A_4407 : memref<1x1x32x128xf32, #tpu.memory_space<vmem>> -> memref<32x128xf32, #tpu.memory_space<vmem>>
      %dma_start3A_4409 = arith.constant 0 : i32
      %dma_start3A_4410 = tpu.memref_slice %arg4[%dma_start3A_4409, %multiple_of3A_4388] : memref<32x1000000xf32, #tpu.memory_space<hbm>> -> memref<32x128xf32, #tpu.memory_space<hbm>>
      %dma_start3A_4411 = arith.constant 0 : i32
      %dma_start3A_4412 = arith.constant 0 : i32
      %dma_start3A_4413 = tpu.memref_slice %arg11[%dma_start3A_4403, %dma_start3A_4404, %dma_start3A_4411, %dma_start3A_4412] : memref<2x4x32x128xf32, #tpu.memory_space<vmem>> -> memref<1x1x32x128xf32, #tpu.memory_space<vmem>>
      %dma_start3A_4414 = tpu.memref_squeeze %dma_start3A_4413 : memref<1x1x32x128xf32, #tpu.memory_space<vmem>> -> memref<32x128xf32, #tpu.memory_space<vmem>>
      %dma_start3A_4415 = arith.constant 0 : i32
      %dma_start3A_4416 = tpu.memref_slice %arg4[%dma_start3A_4415, %multiple_of3A_4388] : memref<32x1000000xf32, #tpu.memory_space<hbm>> -> memref<32x128xf32, #tpu.memory_space<hbm>>
      tpu.enqueue_dma source(%dma_start3A_4416 : memref<32x128xf32, #tpu.memory_space<hbm>>) target(%dma_start3A_4414 : memref<32x128xf32, #tpu.memory_space<vmem>>) target_semaphore(%arg16 : memref<!tpu.dma_semaphore, #tpu.memory_space<semaphore_mem>>)
      %mul3A_4417 = arith.constant 4 : i32
      %mul3A_4418 = arith.muli %add3A_4128, %mul3A_4417 : i32
      %add3A_4419 = arith.constant 3 : i32
      %add3A_4420 = arith.addi %mul3A_4418, %add3A_4419 : i32
      %min3A_4421 = arith.constant 511 : i32
      %min3A_4422 = arith.minsi %add3A_4420, %min3A_4421 : i32
      %get3A_4423 = arith.index_cast %min3A_4422 : i32 to index
      %get3A_4424 = tpu.vector_load %arg8[%get3A_4423] {strides = array<i32>} : memref<528xi32, #tpu.memory_space<vmem>>, vector<16xi32>,
      %get3A_4425 = arith.index_cast %min3A_4422 : i32 to index
      %get3A_4426 = tpu.vector_load %arg9[%get3A_4425] {strides = array<i32>} : memref<528xi32, #tpu.memory_space<vmem>>, vector<16xi32>,
      %slice3A_4427 = vector.extract_strided_slice %get3A_4424 {offsets = [0], sizes = [1], strides = [1]} : vector<16xi32> to vector<1xi32>
      %squeeze3A_4428 = vector.extract %slice3A_4427[0] : i32 from vector<1xi32>
      %slice3A_4429 = vector.extract_strided_slice %get3A_4426 {offsets = [0], sizes = [1], strides = [1]} : vector<16xi32> to vector<1xi32>
      %squeeze3A_4430 = vector.extract %slice3A_4429[0] : i32 from vector<1xi32>
      %jit3A_4431 = arith.constant 128 : i32
      %div3A_4432 = arith.divsi %squeeze3A_4428, %jit3A_4431 : i32
      %sign3A_4433 = arith.constant 0 : i32
      %sign3A_4434 = arith.cmpi sgt, %squeeze3A_4428, %sign3A_4433 : i32
      %sign3A_4435 = arith.extui %sign3A_4434 : i1 to i32
      %sign3A_4436 = arith.constant 0 : i32
      %sign3A_4437 = arith.cmpi slt, %squeeze3A_4428, %sign3A_4436 : i32
      %sign3A_4438 = arith.extui %sign3A_4437 : i1 to i32
      %sign3A_4439 = arith.subi %sign3A_4435, %sign3A_4438 : i32
      %sign3A_4440 = arith.constant 0 : i32
      %sign3A_4441 = arith.cmpi sgt, %jit3A_4431, %sign3A_4440 : i32
      %sign3A_4442 = arith.extui %sign3A_4441 : i1 to i32
      %sign3A_4443 = arith.constant 0 : i32
      %sign3A_4444 = arith.cmpi slt, %jit3A_4431, %sign3A_4443 : i32
      %sign3A_4445 = arith.extui %sign3A_4444 : i1 to i32
      %sign3A_4446 = arith.subi %sign3A_4442, %sign3A_4445 : i32
      %ne3A_4447 = arith.cmpi ne, %sign3A_4439, %sign3A_4446 : i32
      %rem3A_4448 = arith.remsi %squeeze3A_4428, %jit3A_4431 : i32
      %ne3A_4449 = arith.constant 0 : i32
      %ne3A_4450 = arith.cmpi ne, %rem3A_4448, %ne3A_4449 : i32
      %and3A_4451 = arith.andi %ne3A_4447, %ne3A_4450 : i1
      %sub3A_4452 = arith.constant 1 : i32
      %sub3A_4453 = arith.subi %div3A_4432, %sub3A_4452 : i32
      %select_n3A_4454 = arith.select %and3A_4451, %sub3A_4453, %div3A_4432 : i32
      %mul3A_4455 = arith.constant 128 : i32
      %mul3A_4456 = arith.muli %select_n3A_4454, %mul3A_4455 : i32
      %multiple_of3A_4457 = tpu.assume_multiple %mul3A_4456, 128 : i32
      %jit3A_4458 = arith.constant 128 : i32
      %div3A_4459 = arith.divsi %squeeze3A_4430, %jit3A_4458 : i32
      %sign3A_4460 = arith.constant 0 : i32
      %sign3A_4461 = arith.cmpi sgt, %squeeze3A_4430, %sign3A_4460 : i32
      %sign3A_4462 = arith.extui %sign3A_4461 : i1 to i32
      %sign3A_4463 = arith.constant 0 : i32
      %sign3A_4464 = arith.cmpi slt, %squeeze3A_4430, %sign3A_4463 : i32
      %sign3A_4465 = arith.extui %sign3A_4464 : i1 to i32
      %sign3A_4466 = arith.subi %sign3A_4462, %sign3A_4465 : i32
      %sign3A_4467 = arith.constant 0 : i32
      %sign3A_4468 = arith.cmpi sgt, %jit3A_4458, %sign3A_4467 : i32
      %sign3A_4469 = arith.extui %sign3A_4468 : i1 to i32
      %sign3A_4470 = arith.constant 0 : i32
      %sign3A_4471 = arith.cmpi slt, %jit3A_4458, %sign3A_4470 : i32
      %sign3A_4472 = arith.extui %sign3A_4471 : i1 to i32
      %sign3A_4473 = arith.subi %sign3A_4469, %sign3A_4472 : i32
      %ne3A_4474 = arith.cmpi ne, %sign3A_4466, %sign3A_4473 : i32
      %rem3A_4475 = arith.remsi %squeeze3A_4430, %jit3A_4458 : i32
      %ne3A_4476 = arith.constant 0 : i32
      %ne3A_4477 = arith.cmpi ne, %rem3A_4475, %ne3A_4476 : i32
      %and3A_4478 = arith.andi %ne3A_4474, %ne3A_4477 : i1
      %sub3A_4479 = arith.constant 1 : i32
      %sub3A_4480 = arith.subi %div3A_4459, %sub3A_4479 : i32
      %select_n3A_4481 = arith.select %and3A_4478, %sub3A_4480, %div3A_4459 : i32
      %mul3A_4482 = arith.constant 128 : i32
      %mul3A_4483 = arith.muli %select_n3A_4481, %mul3A_4482 : i32
      %multiple_of3A_4484 = tpu.assume_multiple %mul3A_4483, 128 : i32
      %dma_start3A_4485 = arith.constant 1 : i32
      %dma_start3A_4486 = arith.constant 3 : i32
      %dma_start3A_4487 = arith.constant 0 : i32
      %dma_start3A_4488 = arith.constant 0 : i32
      %dma_start3A_4489 = tpu.memref_slice %arg10[%dma_start3A_4485, %dma_start3A_4486, %dma_start3A_4487, %dma_start3A_4488] : memref<2x4x32x128xf32, #tpu.memory_space<vmem>> -> memref<1x1x32x128xf32, #tpu.memory_space<vmem>>
      %dma_start3A_4490 = tpu.memref_squeeze %dma_start3A_4489 : memref<1x1x32x128xf32, #tpu.memory_space<vmem>> -> memref<32x128xf32, #tpu.memory_space<vmem>>
      %dma_start3A_4491 = arith.constant 0 : i32
      %dma_start3A_4492 = tpu.memref_slice %arg3[%dma_start3A_4491, %multiple_of3A_4457] : memref<32x1000000xf32, #tpu.memory_space<hbm>> -> memref<32x128xf32, #tpu.memory_space<hbm>>
      %dma_start3A_4493 = arith.constant 0 : i32
      %dma_start3A_4494 = arith.constant 0 : i32
      %dma_start3A_4495 = tpu.memref_slice %arg10[%dma_start3A_4485, %dma_start3A_4486, %dma_start3A_4493, %dma_start3A_4494] : memref<2x4x32x128xf32, #tpu.memory_space<vmem>> -> memref<1x1x32x128xf32, #tpu.memory_space<vmem>>
      %dma_start3A_4496 = tpu.memref_squeeze %dma_start3A_4495 : memref<1x1x32x128xf32, #tpu.memory_space<vmem>> -> memref<32x128xf32, #tpu.memory_space<vmem>>
      %dma_start3A_4497 = arith.constant 0 : i32
      %dma_start3A_4498 = tpu.memref_slice %arg3[%dma_start3A_4497, %multiple_of3A_4457] : memref<32x1000000xf32, #tpu.memory_space<hbm>> -> memref<32x128xf32, #tpu.memory_space<hbm>>
      tpu.enqueue_dma source(%dma_start3A_4498 : memref<32x128xf32, #tpu.memory_space<hbm>>) target(%dma_start3A_4496 : memref<32x128xf32, #tpu.memory_space<vmem>>) target_semaphore(%arg16 : memref<!tpu.dma_semaphore, #tpu.memory_space<semaphore_mem>>)
      %dma_start3A_4499 = arith.constant 1 : i32
      %dma_start3A_4500 = arith.constant 3 : i32
      %dma_start3A_4501 = arith.constant 0 : i32
      %dma_start3A_4502 = arith.constant 0 : i32
      %dma_start3A_4503 = tpu.memref_slice %arg11[%dma_start3A_4499, %dma_start3A_4500, %dma_start3A_4501, %dma_start3A_4502] : memref<2x4x32x128xf32, #tpu.memory_space<vmem>> -> memref<1x1x32x128xf32, #tpu.memory_space<vmem>>
      %dma_start3A_4504 = tpu.memref_squeeze %dma_start3A_4503 : memref<1x1x32x128xf32, #tpu.memory_space<vmem>> -> memref<32x128xf32, #tpu.memory_space<vmem>>
      %dma_start3A_4505 = arith.constant 0 : i32
      %dma_start3A_4506 = tpu.memref_slice %arg4[%dma_start3A_4505, %multiple_of3A_4484] : memref<32x1000000xf32, #tpu.memory_space<hbm>> -> memref<32x128xf32, #tpu.memory_space<hbm>>
      %dma_start3A_4507 = arith.constant 0 : i32
      %dma_start3A_4508 = arith.constant 0 : i32
      %dma_start3A_4509 = tpu.memref_slice %arg11[%dma_start3A_4499, %dma_start3A_4500, %dma_start3A_4507, %dma_start3A_4508] : memref<2x4x32x128xf32, #tpu.memory_space<vmem>> -> memref<1x1x32x128xf32, #tpu.memory_space<vmem>>
      %dma_start3A_4510 = tpu.memref_squeeze %dma_start3A_4509 : memref<1x1x32x128xf32, #tpu.memory_space<vmem>> -> memref<32x128xf32, #tpu.memory_space<vmem>>
      %dma_start3A_4511 = arith.constant 0 : i32
      %dma_start3A_4512 = tpu.memref_slice %arg4[%dma_start3A_4511, %multiple_of3A_4484] : memref<32x1000000xf32, #tpu.memory_space<hbm>> -> memref<32x128xf32, #tpu.memory_space<hbm>>
      tpu.enqueue_dma source(%dma_start3A_4512 : memref<32x128xf32, #tpu.memory_space<hbm>>) target(%dma_start3A_4510 : memref<32x128xf32, #tpu.memory_space<vmem>>) target_semaphore(%arg16 : memref<!tpu.dma_semaphore, #tpu.memory_space<semaphore_mem>>)
      %mul3A_4513 = arith.constant 16 : i32
      %mul3A_4514 = arith.muli %scan3A_1051, %mul3A_4513 : i32
      %get3A_4515 = arith.index_cast %mul3A_4514 : i32 to index
      %get3A_4516 = tpu.vector_load %arg12[%get3A_4515] {strides = array<i32>} : memref<512xf32, #tpu.memory_space<vmem>>, vector<16xf32>,
      %add3A_4517 = arith.addf %select_n3A_4126, %get3A_4516 : vector<16xf32>
      %get3A_4518 = arith.index_cast %mul3A_4514 : i32 to index
      %get3A_4519 = tpu.vector_load %arg13[%get3A_4518] {strides = array<i32>} : memref<512xf32, #tpu.memory_space<vmem>>, vector<16xf32>,
      %add3A_4520 = arith.addf %add3A_4517, %get3A_4519 : vector<16xf32>
      %add3A_4521 = arith.constant 3.500000e+00 : f32
      %add3A_4522 = vector.broadcast %add3A_4521 : f32 to vector<16xf32>
      %add3A_4523 = arith.addf %add3A_4520, %add3A_4522 : vector<16xf32>
      %swap3A = arith.index_cast %mul3A_4514 : i32 to index
      %swap3A_4524 = tpu.vector_load %arg14[%swap3A] {strides = array<i32>} : memref<512xf32, #tpu.memory_space<vmem>>, vector<16xf32>,
      tpu.vector_store %arg14[%swap3A], %add3A_4523 {strides = array<i32>} : memref<512xf32, #tpu.memory_space<vmem>>, vector<16xf32>,
    }
    %scan3A_794 = arith.constant 32 : i32
    %dma_wait3A_795 = arith.constant 0 : i32
    %dma_wait3A_796 = arith.constant 0 : i32
    %dma_wait3A_797 = arith.constant 0 : i32
    %dma_wait3A_798 = arith.constant 0 : i32
    %dma_wait3A_799 = tpu.memref_slice %arg10[%dma_wait3A_795, %dma_wait3A_796, %dma_wait3A_797, %dma_wait3A_798] : memref<2x4x32x128xf32, #tpu.memory_space<vmem>> -> memref<1x1x32x128xf32, #tpu.memory_space<vmem>>
    %dma_wait3A_800 = tpu.memref_squeeze %dma_wait3A_799 : memref<1x1x32x128xf32, #tpu.memory_space<vmem>> -> memref<32x128xf32, #tpu.memory_space<vmem>>
    %dma_wait3A_801 = arith.constant 0 : i32
    %dma_wait3A_802 = arith.constant 0 : i32
    %dma_wait3A_803 = tpu.memref_slice %arg3[%dma_wait3A_801, %dma_wait3A_802] : memref<32x1000000xf32, #tpu.memory_space<hbm>> -> memref<32x128xf32, #tpu.memory_space<hbm>>
    %dma_wait3A_804 = arith.constant 0 : i32
    %dma_wait3A_805 = arith.constant 0 : i32
    %dma_wait3A_806 = tpu.memref_slice %arg10[%dma_wait3A_795, %dma_wait3A_796, %dma_wait3A_804, %dma_wait3A_805] : memref<2x4x32x128xf32, #tpu.memory_space<vmem>> -> memref<1x1x32x128xf32, #tpu.memory_space<vmem>>
    %dma_wait3A_807 = tpu.memref_squeeze %dma_wait3A_806 : memref<1x1x32x128xf32, #tpu.memory_space<vmem>> -> memref<32x128xf32, #tpu.memory_space<vmem>>
    %dma_wait3A_808 = arith.constant 0 : i32
    %dma_wait3A_809 = arith.constant 0 : i32
    %dma_wait3A_810 = tpu.memref_slice %arg3[%dma_wait3A_808, %dma_wait3A_809] : memref<32x1000000xf32, #tpu.memory_space<hbm>> -> memref<32x128xf32, #tpu.memory_space<hbm>>
    tpu.wait_dma2 semaphore(%arg16 : memref<!tpu.dma_semaphore, #tpu.memory_space<semaphore_mem>>) src(%dma_wait3A_810 : memref<32x128xf32, #tpu.memory_space<hbm>>) dst(%dma_wait3A_807 : memref<32x128xf32, #tpu.memory_space<vmem>>)
    %dma_wait3A_811 = arith.constant 0 : i32
    %dma_wait3A_812 = arith.constant 0 : i32
    %dma_wait3A_813 = arith.constant 0 : i32
    %dma_wait3A_814 = arith.constant 0 : i32
    %dma_wait3A_815 = tpu.memref_slice %arg10[%dma_wait3A_811, %dma_wait3A_812, %dma_wait3A_813, %dma_wait3A_814] : memref<2x4x32x128xf32, #tpu.memory_space<vmem>> -> memref<1x1x32x128xf32, #tpu.memory_space<vmem>>
    %dma_wait3A_816 = tpu.memref_squeeze %dma_wait3A_815 : memref<1x1x32x128xf32, #tpu.memory_space<vmem>> -> memref<32x128xf32, #tpu.memory_space<vmem>>
    %dma_wait3A_817 = arith.constant 0 : i32
    %dma_wait3A_818 = arith.constant 0 : i32
    %dma_wait3A_819 = tpu.memref_slice %arg3[%dma_wait3A_817, %dma_wait3A_818] : memref<32x1000000xf32, #tpu.memory_space<hbm>> -> memref<32x128xf32, #tpu.memory_space<hbm>>
    %dma_wait3A_820 = arith.constant 0 : i32
    %dma_wait3A_821 = arith.constant 0 : i32
    %dma_wait3A_822 = tpu.memref_slice %arg10[%dma_wait3A_811, %dma_wait3A_812, %dma_wait3A_820, %dma_wait3A_821] : memref<2x4x32x128xf32, #tpu.memory_space<vmem>> -> memref<1x1x32x128xf32, #tpu.memory_space<vmem>>
    %dma_wait3A_823 = tpu.memref_squeeze %dma_wait3A_822 : memref<1x1x32x128xf32, #tpu.memory_space<vmem>> -> memref<32x128xf32, #tpu.memory_space<vmem>>
    %dma_wait3A_824 = arith.constant 0 : i32
    %dma_wait3A_825 = arith.constant 0 : i32
    %dma_wait3A_826 = tpu.memref_slice %arg3[%dma_wait3A_824, %dma_wait3A_825] : memref<32x1000000xf32, #tpu.memory_space<hbm>> -> memref<32x128xf32, #tpu.memory_space<hbm>>
    tpu.wait_dma2 semaphore(%arg16 : memref<!tpu.dma_semaphore, #tpu.memory_space<semaphore_mem>>) src(%dma_wait3A_826 : memref<32x128xf32, #tpu.memory_space<hbm>>) dst(%dma_wait3A_823 : memref<32x128xf32, #tpu.memory_space<vmem>>)
    %dma_wait3A_827 = arith.constant 0 : i32
    %dma_wait3A_828 = arith.constant 0 : i32
    %dma_wait3A_829 = arith.constant 0 : i32
    %dma_wait3A_830 = arith.constant 0 : i32
    %dma_wait3A_831 = tpu.memref_slice %arg10[%dma_wait3A_827, %dma_wait3A_828, %dma_wait3A_829, %dma_wait3A_830] : memref<2x4x32x128xf32, #tpu.memory_space<vmem>> -> memref<1x1x32x128xf32, #tpu.memory_space<vmem>>
    %dma_wait3A_832 = tpu.memref_squeeze %dma_wait3A_831 : memref<1x1x32x128xf32, #tpu.memory_space<vmem>> -> memref<32x128xf32, #tpu.memory_space<vmem>>
    %dma_wait3A_833 = arith.constant 0 : i32
    %dma_wait3A_834 = arith.constant 0 : i32
    %dma_wait3A_835 = tpu.memref_slice %arg3[%dma_wait3A_833, %dma_wait3A_834] : memref<32x1000000xf32, #tpu.memory_space<hbm>> -> memref<32x128xf32, #tpu.memory_space<hbm>>
    %dma_wait3A_836 = arith.constant 0 : i32
    %dma_wait3A_837 = arith.constant 0 : i32
    %dma_wait3A_838 = tpu.memref_slice %arg10[%dma_wait3A_827, %dma_wait3A_828, %dma_wait3A_836, %dma_wait3A_837] : memref<2x4x32x128xf32, #tpu.memory_space<vmem>> -> memref<1x1x32x128xf32, #tpu.memory_space<vmem>>
    %dma_wait3A_839 = tpu.memref_squeeze %dma_wait3A_838 : memref<1x1x32x128xf32, #tpu.memory_space<vmem>> -> memref<32x128xf32, #tpu.memory_space<vmem>>
    %dma_wait3A_840 = arith.constant 0 : i32
    %dma_wait3A_841 = arith.constant 0 : i32
    %dma_wait3A_842 = tpu.memref_slice %arg3[%dma_wait3A_840, %dma_wait3A_841] : memref<32x1000000xf32, #tpu.memory_space<hbm>> -> memref<32x128xf32, #tpu.memory_space<hbm>>
    tpu.wait_dma2 semaphore(%arg16 : memref<!tpu.dma_semaphore, #tpu.memory_space<semaphore_mem>>) src(%dma_wait3A_842 : memref<32x128xf32, #tpu.memory_space<hbm>>) dst(%dma_wait3A_839 : memref<32x128xf32, #tpu.memory_space<vmem>>)
    %dma_wait3A_843 = arith.constant 0 : i32
    %dma_wait3A_844 = arith.constant 0 : i32
    %dma_wait3A_845 = arith.constant 0 : i32
    %dma_wait3A_846 = arith.constant 0 : i32
    %dma_wait3A_847 = tpu.memref_slice %arg10[%dma_wait3A_843, %dma_wait3A_844, %dma_wait3A_845, %dma_wait3A_846] : memref<2x4x32x128xf32, #tpu.memory_space<vmem>> -> memref<1x1x32x128xf32, #tpu.memory_space<vmem>>
    %dma_wait3A_848 = tpu.memref_squeeze %dma_wait3A_847 : memref<1x1x32x128xf32, #tpu.memory_space<vmem>> -> memref<32x128xf32, #tpu.memory_space<vmem>>
    %dma_wait3A_849 = arith.constant 0 : i32
    %dma_wait3A_850 = arith.constant 0 : i32
    %dma_wait3A_851 = tpu.memref_slice %arg3[%dma_wait3A_849, %dma_wait3A_850] : memref<32x1000000xf32, #tpu.memory_space<hbm>> -> memref<32x128xf32, #tpu.memory_space<hbm>>
    %dma_wait3A_852 = arith.constant 0 : i32
    %dma_wait3A_853 = arith.constant 0 : i32
    %dma_wait3A_854 = tpu.memref_slice %arg10[%dma_wait3A_843, %dma_wait3A_844, %dma_wait3A_852, %dma_wait3A_853] : memref<2x4x32x128xf32, #tpu.memory_space<vmem>> -> memref<1x1x32x128xf32, #tpu.memory_space<vmem>>
    %dma_wait3A_855 = tpu.memref_squeeze %dma_wait3A_854 : memref<1x1x32x128xf32, #tpu.memory_space<vmem>> -> memref<32x128xf32, #tpu.memory_space<vmem>>
    %dma_wait3A_856 = arith.constant 0 : i32
    %dma_wait3A_857 = arith.constant 0 : i32
    %dma_wait3A_858 = tpu.memref_slice %arg3[%dma_wait3A_856, %dma_wait3A_857] : memref<32x1000000xf32, #tpu.memory_space<hbm>> -> memref<32x128xf32, #tpu.memory_space<hbm>>
    tpu.wait_dma2 semaphore(%arg16 : memref<!tpu.dma_semaphore, #tpu.memory_space<semaphore_mem>>) src(%dma_wait3A_858 : memref<32x128xf32, #tpu.memory_space<hbm>>) dst(%dma_wait3A_855 : memref<32x128xf32, #tpu.memory_space<vmem>>)
    %dma_wait3A_859 = arith.constant 0 : i32
    %dma_wait3A_860 = arith.constant 0 : i32
    %dma_wait3A_861 = arith.constant 0 : i32
    %dma_wait3A_862 = arith.constant 0 : i32
    %dma_wait3A_863 = tpu.memref_slice %arg10[%dma_wait3A_859, %dma_wait3A_860, %dma_wait3A_861, %dma_wait3A_862] : memref<2x4x32x128xf32, #tpu.memory_space<vmem>> -> memref<1x1x32x128xf32, #tpu.memory_space<vmem>>
    %dma_wait3A_864 = tpu.memref_squeeze %dma_wait3A_863 : memref<1x1x32x128xf32, #tpu.memory_space<vmem>> -> memref<32x128xf32, #tpu.memory_space<vmem>>
    %dma_wait3A_865 = arith.constant 0 : i32
    %dma_wait3A_866 = arith.constant 0 : i32
    %dma_wait3A_867 = tpu.memref_slice %arg3[%dma_wait3A_865, %dma_wait3A_866] : memref<32x1000000xf32, #tpu.memory_space<hbm>> -> memref<32x128xf32, #tpu.memory_space<hbm>>
    %dma_wait3A_868 = arith.constant 0 : i32
    %dma_wait3A_869 = arith.constant 0 : i32
    %dma_wait3A_870 = tpu.memref_slice %arg10[%dma_wait3A_859, %dma_wait3A_860, %dma_wait3A_868, %dma_wait3A_869] : memref<2x4x32x128xf32, #tpu.memory_space<vmem>> -> memref<1x1x32x128xf32, #tpu.memory_space<vmem>>
    %dma_wait3A_871 = tpu.memref_squeeze %dma_wait3A_870 : memref<1x1x32x128xf32, #tpu.memory_space<vmem>> -> memref<32x128xf32, #tpu.memory_space<vmem>>
    %dma_wait3A_872 = arith.constant 0 : i32
    %dma_wait3A_873 = arith.constant 0 : i32
    %dma_wait3A_874 = tpu.memref_slice %arg3[%dma_wait3A_872, %dma_wait3A_873] : memref<32x1000000xf32, #tpu.memory_space<hbm>> -> memref<32x128xf32, #tpu.memory_space<hbm>>
    tpu.wait_dma2 semaphore(%arg16 : memref<!tpu.dma_semaphore, #tpu.memory_space<semaphore_mem>>) src(%dma_wait3A_874 : memref<32x128xf32, #tpu.memory_space<hbm>>) dst(%dma_wait3A_871 : memref<32x128xf32, #tpu.memory_space<vmem>>)
    %dma_wait3A_875 = arith.constant 0 : i32
    %dma_wait3A_876 = arith.constant 0 : i32
    %dma_wait3A_877 = arith.constant 0 : i32
    %dma_wait3A_878 = arith.constant 0 : i32
    %dma_wait3A_879 = tpu.memref_slice %arg10[%dma_wait3A_875, %dma_wait3A_876, %dma_wait3A_877, %dma_wait3A_878] : memref<2x4x32x128xf32, #tpu.memory_space<vmem>> -> memref<1x1x32x128xf32, #tpu.memory_space<vmem>>
    %dma_wait3A_880 = tpu.memref_squeeze %dma_wait3A_879 : memref<1x1x32x128xf32, #tpu.memory_space<vmem>> -> memref<32x128xf32, #tpu.memory_space<vmem>>
    %dma_wait3A_881 = arith.constant 0 : i32
    %dma_wait3A_882 = arith.constant 0 : i32
    %dma_wait3A_883 = tpu.memref_slice %arg3[%dma_wait3A_881, %dma_wait3A_882] : memref<32x1000000xf32, #tpu.memory_space<hbm>> -> memref<32x128xf32, #tpu.memory_space<hbm>>
    %dma_wait3A_884 = arith.constant 0 : i32
    %dma_wait3A_885 = arith.constant 0 : i32
    %dma_wait3A_886 = tpu.memref_slice %arg10[%dma_wait3A_875, %dma_wait3A_876, %dma_wait3A_884, %dma_wait3A_885] : memref<2x4x32x128xf32, #tpu.memory_space<vmem>> -> memref<1x1x32x128xf32, #tpu.memory_space<vmem>>
    %dma_wait3A_887 = tpu.memref_squeeze %dma_wait3A_886 : memref<1x1x32x128xf32, #tpu.memory_space<vmem>> -> memref<32x128xf32, #tpu.memory_space<vmem>>
    %dma_wait3A_888 = arith.constant 0 : i32
    %dma_wait3A_889 = arith.constant 0 : i32
    %dma_wait3A_890 = tpu.memref_slice %arg3[%dma_wait3A_888, %dma_wait3A_889] : memref<32x1000000xf32, #tpu.memory_space<hbm>> -> memref<32x128xf32, #tpu.memory_space<hbm>>
    tpu.wait_dma2 semaphore(%arg16 : memref<!tpu.dma_semaphore, #tpu.memory_space<semaphore_mem>>) src(%dma_wait3A_890 : memref<32x128xf32, #tpu.memory_space<hbm>>) dst(%dma_wait3A_887 : memref<32x128xf32, #tpu.memory_space<vmem>>)
    %dma_wait3A_891 = arith.constant 0 : i32
    %dma_wait3A_892 = arith.constant 0 : i32
    %dma_wait3A_893 = arith.constant 0 : i32
    %dma_wait3A_894 = arith.constant 0 : i32
    %dma_wait3A_895 = tpu.memref_slice %arg10[%dma_wait3A_891, %dma_wait3A_892, %dma_wait3A_893, %dma_wait3A_894] : memref<2x4x32x128xf32, #tpu.memory_space<vmem>> -> memref<1x1x32x128xf32, #tpu.memory_space<vmem>>
    %dma_wait3A_896 = tpu.memref_squeeze %dma_wait3A_895 : memref<1x1x32x128xf32, #tpu.memory_space<vmem>> -> memref<32x128xf32, #tpu.memory_space<vmem>>
    %dma_wait3A_897 = arith.constant 0 : i32
    %dma_wait3A_898 = arith.constant 0 : i32
    %dma_wait3A_899 = tpu.memref_slice %arg3[%dma_wait3A_897, %dma_wait3A_898] : memref<32x1000000xf32, #tpu.memory_space<hbm>> -> memref<32x128xf32, #tpu.memory_space<hbm>>
    %dma_wait3A_900 = arith.constant 0 : i32
    %dma_wait3A_901 = arith.constant 0 : i32
    %dma_wait3A_902 = tpu.memref_slice %arg10[%dma_wait3A_891, %dma_wait3A_892, %dma_wait3A_900, %dma_wait3A_901] : memref<2x4x32x128xf32, #tpu.memory_space<vmem>> -> memref<1x1x32x128xf32, #tpu.memory_space<vmem>>
    %dma_wait3A_903 = tpu.memref_squeeze %dma_wait3A_902 : memref<1x1x32x128xf32, #tpu.memory_space<vmem>> -> memref<32x128xf32, #tpu.memory_space<vmem>>
    %dma_wait3A_904 = arith.constant 0 : i32
    %dma_wait3A_905 = arith.constant 0 : i32
    %dma_wait3A_906 = tpu.memref_slice %arg3[%dma_wait3A_904, %dma_wait3A_905] : memref<32x1000000xf32, #tpu.memory_space<hbm>> -> memref<32x128xf32, #tpu.memory_space<hbm>>
    tpu.wait_dma2 semaphore(%arg16 : memref<!tpu.dma_semaphore, #tpu.memory_space<semaphore_mem>>) src(%dma_wait3A_906 : memref<32x128xf32, #tpu.memory_space<hbm>>) dst(%dma_wait3A_903 : memref<32x128xf32, #tpu.memory_space<vmem>>)
    %dma_wait3A_907 = arith.constant 0 : i32
    %dma_wait3A_908 = arith.constant 0 : i32
    %dma_wait3A_909 = arith.constant 0 : i32
    %dma_wait3A_910 = arith.constant 0 : i32
    %dma_wait3A_911 = tpu.memref_slice %arg10[%dma_wait3A_907, %dma_wait3A_908, %dma_wait3A_909, %dma_wait3A_910] : memref<2x4x32x128xf32, #tpu.memory_space<vmem>> -> memref<1x1x32x128xf32, #tpu.memory_space<vmem>>
    %dma_wait3A_912 = tpu.memref_squeeze %dma_wait3A_911 : memref<1x1x32x128xf32, #tpu.memory_space<vmem>> -> memref<32x128xf32, #tpu.memory_space<vmem>>
    %dma_wait3A_913 = arith.constant 0 : i32
    %dma_wait3A_914 = arith.constant 0 : i32
    %dma_wait3A_915 = tpu.memref_slice %arg3[%dma_wait3A_913, %dma_wait3A_914] : memref<32x1000000xf32, #tpu.memory_space<hbm>> -> memref<32x128xf32, #tpu.memory_space<hbm>>
    %dma_wait3A_916 = arith.constant 0 : i32
    %dma_wait3A_917 = arith.constant 0 : i32
    %dma_wait3A_918 = tpu.memref_slice %arg10[%dma_wait3A_907, %dma_wait3A_908, %dma_wait3A_916, %dma_wait3A_917] : memref<2x4x32x128xf32, #tpu.memory_space<vmem>> -> memref<1x1x32x128xf32, #tpu.memory_space<vmem>>
    %dma_wait3A_919 = tpu.memref_squeeze %dma_wait3A_918 : memref<1x1x32x128xf32, #tpu.memory_space<vmem>> -> memref<32x128xf32, #tpu.memory_space<vmem>>
    %dma_wait3A_920 = arith.constant 0 : i32
    %dma_wait3A_921 = arith.constant 0 : i32
    %dma_wait3A_922 = tpu.memref_slice %arg3[%dma_wait3A_920, %dma_wait3A_921] : memref<32x1000000xf32, #tpu.memory_space<hbm>> -> memref<32x128xf32, #tpu.memory_space<hbm>>
    tpu.wait_dma2 semaphore(%arg16 : memref<!tpu.dma_semaphore, #tpu.memory_space<semaphore_mem>>) src(%dma_wait3A_922 : memref<32x128xf32, #tpu.memory_space<hbm>>) dst(%dma_wait3A_919 : memref<32x128xf32, #tpu.memory_space<vmem>>)
    %dma_wait3A_923 = arith.constant 0 : i32
    %dma_wait3A_924 = arith.constant 0 : i32
    %dma_wait3A_925 = arith.constant 0 : i32
    %dma_wait3A_926 = arith.constant 0 : i32
    %dma_wait3A_927 = tpu.memref_slice %arg10[%dma_wait3A_923, %dma_wait3A_924, %dma_wait3A_925, %dma_wait3A_926] : memref<2x4x32x128xf32, #tpu.memory_space<vmem>> -> memref<1x1x32x128xf32, #tpu.memory_space<vmem>>
    %dma_wait3A_928 = tpu.memref_squeeze %dma_wait3A_927 : memref<1x1x32x128xf32, #tpu.memory_space<vmem>> -> memref<32x128xf32, #tpu.memory_space<vmem>>
    %dma_wait3A_929 = arith.constant 0 : i32
    %dma_wait3A_930 = arith.constant 0 : i32
    %dma_wait3A_931 = tpu.memref_slice %arg3[%dma_wait3A_929, %dma_wait3A_930] : memref<32x1000000xf32, #tpu.memory_space<hbm>> -> memref<32x128xf32, #tpu.memory_space<hbm>>
    %dma_wait3A_932 = arith.constant 0 : i32
    %dma_wait3A_933 = arith.constant 0 : i32
    %dma_wait3A_934 = tpu.memref_slice %arg10[%dma_wait3A_923, %dma_wait3A_924, %dma_wait3A_932, %dma_wait3A_933] : memref<2x4x32x128xf32, #tpu.memory_space<vmem>> -> memref<1x1x32x128xf32, #tpu.memory_space<vmem>>
    %dma_wait3A_935 = tpu.memref_squeeze %dma_wait3A_934 : memref<1x1x32x128xf32, #tpu.memory_space<vmem>> -> memref<32x128xf32, #tpu.memory_space<vmem>>
    %dma_wait3A_936 = arith.constant 0 : i32
    %dma_wait3A_937 = arith.constant 0 : i32
    %dma_wait3A_938 = tpu.memref_slice %arg3[%dma_wait3A_936, %dma_wait3A_937] : memref<32x1000000xf32, #tpu.memory_space<hbm>> -> memref<32x128xf32, #tpu.memory_space<hbm>>
    tpu.wait_dma2 semaphore(%arg16 : memref<!tpu.dma_semaphore, #tpu.memory_space<semaphore_mem>>) src(%dma_wait3A_938 : memref<32x128xf32, #tpu.memory_space<hbm>>) dst(%dma_wait3A_935 : memref<32x128xf32, #tpu.memory_space<vmem>>)
    %dma_wait3A_939 = arith.constant 0 : i32
    %dma_wait3A_940 = arith.constant 0 : i32
    %dma_wait3A_941 = arith.constant 0 : i32
    %dma_wait3A_942 = arith.constant 0 : i32
    %dma_wait3A_943 = tpu.memref_slice %arg10[%dma_wait3A_939, %dma_wait3A_940, %dma_wait3A_941, %dma_wait3A_942] : memref<2x4x32x128xf32, #tpu.memory_space<vmem>> -> memref<1x1x32x128xf32, #tpu.memory_space<vmem>>
    %dma_wait3A_944 = tpu.memref_squeeze %dma_wait3A_943 : memref<1x1x32x128xf32, #tpu.memory_space<vmem>> -> memref<32x128xf32, #tpu.memory_space<vmem>>
    %dma_wait3A_945 = arith.constant 0 : i32
    %dma_wait3A_946 = arith.constant 0 : i32
    %dma_wait3A_947 = tpu.memref_slice %arg3[%dma_wait3A_945, %dma_wait3A_946] : memref<32x1000000xf32, #tpu.memory_space<hbm>> -> memref<32x128xf32, #tpu.memory_space<hbm>>
    %dma_wait3A_948 = arith.constant 0 : i32
    %dma_wait3A_949 = arith.constant 0 : i32
    %dma_wait3A_950 = tpu.memref_slice %arg10[%dma_wait3A_939, %dma_wait3A_940, %dma_wait3A_948, %dma_wait3A_949] : memref<2x4x32x128xf32, #tpu.memory_space<vmem>> -> memref<1x1x32x128xf32, #tpu.memory_space<vmem>>
    %dma_wait3A_951 = tpu.memref_squeeze %dma_wait3A_950 : memref<1x1x32x128xf32, #tpu.memory_space<vmem>> -> memref<32x128xf32, #tpu.memory_space<vmem>>
    %dma_wait3A_952 = arith.constant 0 : i32
    %dma_wait3A_953 = arith.constant 0 : i32
    %dma_wait3A_954 = tpu.memref_slice %arg3[%dma_wait3A_952, %dma_wait3A_953] : memref<32x1000000xf32, #tpu.memory_space<hbm>> -> memref<32x128xf32, #tpu.memory_space<hbm>>
    tpu.wait_dma2 semaphore(%arg16 : memref<!tpu.dma_semaphore, #tpu.memory_space<semaphore_mem>>) src(%dma_wait3A_954 : memref<32x128xf32, #tpu.memory_space<hbm>>) dst(%dma_wait3A_951 : memref<32x128xf32, #tpu.memory_space<vmem>>)
    %dma_wait3A_955 = arith.constant 0 : i32
    %dma_wait3A_956 = arith.constant 0 : i32
    %dma_wait3A_957 = arith.constant 0 : i32
    %dma_wait3A_958 = arith.constant 0 : i32
    %dma_wait3A_959 = tpu.memref_slice %arg10[%dma_wait3A_955, %dma_wait3A_956, %dma_wait3A_957, %dma_wait3A_958] : memref<2x4x32x128xf32, #tpu.memory_space<vmem>> -> memref<1x1x32x128xf32, #tpu.memory_space<vmem>>
    %dma_wait3A_960 = tpu.memref_squeeze %dma_wait3A_959 : memref<1x1x32x128xf32, #tpu.memory_space<vmem>> -> memref<32x128xf32, #tpu.memory_space<vmem>>
    %dma_wait3A_961 = arith.constant 0 : i32
    %dma_wait3A_962 = arith.constant 0 : i32
    %dma_wait3A_963 = tpu.memref_slice %arg3[%dma_wait3A_961, %dma_wait3A_962] : memref<32x1000000xf32, #tpu.memory_space<hbm>> -> memref<32x128xf32, #tpu.memory_space<hbm>>
    %dma_wait3A_964 = arith.constant 0 : i32
    %dma_wait3A_965 = arith.constant 0 : i32
    %dma_wait3A_966 = tpu.memref_slice %arg10[%dma_wait3A_955, %dma_wait3A_956, %dma_wait3A_964, %dma_wait3A_965] : memref<2x4x32x128xf32, #tpu.memory_space<vmem>> -> memref<1x1x32x128xf32, #tpu.memory_space<vmem>>
    %dma_wait3A_967 = tpu.memref_squeeze %dma_wait3A_966 : memref<1x1x32x128xf32, #tpu.memory_space<vmem>> -> memref<32x128xf32, #tpu.memory_space<vmem>>
    %dma_wait3A_968 = arith.constant 0 : i32
    %dma_wait3A_969 = arith.constant 0 : i32
    %dma_wait3A_970 = tpu.memref_slice %arg3[%dma_wait3A_968, %dma_wait3A_969] : memref<32x1000000xf32, #tpu.memory_space<hbm>> -> memref<32x128xf32, #tpu.memory_space<hbm>>
    tpu.wait_dma2 semaphore(%arg16 : memref<!tpu.dma_semaphore, #tpu.memory_space<semaphore_mem>>) src(%dma_wait3A_970 : memref<32x128xf32, #tpu.memory_space<hbm>>) dst(%dma_wait3A_967 : memref<32x128xf32, #tpu.memory_space<vmem>>)
    %dma_wait3A_971 = arith.constant 0 : i32
    %dma_wait3A_972 = arith.constant 0 : i32
    %dma_wait3A_973 = arith.constant 0 : i32
    %dma_wait3A_974 = arith.constant 0 : i32
    %dma_wait3A_975 = tpu.memref_slice %arg10[%dma_wait3A_971, %dma_wait3A_972, %dma_wait3A_973, %dma_wait3A_974] : memref<2x4x32x128xf32, #tpu.memory_space<vmem>> -> memref<1x1x32x128xf32, #tpu.memory_space<vmem>>
    %dma_wait3A_976 = tpu.memref_squeeze %dma_wait3A_975 : memref<1x1x32x128xf32, #tpu.memory_space<vmem>> -> memref<32x128xf32, #tpu.memory_space<vmem>>
    %dma_wait3A_977 = arith.constant 0 : i32
    %dma_wait3A_978 = arith.constant 0 : i32
    %dma_wait3A_979 = tpu.memref_slice %arg3[%dma_wait3A_977, %dma_wait3A_978] : memref<32x1000000xf32, #tpu.memory_space<hbm>> -> memref<32x128xf32, #tpu.memory_space<hbm>>
    %dma_wait3A_980 = arith.constant 0 : i32
    %dma_wait3A_981 = arith.constant 0 : i32
    %dma_wait3A_982 = tpu.memref_slice %arg10[%dma_wait3A_971, %dma_wait3A_972, %dma_wait3A_980, %dma_wait3A_981] : memref<2x4x32x128xf32, #tpu.memory_space<vmem>> -> memref<1x1x32x128xf32, #tpu.memory_space<vmem>>
    %dma_wait3A_983 = tpu.memref_squeeze %dma_wait3A_982 : memref<1x1x32x128xf32, #tpu.memory_space<vmem>> -> memref<32x128xf32, #tpu.memory_space<vmem>>
    %dma_wait3A_984 = arith.constant 0 : i32
    %dma_wait3A_985 = arith.constant 0 : i32
    %dma_wait3A_986 = tpu.memref_slice %arg3[%dma_wait3A_984, %dma_wait3A_985] : memref<32x1000000xf32, #tpu.memory_space<hbm>> -> memref<32x128xf32, #tpu.memory_space<hbm>>
    tpu.wait_dma2 semaphore(%arg16 : memref<!tpu.dma_semaphore, #tpu.memory_space<semaphore_mem>>) src(%dma_wait3A_986 : memref<32x128xf32, #tpu.memory_space<hbm>>) dst(%dma_wait3A_983 : memref<32x128xf32, #tpu.memory_space<vmem>>)
    %dma_wait3A_987 = arith.constant 0 : i32
    %dma_wait3A_988 = arith.constant 0 : i32
    %dma_wait3A_989 = arith.constant 0 : i32
    %dma_wait3A_990 = arith.constant 0 : i32
    %dma_wait3A_991 = tpu.memref_slice %arg10[%dma_wait3A_987, %dma_wait3A_988, %dma_wait3A_989, %dma_wait3A_990] : memref<2x4x32x128xf32, #tpu.memory_space<vmem>> -> memref<1x1x32x128xf32, #tpu.memory_space<vmem>>
    %dma_wait3A_992 = tpu.memref_squeeze %dma_wait3A_991 : memref<1x1x32x128xf32, #tpu.memory_space<vmem>> -> memref<32x128xf32, #tpu.memory_space<vmem>>
    %dma_wait3A_993 = arith.constant 0 : i32
    %dma_wait3A_994 = arith.constant 0 : i32
    %dma_wait3A_995 = tpu.memref_slice %arg3[%dma_wait3A_993, %dma_wait3A_994] : memref<32x1000000xf32, #tpu.memory_space<hbm>> -> memref<32x128xf32, #tpu.memory_space<hbm>>
    %dma_wait3A_996 = arith.constant 0 : i32
    %dma_wait3A_997 = arith.constant 0 : i32
    %dma_wait3A_998 = tpu.memref_slice %arg10[%dma_wait3A_987, %dma_wait3A_988, %dma_wait3A_996, %dma_wait3A_997] : memref<2x4x32x128xf32, #tpu.memory_space<vmem>> -> memref<1x1x32x128xf32, #tpu.memory_space<vmem>>
    %dma_wait3A_999 = tpu.memref_squeeze %dma_wait3A_998 : memref<1x1x32x128xf32, #tpu.memory_space<vmem>> -> memref<32x128xf32, #tpu.memory_space<vmem>>
    %dma_wait3A_1000 = arith.constant 0 : i32
    %dma_wait3A_1001 = arith.constant 0 : i32
    %dma_wait3A_1002 = tpu.memref_slice %arg3[%dma_wait3A_1000, %dma_wait3A_1001] : memref<32x1000000xf32, #tpu.memory_space<hbm>> -> memref<32x128xf32, #tpu.memory_space<hbm>>
    tpu.wait_dma2 semaphore(%arg16 : memref<!tpu.dma_semaphore, #tpu.memory_space<semaphore_mem>>) src(%dma_wait3A_1002 : memref<32x128xf32, #tpu.memory_space<hbm>>) dst(%dma_wait3A_999 : memref<32x128xf32, #tpu.memory_space<vmem>>)
    %dma_wait3A_1003 = arith.constant 0 : i32
    %dma_wait3A_1004 = arith.constant 0 : i32
    %dma_wait3A_1005 = arith.constant 0 : i32
    %dma_wait3A_1006 = arith.constant 0 : i32
    %dma_wait3A_1007 = tpu.memref_slice %arg10[%dma_wait3A_1003, %dma_wait3A_1004, %dma_wait3A_1005, %dma_wait3A_1006] : memref<2x4x32x128xf32, #tpu.memory_space<vmem>> -> memref<1x1x32x128xf32, #tpu.memory_space<vmem>>
    %dma_wait3A_1008 = tpu.memref_squeeze %dma_wait3A_1007 : memref<1x1x32x128xf32, #tpu.memory_space<vmem>> -> memref<32x128xf32, #tpu.memory_space<vmem>>
    %dma_wait3A_1009 = arith.constant 0 : i32
    %dma_wait3A_1010 = arith.constant 0 : i32
    %dma_wait3A_1011 = tpu.memref_slice %arg3[%dma_wait3A_1009, %dma_wait3A_1010] : memref<32x1000000xf32, #tpu.memory_space<hbm>> -> memref<32x128xf32, #tpu.memory_space<hbm>>
    %dma_wait3A_1012 = arith.constant 0 : i32
    %dma_wait3A_1013 = arith.constant 0 : i32
    %dma_wait3A_1014 = tpu.memref_slice %arg10[%dma_wait3A_1003, %dma_wait3A_1004, %dma_wait3A_1012, %dma_wait3A_1013] : memref<2x4x32x128xf32, #tpu.memory_space<vmem>> -> memref<1x1x32x128xf32, #tpu.memory_space<vmem>>
    %dma_wait3A_1015 = tpu.memref_squeeze %dma_wait3A_1014 : memref<1x1x32x128xf32, #tpu.memory_space<vmem>> -> memref<32x128xf32, #tpu.memory_space<vmem>>
    %dma_wait3A_1016 = arith.constant 0 : i32
    %dma_wait3A_1017 = arith.constant 0 : i32
    %dma_wait3A_1018 = tpu.memref_slice %arg3[%dma_wait3A_1016, %dma_wait3A_1017] : memref<32x1000000xf32, #tpu.memory_space<hbm>> -> memref<32x128xf32, #tpu.memory_space<hbm>>
    tpu.wait_dma2 semaphore(%arg16 : memref<!tpu.dma_semaphore, #tpu.memory_space<semaphore_mem>>) src(%dma_wait3A_1018 : memref<32x128xf32, #tpu.memory_space<hbm>>) dst(%dma_wait3A_1015 : memref<32x128xf32, #tpu.memory_space<vmem>>)
    %dma_wait3A_1019 = arith.constant 0 : i32
    %dma_wait3A_1020 = arith.constant 0 : i32
    %dma_wait3A_1021 = arith.constant 0 : i32
    %dma_wait3A_1022 = arith.constant 0 : i32
    %dma_wait3A_1023 = tpu.memref_slice %arg10[%dma_wait3A_1019, %dma_wait3A_1020, %dma_wait3A_1021, %dma_wait3A_1022] : memref<2x4x32x128xf32, #tpu.memory_space<vmem>> -> memref<1x1x32x128xf32, #tpu.memory_space<vmem>>
    %dma_wait3A_1024 = tpu.memref_squeeze %dma_wait3A_1023 : memref<1x1x32x128xf32, #tpu.memory_space<vmem>> -> memref<32x128xf32, #tpu.memory_space<vmem>>
    %dma_wait3A_1025 = arith.constant 0 : i32
    %dma_wait3A_1026 = arith.constant 0 : i32
    %dma_wait3A_1027 = tpu.memref_slice %arg3[%dma_wait3A_1025, %dma_wait3A_1026] : memref<32x1000000xf32, #tpu.memory_space<hbm>> -> memref<32x128xf32, #tpu.memory_space<hbm>>
    %dma_wait3A_1028 = arith.constant 0 : i32
    %dma_wait3A_1029 = arith.constant 0 : i32
    %dma_wait3A_1030 = tpu.memref_slice %arg10[%dma_wait3A_1019, %dma_wait3A_1020, %dma_wait3A_1028, %dma_wait3A_1029] : memref<2x4x32x128xf32, #tpu.memory_space<vmem>> -> memref<1x1x32x128xf32, #tpu.memory_space<vmem>>
    %dma_wait3A_1031 = tpu.memref_squeeze %dma_wait3A_1030 : memref<1x1x32x128xf32, #tpu.memory_space<vmem>> -> memref<32x128xf32, #tpu.memory_space<vmem>>
    %dma_wait3A_1032 = arith.constant 0 : i32
    %dma_wait3A_1033 = arith.constant 0 : i32
    %dma_wait3A_1034 = tpu.memref_slice %arg3[%dma_wait3A_1032, %dma_wait3A_1033] : memref<32x1000000xf32, #tpu.memory_space<hbm>> -> memref<32x128xf32, #tpu.memory_space<hbm>>
    tpu.wait_dma2 semaphore(%arg16 : memref<!tpu.dma_semaphore, #tpu.memory_space<semaphore_mem>>) src(%dma_wait3A_1034 : memref<32x128xf32, #tpu.memory_space<hbm>>) dst(%dma_wait3A_1031 : memref<32x128xf32, #tpu.memory_space<vmem>>)
    %dma_wait3A_1035 = arith.constant 0 : i32
    %dma_wait3A_1036 = arith.constant 0 : i32
    %dma_wait3A_1037 = arith.constant 0 : i32
    %dma_wait3A_1038 = arith.constant 0 : i32
    %dma_wait3A_1039 = tpu.memref_slice %arg10[%dma_wait3A_1035, %dma_wait3A_1036, %dma_wait3A_1037, %dma_wait3A_1038] : memref<2x4x32x128xf32, #tpu.memory_space<vmem>> -> memref<1x1x32x128xf32, #tpu.memory_space<vmem>>
    %dma_wait3A_1040 = tpu.memref_squeeze %dma_wait3A_1039 : memref<1x1x32x128xf32, #tpu.memory_space<vmem>> -> memref<32x128xf32, #tpu.memory_space<vmem>>
    %dma_wait3A_1041 = arith.constant 0 : i32
    %dma_wait3A_1042 = arith.constant 0 : i32
    %dma_wait3A_1043 = tpu.memref_slice %arg3[%dma_wait3A_1041, %dma_wait3A_1042] : memref<32x1000000xf32, #tpu.memory_space<hbm>> -> memref<32x128xf32, #tpu.memory_space<hbm>>
    %dma_wait3A_1044 = arith.constant 0 : i32
    %dma_wait3A_1045 = arith.constant 0 : i32
    %dma_wait3A_1046 = tpu.memref_slice %arg10[%dma_wait3A_1035, %dma_wait3A_1036, %dma_wait3A_1044, %dma_wait3A_1045] : memref<2x4x32x128xf32, #tpu.memory_space<vmem>> -> memref<1x1x32x128xf32, #tpu.memory_space<vmem>>
    %dma_wait3A_1047 = tpu.memref_squeeze %dma_wait3A_1046 : memref<1x1x32x128xf32, #tpu.memory_space<vmem>> -> memref<32x128xf32, #tpu.memory_space<vmem>>
    %dma_wait3A_1048 = arith.constant 0 : i32
    %dma_wait3A_1049 = arith.constant 0 : i32
    %dma_wait3A_1050 = tpu.memref_slice %arg3[%dma_wait3A_1048, %dma_wait3A_1049] : memref<32x1000000xf32, #tpu.memory_space<hbm>> -> memref<32x128xf32, #tpu.memory_space<hbm>>
    tpu.wait_dma2 semaphore(%arg16 : memref<!tpu.dma_semaphore, #tpu.memory_space<semaphore_mem>>) src(%dma_wait3A_1050 : memref<32x128xf32, #tpu.memory_space<hbm>>) dst(%dma_wait3A_1047 : memref<32x128xf32, #tpu.memory_space<vmem>>)
    "tpu.region"() ({
      %run_scoped3A_1051 = tpu.sem_alloc : memref<!tpu.dma_semaphore, #tpu.memory_space<semaphore_mem>>
      %dma_start3A_1052 = tpu.memref_slice %arg7[%mul3A_2] : memref<16384xf32, #tpu.memory_space<hbm>> -> memref<512xf32, #tpu.memory_space<hbm>>
      %dma_start3A_1053 = tpu.memref_slice %arg7[%mul3A_2] : memref<16384xf32, #tpu.memory_space<hbm>> -> memref<512xf32, #tpu.memory_space<hbm>>
      tpu.enqueue_dma source(%arg14 : memref<512xf32, #tpu.memory_space<vmem>>) target(%dma_start3A_1053 : memref<512xf32, #tpu.memory_space<hbm>>) target_semaphore(%run_scoped3A_1051 : memref<!tpu.dma_semaphore, #tpu.memory_space<semaphore_mem>>)
      %dma_wait3A_1054 = tpu.memref_slice %arg7[%mul3A_2] : memref<16384xf32, #tpu.memory_space<hbm>> -> memref<512xf32, #tpu.memory_space<hbm>>
      %dma_wait3A_1055 = tpu.memref_slice %arg7[%mul3A_2] : memref<16384xf32, #tpu.memory_space<hbm>> -> memref<512xf32, #tpu.memory_space<hbm>>
      tpu.wait_dma2 semaphore(%run_scoped3A_1051 : memref<!tpu.dma_semaphore, #tpu.memory_space<semaphore_mem>>) src(%arg14 : memref<512xf32, #tpu.memory_space<vmem>>) dst(%dma_wait3A_1055 : memref<512xf32, #tpu.memory_space<hbm>>)
      tpu.yield
    }) : () -> ()
    return
  }
}

</mosaic_0001>

<sc_bundles>
// kernel: kernel.3.cloned.1.call-start
scs
__scs_entry_jumppad:
0x0: {  	(pc) =	sbr.rel $0x88, $3  }
0x1: {  	(tag) =	ssettag $0x0;
	lr =	simm.s32 $0x1  }
0x2: {  	[smem:$0x3F9C] =	sst lr;
	_ =	strace $0xD0000000  }
0x3: {  	_ = 	snop  }
0x4: {  	_ = 	snop  }
0x5: {  	_ = 	snop  }
0x6: {  	_ = 	snop  }
0x7: {  	_ = 	snop  }
__scs_overlays_trampoline_lowered:
0x8: {  	[smem:$0x3FAB] =	sst s0  }
0x9: {  	[smem:$0x3FAC] =	sst s1  }
0xa: {  	[smem:$0x3FAD] =	sst s2  }
0xb: {  	[smem:$0x3FAE] =	sst s3  }
0xc: {  	[smem:$0x3FAF] =	sst s4  }
0xd: {  	[smem:$0x3FB0] =	sst s5  }
0xe: {  	[smem:$0x3FB1] =	sst s6  }
0xf: {  	[smem:$0x3FB2] =	sst s7  }
0x10: {  	[smem:$0x3FB3] =	sst s8  }
0x11: {  	[smem:$0x3FB4] =	sst s9;
	s0 =	simm.s32 @!p0 $0x0  }
0x12: {  	s1 =	sld [smem:$0x3F9A];
	s0 =	simm.s32 @p0 $0x1  }
0x13: {  	[smem:$0x3FB5] =	sst s0;
	s0 =	simm.s32 @!p1 $0x0  }
0x14: {  	s2 =	sld [smem:$0x3F99];
	s0 =	simm.s32 @p1 $0x1  }
0x15: {  	[smem:$0x3FB6] =	sst s0;
	s0 =	simm.s32 @!p2 $0x0  }
0x16: {  	s3 =	sld [smem:$0x3FDB];
	s0 =	simm.s32 @p2 $0x1  }
0x17: {  	s4 =	simm.s32 $0x1BF5;
	[smem:$0x3FB8] =	sst s0  }
0x18: {  	s0 =	sld [smem:$0x3F9B];
	_ =	swait.ge [sflag:s4], $0x0  }
0x19: {  	s7 =	sld [smem:$0x3F9C]  }
0x1a: {  	s8 =	sadd.s32 $0xFFFFE003, lr  }
0x1b: {  	s9 =	sadd.s32 $0xFFFFFEF7, lr;
	s5 =	simm.s32 $0xFFFFFFFF;
	p2 =	slt.u32 s8, $0xFFFFF086  }
0x1c: {  	p1 =	slt.u32 s9, $0xF7A;
	s5 =	simm.s32 @!p2 $0x0  }
0x1d: {  	s5 =	simm.s32 @p1 $0x1;
	p0 =	seq.s32 s7, s2  }
0x1e: {  	s7 =	smul.u32 @!p0 $0xF7A, s2;
	p2 =	seq.s32 @!p0 s5, $0x0  }
0x1f: {  	s9 =	smul.u32 $0xF7A, s1;
	s8 =	simm.s32 @!p0 $0x1BF5;
	p2 =	por !p2, p0  }
0x20: {  	[sflag:s8] =	ssyncset.s32 @!p0 $0xFFFFF086;
	s6 =	sadd.s32 @!p0 s3, s7;
	s7 =	simm.s32 @!p0 $0x108  }
0x21: {  	s3 =	sadd.s32 s3, s9;
	s6 =	sadd.s32 @!p0 $0x88, s6;
	s7 =	simm.s32 @p2 $0x1082  }
0x22: {  	[simem:s7], [sflag:s8] =	dma.local @!p0 [hbm:s6], $0xF7A  }
0x23: {  	s9 =	sor.u32 $0xD0000000, s2;
	s6 =	simm.s32 $0x108;
	_ =	swait.ge @!p0 [sflag:s8], $0x0  }
0x24: {  	s3 =	sadd.s32 $0x88, s3;
	s6 =	simm.s32 @!p1 $0x1082;
	[sflag:s4] =	ssyncset.s32 $0xFFFFF086  }
0x25: {  	[simem:s6], [sflag:s4] =	dma.local [hbm:s3], $0xF7A  }
0x26: {  	[smem:$0x3F9C] =	sst s1;
	(tag) =	ssettag s2;
	_ =	strace s9  }
0x27: {  	s1 =	sld [smem:$0x3FAC]  }
0x28: {  	s2 =	sld [smem:$0x3FAD]  }
0x29: {  	s4 =	sld [smem:$0x3FAF]  }
0x2a: {  	p0 =	seq.s32 s5, $0x0;
	s5 =	sld [smem:$0x3FB0]  }
0x2b: {  	s6 =	sld [smem:$0x3FB1]  }
0x2c: {  	s7 =	sld [smem:$0x3FB2]  }
0x2d: {  	s3 =	simm.s32 $0x108;
	s8 =	sld [smem:$0x3FB3]  }
0x2e: {  	s3 =	simm.s32 @!p0 $0x1082;
	s9 =	sld [smem:$0x3FB4]  }
0x2f: {  	lr =	sadd.s32 s0, s3;
	s0 =	sld [smem:$0x3FAB]  }
0x30: {  	s3 =	sld [smem:$0x3FAE]  }
0x31: {  	[smem:$0x3FB7] =	sst s10  }
0x32: {  	s10 =	sld [smem:$0x3FB5];
	_ =	sdelay $0x3  }
0x33: {  	p0 =	seq.s32 s10, $0x1;
	s10 =	sld [smem:$0x3FB7];
	_ =	sdelay $0x3  }
0x34: {  	[smem:$0x3FB7] =	sst s10  }
0x35: {  	s10 =	sld [smem:$0x3FB6];
	_ =	sdelay $0x3  }
0x36: {  	p1 =	seq.s32 s10, $0x1;
	s10 =	sld [smem:$0x3FB7];
	_ =	sdelay $0x3  }
0x37: {  	[smem:$0x3FB7] =	sst s10  }
0x38: {  	s10 =	sld [smem:$0x3FB8]  }
0x39: {  	_ = 	snop;
	(pc) =	sbr.ind lr, $3  }
0x3a: {  	_ = 	snop  }
0x3b: {  	_ = 	snop  }
0x3c: {  	p2 =	seq.s32 s10, $0x1;
	s10 =	sld [smem:$0x3FB7]  }
0x3d: {  	_ =	shalt  }
0x3e: {  	_ =	shalt  }
0x3f: {  	_ =	shalt  }
0x40: {  	_ =	shalt  }
0x41: {  	_ =	shalt  }
0x42: {  	_ =	shalt  }
0x43: {  	_ =	shalt  }
0x44: {  	_ =	shalt  }
0x45: {  	_ =	shalt  }
0x46: {  	_ =	shalt  }
0x47: {  	_ =	shalt  }
0x48: {  	_ =	shalt  }
0x49: {  	_ =	shalt  }
0x4a: {  	_ =	shalt  }
0x4b: {  	_ =	shalt  }
0x4c: {  	_ =	shalt  }
0x4d: {  	_ =	shalt  }
0x4e: {  	_ =	shalt  }
0x4f: {  	_ =	shalt  }
0x50: {  	_ =	shalt  }
0x51: {  	_ =	shalt  }
0x52: {  	_ =	shalt  }
0x53: {  	_ =	shalt  }
0x54: {  	_ =	shalt  }
0x55: {  	_ =	shalt  }
0x56: {  	_ =	shalt  }
0x57: {  	_ =	shalt  }
0x58: {  	_ =	shalt  }
0x59: {  	_ =	shalt  }
0x5a: {  	_ =	shalt  }
0x5b: {  	_ =	shalt  }
0x5c: {  	_ =	shalt  }
0x5d: {  	_ =	shalt  }
0x5e: {  	_ =	shalt  }
0x5f: {  	_ =	shalt  }
0x60: {  	_ =	shalt  }
0x61: {  	_ =	shalt  }
0x62: {  	_ =	shalt  }
0x63: {  	_ =	shalt  }
0x64: {  	_ =	shalt  }
0x65: {  	_ =	shalt  }
0x66: {  	_ =	shalt  }
0x67: {  	_ =	shalt  }
0x68: {  	_ =	shalt  }
0x69: {  	_ =	shalt  }
0x6a: {  	_ =	shalt  }
0x6b: {  	_ =	shalt  }
0x6c: {  	_ =	shalt  }
0x6d: {  	_ =	shalt  }
0x6e: {  	_ =	shalt  }
0x6f: {  	_ =	shalt  }
0x70: {  	_ =	shalt  }
0x71: {  	_ =	shalt  }
0x72: {  	_ =	shalt  }
0x73: {  	_ =	shalt  }
0x74: {  	_ =	shalt  }
0x75: {  	_ =	shalt  }
0x76: {  	_ =	shalt  }
0x77: {  	_ =	shalt  }
0x78: {  	_ =	shalt  }
0x79: {  	_ =	shalt  }
0x7a: {  	_ =	shalt  }
0x7b: {  	_ =	shalt  }
0x7c: {  	_ =	shalt  }
0x7d: {  	_ =	shalt  }
0x7e: {  	_ =	shalt  }
0x7f: {  	_ =	shalt  }
0x80: {  	_ =	shalt  }
0x81: {  	_ =	shalt  }
0x82: {  	_ =	shalt  }
0x83: {  	_ =	shalt  }
0x84: {  	_ =	shalt  }
0x85: {  	_ =	shalt  }
0x86: {  	_ =	shalt  }
0x87: {  	_ =	shalt  }
.Lfunc_end0:
.L_simem_size_0:
called_computation_lowered:
.L_overlay_start_0:
0x88: {  	s2 =	sld [smem:$0x3FD9]  }
0x89: {  	s3 =	sld [smem:$0x3FFE];
	_ =	sdelay $0x1  }
0x8a: {  	s1 =	srdreg.scid  }
0x8b: {  	s0 =	sand.u32 $0x1, s1  }
0x8c: {  	s17 =	sshll.u32 s0, $0xA;
	s2 =	sadd.s32 s3, s2  }
0x8d: {  	s2 =	sadd.s32 s2, s17  }
0x8e: {  	[smem:$0x3FC3] =	sst s2  }
0x8f: {  	_ = 	snop  }
0x90: {  	s2 =	sld [smem:$0x3FC9]  }
0x91: {  	s18 =	sld [smem:$0x3FC8]  }
0x92: {  	s4 =	sld [smem:$0x3FC7]  }
0x93: {  	s5 =	sld [smem:$0x3FD0];
	(tm) =	ssettm $0x1  }
0x94: {  	s6 =	sld [smem:$0x3FFB];
	_ =	sdelay $0x3  }
0x95: {  	_ =	strace s6  }
0x96: {  	s6 =	sld [smem:$0x3FFC];
	_ =	sdelay $0x3  }
0x97: {  	_ =	strace s6  }
0x98: {  	s6 =	sld [smem:$0x3FFD];
	_ =	sdelay $0x3  }
0x99: {  	_ =	strace s6  }
0x9a: {  	_ =	strace $0x8FFFFFFF  }
0x9b: {  	s19 =	sld [smem:$0x3FDB];
	_ =	sdelay $0x1  }
0x9c: {  	s7 =	simm.s32 $_scs_section_size  }
0x9d: {  	s8 =	simm.s32 $_size__tile_overlayer_lowered;
	s9 =	simm.s32 $_tile_overlayer_lowered  }
0x9e: {  	s22 =	simm.s32 $0x1BFF;
	s21 =	sshll.u32 s9, $0x1;
	s6 =	sadd.s32 s7, s19  }
0x9f: {  	s10 =	simm.s32 $0x0;
	s20 =	sshll.u32 s8, $0x1;
	s8 =	sadd.s32 s21, s6  }
0xa0: {  	[timem:s10], [sflag:s22] =	dma.local [hbm:s8], s20  }
0xa1: {  	_ =	swait.ge [sflag:s22], s20  }
0xa2: {  	s7 =	ssub.s32 $0x0, s20;
	[sflag:s22] =	ssyncset.done $0x0  }
0xa3: {  	[sflag:s22] =	ssyncadd.s32 s7;
	_ =	sdelay $0x1  }
0xa4: {  	s23 =	simm.s32 $0x1B8B  }
0xa5: {  	_ =	swait.ge [sflag:s23], $0x1  }
0xa6: {  	[sflag:s23] =	ssyncset.done $0x0  }
0xa7: {  	s25 =	simm.s32 $0x1B8E;
	s24 =	sld [smem:$0x3FFE];
	[sflag:s23] =	ssyncadd.s32 $0xFFFFFFFF  }
0xa8: {  	s26 =	simm.s32 $execute0_lowered;
	[smem:$0x3FD2] =	sst s25  }
0xa9: {  	s8 =	sshll.u32 s26, $0x1;
	_ =	strace $0x80000046;
	[dreg:$0x1] =	wrdreg $0xFFFFFFFF  }
0xaa: {  	s28 =	simm.s32 $_size_execute0_lowered;
	s6 =	sadd.s32 s6, s8;
	[dreg:$0x0] =	wrdreg $0x0  }
0xab: {  	s8 =	sshll.u32 s28, $0x1;
	[dreg:$0x2] =	wrdreg s6  }
0xac: {  	[dreg:$0x3] =	wrdreg s8  }
0xad: {  	[dreg:$0x4] =	wrdreg $0xC0  }
0xae: {  	_ =	task [dreg:s10], $0x5FFFF  }
0xaf: {  	[dreg:$0x1] =	wrdreg $0xFFFFFFFF  }
0xb0: {  	[dreg:$0x0] =	wrdreg $0x60  }
0xb1: {  	[dreg:$0x2] =	wrdreg s2  }
0xb2: {  	[dreg:$0x3] =	wrdreg s18  }
0xb3: {  	[dreg:$0x4] =	wrdreg s4  }
0xb4: {  	[dreg:$0x5] =	wrdreg s24  }
0xb5: {  	[dreg:$0x6] =	wrdreg s5  }
0xb6: {  	[dreg:$0x7] =	wrdreg $0x9  }
0xb7: {  	_ =	task.clear_ibuf [dreg:s10], $0x8FFFF;
	_ =	strace $0x90000046  }
0xb8: {  	s29 =	simm.s32 $0x9;
	_ =	strace $0x80000048  }
0xb9: {  	_ =	swait.ge [sflag:s29], $0x1  }
0xba: {  	[sflag:s29] =	ssyncadd.s32 $0xFFFFFFFF  }
0xbb: {  	_ =	strace $0x90000048  }
0xbc: {  	_ =	sfence  }
0xbd: {  	s30 =	sld [smem:$0x0];
	_ =	sdelay $0x2  }
0xbe: {  	s31 =	sshll.u32 s1, $0xD;
	s1 =	sshrl.u32 s1, $0x2  }
0xbf: {  	s3 =	sand.u32 $0x4000, s31;
	s1 =	sadd.s32 s1, s30  }
0xc0: {  	s0 =	sor.u32 s3, s0;
	s1 =	sshll.u32 s1, $0x11  }
0xc1: {  	s0 =	sor.u32 s1, s0  }
0xc2: {  	s0 =	sadd.s32 $0x8F2B, s0  }
0xc3: {  	[sflag:s0] =	ssyncadd.remote.s32 $0x1  }
0xc4: {  	_ =	sfence.sel $0xFFFF  }
0xc5: {  	[dreg:$0x0] =	wrdreg $0xFFFFFFFF;
	(pc) =	sbr.abs _section_cstart, $3  }
0xc6: {  	[dreg:$0x1] =	wrdreg $0xFFFFFFFF  }
0xc7: {  	_ =	task.clear_ibuf [dreg:s10], $0x2FFFF;
	_ =	strace $0x9FFFFFFF  }
0xc8: {  	(tm) =	ssettm $0x7FFFFFFF  }
0xc9: {  	_ =	shalt  }
tec
execute0_lowered:
.L_overlay_start_1:
0x0: {  	(tag) =	ssettag $0x1  }
0x1: {  	s0 =	rddreg [dreg:$0x0]  }
0x2: {  	s1 =	rddreg [dreg:$0x1]  }
0x3: {  	s2 =	rddreg [dreg:$0x2]  }
0x4: {  	s7 =	rddreg [dreg:$0x3]  }
0x5: {  	s3 =	rddreg [dreg:$0x4];
	s4 =	srdreg.scid  }
0x6: {  	s8 =	simm.s32 $0x0;
	s5 =	stileid.u32;
	s9 =	simm.s32 $0x3  }
0x7: {  	s10 =	simm.s32 $0x280;
	s16 =	simm.s32 $0x400;
	s18 =	simm.s32 $0x7A1400  }
0x8: {  	s13 =	simm.s32 $0x500;
	s14 =	simm.s32 $0x8500;
	s17 =	simm.s32 $0x1500  }
0x9: {  	s19 =	simm.s32 $0x9500;
	s11 =	simm.s32 $0xE500;
	s28 =	simm.s32 $0xF500  }
0xa: {  	s12 =	simm.s32 $0x2;
	s30 =	simm.s32 $0x9500;
	s31 =	simm.s32 $0x2500  }
0xb: {  	s29 =	simm.s32 $0x7500;
	s4 =	sand.u32 $0x1, s4;
	[smem:$0x7FF] =	sst s8  }
0xc: {  	s5 =	sshll.u32 s5, $0xA;
	s20 =	sadd.s32 $0x1EA00, s7;
	s6 =	sshll.u32 s4, $0x9  }
0xd: {  	_ =	strace $0x80000047;
	s4 =	ssub.s32 $0x2, s4;
	[dreg:$0x6] =	wrdreg s20  }
0xe: {  	v0 =	vlaneseq.u32;
	vm0 =	vmmov $0x1;
	vm2 =	vcmask $0xF0C;
	s20 =	simm.s32 $0x2500;
	s5 =	sor.u32 s6, s5;
	s21 =	sshrl.u32 s4, $0x1  }
0xf: {  	vm3 =	vcmask $0x714;
	vm4 =	vcmask $0xF18;
	vm5 =	vcmask $0x131C;
	s6 =	simm.s32 $0x0;
	s22 =	sshrl.u32 s5, $0x2;
	s4 =	ssub.s32 s4, s21  }
0x10: {  	vm6 =	vcmask $0x1F1C;
	vm7 =	vcmask $0x1724;
	vm8 =	vcmask $0x1F28;
	s24 =	sshrl.u32 s5, $0x3;
	s21 =	simm.s32 $0xA500;
	s23 =	sadd.s32 s0, s22  }
0x11: {  	vm9 =	vcmask $0x232C;
	vm10 =	vcmask $0x2F2C;
	vm11 =	vcmask $0x2734;
	s0 =	sadd.s32 s3, s24;
	s26 =	smax.u32 s4, $0x1;
	s22 =	simm.s32 $0x3500  }
0x12: {  	vm12 =	vcmask $0x2F38;
	vm13 =	vcmask $0x333C;
	vm14 =	vmmov $0x3fff;
	s24 =	simm.s32 $0x4500;
	s4 =	simm.s32 $0xD500;
	[dreg:$0x7] =	wrdreg s23  }
0x13: {  	vm15 =	vmmov $0x7fff;
	v0 =	vmul.u32 $0x80, v0;
	vm2 =	vmor vm3, vm2;
	s3 =	simm.s32 $0x6500;
	s25 =	sadd.s32 $0x10, s23;
	[dreg:$0x9] =	wrdreg s0  }
0x14: {  	vm3 =	vcmask $0xB14;
	vm6 =	vmor vm7, vm6;
	vm7 =	vcmask $0x1B24;
	[dreg:$0xa] =	wrdreg s26;
	s23 =	simm.s32 $0xB500;
	s0 =	simm.s32 $0x5500  }
0x15: {  	vm10 =	vmor vm11, vm10;
	vm11 =	vcmask $0x2B34;
	v1 =	vor.u32 $0x800, v0;
	s26 =	simm.s32 $0x7500;
	[dreg:$0x8] =	wrdreg s25;
	s25 =	simm.s32 $0xC500  }
.LBB2_1:
0x16: {  	[dreg:$0xb] =	wrdreg s6  }
0x17: {  	s5 =	rddreg [dreg:$0x7];
	s6 =	simm.s32 $0x80;
	s7 =	simm.s32 $0x100  }
0x18: {  	[tilespmem:s8], [sflag:$0x3] =	stream.strided.gather [hbm4b:s5+s6], $0x200, s7, s6, $0x38;
	[tilespmem:$0x10B00] =	vst v63  }
0x19: {  	_ =	swait.ge [sflag:s9], $0x200  }
0x1a: {  	[sflag:s9] =	ssyncset.done $0x0  }
0x1b: {  	s15 =	rddreg [dreg:$0x8];
	[sflag:s9] =	ssyncadd.s32 $0xFFFFFE00  }
0x1c: {  	[tilespmem:s10], [sflag:$0x3] =	stream.strided.gather [hbm4b:s15+s6], $0x200, s7, s6, $0x38;
	[tilespmem:$0x10B00] =	vst v63  }
0x1d: {  	_ =	swait.ge [sflag:s9], $0x200  }
0x1e: {  	[sflag:s9] =	ssyncset.done $0x0  }
0x1f: {  	s5 =	simm.s32 $0x20;
	[sflag:s9] =	ssyncadd.s32 $0xFFFFFE00  }
0x20: {  	v2 =	vld [tilespmem:s5+$0xFFFFFFE0];
	_ =	sdelay $0x4  }
0x21: {  	v3 =	vadd.s32 $0xFFFFFFFF, v2  }
0x22: {  	v2 =	vadd.s32 $0xF423F, v2;
	vm1 =	vlt.s32 v3, $0x0  }
0x23: {  	v2 =	vsel vm1, v2, v3  }
0x24: {  	s6 =	simm.s32 $0x2A0;
	[tilespmem:s5+$0xFFFFFFE0] =	vst v2  }
0x25: {  	v2 =	vld [tilespmem:s6+$0xFFFFFFE0];
	_ =	sdelay $0x4  }
0x26: {  	v3 =	vadd.s32 $0xFFFFFFFF, v2  }
0x27: {  	v2 =	vadd.s32 $0xF423F, v2;
	vm1 =	vlt.s32 v3, $0x0  }
0x28: {  	v2 =	vsel vm1, v2, v3  }
0x29: {  	[tilespmem:s6+$0xFFFFFFE0] =	vst v2  }
0x2a: {  	v2 =	vld [tilespmem:s5+$0xFFFFFFF0];
	_ =	sdelay $0x4  }
0x2b: {  	v3 =	vadd.s32 $0xFFFFFFFF, v2  }
0x2c: {  	v2 =	vadd.s32 $0xF423F, v2;
	vm1 =	vlt.s32 v3, $0x0  }
0x2d: {  	v2 =	vsel vm1, v2, v3  }
0x2e: {  	[tilespmem:s5+$0xFFFFFFF0] =	vst v2  }
0x2f: {  	v2 =	vld [tilespmem:s6+$0xFFFFFFF0];
	_ =	sdelay $0x4  }
0x30: {  	v3 =	vadd.s32 $0xFFFFFFFF, v2  }
0x31: {  	v2 =	vadd.s32 $0xF423F, v2;
	vm1 =	vlt.s32 v3, $0x0  }
0x32: {  	v2 =	vsel vm1, v2, v3  }
0x33: {  	[tilespmem:s6+$0xFFFFFFF0] =	vst v2  }
0x34: {  	v2 =	vld [tilespmem:s5+$0x0];
	_ =	sdelay $0x4  }
0x35: {  	v3 =	vadd.s32 $0xFFFFFFFF, v2  }
0x36: {  	v2 =	vadd.s32 $0xF423F, v2;
	vm1 =	vlt.s32 v3, $0x0  }
0x37: {  	v2 =	vsel vm1, v2, v3  }
0x38: {  	[tilespmem:s5+$0x0] =	vst v2  }
0x39: {  	v2 =	vld [tilespmem:s6+$0x0];
	_ =	sdelay $0x4  }
0x3a: {  	v3 =	vadd.s32 $0xFFFFFFFF, v2  }
0x3b: {  	v2 =	vadd.s32 $0xF423F, v2;
	vm1 =	vlt.s32 v3, $0x0  }
0x3c: {  	v2 =	vsel vm1, v2, v3  }
0x3d: {  	[tilespmem:s6+$0x0] =	vst v2  }
0x3e: {  	v2 =	vld [tilespmem:s5+$0x10];
	_ =	sdelay $0x4  }
0x3f: {  	v3 =	vadd.s32 $0xFFFFFFFF, v2  }
0x40: {  	v2 =	vadd.s32 $0xF423F, v2;
	vm1 =	vlt.s32 v3, $0x0  }
0x41: {  	v2 =	vsel vm1, v2, v3  }
0x42: {  	[tilespmem:s5+$0x10] =	vst v2  }
0x43: {  	v2 =	vld [tilespmem:s6+$0x10];
	_ =	sdelay $0x4  }
0x44: {  	v3 =	vadd.s32 $0xFFFFFFFF, v2  }
0x45: {  	v2 =	vadd.s32 $0xF423F, v2;
	vm1 =	vlt.s32 v3, $0x0  }
0x46: {  	s8 =	simm.s32 $0x0;
	v2 =	vsel vm1, v2, v3  }
.LBB2_2:
0x47: {  	s8 =	sadd.s32 $0x4, s8;
	[tilespmem:s6+$0x10] =	vst v2;
	s6 =	sadd.s32 $0x40, s6;
	s5 =	sadd.s32 $0x40, s5  }
0x48: {  	v2 =	vld [tilespmem:s5+$0xFFFFFFE0];
	p0 =	slt.u32 s8, $0x1C;
	_ =	sdelay $0x4  }
0x49: {  	v3 =	vadd.s32 $0xFFFFFFFF, v2  }
0x4a: {  	v2 =	vadd.s32 $0xF423F, v2;
	vm1 =	vlt.s32 v3, $0x0  }
0x4b: {  	v2 =	vsel vm1, v2, v3  }
0x4c: {  	[tilespmem:s5+$0xFFFFFFE0] =	vst v2  }
0x4d: {  	v2 =	vld [tilespmem:s6+$0xFFFFFFE0];
	_ =	sdelay $0x4  }
0x4e: {  	v3 =	vadd.s32 $0xFFFFFFFF, v2  }
0x4f: {  	v2 =	vadd.s32 $0xF423F, v2;
	vm1 =	vlt.s32 v3, $0x0  }
0x50: {  	v2 =	vsel vm1, v2, v3  }
0x51: {  	[tilespmem:s6+$0xFFFFFFE0] =	vst v2  }
0x52: {  	v2 =	vld [tilespmem:s5+$0xFFFFFFF0];
	_ =	sdelay $0x4  }
0x53: {  	v3 =	vadd.s32 $0xFFFFFFFF, v2  }
0x54: {  	v2 =	vadd.s32 $0xF423F, v2;
	vm1 =	vlt.s32 v3, $0x0  }
0x55: {  	v2 =	vsel vm1, v2, v3  }
0x56: {  	[tilespmem:s5+$0xFFFFFFF0] =	vst v2  }
0x57: {  	v2 =	vld [tilespmem:s6+$0xFFFFFFF0];
	_ =	sdelay $0x4  }
0x58: {  	v3 =	vadd.s32 $0xFFFFFFFF, v2  }
0x59: {  	v2 =	vadd.s32 $0xF423F, v2;
	vm1 =	vlt.s32 v3, $0x0  }
0x5a: {  	v2 =	vsel vm1, v2, v3  }
0x5b: {  	[tilespmem:s6+$0xFFFFFFF0] =	vst v2  }
0x5c: {  	v2 =	vld [tilespmem:s5+$0x0];
	_ =	sdelay $0x4  }
0x5d: {  	v3 =	vadd.s32 $0xFFFFFFFF, v2  }
0x5e: {  	v2 =	vadd.s32 $0xF423F, v2;
	vm1 =	vlt.s32 v3, $0x0  }
0x5f: {  	v2 =	vsel vm1, v2, v3  }
0x60: {  	[tilespmem:s5+$0x0] =	vst v2  }
0x61: {  	v2 =	vld [tilespmem:s6+$0x0];
	_ =	sdelay $0x4  }
0x62: {  	v3 =	vadd.s32 $0xFFFFFFFF, v2  }
0x63: {  	v2 =	vadd.s32 $0xF423F, v2;
	vm1 =	vlt.s32 v3, $0x0  }
0x64: {  	v2 =	vsel vm1, v2, v3  }
0x65: {  	[tilespmem:s6+$0x0] =	vst v2  }
0x66: {  	v2 =	vld [tilespmem:s5+$0x10];
	_ =	sdelay $0x4  }
0x67: {  	v3 =	vadd.s32 $0xFFFFFFFF, v2  }
0x68: {  	v2 =	vadd.s32 $0xF423F, v2;
	vm1 =	vlt.s32 v3, $0x0  }
0x69: {  	v2 =	vsel vm1, v2, v3  }
0x6a: {  	[tilespmem:s5+$0x10] =	vst v2  }
0x6b: {  	v2 =	vld [tilespmem:s6+$0x10];
	_ =	sdelay $0x2  }
.Ltmp0:
0x6c: {  	(pc) =	sbr.rel @p0 .LBB2_2-.Ltmp0, $4  }
0x6d: {  	_ = 	snop  }
0x6e: {  	v3 =	vadd.s32 $0xFFFFFFFF, v2  }
0x6f: {  	v2 =	vadd.s32 $0xF423F, v2;
	vm1 =	vlt.s32 v3, $0x0  }
0x70: {  	v2 =	vsel vm1, v2, v3  }
0x71: {  	s15 =	simm.s32 $0x0  }
0x72: {  	[tilespmem:s6+$0x10] =	vst v2;
	s5 =	simm.s32 $0x10500;
	s7 =	rddreg [dreg:$0x3];
	s8 =	simm.s32 $0x200  }
0x73: {  	[tilespmem:s5], [sflag:$0x1] =	stream.indirect.gather [hbm4b:s7+s8], $0x1, s15, s8, $0xb8;
	[tilespmem:$0x10B00] =	vst v63  }
0x74: {  	s6 =	simm.s32 $0x10700;
	s9 =	simm.s32 $0x1;
	s7 =	rddreg [dreg:$0x6]  }
0x75: {  	[tilespmem:s6], [sflag:$0x1] =	stream.indirect.gather [hbm4b:s7+s8], $0x1, s10, s8, $0xb8;
	[tilespmem:$0x10B00] =	vst v63  }
0x76: {  	_ =	swait.ge [sflag:s9], $0x200  }
0x77: {  	[sflag:s9] =	ssyncset.done $0x0  }
0x78: {  	[sflag:s9] =	ssyncadd.s32 $0xFFFFFE00  }
0x79: {  	_ =	swait.ge [sflag:s9], $0x200  }
0x7a: {  	[sflag:s9] =	ssyncset.done $0x0  }
0x7b: {  	[sflag:s9] =	ssyncadd.s32 $0xFFFFFE00  }
0x7c: {  	v2 =	vld [tilespmem:$0x280];
	_ =	sdelay $0x1  }
0x7d: {  	v3 =	vld [tilespmem:$0x0];
	_ =	sdelay $0x2  }
0x7e: {  	(v2sf) =	vpush v2, $0x0;
	_ =	sdelay $0x1  }
0x7f: {  	(v2sf) =	vpush v3, $0x0;
	_ =	sdelay $0xc  }
0x80: {  	s8 =	spop (v2sf)  }
0x81: {  	s9 =	sand.u32 $0x7F, s8  }
0x82: {  	s10 =	spop (v2sf);
	s7 =	sshra.s32 s8, $0x1F;
	p6 =	slt.s32 s8, $0x1  }
0x83: {  	p0 =	sne.s32 s9, $0x0;
	s9 =	sand.u32 $0x7F, s10;
	p2 =	slt.s32 s10, $0x1  }
0x84: {  	s7 =	sshrl.u32 s7, $0x19;
	p1 =	sne.s32 s9, $0x0;
	s9 =	sshra.s32 s10, $0x1F  }
0x85: {  	s7 =	sadd.s32 s7, s8;
	s9 =	sshrl.u32 s9, $0x19;
	p1 =	por !p2, !p1  }
0x86: {  	s9 =	sadd.s32 s9, s10;
	p1 =	por !p1, !p1;
	s10 =	simm.s32 $0x1  }
0x87: {  	p0 =	por !p6, !p0;
	s9 =	sshrl.u32 s9, $0x7;
	s10 =	simm.s32 @!p1 $0x0  }
0x88: {  	p0 =	por !p0, !p0;
	s10 =	ssub.s32 s9, s10;
	s9 =	simm.s32 $0x1  }
0x89: {  	s7 =	sshrl.u32 s7, $0x7;
	s8 =	sshll.u32 s10, $0x7;
	s9 =	simm.s32 @!p0 $0x0  }
0x8a: {  	s8 =	sand.u32 $0x1FFFFF80, s8;
	s7 =	ssub.s32 s7, s9  }
0x8b: {  	s8 =	sadd.s32 s1, s8;
	s7 =	sshll.u32 s7, $0x7  }
0x8c: {  	[tilespmem:s13], [sflag:$0x2] =	stream.strided.gather [hbm4b:s8+s16], $0x1000, s18, s16, $0x38;
	[tilespmem:$0x10B00] =	vst v63  }
0x8d: {  	s7 =	sand.u32 $0x1FFFFF80, s7  }
0x8e: {  	s7 =	sadd.s32 s2, s7  }
0x8f: {  	[tilespmem:s14], [sflag:$0x2] =	stream.strided.gather [hbm4b:s7+s16], $0x1000, s18, s16, $0x38;
	[tilespmem:$0x10B00] =	vst v63  }
0x90: {  	v2 =	vld [tilespmem:$0x281];
	_ =	sdelay $0x1  }
0x91: {  	v3 =	vld [tilespmem:$0x1];
	_ =	sdelay $0x2  }
0x92: {  	(v2sf) =	vpush v2, $0x0;
	_ =	sdelay $0x1  }
0x93: {  	(v2sf) =	vpush v3, $0x0;
	_ =	sdelay $0xc  }
0x94: {  	s7 =	spop (v2sf)  }
0x95: {  	s14 =	sand.u32 $0x7F, s7  }
0x96: {  	s9 =	spop (v2sf);
	s10 =	sshra.s32 s7, $0x1F;
	p6 =	slt.s32 s7, $0x1  }
0x97: {  	p3 =	sne.s32 s14, $0x0;
	s13 =	sand.u32 $0x7F, s9;
	s14 =	sshra.s32 s9, $0x1F  }
0x98: {  	p5 =	slt.s32 s9, $0x1;
	s10 =	sshrl.u32 s10, $0x19;
	p4 =	sne.s32 s13, $0x0  }
0x99: {  	s8 =	sshrl.u32 s14, $0x19;
	s7 =	sadd.s32 s10, s7;
	p1 =	por !p5, !p4  }
0x9a: {  	s8 =	sadd.s32 s8, s9;
	s9 =	simm.s32 $0x1;
	p1 =	por !p1, !p1  }
0x9b: {  	p0 =	por !p6, !p3;
	s8 =	sshrl.u32 s8, $0x7;
	s9 =	simm.s32 @!p1 $0x0  }
0x9c: {  	p0 =	por !p0, !p0;
	s8 =	ssub.s32 s8, s9;
	s9 =	simm.s32 $0x1  }
0x9d: {  	s7 =	sshrl.u32 s7, $0x7;
	s8 =	sshll.u32 s8, $0x7;
	s9 =	simm.s32 @!p0 $0x0  }
0x9e: {  	s8 =	sand.u32 $0x1FFFFF80, s8;
	s7 =	ssub.s32 s7, s9  }
0x9f: {  	s8 =	sadd.s32 s1, s8;
	s7 =	sshll.u32 s7, $0x7  }
0xa0: {  	[tilespmem:s17], [sflag:$0x2] =	stream.strided.gather [hbm4b:s8+s16], $0x1000, s18, s16, $0x38;
	[tilespmem:$0x10B00] =	vst v63  }
0xa1: {  	s7 =	sand.u32 $0x1FFFFF80, s7  }
0xa2: {  	s7 =	sadd.s32 s2, s7  }
0xa3: {  	[tilespmem:s19], [sflag:$0x2] =	stream.strided.gather [hbm4b:s7+s16], $0x1000, s18, s16, $0x38;
	[tilespmem:$0x10B00] =	vst v63  }
0xa4: {  	v2 =	vld [tilespmem:$0x282]  }
0xa5: {  	v3 =	vld [tilespmem:$0x2];
	_ =	sdelay $0x3  }
0xa6: {  	(v2sf) =	vpush v2, $0x0  }
0xa7: {  	(v2sf) =	vpush v3, $0x0;
	_ =	sdelay $0xd  }
0xa8: {  	s9 =	simm.s32 $0x1;
	s7 =	spop (v2sf)  }
0xa9: {  	s10 =	sand.u32 $0x7F, s7;
	s13 =	spop (v2sf);
	s14 =	sshra.s32 s7, $0x1F  }
0xaa: {  	p6 =	slt.s32 s7, $0x1;
	p3 =	sne.s32 s10, $0x0;
	s17 =	sand.u32 $0x7F, s13  }
0xab: {  	s19 =	sshra.s32 s13, $0x1F;
	p5 =	slt.s32 s13, $0x1;
	p4 =	sne.s32 s17, $0x0  }
0xac: {  	s10 =	sshrl.u32 s14, $0x19;
	s8 =	sshrl.u32 s19, $0x19;
	p1 =	por !p5, !p4  }
0xad: {  	s7 =	sadd.s32 s10, s7;
	s8 =	sadd.s32 s8, s13;
	p1 =	por !p1, !p1  }
0xae: {  	p0 =	por !p6, !p3;
	s8 =	sshrl.u32 s8, $0x7;
	s9 =	simm.s32 @!p1 $0x0  }
0xaf: {  	p0 =	por !p0, !p0;
	s8 =	ssub.s32 s8, s9;
	s9 =	simm.s32 $0x1  }
0xb0: {  	s7 =	sshrl.u32 s7, $0x7;
	s8 =	sshll.u32 s8, $0x7;
	s9 =	simm.s32 @!p0 $0x0  }
0xb1: {  	s8 =	sand.u32 $0x1FFFFF80, s8;
	s7 =	ssub.s32 s7, s9  }
0xb2: {  	s8 =	sadd.s32 s1, s8;
	s7 =	sshll.u32 s7, $0x7  }
0xb3: {  	[tilespmem:s20], [sflag:$0x2] =	stream.strided.gather [hbm4b:s8+s16], $0x1000, s18, s16, $0x38;
	[tilespmem:$0x10B00] =	vst v63  }
0xb4: {  	s7 =	sand.u32 $0x1FFFFF80, s7  }
0xb5: {  	s7 =	sadd.s32 s2, s7  }
0xb6: {  	[tilespmem:s21], [sflag:$0x2] =	stream.strided.gather [hbm4b:s7+s16], $0x1000, s18, s16, $0x38;
	[tilespmem:$0x10B00] =	vst v63  }
0xb7: {  	v2 =	vld [tilespmem:$0x283]  }
0xb8: {  	v3 =	vld [tilespmem:$0x3];
	_ =	sdelay $0x3  }
0xb9: {  	(v2sf) =	vpush v2, $0x0  }
0xba: {  	(v2sf) =	vpush v3, $0x0;
	_ =	sdelay $0xd  }
0xbb: {  	s9 =	simm.s32 $0x1;
	s13 =	spop (v2sf)  }
0xbc: {  	s14 =	sand.u32 $0x7F, s13;
	s17 =	spop (v2sf);
	s19 =	sshra.s32 s13, $0x1F  }
0xbd: {  	p6 =	slt.s32 s13, $0x1;
	p3 =	sne.s32 s14, $0x0;
	s20 =	sand.u32 $0x7F, s17  }
0xbe: {  	s21 =	sshra.s32 s17, $0x1F;
	p5 =	slt.s32 s17, $0x1;
	p4 =	sne.s32 s20, $0x0  }
0xbf: {  	s10 =	sshrl.u32 s19, $0x19;
	s8 =	sshrl.u32 s21, $0x19;
	p1 =	por !p5, !p4  }
0xc0: {  	s7 =	sadd.s32 s10, s13;
	s8 =	sadd.s32 s8, s17;
	p1 =	por !p1, !p1  }
0xc1: {  	p0 =	por !p6, !p3;
	s8 =	sshrl.u32 s8, $0x7;
	s9 =	simm.s32 @!p1 $0x0  }
0xc2: {  	p0 =	por !p0, !p0;
	s8 =	ssub.s32 s8, s9;
	s9 =	simm.s32 $0x1  }
0xc3: {  	s7 =	sshrl.u32 s7, $0x7;
	s8 =	sshll.u32 s8, $0x7;
	s9 =	simm.s32 @!p0 $0x0  }
0xc4: {  	s8 =	sand.u32 $0x1FFFFF80, s8;
	s7 =	ssub.s32 s7, s9  }
0xc5: {  	s8 =	sadd.s32 s1, s8;
	s7 =	sshll.u32 s7, $0x7  }
0xc6: {  	[tilespmem:s22], [sflag:$0x2] =	stream.strided.gather [hbm4b:s8+s16], $0x1000, s18, s16, $0x38;
	[tilespmem:$0x10B00] =	vst v63  }
0xc7: {  	s7 =	sand.u32 $0x1FFFFF80, s7  }
0xc8: {  	s7 =	sadd.s32 s2, s7  }
0xc9: {  	[tilespmem:s23], [sflag:$0x2] =	stream.strided.gather [hbm4b:s7+s16], $0x1000, s18, s16, $0x38;
	[tilespmem:$0x10B00] =	vst v63  }
0xca: {  	v2 =	vld [tilespmem:$0x284]  }
0xcb: {  	v3 =	vld [tilespmem:$0x4];
	_ =	sdelay $0x3  }
0xcc: {  	(v2sf) =	vpush v2, $0x0  }
0xcd: {  	(v2sf) =	vpush v3, $0x0;
	_ =	sdelay $0xd  }
0xce: {  	s9 =	simm.s32 $0x1;
	s23 =	spop (v2sf)  }
0xcf: {  	s10 =	sand.u32 $0x7F, s23;
	s13 =	spop (v2sf);
	s14 =	sshra.s32 s23, $0x1F  }
0xd0: {  	p6 =	slt.s32 s23, $0x1;
	p3 =	sne.s32 s10, $0x0;
	s17 =	sand.u32 $0x7F, s13  }
0xd1: {  	s19 =	sshra.s32 s13, $0x1F;
	p5 =	slt.s32 s13, $0x1;
	p4 =	sne.s32 s17, $0x0  }
0xd2: {  	s10 =	sshrl.u32 s14, $0x19;
	s8 =	sshrl.u32 s19, $0x19;
	p1 =	por !p5, !p4  }
0xd3: {  	s7 =	sadd.s32 s10, s23;
	s8 =	sadd.s32 s8, s13;
	p1 =	por !p1, !p1  }
0xd4: {  	p0 =	por !p6, !p3;
	s8 =	sshrl.u32 s8, $0x7;
	s9 =	simm.s32 @!p1 $0x0  }
0xd5: {  	p0 =	por !p0, !p0;
	s8 =	ssub.s32 s8, s9;
	s9 =	simm.s32 $0x1  }
0xd6: {  	s7 =	sshrl.u32 s7, $0x7;
	s8 =	sshll.u32 s8, $0x7;
	s9 =	simm.s32 @!p0 $0x0  }
0xd7: {  	s8 =	sand.u32 $0x1FFFFF80, s8;
	s7 =	ssub.s32 s7, s9  }
0xd8: {  	s8 =	sadd.s32 s1, s8;
	s7 =	sshll.u32 s7, $0x7  }
0xd9: {  	[tilespmem:s24], [sflag:$0x2] =	stream.strided.gather [hbm4b:s8+s16], $0x1000, s18, s16, $0x38;
	[tilespmem:$0x10B00] =	vst v63  }
0xda: {  	s7 =	sand.u32 $0x1FFFFF80, s7  }
0xdb: {  	s7 =	sadd.s32 s2, s7  }
0xdc: {  	[tilespmem:s25], [sflag:$0x2] =	stream.strided.gather [hbm4b:s7+s16], $0x1000, s18, s16, $0x38;
	[tilespmem:$0x10B00] =	vst v63  }
0xdd: {  	v2 =	vld [tilespmem:$0x285]  }
0xde: {  	v3 =	vld [tilespmem:$0x5];
	_ =	sdelay $0x3  }
0xdf: {  	(v2sf) =	vpush v2, $0x0  }
0xe0: {  	(v2sf) =	vpush v3, $0x0;
	_ =	sdelay $0xd  }
0xe1: {  	s9 =	simm.s32 $0x1;
	s20 =	spop (v2sf)  }
0xe2: {  	s21 =	sand.u32 $0x7F, s20;
	s22 =	spop (v2sf);
	s23 =	sshra.s32 s20, $0x1F  }
0xe3: {  	p6 =	slt.s32 s20, $0x1;
	p3 =	sne.s32 s21, $0x0;
	s24 =	sand.u32 $0x7F, s22  }
0xe4: {  	s25 =	sshra.s32 s22, $0x1F;
	p5 =	slt.s32 s22, $0x1;
	p4 =	sne.s32 s24, $0x0  }
0xe5: {  	s10 =	sshrl.u32 s23, $0x19;
	s8 =	sshrl.u32 s25, $0x19;
	p1 =	por !p5, !p4  }
0xe6: {  	s7 =	sadd.s32 s10, s20;
	s8 =	sadd.s32 s8, s22;
	p1 =	por !p1, !p1  }
0xe7: {  	p0 =	por !p6, !p3;
	s8 =	sshrl.u32 s8, $0x7;
	s9 =	simm.s32 @!p1 $0x0  }
0xe8: {  	p0 =	por !p0, !p0;
	s8 =	ssub.s32 s8, s9;
	s9 =	simm.s32 $0x1  }
0xe9: {  	s7 =	sshrl.u32 s7, $0x7;
	s8 =	sshll.u32 s8, $0x7;
	s9 =	simm.s32 @!p0 $0x0  }
0xea: {  	s8 =	sand.u32 $0x1FFFFF80, s8;
	s7 =	ssub.s32 s7, s9  }
0xeb: {  	s8 =	sadd.s32 s1, s8;
	s7 =	sshll.u32 s7, $0x7  }
0xec: {  	[tilespmem:s0], [sflag:$0x2] =	stream.strided.gather [hbm4b:s8+s16], $0x1000, s18, s16, $0x38;
	[tilespmem:$0x10B00] =	vst v63  }
0xed: {  	s7 =	sand.u32 $0x1FFFFF80, s7  }
0xee: {  	s7 =	sadd.s32 s2, s7  }
0xef: {  	[tilespmem:s4], [sflag:$0x2] =	stream.strided.gather [hbm4b:s7+s16], $0x1000, s18, s16, $0x38;
	[tilespmem:$0x10B00] =	vst v63  }
0xf0: {  	v2 =	vld [tilespmem:$0x286]  }
0xf1: {  	v3 =	vld [tilespmem:$0x6];
	_ =	sdelay $0x3  }
0xf2: {  	(v2sf) =	vpush v2, $0x0  }
0xf3: {  	(v2sf) =	vpush v3, $0x0;
	_ =	sdelay $0xd  }
0xf4: {  	s9 =	simm.s32 $0x1;
	s4 =	spop (v2sf)  }
0xf5: {  	s10 =	sand.u32 $0x7F, s4;
	s13 =	spop (v2sf);
	s14 =	sshra.s32 s4, $0x1F  }
0xf6: {  	p6 =	slt.s32 s4, $0x1;
	p3 =	sne.s32 s10, $0x0;
	s17 =	sand.u32 $0x7F, s13  }
0xf7: {  	s19 =	sshra.s32 s13, $0x1F;
	p5 =	slt.s32 s13, $0x1;
	p4 =	sne.s32 s17, $0x0  }
0xf8: {  	s10 =	sshrl.u32 s14, $0x19;
	s8 =	sshrl.u32 s19, $0x19;
	p1 =	por !p5, !p4  }
0xf9: {  	s7 =	sadd.s32 s10, s4;
	s8 =	sadd.s32 s8, s13;
	p1 =	por !p1, !p1  }
0xfa: {  	p0 =	por !p6, !p3;
	s8 =	sshrl.u32 s8, $0x7;
	s9 =	simm.s32 @!p1 $0x0  }
0xfb: {  	p0 =	por !p0, !p0;
	s8 =	ssub.s32 s8, s9;
	s9 =	simm.s32 $0x1  }
0xfc: {  	s7 =	sshrl.u32 s7, $0x7;
	s8 =	sshll.u32 s8, $0x7;
	s9 =	simm.s32 @!p0 $0x0  }
0xfd: {  	s8 =	sand.u32 $0x1FFFFF80, s8;
	s7 =	ssub.s32 s7, s9  }
0xfe: {  	s8 =	sadd.s32 s1, s8;
	s7 =	sshll.u32 s7, $0x7  }
0xff: {  	[tilespmem:s3], [sflag:$0x2] =	stream.strided.gather [hbm4b:s8+s16], $0x1000, s18, s16, $0x38;
	[tilespmem:$0x10B00] =	vst v63  }
0x100: {  	s7 =	sand.u32 $0x1FFFFF80, s7  }
0x101: {  	s7 =	sadd.s32 s2, s7  }
0x102: {  	[tilespmem:s11], [sflag:$0x2] =	stream.strided.gather [hbm4b:s7+s16], $0x1000, s18, s16, $0x38;
	[tilespmem:$0x10B00] =	vst v63  }
0x103: {  	v2 =	vld [tilespmem:$0x287]  }
0x104: {  	v3 =	vld [tilespmem:$0x7];
	_ =	sdelay $0x3  }
0x105: {  	(v2sf) =	vpush v2, $0x0  }
0x106: {  	(v2sf) =	vpush v3, $0x0;
	_ =	sdelay $0xd  }
0x107: {  	s9 =	simm.s32 $0x1;
	s20 =	spop (v2sf)  }
0x108: {  	s21 =	sand.u32 $0x7F, s20;
	s22 =	spop (v2sf);
	s23 =	sshra.s32 s20, $0x1F  }
0x109: {  	p6 =	slt.s32 s20, $0x1;
	p3 =	sne.s32 s21, $0x0;
	s24 =	sand.u32 $0x7F, s22  }
0x10a: {  	s25 =	sshra.s32 s22, $0x1F;
	p5 =	slt.s32 s22, $0x1;
	p4 =	sne.s32 s24, $0x0  }
0x10b: {  	s10 =	sshrl.u32 s23, $0x19;
	s8 =	sshrl.u32 s25, $0x19;
	p1 =	por !p5, !p4  }
0x10c: {  	s7 =	sadd.s32 s10, s20;
	s8 =	sadd.s32 s8, s22;
	p1 =	por !p1, !p1  }
0x10d: {  	p0 =	por !p6, !p3;
	s8 =	sshrl.u32 s8, $0x7;
	s9 =	simm.s32 @!p1 $0x0  }
0x10e: {  	p0 =	por !p0, !p0;
	s8 =	ssub.s32 s8, s9;
	s9 =	simm.s32 $0x1  }
0x10f: {  	s7 =	sshrl.u32 s7, $0x7;
	s8 =	sshll.u32 s8, $0x7;
	s9 =	simm.s32 @!p0 $0x0  }
0x110: {  	s8 =	sand.u32 $0x1FFFFF80, s8;
	s7 =	ssub.s32 s7, s9  }
0x111: {  	s8 =	sadd.s32 s1, s8;
	s7 =	sshll.u32 s7, $0x7  }
0x112: {  	[tilespmem:s26], [sflag:$0x2] =	stream.strided.gather [hbm4b:s8+s16], $0x1000, s18, s16, $0x38;
	[tilespmem:$0x10B00] =	vst v63  }
0x113: {  	s10 =	simm.s32 $0x288;
	s7 =	sand.u32 $0x1FFFFF80, s7  }
0x114: {  	s9 =	simm.s32 $0x8;
	s8 =	simm.s32 $0x10900;
	s7 =	sadd.s32 s2, s7  }
0x115: {  	vm1 =	vcmask $0x30C;
	[tilespmem:s28], [sflag:$0x2] =	stream.strided.gather [hbm4b:s7+s16], $0x1000, s18, s16, $0x38;
	[tilespmem:$0x10B00] =	vst v63  }
.LBB2_4:
0x116: {  	[dreg:$0xc] =	wrdreg s5  }
0x117: {  	_ =	swait.ge [sflag:s12], $0x1000  }
0x118: {  	[sflag:s12] =	ssyncset.done $0x0  }
0x119: {  	[sflag:s12] =	ssyncadd.s32 $0xFFFFF000  }
0x11a: {  	_ =	swait.ge [sflag:s12], $0x1000  }
0x11b: {  	[sflag:s12] =	ssyncset.done $0x0  }
0x11c: {  	[sflag:s12] =	ssyncadd.s32 $0xFFFFF000  }
0x11d: {  	_ =	swait.ge [sflag:s12], $0x1000  }
0x11e: {  	[sflag:s12] =	ssyncset.done $0x0  }
0x11f: {  	[sflag:s12] =	ssyncadd.s32 $0xFFFFF000  }
0x120: {  	_ =	swait.ge [sflag:s12], $0x1000  }
0x121: {  	[sflag:s12] =	ssyncset.done $0x0  }
0x122: {  	[sflag:s12] =	ssyncadd.s32 $0xFFFFF000  }
0x123: {  	_ =	swait.ge [sflag:s12], $0x1000  }
0x124: {  	[sflag:s12] =	ssyncset.done $0x0  }
0x125: {  	[sflag:s12] =	ssyncadd.s32 $0xFFFFF000  }
0x126: {  	_ =	swait.ge [sflag:s12], $0x1000  }
0x127: {  	[sflag:s12] =	ssyncset.done $0x0  }
0x128: {  	[sflag:s12] =	ssyncadd.s32 $0xFFFFF000  }
0x129: {  	_ =	swait.ge [sflag:s12], $0x1000  }
0x12a: {  	[sflag:s12] =	ssyncset.done $0x0  }
0x12b: {  	[sflag:s12] =	ssyncadd.s32 $0xFFFFF000  }
0x12c: {  	_ =	swait.ge [sflag:s12], $0x1000  }
0x12d: {  	[sflag:s12] =	ssyncset.done $0x0  }
0x12e: {  	[sflag:s12] =	ssyncadd.s32 $0xFFFFF000  }
0x12f: {  	v2 =	vld [tilespmem:s9+$0xFFFFFFF8];
	_ =	sdelay $0x1  }
0x130: {  	v3 =	vld [tilespmem:s10+$0xFFFFFFF8];
	_ =	sdelay $0x1  }
0x131: {  	v4 =	vld [tilespmem:s9+$0xFFFFFFF9]  }
0x132: {  	(v2sf) =	vpush v2, $0x0;
	v2 =	vld [tilespmem:s10+$0xFFFFFFF9];
	_ =	sdelay $0x1  }
0x133: {  	(v2sf) =	vpush v3, $0x0;
	v3 =	vld [tilespmem:s9+$0xFFFFFFFA]  }
0x134: {  	v27 =	vld [tilespmem:s10+$0xFFFFFFFA]  }
0x135: {  	v5 =	vld [tilespmem:s9+$0xFFFFFFFB];
	(v2sf) =	vpush v4, $0x0  }
0x136: {  	(v2sf) =	vpush v2, $0x0;
	v2 =	vld [tilespmem:s10+$0xFFFFFFFB]  }
0x137: {  	v6 =	vld [tilespmem:s10+$0x0]  }
0x138: {  	(v2sf) =	vpush v3, $0x0;
	v3 =	vld [tilespmem:s9+$0x0]  }
0x139: {  	(v2sf) =	vpush v27, $0x0  }
0x13a: {  	(v2sf) =	vpush v5, $0x0  }
0x13b: {  	(v2sf) =	vpush v2, $0x0  }
0x13c: {  	(v2sf) =	vpush v6, $0x0  }
0x13d: {  	(v2sf) =	vpush v3, $0x0;
	_ =	sdelay $0x3  }
0x13e: {  	s7 =	spop (v2sf)  }
0x13f: {  	s7 =	sand.u32 $0x7F, s7  }
0x140: {  	s17 =	spop (v2sf);
	v2 =	vor.u32 s7, v0  }
0x141: {  	s17 =	sand.u32 $0x7F, s17;
	v3 =	vor.u32 s7, v1  }
0x142: {  	s11 =	spop (v2sf);
	v28 =	vor.u32 s17, v0  }
0x143: {  	v29 =	vor.u32 s17, v1;
	s7 =	sand.u32 $0x7F, s11;
	s13 =	spop (v2sf)  }
0x144: {  	s3 =	simm.s32 $0x500;
	v30 =	vor.u32 s7, v0;
	s14 =	spop (v2sf)  }
0x145: {  	v7 =	vor.u32 s7, v1;
	s17 =	sand.u32 $0x7F, s13;
	v2 =	vld.idx.msk [tilespmem:v2+s3+$0x0], $0xffff;
	s19 =	spop (v2sf)  }
0x146: {  	s28 =	simm.s32 $0x1500;
	s11 =	simm.s32 $0x8500;
	v3 =	vld.idx.msk [tilespmem:v3+s3+$0x0], $0xffff;
	v8 =	vor.u32 s17, v0;
	s13 =	spop (v2sf)  }
0x147: {  	s0 =	simm.s32 $0xA500;
	v9 =	vor.u32 s17, v1;
	s7 =	sand.u32 $0x7F, s14;
	v4 =	vld.idx.msk [tilespmem:v28+s11+$0x0], $0xffff;
	s20 =	spop (v2sf)  }
0x148: {  	v5 =	vld.idx.msk [tilespmem:v29+s11+$0x0], $0xffff;
	v10 =	vor.u32 s7, v0;
	s17 =	sand.u32 $0x7F, s19;
	s13 =	sand.u32 $0x7F, s13;
	s14 =	spop (v2sf)  }
0x149: {  	v11 =	vor.u32 s7, v1;
	v6 =	vld.idx.msk [tilespmem:v30+s28+$0x0], $0xffff;
	s7 =	sand.u32 $0x7F, s20;
	s21 =	sshra.s32 s14, $0x1F;
	s19 =	spop (v2sf)  }
0x14a: {  	v7 =	vld.idx.msk [tilespmem:v7+s28+$0x0], $0xffff;
	v12 =	vor.u32 s17, v0;
	v13 =	vor.u32 s17, v1;
	p0 =	slt.s32 s14, $0x1;
	s23 =	sand.u32 $0x7F, s14;
	s17 =	sshrl.u32 s21, $0x19  }
0x14b: {  	v8 =	vld.idx.msk [tilespmem:v8+s30+$0x0], $0xffff;
	s20 =	sand.u32 $0x7F, s19;
	s22 =	sshra.s32 s19, $0x1F;
	p1 =	slt.s32 s19, $0x1  }
0x14c: {  	v14 =	vor.u32 s13, v0;
	v15 =	vor.u32 s13, v1;
	v9 =	vld.idx.msk [tilespmem:v9+s30+$0x0], $0xffff;
	p6 =	sne.s32 s23, $0x0;
	p2 =	sne.s32 s20, $0x0;
	s13 =	sshrl.u32 s22, $0x19  }
0x14d: {  	v10 =	vld.idx.msk [tilespmem:v10+s31+$0x0], $0xffff;
	s14 =	sadd.s32 s17, s14;
	p0 =	por !p0, !p6;
	p1 =	por !p1, !p2  }
0x14e: {  	v16 =	vor.u32 s7, v0;
	v11 =	vld.idx.msk [tilespmem:v11+s31+$0x0], $0xffff;
	s24 =	sadd.s32 s13, s19;
	s13 =	simm.s32 $0x1;
	p1 =	por !p1, !p1  }
0x14f: {  	v17 =	vor.u32 s7, v1;
	v12 =	vld.idx.msk [tilespmem:v12+s0+$0x0], $0xffff;
	p0 =	por !p0, !p0;
	s7 =	sshrl.u32 s24, $0x7;
	s13 =	simm.s32 @!p1 $0x0  }
0x150: {  	v13 =	vld.idx.msk [tilespmem:v13+s0+$0x0], $0xffff;
	s24 =	simm.s32 $0x3500;
	s7 =	ssub.s32 s7, s13;
	s13 =	simm.s32 $0x1  }
0x151: {  	s14 =	sshrl.u32 s14, $0x7;
	v14 =	vld.idx.msk [tilespmem:v14+s24+$0x0], $0xffff;
	s7 =	sshll.u32 s7, $0x7;
	s13 =	simm.s32 @!p0 $0x0  }
0x152: {  	s21 =	simm.s32 $0xB500;
	v15 =	vld.idx.msk [tilespmem:v15+s24+$0x0], $0xffff;
	s7 =	sand.u32 $0x1FFFFF80, s7;
	s13 =	ssub.s32 s14, s13  }
0x153: {  	v16 =	vld.idx.msk [tilespmem:v16+s21+$0x0], $0xffff;
	s7 =	sadd.s32 s1, s7;
	s25 =	sshll.u32 s13, $0x7  }
0x154: {  	v17 =	vld.idx.msk [tilespmem:v17+s21+$0x0], $0xffff;
	[tilespmem:s3], [sflag:$0x2] =	stream.strided.gather [hbm4b:s7+s16], $0x1000, s18, s16, $0x38  }
0x155: {  	s7 =	sand.u32 $0x1FFFFF80, s25  }
0x156: {  	s7 =	sadd.s32 s2, s7  }
0x157: {  	[tilespmem:s11], [sflag:$0x2] =	stream.strided.gather [hbm4b:s7+s16], $0x1000, s18, s16, $0x38;
	[tilespmem:$0x10B00] =	vst v63  }
0x158: {  	v18 =	vld [tilespmem:s10+$0x1];
	_ =	sdelay $0x1  }
0x159: {  	v19 =	vld [tilespmem:s9+$0x1];
	_ =	sdelay $0x2  }
0x15a: {  	(v2sf) =	vpush v18, $0x0;
	_ =	sdelay $0x1  }
0x15b: {  	(v2sf) =	vpush v19, $0x0;
	_ =	sdelay $0xc  }
0x15c: {  	s26 =	spop (v2sf)  }
0x15d: {  	s4 =	sshra.s32 s26, $0x1F  }
0x15e: {  	s5 =	spop (v2sf);
	p3 =	slt.s32 s26, $0x1;
	s23 =	sand.u32 $0x7F, s26  }
0x15f: {  	s13 =	sshrl.u32 s4, $0x19;
	s20 =	sand.u32 $0x7F, s5;
	s22 =	sshra.s32 s5, $0x1F  }
0x160: {  	p4 =	slt.s32 s5, $0x1;
	p6 =	sne.s32 s23, $0x0;
	p5 =	sne.s32 s20, $0x0  }
0x161: {  	s19 =	sshrl.u32 s22, $0x19;
	s7 =	sadd.s32 s13, s26;
	p1 =	por !p4, !p5  }
0x162: {  	s14 =	sadd.s32 s19, s5;
	s19 =	simm.s32 $0x1;
	p1 =	por !p1, !p1  }
0x163: {  	p0 =	por !p3, !p6;
	s14 =	sshrl.u32 s14, $0x7;
	s19 =	simm.s32 @!p1 $0x0  }
0x164: {  	p0 =	por !p0, !p0;
	s25 =	ssub.s32 s14, s19;
	s14 =	simm.s32 $0x1  }
0x165: {  	s7 =	sshrl.u32 s7, $0x7;
	s13 =	sshll.u32 s25, $0x7;
	s14 =	simm.s32 @!p0 $0x0  }
0x166: {  	s13 =	sand.u32 $0x1FFFFF80, s13;
	s7 =	ssub.s32 s7, s14  }
0x167: {  	s13 =	sadd.s32 s1, s13;
	s7 =	sshll.u32 s7, $0x7  }
0x168: {  	[tilespmem:s28], [sflag:$0x2] =	stream.strided.gather [hbm4b:s13+s16], $0x1000, s18, s16, $0x38;
	[tilespmem:$0x10B00] =	vst v63  }
0x169: {  	s7 =	sand.u32 $0x1FFFFF80, s7  }
0x16a: {  	s7 =	sadd.s32 s2, s7  }
0x16b: {  	[tilespmem:s30], [sflag:$0x2] =	stream.strided.gather [hbm4b:s7+s16], $0x1000, s18, s16, $0x38;
	[tilespmem:$0x10B00] =	vst v63  }
0x16c: {  	v31 =	vld [tilespmem:s10+$0x2];
	_ =	sdelay $0x1  }
0x16d: {  	v32 =	vld [tilespmem:s9+$0x2];
	_ =	sdelay $0x2  }
0x16e: {  	(v2sf) =	vpush v31, $0x0;
	_ =	sdelay $0x1  }
0x16f: {  	(v2sf) =	vpush v32, $0x0;
	_ =	sdelay $0xc  }
0x170: {  	s26 =	spop (v2sf)  }
0x171: {  	s4 =	sshra.s32 s26, $0x1F  }
0x172: {  	s5 =	spop (v2sf);
	p3 =	slt.s32 s26, $0x1;
	s23 =	sand.u32 $0x7F, s26  }
0x173: {  	s13 =	sshrl.u32 s4, $0x19;
	s20 =	sand.u32 $0x7F, s5;
	s22 =	sshra.s32 s5, $0x1F  }
0x174: {  	p4 =	slt.s32 s5, $0x1;
	p6 =	sne.s32 s23, $0x0;
	p5 =	sne.s32 s20, $0x0  }
0x175: {  	s19 =	sshrl.u32 s22, $0x19;
	s7 =	sadd.s32 s13, s26;
	p1 =	por !p4, !p5  }
0x176: {  	s14 =	sadd.s32 s19, s5;
	s19 =	simm.s32 $0x1;
	p1 =	por !p1, !p1  }
0x177: {  	p0 =	por !p3, !p6;
	s14 =	sshrl.u32 s14, $0x7;
	s19 =	simm.s32 @!p1 $0x0  }
0x178: {  	p0 =	por !p0, !p0;
	s25 =	ssub.s32 s14, s19;
	s14 =	simm.s32 $0x1  }
0x179: {  	s7 =	sshrl.u32 s7, $0x7;
	s13 =	sshll.u32 s25, $0x7;
	s14 =	simm.s32 @!p0 $0x0  }
0x17a: {  	s13 =	sand.u32 $0x1FFFFF80, s13;
	s7 =	ssub.s32 s7, s14  }
0x17b: {  	s13 =	sadd.s32 s1, s13;
	s7 =	sshll.u32 s7, $0x7  }
0x17c: {  	[tilespmem:s31], [sflag:$0x2] =	stream.strided.gather [hbm4b:s13+s16], $0x1000, s18, s16, $0x38;
	[tilespmem:$0x10B00] =	vst v63  }
0x17d: {  	s7 =	sand.u32 $0x1FFFFF80, s7  }
0x17e: {  	s7 =	sadd.s32 s2, s7  }
0x17f: {  	[tilespmem:s0], [sflag:$0x2] =	stream.strided.gather [hbm4b:s7+s16], $0x1000, s18, s16, $0x38;
	[tilespmem:$0x10B00] =	vst v63  }
0x180: {  	v33 =	vld [tilespmem:s10+$0x3];
	_ =	sdelay $0x1  }
0x181: {  	v34 =	vld [tilespmem:s9+$0x3];
	_ =	sdelay $0x2  }
0x182: {  	(v2sf) =	vpush v33, $0x0;
	_ =	sdelay $0x1  }
0x183: {  	(v2sf) =	vpush v34, $0x0;
	_ =	sdelay $0xa  }
0x184: {  	v2 =	vmul.f32 v4, v2;
	v3 =	vmul.f32 v5, v3  }
0x185: {  	v35 =	vmul.f32 v8, v6;
	v36 =	vmul.f32 v9, v7  }
0x186: {  	v2 =	vadd.f32 v3, v2;
	v3 =	vmul.f32 v12, v10;
	v37 =	vmul.f32 v13, v11;
	s26 =	spop (v2sf)  }
0x187: {  	v4 =	vadd.f32 v36, v35;
	v38 =	vmul.f32 v16, v14;
	v39 =	vmul.f32 v17, v15;
	s4 =	sshra.s32 s26, $0x1F  }
0x188: {  	(xrf2) =	vadd.scan.msk.f32 $0xffff, v2;
	v2 =	vadd.f32 v37, v3;
	s5 =	spop (v2sf);
	p3 =	slt.s32 s26, $0x1;
	s22 =	sand.u32 $0x7F, s26  }
0x189: {  	(xrf2) =	vadd.scan.msk.f32 $0xffff, v4;
	v3 =	vadd.f32 v39, v38;
	s13 =	sshrl.u32 s4, $0x19;
	s19 =	sand.u32 $0x7F, s5;
	s20 =	sshra.s32 s5, $0x1F  }
0x18a: {  	(xrf2) =	vadd.scan.msk.f32 $0xffff, v2;
	p4 =	slt.s32 s5, $0x1;
	p6 =	sne.s32 s22, $0x0;
	p5 =	sne.s32 s19, $0x0  }
0x18b: {  	(xrf2) =	vadd.scan.msk.f32 $0xffff, v3;
	s19 =	sshrl.u32 s20, $0x19;
	s7 =	sadd.s32 s13, s26;
	p1 =	por !p4, !p5  }
0x18c: {  	s14 =	sadd.s32 s19, s5;
	s19 =	simm.s32 $0x1;
	p1 =	por !p1, !p1  }
0x18d: {  	p0 =	por !p3, !p6;
	s14 =	sshrl.u32 s14, $0x7;
	s19 =	simm.s32 @!p1 $0x0  }
0x18e: {  	p0 =	por !p0, !p0;
	s23 =	ssub.s32 s14, s19;
	s14 =	simm.s32 $0x1  }
0x18f: {  	s7 =	sshrl.u32 s7, $0x7;
	s13 =	sshll.u32 s23, $0x7;
	s14 =	simm.s32 @!p0 $0x0  }
0x190: {  	s13 =	sand.u32 $0x1FFFFF80, s13;
	s7 =	ssub.s32 s7, s14  }
0x191: {  	s13 =	sadd.s32 s1, s13;
	s7 =	sshll.u32 s7, $0x7  }
0x192: {  	v4, _, _ =	vpop (xrf2);
	[tilespmem:s24], [sflag:$0x2] =	stream.strided.gather [hbm4b:s13+s16], $0x1000, s18, s16, $0x38;
	[tilespmem:$0x10B00] =	vst v63  }
0x193: {  	v5, _, _ =	vpop (xrf2);
	s7 =	sand.u32 $0x1FFFFF80, s7  }
0x194: {  	v3, _, _ =	vpop (xrf2);
	s7 =	sadd.s32 s2, s7  }
0x195: {  	v2, _, _ =	vpop (xrf2);
	[tilespmem:s21], [sflag:$0x2] =	stream.strided.gather [hbm4b:s7+s16], $0x1000, s18, s16, $0x38;
	[tilespmem:$0x10B00] =	vst v63  }
0x196: {  	_ =	swait.ge [sflag:s12], $0x1000  }
0x197: {  	[sflag:s12] =	ssyncset.done $0x0  }
0x198: {  	[sflag:s12] =	ssyncadd.s32 $0xFFFFF000  }
0x199: {  	_ =	swait.ge [sflag:s12], $0x1000  }
0x19a: {  	[sflag:s12] =	ssyncset.done $0x0  }
0x19b: {  	[sflag:s12] =	ssyncadd.s32 $0xFFFFF000  }
0x19c: {  	_ =	swait.ge [sflag:s12], $0x1000  }
0x19d: {  	[sflag:s12] =	ssyncset.done $0x0  }
0x19e: {  	[sflag:s12] =	ssyncadd.s32 $0xFFFFF000  }
0x19f: {  	_ =	swait.ge [sflag:s12], $0x1000  }
0x1a0: {  	[sflag:s12] =	ssyncset.done $0x0  }
0x1a1: {  	[sflag:s12] =	ssyncadd.s32 $0xFFFFF000  }
0x1a2: {  	_ =	swait.ge [sflag:s12], $0x1000  }
0x1a3: {  	[sflag:s12] =	ssyncset.done $0x0  }
0x1a4: {  	[sflag:s12] =	ssyncadd.s32 $0xFFFFF000  }
0x1a5: {  	_ =	swait.ge [sflag:s12], $0x1000  }
0x1a6: {  	[sflag:s12] =	ssyncset.done $0x0  }
0x1a7: {  	[sflag:s12] =	ssyncadd.s32 $0xFFFFF000  }
0x1a8: {  	_ =	swait.ge [sflag:s12], $0x1000  }
0x1a9: {  	[sflag:s12] =	ssyncset.done $0x0  }
0x1aa: {  	[sflag:s12] =	ssyncadd.s32 $0xFFFFF000  }
0x1ab: {  	_ =	swait.ge [sflag:s12], $0x1000  }
0x1ac: {  	[sflag:s12] =	ssyncset.done $0x0  }
0x1ad: {  	[sflag:s12] =	ssyncadd.s32 $0xFFFFF000  }
0x1ae: {  	v40 =	vld [tilespmem:s9+$0xFFFFFFFC];
	_ =	sdelay $0x1  }
0x1af: {  	v41 =	vld [tilespmem:s10+$0xFFFFFFFC];
	_ =	sdelay $0x1  }
0x1b0: {  	v42 =	vld [tilespmem:s9+$0xFFFFFFFD]  }
0x1b1: {  	v43 =	vld [tilespmem:s10+$0xFFFFFFFD];
	(v2sf) =	vpush v40, $0x0  }
0x1b2: {  	v44 =	vld [tilespmem:s9+$0xFFFFFFFE]  }
0x1b3: {  	v45 =	vld [tilespmem:s10+$0xFFFFFFFE];
	(v2sf) =	vpush v41, $0x0  }
0x1b4: {  	v46 =	vld [tilespmem:s9+$0xFFFFFFFF]  }
0x1b5: {  	v47 =	vld [tilespmem:s10+$0xFFFFFFFF];
	(v2sf) =	vpush v42, $0x0  }
0x1b6: {  	v48 =	vld [tilespmem:s10+$0x4];
	(v2sf) =	vpush v43, $0x0  }
0x1b7: {  	v49 =	vld [tilespmem:s9+$0x4];
	(v2sf) =	vpush v44, $0x0  }
0x1b8: {  	(v2sf) =	vpush v45, $0x0  }
0x1b9: {  	(v2sf) =	vpush v46, $0x0  }
0x1ba: {  	(v2sf) =	vpush v47, $0x0  }
0x1bb: {  	(v2sf) =	vpush v48, $0x0  }
0x1bc: {  	(v2sf) =	vpush v49, $0x0;
	_ =	sdelay $0x3  }
0x1bd: {  	s25 =	spop (v2sf)  }
0x1be: {  	s7 =	sand.u32 $0x7F, s25  }
0x1bf: {  	s26 =	spop (v2sf);
	v50 =	vor.u32 s7, v0  }
0x1c0: {  	s13 =	sand.u32 $0x7F, s26;
	v51 =	vor.u32 s7, v1  }
0x1c1: {  	s4 =	spop (v2sf);
	v52 =	vor.u32 s13, v0  }
0x1c2: {  	v53 =	vor.u32 s13, v1;
	s7 =	sand.u32 $0x7F, s4;
	s5 =	spop (v2sf)  }
0x1c3: {  	s26 =	simm.s32 $0x4500;
	v54 =	vor.u32 s7, v0;
	s14 =	spop (v2sf)  }
0x1c4: {  	s22 =	simm.s32 $0xD500;
	s13 =	sand.u32 $0x7F, s5;
	v55 =	vor.u32 s7, v1;
	s17 =	spop (v2sf);
	v6 =	vld.idx.msk [tilespmem:v50+s26+$0x0], $0xffff  }
0x1c5: {  	s4 =	simm.s32 $0x5500;
	s5 =	simm.s32 $0xC500;
	v56 =	vor.u32 s13, v0;
	s19 =	spop (v2sf);
	v7 =	vld.idx.msk [tilespmem:v51+s26+$0x0], $0xffff  }
0x1c6: {  	v57 =	vor.u32 s13, v1;
	s7 =	sand.u32 $0x7F, s14;
	s13 =	sand.u32 $0x7F, s17;
	s20 =	spop (v2sf);
	v8 =	vld.idx.msk [tilespmem:v52+s5+$0x0], $0xffff  }
0x1c7: {  	v58 =	vor.u32 s7, v0;
	v59 =	vor.u32 s7, v1;
	s14 =	sand.u32 $0x7F, s19;
	v9 =	vld.idx.msk [tilespmem:v53+s5+$0x0], $0xffff;
	s17 =	spop (v2sf);
	s7 =	sand.u32 $0x7F, s20  }
0x1c8: {  	v10 =	vld.idx.msk [tilespmem:v54+s4+$0x0], $0xffff;
	s23 =	sshra.s32 s17, $0x1F;
	s19 =	spop (v2sf);
	p3 =	slt.s32 s17, $0x1  }
0x1c9: {  	v60 =	vor.u32 s13, v0;
	v61 =	vor.u32 s13, v1;
	v11 =	vld.idx.msk [tilespmem:v55+s4+$0x0], $0xffff;
	s13 =	sshrl.u32 s23, $0x19;
	s20 =	sand.u32 $0x7F, s19;
	s23 =	simm.s32 $0x6500  }
0x1ca: {  	v12 =	vld.idx.msk [tilespmem:v56+s22+$0x0], $0xffff;
	s25 =	sshra.s32 s19, $0x1F;
	p4 =	slt.s32 s19, $0x1;
	p5 =	sne.s32 s20, $0x0  }
0x1cb: {  	v62 =	vor.u32 s14, v0;
	v63 =	vor.u32 s14, v1;
	v13 =	vld.idx.msk [tilespmem:v57+s22+$0x0], $0xffff;
	s20 =	sand.u32 $0x7F, s17;
	s14 =	sshrl.u32 s25, $0x19;
	s25 =	simm.s32 $0xE500  }
0x1cc: {  	v14 =	vld.idx.msk [tilespmem:v58+s23+$0x0], $0xffff;
	s13 =	sadd.s32 s13, s17;
	p1 =	por !p4, !p5;
	s19 =	sadd.s32 s14, s19  }
0x1cd: {  	v20 =	vor.u32 s7, v0;
	v15 =	vld.idx.msk [tilespmem:v59+s23+$0x0], $0xffff;
	s14 =	simm.s32 $0x1;
	p6 =	sne.s32 s20, $0x0;
	p1 =	por !p1, !p1  }
0x1ce: {  	v21 =	vor.u32 s7, v1;
	v16 =	vld.idx.msk [tilespmem:v60+s25+$0x0], $0xffff;
	s7 =	sshrl.u32 s19, $0x7;
	p0 =	por !p3, !p6;
	s14 =	simm.s32 @!p1 $0x0  }
0x1cf: {  	v17 =	vld.idx.msk [tilespmem:v61+s25+$0x0], $0xffff;
	p0 =	por !p0, !p0;
	s7 =	ssub.s32 s7, s14;
	s14 =	simm.s32 $0x1  }
0x1d0: {  	s13 =	sshrl.u32 s13, $0x7;
	v18 =	vld.idx.msk [tilespmem:v62+s29+$0x0], $0xffff;
	s7 =	sshll.u32 s7, $0x7;
	s14 =	simm.s32 @!p0 $0x0  }
0x1d1: {  	s20 =	simm.s32 $0xF500;
	v19 =	vld.idx.msk [tilespmem:v63+s29+$0x0], $0xffff;
	s7 =	sand.u32 $0x1FFFFF80, s7;
	s13 =	ssub.s32 s13, s14  }
0x1d2: {  	v20 =	vld.idx.msk [tilespmem:v20+s20+$0x0], $0xffff;
	s7 =	sadd.s32 s1, s7;
	s14 =	sshll.u32 s13, $0x7  }
0x1d3: {  	v21 =	vld.idx.msk [tilespmem:v21+s20+$0x0], $0xffff;
	[tilespmem:s26], [sflag:$0x2] =	stream.strided.gather [hbm4b:s7+s16], $0x1000, s18, s16, $0x38  }
0x1d4: {  	s7 =	sand.u32 $0x1FFFFF80, s14  }
0x1d5: {  	s7 =	sadd.s32 s2, s7  }
0x1d6: {  	[tilespmem:s5], [sflag:$0x2] =	stream.strided.gather [hbm4b:s7+s16], $0x1000, s18, s16, $0x38;
	[tilespmem:$0x10B00] =	vst v63  }
0x1d7: {  	v22 =	vld [tilespmem:s10+$0x5];
	_ =	sdelay $0x1  }
0x1d8: {  	v23 =	vld [tilespmem:s9+$0x5];
	_ =	sdelay $0x2  }
0x1d9: {  	(v2sf) =	vpush v22, $0x0;
	_ =	sdelay $0x1  }
0x1da: {  	(v2sf) =	vpush v23, $0x0;
	_ =	sdelay $0xc  }
0x1db: {  	s7 =	spop (v2sf)  }
0x1dc: {  	s17 =	sshra.s32 s7, $0x1F  }
0x1dd: {  	s14 =	spop (v2sf);
	p3 =	slt.s32 s7, $0x1;
	s13 =	sshrl.u32 s17, $0x19  }
0x1de: {  	s17 =	sand.u32 $0x7F, s14;
	s19 =	sshra.s32 s14, $0x1F;
	p4 =	slt.s32 s14, $0x1  }
0x1df: {  	p5 =	sne.s32 s17, $0x0;
	s17 =	sand.u32 $0x7F, s7;
	s19 =	sshrl.u32 s19, $0x19  }
0x1e0: {  	s7 =	sadd.s32 s13, s7;
	p1 =	por !p4, !p5;
	s14 =	sadd.s32 s19, s14  }
0x1e1: {  	s19 =	simm.s32 $0x1;
	p6 =	sne.s32 s17, $0x0;
	p1 =	por !p1, !p1  }
0x1e2: {  	s14 =	sshrl.u32 s14, $0x7;
	p0 =	por !p3, !p6;
	s19 =	simm.s32 @!p1 $0x0  }
0x1e3: {  	p0 =	por !p0, !p0;
	s19 =	ssub.s32 s14, s19;
	s14 =	simm.s32 $0x1  }
0x1e4: {  	s7 =	sshrl.u32 s7, $0x7;
	s13 =	sshll.u32 s19, $0x7;
	s14 =	simm.s32 @!p0 $0x0  }
0x1e5: {  	s13 =	sand.u32 $0x1FFFFF80, s13;
	s7 =	ssub.s32 s7, s14  }
0x1e6: {  	s13 =	sadd.s32 s1, s13;
	s7 =	sshll.u32 s7, $0x7  }
0x1e7: {  	[tilespmem:s4], [sflag:$0x2] =	stream.strided.gather [hbm4b:s13+s16], $0x1000, s18, s16, $0x38;
	[tilespmem:$0x10B00] =	vst v63  }
0x1e8: {  	s7 =	sand.u32 $0x1FFFFF80, s7  }
0x1e9: {  	s7 =	sadd.s32 s2, s7  }
0x1ea: {  	[tilespmem:s22], [sflag:$0x2] =	stream.strided.gather [hbm4b:s7+s16], $0x1000, s18, s16, $0x38;
	[tilespmem:$0x10B00] =	vst v63  }
0x1eb: {  	v24 =	vld [tilespmem:s10+$0x6];
	_ =	sdelay $0x1  }
0x1ec: {  	v25 =	vld [tilespmem:s9+$0x6];
	_ =	sdelay $0x2  }
0x1ed: {  	(v2sf) =	vpush v24, $0x0;
	_ =	sdelay $0x1  }
0x1ee: {  	(v2sf) =	vpush v25, $0x0;
	_ =	sdelay $0xc  }
0x1ef: {  	s7 =	spop (v2sf)  }
0x1f0: {  	s17 =	sshra.s32 s7, $0x1F  }
0x1f1: {  	s14 =	spop (v2sf);
	p3 =	slt.s32 s7, $0x1;
	s13 =	sshrl.u32 s17, $0x19  }
0x1f2: {  	s17 =	sand.u32 $0x7F, s14;
	s19 =	sshra.s32 s14, $0x1F;
	p4 =	slt.s32 s14, $0x1  }
0x1f3: {  	p5 =	sne.s32 s17, $0x0;
	s17 =	sand.u32 $0x7F, s7;
	s19 =	sshrl.u32 s19, $0x19  }
0x1f4: {  	s7 =	sadd.s32 s13, s7;
	p1 =	por !p4, !p5;
	s14 =	sadd.s32 s19, s14  }
0x1f5: {  	s19 =	simm.s32 $0x1;
	p6 =	sne.s32 s17, $0x0;
	p1 =	por !p1, !p1  }
0x1f6: {  	s14 =	sshrl.u32 s14, $0x7;
	p0 =	por !p3, !p6;
	s19 =	simm.s32 @!p1 $0x0  }
0x1f7: {  	p0 =	por !p0, !p0;
	s19 =	ssub.s32 s14, s19;
	s14 =	simm.s32 $0x1  }
0x1f8: {  	s7 =	sshrl.u32 s7, $0x7;
	s13 =	sshll.u32 s19, $0x7;
	s14 =	simm.s32 @!p0 $0x0  }
0x1f9: {  	s13 =	sand.u32 $0x1FFFFF80, s13;
	s7 =	ssub.s32 s7, s14  }
0x1fa: {  	s13 =	sadd.s32 s1, s13;
	s7 =	sshll.u32 s7, $0x7  }
0x1fb: {  	[tilespmem:s23], [sflag:$0x2] =	stream.strided.gather [hbm4b:s13+s16], $0x1000, s18, s16, $0x38;
	[tilespmem:$0x10B00] =	vst v63  }
0x1fc: {  	s7 =	sand.u32 $0x1FFFFF80, s7  }
0x1fd: {  	s7 =	sadd.s32 s2, s7  }
0x1fe: {  	[tilespmem:s25], [sflag:$0x2] =	stream.strided.gather [hbm4b:s7+s16], $0x1000, s18, s16, $0x38;
	[tilespmem:$0x10B00] =	vst v63  }
0x1ff: {  	v26 =	vld [tilespmem:s10+$0x7];
	_ =	sdelay $0x1  }
0x200: {  	v27 =	vld [tilespmem:s9+$0x7];
	_ =	sdelay $0x2  }
0x201: {  	(v2sf) =	vpush v26, $0x0;
	_ =	sdelay $0x1  }
0x202: {  	(v2sf) =	vpush v27, $0x0;
	_ =	sdelay $0xa  }
0x203: {  	v6 =	vmul.f32 v8, v6;
	v7 =	vmul.f32 v9, v7  }
0x204: {  	v28 =	vmul.f32 v12, v10;
	v29 =	vmul.f32 v13, v11  }
0x205: {  	v6 =	vadd.f32 v7, v6;
	v30 =	vmul.f32 v16, v14;
	v31 =	vmul.f32 v17, v15;
	s7 =	spop (v2sf)  }
0x206: {  	v8 =	vadd.f32 v29, v28;
	v32 =	vmul.f32 v20, v18;
	v33 =	vmul.f32 v21, v19;
	s17 =	sshra.s32 s7, $0x1F  }
0x207: {  	(xrf2) =	vadd.scan.msk.f32 $0xffff, v6;
	v34 =	vadd.f32 v31, v30;
	s14 =	spop (v2sf);
	p3 =	slt.s32 s7, $0x1;
	s13 =	sshrl.u32 s17, $0x19  }
0x208: {  	(xrf2) =	vadd.scan.msk.f32 $0xffff, v8;
	v35 =	vadd.f32 v33, v32;
	s17 =	sand.u32 $0x7F, s14;
	s19 =	sshra.s32 s14, $0x1F;
	p4 =	slt.s32 s14, $0x1  }
0x209: {  	(xrf2) =	vadd.scan.msk.f32 $0xffff, v34;
	p5 =	sne.s32 s17, $0x0;
	s17 =	sand.u32 $0x7F, s7;
	s19 =	sshrl.u32 s19, $0x19  }
0x20a: {  	(xrf2) =	vadd.scan.msk.f32 $0xffff, v35;
	s7 =	sadd.s32 s13, s7;
	p1 =	por !p4, !p5;
	s14 =	sadd.s32 s19, s14  }
0x20b: {  	s19 =	simm.s32 $0x1;
	p6 =	sne.s32 s17, $0x0;
	p1 =	por !p1, !p1  }
0x20c: {  	s14 =	sshrl.u32 s14, $0x7;
	p0 =	por !p3, !p6;
	s19 =	simm.s32 @!p1 $0x0  }
0x20d: {  	p0 =	por !p0, !p0;
	s19 =	ssub.s32 s14, s19;
	s14 =	simm.s32 $0x1  }
0x20e: {  	s7 =	sshrl.u32 s7, $0x7;
	s13 =	sshll.u32 s19, $0x7;
	s14 =	simm.s32 @!p0 $0x0  }
0x20f: {  	s13 =	sand.u32 $0x1FFFFF80, s13;
	s7 =	ssub.s32 s7, s14  }
0x210: {  	s13 =	sadd.s32 s1, s13;
	s7 =	sshll.u32 s7, $0x7  }
0x211: {  	v9, _, _ =	vpop (xrf2);
	[tilespmem:s29], [sflag:$0x2] =	stream.strided.gather [hbm4b:s13+s16], $0x1000, s18, s16, $0x38;
	[tilespmem:$0x10B00] =	vst v63  }
0x212: {  	v8, _, _ =	vpop (xrf2);
	s7 =	sand.u32 $0x1FFFFF80, s7  }
0x213: {  	v7, _, _ =	vpop (xrf2);
	s7 =	sadd.s32 s2, s7  }
0x214: {  	v6, _, _ =	vpop (xrf2);
	[tilespmem:s20], [sflag:$0x2] =	stream.strided.gather [hbm4b:s7+s16], $0x1000, s18, s16, $0x38;
	[tilespmem:$0x10B00] =	vst v63  }
0x215: {  	_ =	swait.ge [sflag:s12], $0x1000  }
0x216: {  	[sflag:s12] =	ssyncset.done $0x0  }
0x217: {  	[sflag:s12] =	ssyncadd.s32 $0xFFFFF000  }
0x218: {  	_ =	swait.ge [sflag:s12], $0x1000  }
0x219: {  	[sflag:s12] =	ssyncset.done $0x0  }
0x21a: {  	[sflag:s12] =	ssyncadd.s32 $0xFFFFF000  }
0x21b: {  	_ =	swait.ge [sflag:s12], $0x1000  }
0x21c: {  	[sflag:s12] =	ssyncset.done $0x0  }
0x21d: {  	[sflag:s12] =	ssyncadd.s32 $0xFFFFF000  }
0x21e: {  	_ =	swait.ge [sflag:s12], $0x1000  }
0x21f: {  	[sflag:s12] =	ssyncset.done $0x0  }
0x220: {  	[sflag:s12] =	ssyncadd.s32 $0xFFFFF000  }
0x221: {  	_ =	swait.ge [sflag:s12], $0x1000  }
0x222: {  	[sflag:s12] =	ssyncset.done $0x0  }
0x223: {  	[sflag:s12] =	ssyncadd.s32 $0xFFFFF000  }
0x224: {  	_ =	swait.ge [sflag:s12], $0x1000  }
0x225: {  	[sflag:s12] =	ssyncset.done $0x0  }
0x226: {  	[sflag:s12] =	ssyncadd.s32 $0xFFFFF000  }
0x227: {  	_ =	swait.ge [sflag:s12], $0x1000  }
0x228: {  	[sflag:s12] =	ssyncset.done $0x0  }
0x229: {  	[sflag:s12] =	ssyncadd.s32 $0xFFFFF000  }
0x22a: {  	_ =	swait.ge [sflag:s12], $0x1000  }
0x22b: {  	[sflag:s12] =	ssyncset.done $0x0  }
0x22c: {  	[sflag:s12] =	ssyncadd.s32 $0xFFFFF000  }
0x22d: {  	v36 =	vld [tilespmem:s9+$0x0];
	_ =	sdelay $0x1  }
0x22e: {  	v37 =	vld [tilespmem:s10+$0x0];
	_ =	sdelay $0x1  }
0x22f: {  	v38 =	vld [tilespmem:s9+$0x1]  }
0x230: {  	v39 =	vld [tilespmem:s10+$0x1];
	(v2sf) =	vpush v36, $0x0  }
0x231: {  	v40 =	vld [tilespmem:s9+$0x2]  }
0x232: {  	v41 =	vld [tilespmem:s10+$0x2];
	(v2sf) =	vpush v37, $0x0  }
0x233: {  	v42 =	vld [tilespmem:s9+$0x3]  }
0x234: {  	s20 =	smin.u32 s15, $0x1EF;
	v43 =	vld [tilespmem:s10+$0x3];
	(v2sf) =	vpush v38, $0x0  }
0x235: {  	v44 =	vld [tilespmem:s20+$0x290];
	(v2sf) =	vpush v39, $0x0  }
0x236: {  	(v2sf) =	vpush v40, $0x0  }
0x237: {  	v45 =	vld [tilespmem:s20+$0x10];
	(v2sf) =	vpush v41, $0x0  }
0x238: {  	(v2sf) =	vpush v42, $0x0  }
0x239: {  	(v2sf) =	vpush v43, $0x0  }
0x23a: {  	(v2sf) =	vpush v44, $0x0;
	_ =	sdelay $0x1  }
0x23b: {  	(v2sf) =	vpush v45, $0x0;
	_ =	sdelay $0x2  }
0x23c: {  	s13 =	spop (v2sf)  }
0x23d: {  	s7 =	sand.u32 $0x7F, s13  }
0x23e: {  	s14 =	spop (v2sf);
	v46 =	vor.u32 s7, v0  }
0x23f: {  	s13 =	sand.u32 $0x7F, s14;
	v47 =	vor.u32 s7, v1  }
0x240: {  	s17 =	spop (v2sf);
	v48 =	vor.u32 s13, v0  }
0x241: {  	v49 =	vor.u32 s13, v1;
	s7 =	sand.u32 $0x7F, s17;
	s19 =	spop (v2sf)  }
0x242: {  	v50 =	vor.u32 s7, v0;
	s20 =	spop (v2sf)  }
0x243: {  	s13 =	sand.u32 $0x7F, s19;
	v51 =	vor.u32 s7, v1;
	s14 =	spop (v2sf);
	v10 =	vld.idx.msk [tilespmem:v46+s3+$0x0], $0xffff  }
0x244: {  	v52 =	vor.u32 s13, v0;
	s17 =	spop (v2sf);
	v11 =	vld.idx.msk [tilespmem:v47+s3+$0x0], $0xffff  }
0x245: {  	v53 =	vor.u32 s13, v1;
	s7 =	sand.u32 $0x7F, s20;
	s19 =	spop (v2sf);
	v12 =	vld.idx.msk [tilespmem:v48+s11+$0x0], $0xffff  }
0x246: {  	v54 =	vor.u32 s7, v0;
	s13 =	sand.u32 $0x7F, s14;
	s14 =	sand.u32 $0x7F, s17;
	v13 =	vld.idx.msk [tilespmem:v49+s11+$0x0], $0xffff;
	s17 =	spop (v2sf)  }
0x247: {  	v55 =	vor.u32 s7, v1;
	s7 =	sand.u32 $0x7F, s19;
	v14 =	vld.idx.msk [tilespmem:v50+s28+$0x0], $0xffff;
	s20 =	sshra.s32 s17, $0x1F  }
0x248: {  	v56 =	vor.u32 s13, v0;
	v57 =	vor.u32 s13, v1;
	v15 =	vld.idx.msk [tilespmem:v51+s28+$0x0], $0xffff;
	s19 =	spop (v2sf);
	p3 =	slt.s32 s17, $0x1;
	s13 =	sshrl.u32 s20, $0x19  }
0x249: {  	v58 =	vor.u32 s14, v0;
	v59 =	vor.u32 s14, v1;
	v16 =	vld.idx.msk [tilespmem:v52+s30+$0x0], $0xffff;
	s20 =	sand.u32 $0x7F, s19;
	s14 =	sshra.s32 s19, $0x1F;
	p4 =	slt.s32 s19, $0x1  }
0x24a: {  	v17 =	vld.idx.msk [tilespmem:v53+s30+$0x0], $0xffff;
	p5 =	sne.s32 s20, $0x0;
	s20 =	sand.u32 $0x7F, s17;
	s14 =	sshrl.u32 s14, $0x19  }
0x24b: {  	v18 =	vld.idx.msk [tilespmem:v54+s31+$0x0], $0xffff;
	s13 =	sadd.s32 s13, s17;
	p1 =	por !p4, !p5;
	s19 =	sadd.s32 s14, s19  }
0x24c: {  	v24 =	vor.u32 s7, v0;
	v19 =	vld.idx.msk [tilespmem:v55+s31+$0x0], $0xffff;
	s14 =	simm.s32 $0x1;
	p6 =	sne.s32 s20, $0x0;
	p1 =	por !p1, !p1  }
0x24d: {  	v25 =	vor.u32 s7, v1;
	v20 =	vld.idx.msk [tilespmem:v56+s0+$0x0], $0xffff;
	s7 =	sshrl.u32 s19, $0x7;
	p0 =	por !p3, !p6;
	s14 =	simm.s32 @!p1 $0x0  }
0x24e: {  	v21 =	vld.idx.msk [tilespmem:v57+s0+$0x0], $0xffff;
	p0 =	por !p0, !p0;
	s7 =	ssub.s32 s7, s14;
	s14 =	simm.s32 $0x1  }
0x24f: {  	s13 =	sshrl.u32 s13, $0x7;
	v22 =	vld.idx.msk [tilespmem:v58+s24+$0x0], $0xffff;
	s7 =	sshll.u32 s7, $0x7;
	s14 =	simm.s32 @!p0 $0x0  }
0x250: {  	v23 =	vld.idx.msk [tilespmem:v59+s24+$0x0], $0xffff;
	s7 =	sand.u32 $0x1FFFFF80, s7;
	s13 =	ssub.s32 s13, s14  }
0x251: {  	v24 =	vld.idx.msk [tilespmem:v24+s21+$0x0], $0xffff;
	s7 =	sadd.s32 s1, s7;
	s14 =	sshll.u32 s13, $0x7  }
0x252: {  	v25 =	vld.idx.msk [tilespmem:v25+s21+$0x0], $0xffff;
	[tilespmem:s3], [sflag:$0x2] =	stream.strided.gather [hbm4b:s7+s16], $0x1000, s18, s16, $0x38  }
0x253: {  	s7 =	sand.u32 $0x1FFFFF80, s14  }
0x254: {  	s17 =	smin.u32 s15, $0x1EE;
	s7 =	sadd.s32 s2, s7  }
0x255: {  	[tilespmem:s11], [sflag:$0x2] =	stream.strided.gather [hbm4b:s7+s16], $0x1000, s18, s16, $0x38;
	[tilespmem:$0x10B00] =	vst v63  }
0x256: {  	v26 =	vld [tilespmem:s17+$0x291];
	_ =	sdelay $0x1  }
0x257: {  	v27 =	vld [tilespmem:s17+$0x11];
	_ =	sdelay $0x2  }
0x258: {  	(v2sf) =	vpush v26, $0x0;
	_ =	sdelay $0x1  }
0x259: {  	(v2sf) =	vpush v27, $0x0;
	_ =	sdelay $0xc  }
0x25a: {  	s7 =	spop (v2sf)  }
0x25b: {  	s19 =	sshra.s32 s7, $0x1F  }
0x25c: {  	s14 =	spop (v2sf);
	p3 =	slt.s32 s7, $0x1;
	s11 =	sand.u32 $0x7F, s7  }
0x25d: {  	s13 =	sshrl.u32 s19, $0x19;
	s20 =	sand.u32 $0x7F, s14;
	s3 =	sshra.s32 s14, $0x1F  }
0x25e: {  	p4 =	slt.s32 s14, $0x1;
	p6 =	sne.s32 s11, $0x0;
	p5 =	sne.s32 s20, $0x0  }
0x25f: {  	s19 =	sshrl.u32 s3, $0x19;
	s7 =	sadd.s32 s13, s7;
	p1 =	por !p4, !p5  }
0x260: {  	s14 =	sadd.s32 s19, s14;
	s19 =	simm.s32 $0x1;
	p1 =	por !p1, !p1  }
0x261: {  	p0 =	por !p3, !p6;
	s14 =	sshrl.u32 s14, $0x7;
	s19 =	simm.s32 @!p1 $0x0  }
0x262: {  	p0 =	por !p0, !p0;
	s17 =	ssub.s32 s14, s19;
	s14 =	simm.s32 $0x1  }
0x263: {  	s7 =	sshrl.u32 s7, $0x7;
	s13 =	sshll.u32 s17, $0x7;
	s14 =	simm.s32 @!p0 $0x0  }
0x264: {  	s13 =	sand.u32 $0x1FFFFF80, s13;
	s7 =	ssub.s32 s7, s14  }
0x265: {  	s13 =	sadd.s32 s1, s13;
	s7 =	sshll.u32 s7, $0x7  }
0x266: {  	[tilespmem:s28], [sflag:$0x2] =	stream.strided.gather [hbm4b:s13+s16], $0x1000, s18, s16, $0x38;
	[tilespmem:$0x10B00] =	vst v63  }
0x267: {  	s7 =	sand.u32 $0x1FFFFF80, s7  }
0x268: {  	s19 =	smin.u32 s15, $0x1ED;
	s7 =	sadd.s32 s2, s7  }
0x269: {  	[tilespmem:s30], [sflag:$0x2] =	stream.strided.gather [hbm4b:s7+s16], $0x1000, s18, s16, $0x38;
	[tilespmem:$0x10B00] =	vst v63  }
0x26a: {  	v60 =	vld [tilespmem:s19+$0x292];
	_ =	sdelay $0x1  }
0x26b: {  	v61 =	vld [tilespmem:s19+$0x12];
	_ =	sdelay $0x2  }
0x26c: {  	(v2sf) =	vpush v60, $0x0;
	_ =	sdelay $0x1  }
0x26d: {  	(v2sf) =	vpush v61, $0x0;
	_ =	sdelay $0xc  }
0x26e: {  	s7 =	spop (v2sf)  }
0x26f: {  	s20 =	sshra.s32 s7, $0x1F  }
0x270: {  	s28 =	spop (v2sf);
	p3 =	slt.s32 s7, $0x1;
	s13 =	sshrl.u32 s20, $0x19  }
0x271: {  	s3 =	sand.u32 $0x7F, s28;
	s11 =	sshra.s32 s28, $0x1F;
	p4 =	slt.s32 s28, $0x1  }
0x272: {  	s20 =	sand.u32 $0x7F, s7;
	p5 =	sne.s32 s3, $0x0;
	s19 =	sshrl.u32 s11, $0x19  }
0x273: {  	p6 =	sne.s32 s20, $0x0;
	s7 =	sadd.s32 s13, s7;
	p1 =	por !p4, !p5  }
0x274: {  	s14 =	sadd.s32 s19, s28;
	s19 =	simm.s32 $0x1;
	p1 =	por !p1, !p1  }
0x275: {  	p0 =	por !p3, !p6;
	s14 =	sshrl.u32 s14, $0x7;
	s19 =	simm.s32 @!p1 $0x0  }
0x276: {  	p0 =	por !p0, !p0;
	s28 =	ssub.s32 s14, s19;
	s14 =	simm.s32 $0x1  }
0x277: {  	s7 =	sshrl.u32 s7, $0x7;
	s13 =	sshll.u32 s28, $0x7;
	s14 =	simm.s32 @!p0 $0x0  }
0x278: {  	s13 =	sand.u32 $0x1FFFFF80, s13;
	s7 =	ssub.s32 s7, s14  }
0x279: {  	s13 =	sadd.s32 s1, s13;
	s7 =	sshll.u32 s7, $0x7  }
0x27a: {  	[tilespmem:s31], [sflag:$0x2] =	stream.strided.gather [hbm4b:s13+s16], $0x1000, s18, s16, $0x38;
	[tilespmem:$0x10B00] =	vst v63  }
0x27b: {  	s7 =	sand.u32 $0x1FFFFF80, s7  }
0x27c: {  	s3 =	smin.u32 s15, $0x1EC;
	s7 =	sadd.s32 s2, s7  }
0x27d: {  	[tilespmem:s0], [sflag:$0x2] =	stream.strided.gather [hbm4b:s7+s16], $0x1000, s18, s16, $0x38;
	[tilespmem:$0x10B00] =	vst v63  }
0x27e: {  	v62 =	vld [tilespmem:s3+$0x293];
	_ =	sdelay $0x1  }
0x27f: {  	v63 =	vld [tilespmem:s3+$0x13];
	_ =	sdelay $0x2  }
0x280: {  	(v2sf) =	vpush v62, $0x0;
	_ =	sdelay $0x1  }
0x281: {  	(v2sf) =	vpush v63, $0x0;
	_ =	sdelay $0xa  }
0x282: {  	v10 =	vmul.f32 v12, v10;
	v11 =	vmul.f32 v13, v11  }
0x283: {  	v29 =	vmul.f32 v16, v14;
	v30 =	vmul.f32 v17, v15  }
0x284: {  	v10 =	vadd.f32 v11, v10;
	v31 =	vmul.f32 v20, v18;
	v32 =	vmul.f32 v21, v19;
	s11 =	spop (v2sf)  }
0x285: {  	v12 =	vadd.f32 v30, v29;
	v33 =	vmul.f32 v24, v22;
	v34 =	vmul.f32 v25, v23;
	s19 =	sshra.s32 s11, $0x1F  }
0x286: {  	(xrf2) =	vadd.scan.msk.f32 $0xffff, v10;
	v35 =	vadd.f32 v32, v31;
	s20 =	spop (v2sf);
	p3 =	slt.s32 s11, $0x1;
	s3 =	sand.u32 $0x7F, s11  }
0x287: {  	(xrf2) =	vadd.scan.msk.f32 $0xffff, v12;
	v36 =	vadd.f32 v34, v33;
	s13 =	sshrl.u32 s19, $0x19;
	s28 =	sand.u32 $0x7F, s20;
	s0 =	sshra.s32 s20, $0x1F  }
0x288: {  	(xrf2) =	vadd.scan.msk.f32 $0xffff, v35;
	p4 =	slt.s32 s20, $0x1;
	p6 =	sne.s32 s3, $0x0;
	p5 =	sne.s32 s28, $0x0  }
0x289: {  	(xrf2) =	vadd.scan.msk.f32 $0xffff, v36;
	s19 =	sshrl.u32 s0, $0x19;
	s7 =	sadd.s32 s13, s11;
	p1 =	por !p4, !p5  }
0x28a: {  	s14 =	sadd.s32 s19, s20;
	s19 =	simm.s32 $0x1;
	p1 =	por !p1, !p1  }
0x28b: {  	p0 =	por !p3, !p6;
	s14 =	sshrl.u32 s14, $0x7;
	s19 =	simm.s32 @!p1 $0x0  }
0x28c: {  	p0 =	por !p0, !p0;
	s11 =	ssub.s32 s14, s19;
	s14 =	simm.s32 $0x1  }
0x28d: {  	s7 =	sshrl.u32 s7, $0x7;
	s13 =	sshll.u32 s11, $0x7;
	s14 =	simm.s32 @!p0 $0x0  }
0x28e: {  	s13 =	sand.u32 $0x1FFFFF80, s13;
	s7 =	ssub.s32 s7, s14  }
0x28f: {  	s13 =	sadd.s32 s1, s13;
	s7 =	sshll.u32 s7, $0x7  }
0x290: {  	v13, _, _ =	vpop (xrf2);
	[tilespmem:s24], [sflag:$0x2] =	stream.strided.gather [hbm4b:s13+s16], $0x1000, s18, s16, $0x38;
	[tilespmem:$0x10B00] =	vst v63  }
0x291: {  	v12, _, _ =	vpop (xrf2);
	s7 =	sand.u32 $0x1FFFFF80, s7  }
0x292: {  	v11, _, _ =	vpop (xrf2);
	s7 =	sadd.s32 s2, s7  }
0x293: {  	v10, _, _ =	vpop (xrf2);
	[tilespmem:s21], [sflag:$0x2] =	stream.strided.gather [hbm4b:s7+s16], $0x1000, s18, s16, $0x38;
	[tilespmem:$0x10B00] =	vst v63  }
0x294: {  	_ =	swait.ge [sflag:s12], $0x1000  }
0x295: {  	[sflag:s12] =	ssyncset.done $0x0  }
0x296: {  	[sflag:s12] =	ssyncadd.s32 $0xFFFFF000  }
0x297: {  	_ =	swait.ge [sflag:s12], $0x1000  }
0x298: {  	[sflag:s12] =	ssyncset.done $0x0  }
0x299: {  	[sflag:s12] =	ssyncadd.s32 $0xFFFFF000  }
0x29a: {  	_ =	swait.ge [sflag:s12], $0x1000  }
0x29b: {  	[sflag:s12] =	ssyncset.done $0x0  }
0x29c: {  	[sflag:s12] =	ssyncadd.s32 $0xFFFFF000  }
0x29d: {  	_ =	swait.ge [sflag:s12], $0x1000  }
0x29e: {  	[sflag:s12] =	ssyncset.done $0x0  }
0x29f: {  	[sflag:s12] =	ssyncadd.s32 $0xFFFFF000  }
0x2a0: {  	_ =	swait.ge [sflag:s12], $0x1000  }
0x2a1: {  	[sflag:s12] =	ssyncset.done $0x0  }
0x2a2: {  	[sflag:s12] =	ssyncadd.s32 $0xFFFFF000  }
0x2a3: {  	_ =	swait.ge [sflag:s12], $0x1000  }
0x2a4: {  	[sflag:s12] =	ssyncset.done $0x0  }
0x2a5: {  	[sflag:s12] =	ssyncadd.s32 $0xFFFFF000  }
0x2a6: {  	_ =	swait.ge [sflag:s12], $0x1000  }
0x2a7: {  	[sflag:s12] =	ssyncset.done $0x0  }
0x2a8: {  	[sflag:s12] =	ssyncadd.s32 $0xFFFFF000  }
0x2a9: {  	_ =	swait.ge [sflag:s12], $0x1000  }
0x2aa: {  	[sflag:s12] =	ssyncset.done $0x0  }
0x2ab: {  	[sflag:s12] =	ssyncadd.s32 $0xFFFFF000  }
0x2ac: {  	v37 =	vld [tilespmem:s9+$0x4];
	_ =	sdelay $0x1  }
0x2ad: {  	v38 =	vld [tilespmem:s10+$0x4];
	_ =	sdelay $0x1  }
0x2ae: {  	v39 =	vld [tilespmem:s9+$0x5]  }
0x2af: {  	v40 =	vld [tilespmem:s10+$0x5];
	(v2sf) =	vpush v37, $0x0  }
0x2b0: {  	v41 =	vld [tilespmem:s9+$0x6]  }
0x2b1: {  	v42 =	vld [tilespmem:s10+$0x6];
	(v2sf) =	vpush v38, $0x0  }
0x2b2: {  	v43 =	vld [tilespmem:s9+$0x7]  }
0x2b3: {  	s14 =	smin.u32 s15, $0x1EB;
	v44 =	vld [tilespmem:s10+$0x7];
	(v2sf) =	vpush v39, $0x0  }
0x2b4: {  	v45 =	vld [tilespmem:s14+$0x294];
	(v2sf) =	vpush v40, $0x0  }
0x2b5: {  	(v2sf) =	vpush v41, $0x0  }
0x2b6: {  	v46 =	vld [tilespmem:s14+$0x14];
	(v2sf) =	vpush v42, $0x0  }
0x2b7: {  	(v2sf) =	vpush v43, $0x0  }
0x2b8: {  	(v2sf) =	vpush v44, $0x0  }
0x2b9: {  	(v2sf) =	vpush v45, $0x0;
	_ =	sdelay $0x1  }
0x2ba: {  	(v2sf) =	vpush v46, $0x0;
	_ =	sdelay $0x2  }
0x2bb: {  	s17 =	spop (v2sf)  }
0x2bc: {  	s7 =	sand.u32 $0x7F, s17  }
0x2bd: {  	s19 =	spop (v2sf);
	v47 =	vor.u32 s7, v0  }
0x2be: {  	s13 =	sand.u32 $0x7F, s19;
	v48 =	vor.u32 s7, v1  }
0x2bf: {  	s20 =	spop (v2sf);
	v49 =	vor.u32 s13, v0  }
0x2c0: {  	v50 =	vor.u32 s13, v1;
	s7 =	sand.u32 $0x7F, s20;
	s21 =	spop (v2sf)  }
0x2c1: {  	v51 =	vor.u32 s7, v0;
	s24 =	spop (v2sf)  }
0x2c2: {  	s13 =	sand.u32 $0x7F, s21;
	v52 =	vor.u32 s7, v1;
	s28 =	spop (v2sf);
	v14 =	vld.idx.msk [tilespmem:v47+s26+$0x0], $0xffff  }
0x2c3: {  	v53 =	vor.u32 s13, v0;
	s0 =	spop (v2sf);
	v15 =	vld.idx.msk [tilespmem:v48+s26+$0x0], $0xffff  }
0x2c4: {  	v54 =	vor.u32 s13, v1;
	s7 =	sand.u32 $0x7F, s24;
	s3 =	spop (v2sf);
	v16 =	vld.idx.msk [tilespmem:v49+s5+$0x0], $0xffff  }
0x2c5: {  	v55 =	vor.u32 s7, v0;
	s14 =	sand.u32 $0x7F, s28;
	s11 =	sand.u32 $0x7F, s0;
	v17 =	vld.idx.msk [tilespmem:v50+s5+$0x0], $0xffff;
	s13 =	spop (v2sf)  }
0x2c6: {  	v56 =	vor.u32 s7, v1;
	v57 =	vor.u32 s14, v0;
	v58 =	vor.u32 s14, v1;
	s14 =	simm.s32 $0x1;
	s19 =	sand.u32 $0x7F, s3;
	v18 =	vld.idx.msk [tilespmem:v51+s4+$0x0], $0xffff;
	s21 =	sand.u32 $0x7F, s13  }
0x2c7: {  	v19 =	vld.idx.msk [tilespmem:v52+s4+$0x0], $0xffff;
	s24 =	spop (v2sf);
	s28 =	sshra.s32 s13, $0x1F;
	p6 =	slt.s32 s13, $0x1  }
0x2c8: {  	v29 =	vor.u32 s19, v0;
	v30 =	vor.u32 s19, v1;
	s19 =	simm.s32 $0x7500;
	v20 =	vld.idx.msk [tilespmem:v53+s22+$0x0], $0xffff;
	p3 =	sne.s32 s21, $0x0;
	s0 =	sand.u32 $0x7F, s24  }
0x2c9: {  	v60 =	vor.u32 s11, v0;
	v59 =	vld.idx.msk [tilespmem:v54+s22+$0x0], $0xffff;
	s3 =	sshra.s32 s24, $0x1F;
	p5 =	slt.s32 s24, $0x1;
	p4 =	sne.s32 s0, $0x0  }
0x2ca: {  	v28 =	vor.u32 s11, v1;
	s11 =	sshrl.u32 s28, $0x19;
	v61 =	vld.idx.msk [tilespmem:v55+s23+$0x0], $0xffff;
	s7 =	sshrl.u32 s3, $0x19;
	p1 =	por !p5, !p4  }
0x2cb: {  	v62 =	vld.idx.msk [tilespmem:v56+s23+$0x0], $0xffff;
	s13 =	sadd.s32 s11, s13;
	s7 =	sadd.s32 s7, s24;
	p1 =	por !p1, !p1  }
0x2cc: {  	p0 =	por !p6, !p3;
	v31 =	vld.idx.msk [tilespmem:v57+s25+$0x0], $0xffff;
	s7 =	sshrl.u32 s7, $0x7;
	s14 =	simm.s32 @!p1 $0x0  }
0x2cd: {  	v26 =	vld.idx.msk [tilespmem:v58+s25+$0x0], $0xffff;
	p0 =	por !p0, !p0;
	s7 =	ssub.s32 s7, s14;
	s14 =	simm.s32 $0x1  }
0x2ce: {  	s13 =	sshrl.u32 s13, $0x7;
	v63 =	vld.idx.msk [tilespmem:v60+s19+$0x0], $0xffff;
	s7 =	sshll.u32 s7, $0x7;
	s14 =	simm.s32 @!p0 $0x0  }
0x2cf: {  	s20 =	simm.s32 $0xF500;
	v33 =	vld.idx.msk [tilespmem:v28+s19+$0x0], $0xffff;
	s7 =	sand.u32 $0x1FFFFF80, s7;
	s13 =	ssub.s32 s13, s14  }
0x2d0: {  	v34 =	vld.idx.msk [tilespmem:v29+s20+$0x0], $0xffff;
	s7 =	sadd.s32 s1, s7;
	s21 =	sshll.u32 s13, $0x7  }
0x2d1: {  	v35 =	vld.idx.msk [tilespmem:v30+s20+$0x0], $0xffff;
	[tilespmem:s26], [sflag:$0x2] =	stream.strided.gather [hbm4b:s7+s16], $0x1000, s18, s16, $0x38  }
0x2d2: {  	s7 =	sand.u32 $0x1FFFFF80, s21  }
0x2d3: {  	s24 =	smin.u32 s15, $0x1EA;
	s7 =	sadd.s32 s2, s7  }
0x2d4: {  	[tilespmem:s5], [sflag:$0x2] =	stream.strided.gather [hbm4b:s7+s16], $0x1000, s18, s16, $0x38;
	[tilespmem:$0x10B00] =	vst v63  }
0x2d5: {  	v36 =	vld [tilespmem:s24+$0x295]  }
0x2d6: {  	v37 =	vld [tilespmem:s24+$0x15];
	_ =	sdelay $0x3  }
0x2d7: {  	(v2sf) =	vpush v36, $0x0  }
0x2d8: {  	(v2sf) =	vpush v37, $0x0;
	_ =	sdelay $0xd  }
0x2d9: {  	s14 =	simm.s32 $0x1;
	s26 =	spop (v2sf)  }
0x2da: {  	s28 =	sand.u32 $0x7F, s26;
	s11 =	spop (v2sf);
	s19 =	sshra.s32 s26, $0x1F  }
0x2db: {  	p6 =	slt.s32 s26, $0x1;
	p3 =	sne.s32 s28, $0x0;
	s20 =	sand.u32 $0x7F, s11  }
0x2dc: {  	s21 =	sshra.s32 s11, $0x1F;
	p5 =	slt.s32 s11, $0x1;
	p4 =	sne.s32 s20, $0x0  }
0x2dd: {  	s17 =	sshrl.u32 s19, $0x19;
	s13 =	sshrl.u32 s21, $0x19;
	p1 =	por !p5, !p4  }
0x2de: {  	s7 =	sadd.s32 s17, s26;
	s13 =	sadd.s32 s13, s11;
	p1 =	por !p1, !p1  }
0x2df: {  	p0 =	por !p6, !p3;
	s13 =	sshrl.u32 s13, $0x7;
	s14 =	simm.s32 @!p1 $0x0  }
0x2e0: {  	p0 =	por !p0, !p0;
	s13 =	ssub.s32 s13, s14;
	s14 =	simm.s32 $0x1  }
0x2e1: {  	s7 =	sshrl.u32 s7, $0x7;
	s13 =	sshll.u32 s13, $0x7;
	s14 =	simm.s32 @!p0 $0x0  }
0x2e2: {  	s13 =	sand.u32 $0x1FFFFF80, s13;
	s7 =	ssub.s32 s7, s14  }
0x2e3: {  	s13 =	sadd.s32 s1, s13;
	s7 =	sshll.u32 s7, $0x7  }
0x2e4: {  	[tilespmem:s4], [sflag:$0x2] =	stream.strided.gather [hbm4b:s13+s16], $0x1000, s18, s16, $0x38;
	[tilespmem:$0x10B00] =	vst v63  }
0x2e5: {  	s7 =	sand.u32 $0x1FFFFF80, s7  }
0x2e6: {  	s24 =	smin.u32 s15, $0x1E9;
	s7 =	sadd.s32 s2, s7  }
0x2e7: {  	[tilespmem:s22], [sflag:$0x2] =	stream.strided.gather [hbm4b:s7+s16], $0x1000, s18, s16, $0x38;
	[tilespmem:$0x10B00] =	vst v63  }
0x2e8: {  	v38 =	vld [tilespmem:s24+$0x296]  }
0x2e9: {  	v39 =	vld [tilespmem:s24+$0x16];
	_ =	sdelay $0x3  }
0x2ea: {  	(v2sf) =	vpush v38, $0x0  }
0x2eb: {  	(v2sf) =	vpush v39, $0x0;
	_ =	sdelay $0xd  }
0x2ec: {  	s14 =	simm.s32 $0x1;
	s26 =	spop (v2sf)  }
0x2ed: {  	s28 =	sand.u32 $0x7F, s26;
	s4 =	spop (v2sf);
	s11 =	sshra.s32 s26, $0x1F  }
0x2ee: {  	p6 =	slt.s32 s26, $0x1;
	p3 =	sne.s32 s28, $0x0;
	s19 =	sand.u32 $0x7F, s4  }
0x2ef: {  	s20 =	sshra.s32 s4, $0x1F;
	p5 =	slt.s32 s4, $0x1;
	p4 =	sne.s32 s19, $0x0  }
0x2f0: {  	s17 =	sshrl.u32 s11, $0x19;
	s13 =	sshrl.u32 s20, $0x19;
	p1 =	por !p5, !p4  }
0x2f1: {  	s7 =	sadd.s32 s17, s26;
	s13 =	sadd.s32 s13, s4;
	p1 =	por !p1, !p1  }
0x2f2: {  	p0 =	por !p6, !p3;
	s13 =	sshrl.u32 s13, $0x7;
	s14 =	simm.s32 @!p1 $0x0  }
0x2f3: {  	p0 =	por !p0, !p0;
	s13 =	ssub.s32 s13, s14;
	s14 =	simm.s32 $0x1  }
0x2f4: {  	s7 =	sshrl.u32 s7, $0x7;
	s13 =	sshll.u32 s13, $0x7;
	s14 =	simm.s32 @!p0 $0x0  }
0x2f5: {  	s13 =	sand.u32 $0x1FFFFF80, s13;
	s7 =	ssub.s32 s7, s14  }
0x2f6: {  	s13 =	sadd.s32 s1, s13;
	s7 =	sshll.u32 s7, $0x7  }
0x2f7: {  	[tilespmem:s23], [sflag:$0x2] =	stream.strided.gather [hbm4b:s13+s16], $0x1000, s18, s16, $0x38;
	[tilespmem:$0x10B00] =	vst v63  }
0x2f8: {  	s7 =	sand.u32 $0x1FFFFF80, s7  }
0x2f9: {  	s21 =	smin.u32 s15, $0x1E8;
	s7 =	sadd.s32 s2, s7  }
0x2fa: {  	[tilespmem:s25], [sflag:$0x2] =	stream.strided.gather [hbm4b:s7+s16], $0x1000, s18, s16, $0x38;
	[tilespmem:$0x10B00] =	vst v63  }
0x2fb: {  	v40 =	vld [tilespmem:s21+$0x297]  }
0x2fc: {  	v41 =	vld [tilespmem:s21+$0x17];
	_ =	sdelay $0x3  }
0x2fd: {  	(v2sf) =	vpush v40, $0x0  }
0x2fe: {  	(v2sf) =	vpush v41, $0x0;
	_ =	sdelay $0x3  }
0x2ff: {  	v4 =	vadd.f32 $0.0e+00, v4;
	_ =	sdelay $0x1  }
0x300: {  	v4 =	vbroadcast v4, $0xF;
	v5 =	vbroadcast v5, $0xF  }
0x301: {  	v3 =	vbroadcast v3, $0xF  }
0x302: {  	v4 =	vnsel vm0, $0x0, v4;
	v5 =	vadd.f32 $0.0e+00, v5  }
0x303: {  	v3 =	vadd.f32 v3, v4;
	v2 =	vbroadcast v2, $0xF  }
0x304: {  	v5 =	vsel vm1, v4, v5;
	v14 =	vmul.f32 v16, v14;
	v15 =	vmul.f32 v17, v15  }
0x305: {  	v3 =	vsel vm2, v5, v3;
	v42 =	vmul.f32 v20, v18;
	v43 =	vmul.f32 v59, v19  }
0x306: {  	v2 =	vadd.f32 v2, v5;
	v9 =	vbroadcast v9, $0xF;
	v44 =	vadd.f32 v15, v14  }
0x307: {  	v45 =	vadd.f32 v43, v42;
	v46 =	vmul.f32 v31, v61;
	v47 =	vmul.f32 v26, v62  }
0x308: {  	v2 =	vsel vm3, v3, v2;
	v3 =	vbroadcast v8, $0xF;
	(xrf2) =	vadd.scan.msk.f32 $0xffff, v44;
	s14 =	simm.s32 $0x1;
	s22 =	spop (v2sf)  }
0x309: {  	v7 =	vbroadcast v7, $0xF;
	v48 =	vadd.f32 v9, v5;
	(xrf2) =	vadd.scan.msk.f32 $0xffff, v45;
	v49 =	vadd.f32 v47, v46;
	s23 =	sand.u32 $0x7F, s22;
	s24 =	spop (v2sf);
	s25 =	sshra.s32 s22, $0x1F  }
0x30a: {  	v3 =	vadd.f32 v3, v2;
	v50 =	vmul.f32 v34, v63;
	v51 =	vmul.f32 v35, v33;
	p6 =	slt.s32 s22, $0x1;
	p3 =	sne.s32 s23, $0x0;
	s26 =	sand.u32 $0x7F, s24  }
0x30b: {  	v2 =	vsel vm4, v2, v48;
	v52 =	vbroadcast v6, $0xF;
	(xrf2) =	vadd.scan.msk.f32 $0xffff, v49;
	s28 =	sshra.s32 s24, $0x1F;
	p5 =	slt.s32 s24, $0x1;
	p4 =	sne.s32 s26, $0x0  }
0x30c: {  	v3 =	vsel vm5, v2, v3;
	v2 =	vadd.f32 v7, v2;
	v53 =	vadd.f32 v51, v50;
	s17 =	sshrl.u32 s25, $0x19;
	s13 =	sshrl.u32 s28, $0x19;
	p1 =	por !p5, !p4  }
0x30d: {  	v54 =	vbroadcast v13, $0xF;
	v4 =	vadd.f32 v52, v3;
	s7 =	sadd.s32 s17, s22;
	s13 =	sadd.s32 s13, s24;
	p1 =	por !p1, !p1  }
0x30e: {  	v55 =	vbroadcast v12, $0xF;
	v2 =	vsel vm6, v3, v2;
	(xrf2) =	vadd.scan.msk.f32 $0xffff, v53;
	p0 =	por !p6, !p3;
	s13 =	sshrl.u32 s13, $0x7;
	s14 =	simm.s32 @!p1 $0x0  }
0x30f: {  	v3 =	vadd.f32 v54, v3;
	v2 =	vsel vm7, v2, v4;
	p0 =	por !p0, !p0;
	s13 =	ssub.s32 s13, s14;
	s14 =	simm.s32 $0x1  }
0x310: {  	v56 =	vbroadcast v11, $0xF;
	v4 =	vadd.f32 v55, v2;
	s7 =	sshrl.u32 s7, $0x7;
	s13 =	sshll.u32 s13, $0x7;
	s14 =	simm.s32 @!p0 $0x0  }
0x311: {  	v2 =	vsel vm8, v2, v3;
	v3 =	vbroadcast v10, $0xF;
	s13 =	sand.u32 $0x1FFFFF80, s13;
	s7 =	ssub.s32 s7, s14  }
0x312: {  	s3 =	simm.s32 $0x7500;
	v4 =	vsel vm9, v2, v4;
	v2 =	vadd.f32 v56, v2;
	v57, _, _ =	vpop (xrf2);
	s13 =	sadd.s32 s1, s13;
	s7 =	sshll.u32 s7, $0x7  }
0x313: {  	v3 =	vadd.f32 v3, v4;
	v6 =	vbroadcast v57, $0xF;
	v58, _, _ =	vpop (xrf2);
	[tilespmem:s3], [sflag:$0x2] =	stream.strided.gather [hbm4b:s13+s16], $0x1000, s18, s16, $0x38;
	[tilespmem:$0x10B00] =	vst v63  }
0x314: {  	v2 =	vsel vm10, v4, v2;
	v5 =	vbroadcast v58, $0xF;
	s7 =	sand.u32 $0x1FFFFF80, s7  }
0x315: {  	s0 =	simm.s32 $0xF500;
	v2 =	vsel vm11, v2, v3;
	s5 =	rddreg [dreg:$0xc];
	v3 =	vadd.f32 v6, v4;
	v59, _, _ =	vpop (xrf2);
	s7 =	sadd.s32 s2, s7  }
0x316: {  	v60 =	vadd.f32 v5, v2;
	v61 =	vbroadcast v59, $0xF;
	[tilespmem:s0], [sflag:$0x2] =	stream.strided.gather [hbm4b:s7+s16], $0x1000, s18, s16, $0x38;
	[tilespmem:$0x10B00] =	vst v63  }
0x317: {  	v2 =	vsel vm12, v2, v3;
	v3 =	vld [tilespmem:s5+$0x0]  }
0x318: {  	v62, _, _ =	vpop (xrf2);
	v4 =	vsel vm13, v2, v60;
	v2 =	vadd.f32 v61, v2  }
0x319: {  	v5 =	vadd.f32 v62, v4;
	v63 =	vld [tilespmem:s6+$0x0]  }
0x31a: {  	v2 =	vsel vm14, v4, v2  }
0x31b: {  	v2 =	vsel vm15, v2, v5  }
0x31c: {  	v2 =	vadd.f32 v3, v2  }
0x31d: {  	p0 =	sne.s32 s15, $0x1F0  }
.Ltmp1:
0x31e: {  	v2 =	vadd.f32 v63, v2;
	(pc) =	sbr.rel @p0 .LBB2_4-.Ltmp1, $4  }
0x31f: {  	_ = 	snop  }
0x320: {  	v2 =	vadd.f32 $3.500000000e+00, v2  }
0x321: {  	s9 =	sadd.s32 $0x10, s9;
	s10 =	sadd.s32 $0x10, s10;
	s15 =	sadd.s32 $0x10, s15  }
0x322: {  	s5 =	sadd.s32 $0x10, s5;
	s6 =	sadd.s32 $0x10, s6;
	[tilespmem:s8+$0x0] =	vst v2;
	s8 =	sadd.s32 $0x10, s8  }
0x323: {  	_ =	swait.ge [sflag:s12], $0x1000  }
0x324: {  	[sflag:s12] =	ssyncset.done $0x0  }
0x325: {  	[sflag:s12] =	ssyncadd.s32 $0xFFFFF000  }
0x326: {  	_ =	swait.ge [sflag:s12], $0x1000  }
0x327: {  	[sflag:s12] =	ssyncset.done $0x0  }
0x328: {  	[sflag:s12] =	ssyncadd.s32 $0xFFFFF000  }
0x329: {  	_ =	swait.ge [sflag:s12], $0x1000  }
0x32a: {  	[sflag:s12] =	ssyncset.done $0x0  }
0x32b: {  	[sflag:s12] =	ssyncadd.s32 $0xFFFFF000  }
0x32c: {  	_ =	swait.ge [sflag:s12], $0x1000  }
0x32d: {  	[sflag:s12] =	ssyncset.done $0x0  }
0x32e: {  	[sflag:s12] =	ssyncadd.s32 $0xFFFFF000  }
0x32f: {  	_ =	swait.ge [sflag:s12], $0x1000  }
0x330: {  	[sflag:s12] =	ssyncset.done $0x0  }
0x331: {  	[sflag:s12] =	ssyncadd.s32 $0xFFFFF000  }
0x332: {  	_ =	swait.ge [sflag:s12], $0x1000  }
0x333: {  	[sflag:s12] =	ssyncset.done $0x0  }
0x334: {  	[sflag:s12] =	ssyncadd.s32 $0xFFFFF000  }
0x335: {  	_ =	swait.ge [sflag:s12], $0x1000  }
0x336: {  	[sflag:s12] =	ssyncset.done $0x0  }
0x337: {  	[sflag:s12] =	ssyncadd.s32 $0xFFFFF000  }
0x338: {  	_ =	swait.ge [sflag:s12], $0x1000  }
0x339: {  	[sflag:s12] =	ssyncset.done $0x0  }
0x33a: {  	[sflag:s12] =	ssyncadd.s32 $0xFFFFF000  }
0x33b: {  	_ =	swait.ge [sflag:s12], $0x1000  }
0x33c: {  	[sflag:s12] =	ssyncset.done $0x0  }
0x33d: {  	[sflag:s12] =	ssyncadd.s32 $0xFFFFF000  }
0x33e: {  	_ =	swait.ge [sflag:s12], $0x1000  }
0x33f: {  	[sflag:s12] =	ssyncset.done $0x0  }
0x340: {  	[sflag:s12] =	ssyncadd.s32 $0xFFFFF000  }
0x341: {  	_ =	swait.ge [sflag:s12], $0x1000  }
0x342: {  	[sflag:s12] =	ssyncset.done $0x0  }
0x343: {  	[sflag:s12] =	ssyncadd.s32 $0xFFFFF000  }
0x344: {  	_ =	swait.ge [sflag:s12], $0x1000  }
0x345: {  	[sflag:s12] =	ssyncset.done $0x0  }
0x346: {  	[sflag:s12] =	ssyncadd.s32 $0xFFFFF000  }
0x347: {  	_ =	swait.ge [sflag:s12], $0x1000  }
0x348: {  	[sflag:s12] =	ssyncset.done $0x0  }
0x349: {  	[sflag:s12] =	ssyncadd.s32 $0xFFFFF000  }
0x34a: {  	_ =	swait.ge [sflag:s12], $0x1000  }
0x34b: {  	[sflag:s12] =	ssyncset.done $0x0  }
0x34c: {  	[sflag:s12] =	ssyncadd.s32 $0xFFFFF000  }
0x34d: {  	_ =	swait.ge [sflag:s12], $0x1000  }
0x34e: {  	[sflag:s12] =	ssyncset.done $0x0  }
0x34f: {  	[sflag:s12] =	ssyncadd.s32 $0xFFFFF000  }
0x350: {  	_ =	swait.ge [sflag:s12], $0x1000  }
0x351: {  	s8 =	simm.s32 $0x0;
	s0 =	simm.s32 $0x10900;
	[sflag:s12] =	ssyncset.done $0x0  }
0x352: {  	s9 =	simm.s32 $0x3;
	s5 =	rddreg [dreg:$0x9];
	[sflag:s12] =	ssyncadd.s32 $0xFFFFF000  }
0x353: {  	[hbm4b:s5+s8] =	stream.linear.scatter [tilespmem:s0], [sflag:$0x3], $0x200, $0x38;
	[tilespmem:$0x10B00] =	vst v63  }
0x354: {  	_ =	swait.ge [sflag:s9], $0x200  }
0x355: {  	s10 =	simm.s32 $0x280;
	s13 =	simm.s32 $0x500;
	s6 =	rddreg [dreg:$0xb]  }
0x356: {  	s14 =	simm.s32 $0x8500;
	s26 =	rddreg [dreg:$0xa];
	s6 =	sadd.s32 $0x1, s6  }
0x357: {  	s17 =	simm.s32 $0x1500;
	s19 =	simm.s32 $0x9500;
	p0 =	sne.s32 s6, s26  }
.Ltmp2:
0x358: {  	s20 =	simm.s32 $0x2500;
	s21 =	simm.s32 $0xA500;
	(pc) =	sbr.rel @p0 .LBB2_1-.Ltmp2, $4  }
0x359: {  	s22 =	simm.s32 $0x3500;
	s23 =	simm.s32 $0xB500;
	s24 =	simm.s32 $0x4500  }
0x35a: {  	s25 =	simm.s32 $0xC500;
	s4 =	simm.s32 $0xD500;
	s3 =	simm.s32 $0x6500  }
0x35b: {  	s11 =	simm.s32 $0xE500;
	s28 =	simm.s32 $0xF500;
	[sflag:s9] =	ssyncset.done $0x0  }
0x35c: {  	s0 =	simm.s32 $0x5500;
	[sflag:s9] =	ssyncadd.s32 $0xFFFFFE00;
	s26 =	simm.s32 $0x7500  }
0x35d: {  	_ =	sfence.sel $0x180000  }
0x35e: {  	[bflag:$0x0] =	sbarrier.arrive $0xFFFF  }
0x35f: {  	_ =	strace $0x90000047  }
0x360: {  	s0 =	stileid.u32;
	[bflag:$0x2] =	sbarrier.arrive $0xFFFF  }
0x361: {  	p0 =	sne.s32 s0, $0x0;
	s0 =	rddreg [dreg:$0x5]  }
0x362: {  	s0 =	sadd.s32 @!p0 $0x100000, s0  }
0x363: {  	[sflag:s0] =	ssyncadd.tile.s32 @!p0 $0x1;
	_ =	shalt  }
.Lfunc_end2:
_tile_overlayer_lowered:
.L_overlay_start_2:
0x364: {  	(tag) =	ssettag $0x2  }
0x365: {  	s0 =	rddreg [dreg:$0x0];
	s2 =	stileid.u32  }
0x366: {  	s1 =	rddreg [dreg:$0x1];
	p0 =	sne.s32 s2, $0x0  }
0x367: {  	s3 =	rddreg [dreg:$0x2];
	[bflag:$0x3] =	sbarrier.arrive $0xFFFF;
	s2 =	simm.s32 @!p0 $0x1C03  }
0x368: {  	[timem:s3], [sflag:s2] =	dma.local @!p0 [hbm:s0], s1  }
0x369: {  	s0 =	simm.s32 @!p0 $0x3  }
0x36a: {  	_ =	swait.ge @!p0 [sflag:s0], s1  }
0x36b: {  	s1 =	ssub.s32 @!p0 $0x0, s1;
	[sflag:s0] =	ssyncset.done @!p0 $0x0  }
0x36c: {  	[sflag:s0] =	ssyncadd.s32 @!p0 s1  }
0x36d: {  	[bflag:$0x3] =	sbarrier.arrive $0xFFFF  }
0x36e: {  	_ =	shalt  }

</sc_bundles>
